<compile_context>
chip_gen: v7x
topology: tpu7x:2x2x1
jax: 0.10.2.dev20260603
libtpu: 0.0.44.dev20260713+nightly
codegen_flags: <defaults>
</compile_context>

<pallas_src>
import functools

import jax
import jax.numpy as jnp
from jax import lax
from jax.experimental import pallas as pl
from jax.experimental.pallas import tpu as pltpu
from jax.experimental.pallas import tpu_sc as plsc

N = 5000
P = 5120
C = 80
K = 100
BLK = 50
CONF = 0.1
IOU_T = 0.5
PIV = 0.65


def _neg16():
    return jnp.full((16,), -jnp.inf, dtype=jnp.float32)


def _run_nms(thresh, predT, kb_hbm,
             x1b, y1b, x2b, y2b, a2b, objb, sb, kbb,
             bufs_a, bufs_b):
    csb, cx1b, cy1b, cx2b, cy2b, cab = bufs_a

    @plsc.parallel_loop(0, P, 16, unroll=2, carry=jnp.int32(0))
    def cnt(i, n):
        sl = pl.ds(i, 16)
        s = sb[sl] * objb[sl]
        msk = s > thresh
        dst = pl.ds(n, 16)
        plsc.store_compressed(csb.at[dst], s, mask=msk)
        plsc.store_compressed(cx1b.at[dst], x1b[sl], mask=msk)
        plsc.store_compressed(cy1b.at[dst], y1b[sl], mask=msk)
        plsc.store_compressed(cx2b.at[dst], x2b[sl], mask=msk)
        plsc.store_compressed(cy2b.at[dst], y2b[sl], mask=msk)
        plsc.store_compressed(cab.at[dst], a2b[sl], mask=msk)
        pc = plsc.all_reduce_population_count(msk)
        return n + pc[0]

    csb[pl.ds(cnt, 16)] = _neg16()
    cend = ((cnt + 15) // 16) * 16

    lane = lax.iota(jnp.int32, 16)
    lane6 = lane < 6
    le0 = lane == 0
    le1 = lane == 1
    le2 = lane == 2
    le3 = lane == 3
    le4 = lane == 4

    def _hmax(x):
        for sh in (8, 4, 2, 1):
            x = jnp.maximum(x, x.at[lane ^ sh].get(mode="promise_in_bounds"))
        return x

    def _hmin_i32(x):
        for sh in (8, 4, 2, 1):
            x = jnp.minimum(x, x.at[lane ^ sh].get(mode="promise_in_bounds"))
        return x

    def _pick_block(k0, bufs, cend, carry0):
        csb, cx1b, cy1b, cx2b, cy2b, cab = bufs

        def pick(k, carry):
            bx1, by1, bx2, by2, ba, mn = carry

            @plsc.parallel_loop(0, cend, 16, unroll=4,
                                carry=(_neg16(), jnp.zeros((16,), jnp.int32)))
            def scan_res(i, mc):
                m_v, b_v = mc
                sl = pl.ds(i, 16)
                s = csb[sl]
                px1 = cx1b[sl]
                py1 = cy1b[sl]
                px2 = cx2b[sl]
                py2 = cy2b[sl]
                pa = cab[sl]
                ix1 = jnp.maximum(bx1, px1)
                iy1 = jnp.maximum(by1, py1)
                ix2 = jnp.minimum(bx2, px2)
                iy2 = jnp.minimum(by2, py2)
                inter = (jnp.maximum(ix2 - ix1, 0.0)
                         * jnp.maximum(iy2 - iy1, 0.0))
                denom = ba + pa - inter + 1e-9
                s = jnp.where(inter > denom * IOU_T, _neg16(), s)
                csb[sl] = s
                upd = s > m_v
                m_v = jnp.where(upd, s, m_v)
                b_v = jnp.where(upd, jnp.full((16,), i, dtype=jnp.int32), b_v)
                return (m_v, b_v)

            m_v, b_v = scan_res

            ms = _hmax(m_v)
            gl = b_v + lane
            cand = jnp.where(m_v == ms, gl, jnp.full((16,), 2**30, jnp.int32))
            iv = _hmin_i32(cand)

            nx1 = plsc.load_gather(cx1b, [iv])
            ny1 = plsc.load_gather(cy1b, [iv])
            nx2 = plsc.load_gather(cx2b, [iv])
            ny2 = plsc.load_gather(cy2b, [iv])
            na = plsc.load_gather(cab, [iv])

            okv = ms != _neg16()

            val = jnp.where(le0, nx1,
                            jnp.where(le1, ny1,
                                      jnp.where(le2, nx2,
                                                jnp.where(le3, ny2,
                                                          jnp.where(le4, ms,
                                                                    1.0)))))
            val = jnp.where(okv, val, jnp.zeros((16,), jnp.float32))
            plsc.store_scatter(kbb, [jnp.full((16,), k, dtype=jnp.int32),
                                     lane], val, mask=lane6)

            return (nx1, ny1, nx2, ny2, na, jnp.minimum(mn, ms))

        return lax.fori_loop(k0, k0 + BLK, pick, carry0)

    def _recompact(src, dst, cend_src):
        scs, sx1, sy1, sx2, sy2, sa = src
        dcs, dx1, dy1, dx2, dy2, da = dst

        @plsc.parallel_loop(0, cend_src, 16, unroll=2, carry=jnp.int32(0))
        def cnt2(i, n):
            sl = pl.ds(i, 16)
            s = scs[sl]
            msk = s != _neg16()
            dsl = pl.ds(n, 16)
            plsc.store_compressed(dcs.at[dsl], s, mask=msk)
            plsc.store_compressed(dx1.at[dsl], sx1[sl], mask=msk)
            plsc.store_compressed(dy1.at[dsl], sy1[sl], mask=msk)
            plsc.store_compressed(dx2.at[dsl], sx2[sl], mask=msk)
            plsc.store_compressed(dy2.at[dsl], sy2[sl], mask=msk)
            plsc.store_compressed(da.at[dsl], sa[sl], mask=msk)
            pc = plsc.all_reduce_population_count(msk)
            return n + pc[0]

        dcs[pl.ds(cnt2, 16)] = _neg16()
        return ((cnt2 + 15) // 16) * 16

    z = jnp.zeros((16,), jnp.float32)
    carry = (z, z, z, z, z, jnp.full((16,), jnp.inf, dtype=jnp.float32))
    cur, other = bufs_a, bufs_b
    for blk in range(K // BLK):
        carry = _pick_block(blk * BLK, cur, cend, carry)
        if blk < K // BLK - 1:
            cend = _recompact(cur, other, cend)
            cur, other = other, cur
    return carry[5]


def _class_nms(ci, predT, kb_hbm,
               x1b, y1b, x2b, y2b, a2b, objb, sb, kbb, fbuf,
               bufs_a, bufs_b):
    pltpu.sync_copy(predT.at[5 + ci], sb)

    args = (predT, kb_hbm, x1b, y1b, x2b, y2b, a2b, objb, sb, kbb,
            bufs_a, bufs_b)

    mn = _run_nms(PIV, *args)

    @pl.when(mn[0] <= PIV)
    def _():
        _run_nms(CONF, *args)

    pltpu.sync_copy(kbb, kb_hbm.at[ci])


def _make_sc_nms():
    mesh = plsc.VectorSubcoreMesh(core_axis_name="c", subcore_axis_name="s")

    @functools.partial(
        pl.kernel,
        mesh=mesh,
        compiler_params=pltpu.CompilerParams(needs_layout_passes=False),
        out_type=jax.ShapeDtypeStruct((C, K, 8), jnp.float32),
        scratch_types=[
            pltpu.VMEM((P,), jnp.float32),
            pltpu.VMEM((P,), jnp.float32),
            pltpu.VMEM((P,), jnp.float32),
            pltpu.VMEM((P,), jnp.float32),
            pltpu.VMEM((P,), jnp.float32),
            pltpu.VMEM((P,), jnp.float32),
            pltpu.VMEM((P,), jnp.float32),
            pltpu.VMEM((K, 8), jnp.float32),
            pltpu.VMEM((16,), jnp.float32),
        ] + [pltpu.VMEM((P + 16,), jnp.float32)] * 12
          + [pltpu.SMEM((1,), jnp.int32)],
    )
    def sc_nms(predT, kb_hbm,
               x1b, y1b, x2b, y2b, a2b, objb, sb, kbb, fbuf, *cbufs):
        sid = lax.axis_index("s")
        core = lax.axis_index("c")
        work = cbufs[12]

        @pl.when(sid == 0)
        def _():
            work[0] = 0

        pltpu.sync_copy(predT.at[0], x1b)
        pltpu.sync_copy(predT.at[1], y1b)
        pltpu.sync_copy(predT.at[2], x2b)
        pltpu.sync_copy(predT.at[3], y2b)
        pltpu.sync_copy(predT.at[4], objb)

        @plsc.parallel_loop(0, P, 16, unroll=4)
        def _box_g(i):
            sl = pl.ds(i, 16)
            cx = x1b[sl]
            cy = y1b[sl]
            w = x2b[sl]
            h = y2b[sl]
            xx1 = jnp.clip(cx - w / 2.0, 0.0, 1.0)
            yy1 = jnp.clip(cy - h / 2.0, 0.0, 1.0)
            xx2 = jnp.clip(cx + w / 2.0, 0.0, 1.0)
            yy2 = jnp.clip(cy + h / 2.0, 0.0, 1.0)
            area = jnp.maximum(xx2 - xx1, 0.0) * jnp.maximum(yy2 - yy1, 0.0)
            x1b[sl] = xx1
            y1b[sl] = yy1
            x2b[sl] = xx2
            y2b[sl] = yy2
            a2b[sl] = area

        args = (predT, kb_hbm, x1b, y1b, x2b, y2b, a2b, objb, sb, kbb, fbuf,
                tuple(cbufs[:6]), tuple(cbufs[6:12]))

        plsc.subcore_barrier()
        ncls = C // 2

        def cond(j):
            return j < ncls

        def body(j):
            _class_nms(core * ncls + j, *args)
            return plsc.fetch_and_add(work.at[0], 1, subcore_id=0)

        lax.while_loop(cond, body,
                       plsc.fetch_and_add(work.at[0], 1, subcore_id=0))

    return sc_nms


_sc_nms = _make_sc_nms()


def kernel(pred, device):
    del device
    predT = jnp.transpose(pred)
    predT = jnp.pad(predT, ((0, 0), (0, P - N)))
    kb8 = _sc_nms(predT)
    labels = jnp.broadcast_to(jnp.arange(C, dtype=jnp.int32)[:, None], (C, K))
    return (kb8[:, :, :4], labels, kb8[:, :, 4], kb8[:, :, 5].astype(bool))

# --- scband reference (transcript-rebuilt; emitter-appended) ---
"""Pipeline reference for scband-yolopredict-16003048145237 (READ-ONLY COPY).

The authoritative reference and input builder live on the scoring server;
editing this copy changes nothing except your own understanding.
"""

import jax, jax.numpy as jnp
import numpy as np

NUM_CLASSES = 80
CONF = 0.1
IOU_T = 0.5
MAX_DET = 100


def setup_inputs(seed: int = 0) -> dict:
    key = jax.random.key(seed)
    pred = jax.random.uniform(key, (5000, 5 + NUM_CLASSES), dtype=jnp.float32)
    return {"pred": pred, "device": 0}


def _c_box_to_b_box(b):
    # (cx, cy, w, h) -> (x1, y1, x2, y2)
    cx, cy, w, h = b[:, 0], b[:, 1], b[:, 2], b[:, 3]
    return jnp.stack([cx - w / 2.0, cy - h / 2.0, cx + w / 2.0, cy + h / 2.0], axis=-1)


def _clip_boxes(b):
    # clip_boxes_to_image with image size (1, 1)
    return jnp.clip(b, 0.0, 1.0)


def _iou_one_vs_all(box, boxes):
    x1 = jnp.maximum(box[0], boxes[:, 0])
    y1 = jnp.maximum(box[1], boxes[:, 1])
    x2 = jnp.minimum(box[2], boxes[:, 2])
    y2 = jnp.minimum(box[3], boxes[:, 3])
    inter = jnp.clip(x2 - x1, 0.0) * jnp.clip(y2 - y1, 0.0)
    a1 = jnp.clip(box[2] - box[0], 0.0) * jnp.clip(box[3] - box[1], 0.0)
    a2 = jnp.clip(boxes[:, 2] - boxes[:, 0], 0.0) * jnp.clip(boxes[:, 3] - boxes[:, 1], 0.0)
    return inter / (a1 + a2 - inter + 1e-9)


def reference(pred, device=0):
    box_pred = pred[..., :4].reshape(-1, 4)
    obj_pred = pred[..., 4].reshape(-1, 1)
    score_pred = pred[..., 5:].reshape(-1, NUM_CLASSES)
    boxes = _clip_boxes(_c_box_to_b_box(box_pred))
    scores = score_pred * obj_pred              # [N, C]
    scores_t = scores.T                          # [C, N]
    neg_inf = jnp.float32(-jnp.inf)
    masked = jnp.where(scores_t > CONF, scores_t, neg_inf)  # confidence filter

    def nms_single(scores_cl):
        def step(s, _):
            idx = jnp.argmax(s)
            best = s[idx]
            b = boxes[idx]
            iou = _iou_one_vs_all(b, boxes)
            s2 = jnp.where(iou > IOU_T, neg_inf, s)
            return s2, (b, best)
        _, (kb, ks) = jax.lax.scan(step, scores_cl, None, length=MAX_DET)
        return kb, ks  # [MAX_DET, 4], [MAX_DET]

    kept_boxes, kept_scores = jax.vmap(nms_single)(masked)  # [C,K,4], [C,K]
    valid = jnp.isfinite(kept_scores)                        # [C,K]
    labels = jnp.broadcast_to(jnp.arange(NUM_CLASSES, dtype=jnp.int32)[:, None],
                              (NUM_CLASSES, MAX_DET))
    p_scores = jnp.where(valid, kept_scores, 0.0)
    p_boxes = jnp.where(valid[..., None], kept_boxes, 0.0)
    return p_boxes, labels, p_scores, valid

if __name__ == "__main__":
    import jax
    _d = setup_inputs()
    print(jax.jit(kernel)(*tuple(_d.values())))

</pallas_src>

<mosaic_0001>
#map = affine_map<(d0, d1) -> (0, 0)>
#map1 = affine_map<(d0, d1) -> (0, 0, 0)>
module attributes {stable_mosaic.version = 14 : i64} {
  func.func @sc_nms(%arg0: i32, %arg1: i32, %arg2: memref<85x5120xf32, #tpu.memory_space<hbm>>, %arg3: memref<80x100x8xf32, #tpu.memory_space<hbm>>, %arg4: memref<5120xf32, #tpu.memory_space<vmem>>, %arg5: memref<5120xf32, #tpu.memory_space<vmem>>, %arg6: memref<5120xf32, #tpu.memory_space<vmem>>, %arg7: memref<5120xf32, #tpu.memory_space<vmem>>, %arg8: memref<5120xf32, #tpu.memory_space<vmem>>, %arg9: memref<5120xf32, #tpu.memory_space<vmem>>, %arg10: memref<5120xf32, #tpu.memory_space<vmem>>, %arg11: memref<100x8xf32, #tpu.memory_space<vmem>>, %arg12: memref<16xf32, #tpu.memory_space<vmem>>, %arg13: memref<5136xf32, #tpu.memory_space<vmem>>, %arg14: memref<5136xf32, #tpu.memory_space<vmem>>, %arg15: memref<5136xf32, #tpu.memory_space<vmem>>, %arg16: memref<5136xf32, #tpu.memory_space<vmem>>, %arg17: memref<5136xf32, #tpu.memory_space<vmem>>, %arg18: memref<5136xf32, #tpu.memory_space<vmem>>, %arg19: memref<5136xf32, #tpu.memory_space<vmem>>, %arg20: memref<5136xf32, #tpu.memory_space<vmem>>, %arg21: memref<5136xf32, #tpu.memory_space<vmem>>, %arg22: memref<5136xf32, #tpu.memory_space<vmem>>, %arg23: memref<5136xf32, #tpu.memory_space<vmem>>, %arg24: memref<5136xf32, #tpu.memory_space<vmem>>, %arg25: memref<1xi32, #tpu.memory_space<smem>>) attributes {dimension_semantics = [#tpu.dimension_semantics<core_parallel>, #tpu.dimension_semantics<subcore_parallel>], iteration_bounds = array<i64: 2, 16>, scalar_prefetch = 0 : i64, scratch_operands = 22 : i64, tpu.core_type = #tpu.core_type<sc_vector_subcore>, window_params = [{transform_indices = #map}, {transform_indices = #map1}]} {
    %eq3A = arith.constant 0 : i32
    %eq3A_0 = arith.cmpi eq, %arg1, %eq3A : i32
    %convert_element_type3A = arith.extui %eq3A_0 : i1 to i32
    %cond3A = arith.constant 0 : i32
    %cond3A_1 = arith.cmpi ne, %convert_element_type3A, %cond3A : i32
    scf.if %cond3A_1 {
      %swap3A = arith.constant 0 : i32
      %swap3A_11 = arith.constant 0 : i32
      %swap3A_12 = arith.index_cast %swap3A_11 : i32 to index
      %swap3A_13 = memref.load %arg25[%swap3A_12] : memref<1xi32, #tpu.memory_space<smem>>
      memref.store %swap3A, %arg25[%swap3A_12] : memref<1xi32, #tpu.memory_space<smem>>
    } else {
    }
    %run_scoped3A = arith.constant 0 : i32
    "tpu.region"() ({
      %run_scoped3A_11 = tpu.sem_alloc : memref<!tpu.dma_semaphore, #tpu.memory_space<semaphore_mem>>
      %dma_start3A = arith.constant 0 : i32
      %dma_start3A_12 = tpu.memref_slice %arg2[%run_scoped3A, %dma_start3A] : memref<85x5120xf32, #tpu.memory_space<hbm>> -> memref<1x5120xf32, #tpu.memory_space<hbm>>
      %dma_start3A_13 = tpu.memref_squeeze %dma_start3A_12 : memref<1x5120xf32, #tpu.memory_space<hbm>> -> memref<5120xf32, #tpu.memory_space<hbm>>
      %dma_start3A_14 = arith.constant 0 : i32
      %dma_start3A_15 = tpu.memref_slice %arg2[%run_scoped3A, %dma_start3A_14] : memref<85x5120xf32, #tpu.memory_space<hbm>> -> memref<1x5120xf32, #tpu.memory_space<hbm>>
      %dma_start3A_16 = tpu.memref_squeeze %dma_start3A_15 : memref<1x5120xf32, #tpu.memory_space<hbm>> -> memref<5120xf32, #tpu.memory_space<hbm>>
      tpu.enqueue_dma source(%dma_start3A_16 : memref<5120xf32, #tpu.memory_space<hbm>>) target(%arg4 : memref<5120xf32, #tpu.memory_space<vmem>>) target_semaphore(%run_scoped3A_11 : memref<!tpu.dma_semaphore, #tpu.memory_space<semaphore_mem>>)
      %dma_wait3A = arith.constant 0 : i32
      %dma_wait3A_17 = tpu.memref_slice %arg2[%run_scoped3A, %dma_wait3A] : memref<85x5120xf32, #tpu.memory_space<hbm>> -> memref<1x5120xf32, #tpu.memory_space<hbm>>
      %dma_wait3A_18 = tpu.memref_squeeze %dma_wait3A_17 : memref<1x5120xf32, #tpu.memory_space<hbm>> -> memref<5120xf32, #tpu.memory_space<hbm>>
      %dma_wait3A_19 = arith.constant 0 : i32
      %dma_wait3A_20 = tpu.memref_slice %arg2[%run_scoped3A, %dma_wait3A_19] : memref<85x5120xf32, #tpu.memory_space<hbm>> -> memref<1x5120xf32, #tpu.memory_space<hbm>>
      %dma_wait3A_21 = tpu.memref_squeeze %dma_wait3A_20 : memref<1x5120xf32, #tpu.memory_space<hbm>> -> memref<5120xf32, #tpu.memory_space<hbm>>
      tpu.wait_dma2 semaphore(%run_scoped3A_11 : memref<!tpu.dma_semaphore, #tpu.memory_space<semaphore_mem>>) src(%dma_wait3A_21 : memref<5120xf32, #tpu.memory_space<hbm>>) dst(%arg4 : memref<5120xf32, #tpu.memory_space<vmem>>)
      tpu.yield
    }) : () -> ()
    %run_scoped3A_2 = arith.constant 1 : i32
    "tpu.region"() ({
      %run_scoped3A_11 = tpu.sem_alloc : memref<!tpu.dma_semaphore, #tpu.memory_space<semaphore_mem>>
      %dma_start3A = arith.constant 0 : i32
      %dma_start3A_12 = tpu.memref_slice %arg2[%run_scoped3A_2, %dma_start3A] : memref<85x5120xf32, #tpu.memory_space<hbm>> -> memref<1x5120xf32, #tpu.memory_space<hbm>>
      %dma_start3A_13 = tpu.memref_squeeze %dma_start3A_12 : memref<1x5120xf32, #tpu.memory_space<hbm>> -> memref<5120xf32, #tpu.memory_space<hbm>>
      %dma_start3A_14 = arith.constant 0 : i32
      %dma_start3A_15 = tpu.memref_slice %arg2[%run_scoped3A_2, %dma_start3A_14] : memref<85x5120xf32, #tpu.memory_space<hbm>> -> memref<1x5120xf32, #tpu.memory_space<hbm>>
      %dma_start3A_16 = tpu.memref_squeeze %dma_start3A_15 : memref<1x5120xf32, #tpu.memory_space<hbm>> -> memref<5120xf32, #tpu.memory_space<hbm>>
      tpu.enqueue_dma source(%dma_start3A_16 : memref<5120xf32, #tpu.memory_space<hbm>>) target(%arg5 : memref<5120xf32, #tpu.memory_space<vmem>>) target_semaphore(%run_scoped3A_11 : memref<!tpu.dma_semaphore, #tpu.memory_space<semaphore_mem>>)
      %dma_wait3A = arith.constant 0 : i32
      %dma_wait3A_17 = tpu.memref_slice %arg2[%run_scoped3A_2, %dma_wait3A] : memref<85x5120xf32, #tpu.memory_space<hbm>> -> memref<1x5120xf32, #tpu.memory_space<hbm>>
      %dma_wait3A_18 = tpu.memref_squeeze %dma_wait3A_17 : memref<1x5120xf32, #tpu.memory_space<hbm>> -> memref<5120xf32, #tpu.memory_space<hbm>>
      %dma_wait3A_19 = arith.constant 0 : i32
      %dma_wait3A_20 = tpu.memref_slice %arg2[%run_scoped3A_2, %dma_wait3A_19] : memref<85x5120xf32, #tpu.memory_space<hbm>> -> memref<1x5120xf32, #tpu.memory_space<hbm>>
      %dma_wait3A_21 = tpu.memref_squeeze %dma_wait3A_20 : memref<1x5120xf32, #tpu.memory_space<hbm>> -> memref<5120xf32, #tpu.memory_space<hbm>>
      tpu.wait_dma2 semaphore(%run_scoped3A_11 : memref<!tpu.dma_semaphore, #tpu.memory_space<semaphore_mem>>) src(%dma_wait3A_21 : memref<5120xf32, #tpu.memory_space<hbm>>) dst(%arg5 : memref<5120xf32, #tpu.memory_space<vmem>>)
      tpu.yield
    }) : () -> ()
    %run_scoped3A_3 = arith.constant 2 : i32
    "tpu.region"() ({
      %run_scoped3A_11 = tpu.sem_alloc : memref<!tpu.dma_semaphore, #tpu.memory_space<semaphore_mem>>
      %dma_start3A = arith.constant 0 : i32
      %dma_start3A_12 = tpu.memref_slice %arg2[%run_scoped3A_3, %dma_start3A] : memref<85x5120xf32, #tpu.memory_space<hbm>> -> memref<1x5120xf32, #tpu.memory_space<hbm>>
      %dma_start3A_13 = tpu.memref_squeeze %dma_start3A_12 : memref<1x5120xf32, #tpu.memory_space<hbm>> -> memref<5120xf32, #tpu.memory_space<hbm>>
      %dma_start3A_14 = arith.constant 0 : i32
      %dma_start3A_15 = tpu.memref_slice %arg2[%run_scoped3A_3, %dma_start3A_14] : memref<85x5120xf32, #tpu.memory_space<hbm>> -> memref<1x5120xf32, #tpu.memory_space<hbm>>
      %dma_start3A_16 = tpu.memref_squeeze %dma_start3A_15 : memref<1x5120xf32, #tpu.memory_space<hbm>> -> memref<5120xf32, #tpu.memory_space<hbm>>
      tpu.enqueue_dma source(%dma_start3A_16 : memref<5120xf32, #tpu.memory_space<hbm>>) target(%arg6 : memref<5120xf32, #tpu.memory_space<vmem>>) target_semaphore(%run_scoped3A_11 : memref<!tpu.dma_semaphore, #tpu.memory_space<semaphore_mem>>)
      %dma_wait3A = arith.constant 0 : i32
      %dma_wait3A_17 = tpu.memref_slice %arg2[%run_scoped3A_3, %dma_wait3A] : memref<85x5120xf32, #tpu.memory_space<hbm>> -> memref<1x5120xf32, #tpu.memory_space<hbm>>
      %dma_wait3A_18 = tpu.memref_squeeze %dma_wait3A_17 : memref<1x5120xf32, #tpu.memory_space<hbm>> -> memref<5120xf32, #tpu.memory_space<hbm>>
      %dma_wait3A_19 = arith.constant 0 : i32
      %dma_wait3A_20 = tpu.memref_slice %arg2[%run_scoped3A_3, %dma_wait3A_19] : memref<85x5120xf32, #tpu.memory_space<hbm>> -> memref<1x5120xf32, #tpu.memory_space<hbm>>
      %dma_wait3A_21 = tpu.memref_squeeze %dma_wait3A_20 : memref<1x5120xf32, #tpu.memory_space<hbm>> -> memref<5120xf32, #tpu.memory_space<hbm>>
      tpu.wait_dma2 semaphore(%run_scoped3A_11 : memref<!tpu.dma_semaphore, #tpu.memory_space<semaphore_mem>>) src(%dma_wait3A_21 : memref<5120xf32, #tpu.memory_space<hbm>>) dst(%arg6 : memref<5120xf32, #tpu.memory_space<vmem>>)
      tpu.yield
    }) : () -> ()
    %run_scoped3A_4 = arith.constant 3 : i32
    "tpu.region"() ({
      %run_scoped3A_11 = tpu.sem_alloc : memref<!tpu.dma_semaphore, #tpu.memory_space<semaphore_mem>>
      %dma_start3A = arith.constant 0 : i32
      %dma_start3A_12 = tpu.memref_slice %arg2[%run_scoped3A_4, %dma_start3A] : memref<85x5120xf32, #tpu.memory_space<hbm>> -> memref<1x5120xf32, #tpu.memory_space<hbm>>
      %dma_start3A_13 = tpu.memref_squeeze %dma_start3A_12 : memref<1x5120xf32, #tpu.memory_space<hbm>> -> memref<5120xf32, #tpu.memory_space<hbm>>
      %dma_start3A_14 = arith.constant 0 : i32
      %dma_start3A_15 = tpu.memref_slice %arg2[%run_scoped3A_4, %dma_start3A_14] : memref<85x5120xf32, #tpu.memory_space<hbm>> -> memref<1x5120xf32, #tpu.memory_space<hbm>>
      %dma_start3A_16 = tpu.memref_squeeze %dma_start3A_15 : memref<1x5120xf32, #tpu.memory_space<hbm>> -> memref<5120xf32, #tpu.memory_space<hbm>>
      tpu.enqueue_dma source(%dma_start3A_16 : memref<5120xf32, #tpu.memory_space<hbm>>) target(%arg7 : memref<5120xf32, #tpu.memory_space<vmem>>) target_semaphore(%run_scoped3A_11 : memref<!tpu.dma_semaphore, #tpu.memory_space<semaphore_mem>>)
      %dma_wait3A = arith.constant 0 : i32
      %dma_wait3A_17 = tpu.memref_slice %arg2[%run_scoped3A_4, %dma_wait3A] : memref<85x5120xf32, #tpu.memory_space<hbm>> -> memref<1x5120xf32, #tpu.memory_space<hbm>>
      %dma_wait3A_18 = tpu.memref_squeeze %dma_wait3A_17 : memref<1x5120xf32, #tpu.memory_space<hbm>> -> memref<5120xf32, #tpu.memory_space<hbm>>
      %dma_wait3A_19 = arith.constant 0 : i32
      %dma_wait3A_20 = tpu.memref_slice %arg2[%run_scoped3A_4, %dma_wait3A_19] : memref<85x5120xf32, #tpu.memory_space<hbm>> -> memref<1x5120xf32, #tpu.memory_space<hbm>>
      %dma_wait3A_21 = tpu.memref_squeeze %dma_wait3A_20 : memref<1x5120xf32, #tpu.memory_space<hbm>> -> memref<5120xf32, #tpu.memory_space<hbm>>
      tpu.wait_dma2 semaphore(%run_scoped3A_11 : memref<!tpu.dma_semaphore, #tpu.memory_space<semaphore_mem>>) src(%dma_wait3A_21 : memref<5120xf32, #tpu.memory_space<hbm>>) dst(%arg7 : memref<5120xf32, #tpu.memory_space<vmem>>)
      tpu.yield
    }) : () -> ()
    %run_scoped3A_5 = arith.constant 4 : i32
    "tpu.region"() ({
      %run_scoped3A_11 = tpu.sem_alloc : memref<!tpu.dma_semaphore, #tpu.memory_space<semaphore_mem>>
      %dma_start3A = arith.constant 0 : i32
      %dma_start3A_12 = tpu.memref_slice %arg2[%run_scoped3A_5, %dma_start3A] : memref<85x5120xf32, #tpu.memory_space<hbm>> -> memref<1x5120xf32, #tpu.memory_space<hbm>>
      %dma_start3A_13 = tpu.memref_squeeze %dma_start3A_12 : memref<1x5120xf32, #tpu.memory_space<hbm>> -> memref<5120xf32, #tpu.memory_space<hbm>>
      %dma_start3A_14 = arith.constant 0 : i32
      %dma_start3A_15 = tpu.memref_slice %arg2[%run_scoped3A_5, %dma_start3A_14] : memref<85x5120xf32, #tpu.memory_space<hbm>> -> memref<1x5120xf32, #tpu.memory_space<hbm>>
      %dma_start3A_16 = tpu.memref_squeeze %dma_start3A_15 : memref<1x5120xf32, #tpu.memory_space<hbm>> -> memref<5120xf32, #tpu.memory_space<hbm>>
      tpu.enqueue_dma source(%dma_start3A_16 : memref<5120xf32, #tpu.memory_space<hbm>>) target(%arg9 : memref<5120xf32, #tpu.memory_space<vmem>>) target_semaphore(%run_scoped3A_11 : memref<!tpu.dma_semaphore, #tpu.memory_space<semaphore_mem>>)
      %dma_wait3A = arith.constant 0 : i32
      %dma_wait3A_17 = tpu.memref_slice %arg2[%run_scoped3A_5, %dma_wait3A] : memref<85x5120xf32, #tpu.memory_space<hbm>> -> memref<1x5120xf32, #tpu.memory_space<hbm>>
      %dma_wait3A_18 = tpu.memref_squeeze %dma_wait3A_17 : memref<1x5120xf32, #tpu.memory_space<hbm>> -> memref<5120xf32, #tpu.memory_space<hbm>>
      %dma_wait3A_19 = arith.constant 0 : i32
      %dma_wait3A_20 = tpu.memref_slice %arg2[%run_scoped3A_5, %dma_wait3A_19] : memref<85x5120xf32, #tpu.memory_space<hbm>> -> memref<1x5120xf32, #tpu.memory_space<hbm>>
      %dma_wait3A_21 = tpu.memref_squeeze %dma_wait3A_20 : memref<1x5120xf32, #tpu.memory_space<hbm>> -> memref<5120xf32, #tpu.memory_space<hbm>>
      tpu.wait_dma2 semaphore(%run_scoped3A_11 : memref<!tpu.dma_semaphore, #tpu.memory_space<semaphore_mem>>) src(%dma_wait3A_21 : memref<5120xf32, #tpu.memory_space<hbm>>) dst(%arg9 : memref<5120xf32, #tpu.memory_space<vmem>>)
      tpu.yield
    }) : () -> ()
    %parallel_loop3A = arith.constant 0 : i32
    %parallel_loop3A_6 = arith.constant 5120 : i32
    %parallel_loop3A_7 = arith.constant 16 : i32
    scf.for %parallel_loop3A_11 = %parallel_loop3A to %parallel_loop3A_6 step %parallel_loop3A_7  : i32 {
      %parallel_loop3A_12 = arith.index_cast %parallel_loop3A_11 : i32 to index
      %parallel_loop3A_13 = tpu.vector_load %arg4[%parallel_loop3A_12] {strides = array<i32>} : memref<5120xf32, #tpu.memory_space<vmem>>, vector<16xf32>,
      %parallel_loop3A_14 = arith.index_cast %parallel_loop3A_11 : i32 to index
      %parallel_loop3A_15 = tpu.vector_load %arg5[%parallel_loop3A_14] {strides = array<i32>} : memref<5120xf32, #tpu.memory_space<vmem>>, vector<16xf32>,
      %parallel_loop3A_16 = arith.index_cast %parallel_loop3A_11 : i32 to index
      %parallel_loop3A_17 = tpu.vector_load %arg6[%parallel_loop3A_16] {strides = array<i32>} : memref<5120xf32, #tpu.memory_space<vmem>>, vector<16xf32>,
      %parallel_loop3A_18 = arith.index_cast %parallel_loop3A_11 : i32 to index
      %parallel_loop3A_19 = tpu.vector_load %arg7[%parallel_loop3A_18] {strides = array<i32>} : memref<5120xf32, #tpu.memory_space<vmem>>, vector<16xf32>,
      %parallel_loop3A_20 = arith.constant 2.000000e+00 : f32
      %parallel_loop3A_21 = vector.broadcast %parallel_loop3A_20 : f32 to vector<16xf32>
      %parallel_loop3A_22 = arith.divf %parallel_loop3A_17, %parallel_loop3A_21 : vector<16xf32>
      %parallel_loop3A_23 = arith.subf %parallel_loop3A_13, %parallel_loop3A_22 : vector<16xf32>
      %parallel_loop3A_24 = arith.constant 0.000000e+00 : f32
      %parallel_loop3A_25 = arith.constant 1.000000e+00 : f32
      %parallel_loop3A_26 = vector.broadcast %parallel_loop3A_24 : f32 to vector<16xf32>
      %parallel_loop3A_27 = arith.maximumf %parallel_loop3A_26, %parallel_loop3A_23 : vector<16xf32>
      %parallel_loop3A_28 = vector.broadcast %parallel_loop3A_25 : f32 to vector<16xf32>
      %parallel_loop3A_29 = arith.minimumf %parallel_loop3A_28, %parallel_loop3A_27 : vector<16xf32>
      %parallel_loop3A_30 = arith.constant 2.000000e+00 : f32
      %parallel_loop3A_31 = vector.broadcast %parallel_loop3A_30 : f32 to vector<16xf32>
      %parallel_loop3A_32 = arith.divf %parallel_loop3A_19, %parallel_loop3A_31 : vector<16xf32>
      %parallel_loop3A_33 = arith.subf %parallel_loop3A_15, %parallel_loop3A_32 : vector<16xf32>
      %parallel_loop3A_34 = arith.constant 0.000000e+00 : f32
      %parallel_loop3A_35 = arith.constant 1.000000e+00 : f32
      %parallel_loop3A_36 = vector.broadcast %parallel_loop3A_34 : f32 to vector<16xf32>
      %parallel_loop3A_37 = arith.maximumf %parallel_loop3A_36, %parallel_loop3A_33 : vector<16xf32>
      %parallel_loop3A_38 = vector.broadcast %parallel_loop3A_35 : f32 to vector<16xf32>
      %parallel_loop3A_39 = arith.minimumf %parallel_loop3A_38, %parallel_loop3A_37 : vector<16xf32>
      %parallel_loop3A_40 = arith.constant 2.000000e+00 : f32
      %parallel_loop3A_41 = vector.broadcast %parallel_loop3A_40 : f32 to vector<16xf32>
      %parallel_loop3A_42 = arith.divf %parallel_loop3A_17, %parallel_loop3A_41 : vector<16xf32>
      %parallel_loop3A_43 = arith.addf %parallel_loop3A_13, %parallel_loop3A_42 : vector<16xf32>
      %parallel_loop3A_44 = arith.constant 0.000000e+00 : f32
      %parallel_loop3A_45 = arith.constant 1.000000e+00 : f32
      %parallel_loop3A_46 = vector.broadcast %parallel_loop3A_44 : f32 to vector<16xf32>
      %parallel_loop3A_47 = arith.maximumf %parallel_loop3A_46, %parallel_loop3A_43 : vector<16xf32>
      %parallel_loop3A_48 = vector.broadcast %parallel_loop3A_45 : f32 to vector<16xf32>
      %parallel_loop3A_49 = arith.minimumf %parallel_loop3A_48, %parallel_loop3A_47 : vector<16xf32>
      %parallel_loop3A_50 = arith.constant 2.000000e+00 : f32
      %parallel_loop3A_51 = vector.broadcast %parallel_loop3A_50 : f32 to vector<16xf32>
      %parallel_loop3A_52 = arith.divf %parallel_loop3A_19, %parallel_loop3A_51 : vector<16xf32>
      %parallel_loop3A_53 = arith.addf %parallel_loop3A_15, %parallel_loop3A_52 : vector<16xf32>
      %parallel_loop3A_54 = arith.constant 0.000000e+00 : f32
      %parallel_loop3A_55 = arith.constant 1.000000e+00 : f32
      %parallel_loop3A_56 = vector.broadcast %parallel_loop3A_54 : f32 to vector<16xf32>
      %parallel_loop3A_57 = arith.maximumf %parallel_loop3A_56, %parallel_loop3A_53 : vector<16xf32>
      %parallel_loop3A_58 = vector.broadcast %parallel_loop3A_55 : f32 to vector<16xf32>
      %parallel_loop3A_59 = arith.minimumf %parallel_loop3A_58, %parallel_loop3A_57 : vector<16xf32>
      %parallel_loop3A_60 = arith.subf %parallel_loop3A_49, %parallel_loop3A_29 : vector<16xf32>
      %parallel_loop3A_61 = arith.constant 0.000000e+00 : f32
      %parallel_loop3A_62 = vector.broadcast %parallel_loop3A_61 : f32 to vector<16xf32>
      %parallel_loop3A_63 = arith.maximumf %parallel_loop3A_60, %parallel_loop3A_62 : vector<16xf32>
      %parallel_loop3A_64 = arith.subf %parallel_loop3A_59, %parallel_loop3A_39 : vector<16xf32>
      %parallel_loop3A_65 = arith.constant 0.000000e+00 : f32
      %parallel_loop3A_66 = vector.broadcast %parallel_loop3A_65 : f32 to vector<16xf32>
      %parallel_loop3A_67 = arith.maximumf %parallel_loop3A_64, %parallel_loop3A_66 : vector<16xf32>
      %parallel_loop3A_68 = arith.mulf %parallel_loop3A_63, %parallel_loop3A_67 : vector<16xf32>
      %parallel_loop3A_69 = arith.index_cast %parallel_loop3A_11 : i32 to index
      %parallel_loop3A_70 = tpu.vector_load %arg4[%parallel_loop3A_69] {strides = array<i32>} : memref<5120xf32, #tpu.memory_space<vmem>>, vector<16xf32>,
      tpu.vector_store %arg4[%parallel_loop3A_69], %parallel_loop3A_29 {strides = array<i32>} : memref<5120xf32, #tpu.memory_space<vmem>>, vector<16xf32>,
      %parallel_loop3A_71 = arith.index_cast %parallel_loop3A_11 : i32 to index
      %parallel_loop3A_72 = tpu.vector_load %arg5[%parallel_loop3A_71] {strides = array<i32>} : memref<5120xf32, #tpu.memory_space<vmem>>, vector<16xf32>,
      tpu.vector_store %arg5[%parallel_loop3A_71], %parallel_loop3A_39 {strides = array<i32>} : memref<5120xf32, #tpu.memory_space<vmem>>, vector<16xf32>,
      %parallel_loop3A_73 = arith.index_cast %parallel_loop3A_11 : i32 to index
      %parallel_loop3A_74 = tpu.vector_load %arg6[%parallel_loop3A_73] {strides = array<i32>} : memref<5120xf32, #tpu.memory_space<vmem>>, vector<16xf32>,
      tpu.vector_store %arg6[%parallel_loop3A_73], %parallel_loop3A_49 {strides = array<i32>} : memref<5120xf32, #tpu.memory_space<vmem>>, vector<16xf32>,
      %parallel_loop3A_75 = arith.index_cast %parallel_loop3A_11 : i32 to index
      %parallel_loop3A_76 = tpu.vector_load %arg7[%parallel_loop3A_75] {strides = array<i32>} : memref<5120xf32, #tpu.memory_space<vmem>>, vector<16xf32>,
      tpu.vector_store %arg7[%parallel_loop3A_75], %parallel_loop3A_59 {strides = array<i32>} : memref<5120xf32, #tpu.memory_space<vmem>>, vector<16xf32>,
      %parallel_loop3A_77 = arith.index_cast %parallel_loop3A_11 : i32 to index
      %parallel_loop3A_78 = tpu.vector_load %arg8[%parallel_loop3A_77] {strides = array<i32>} : memref<5120xf32, #tpu.memory_space<vmem>>, vector<16xf32>,
      tpu.vector_store %arg8[%parallel_loop3A_77], %parallel_loop3A_68 {strides = array<i32>} : memref<5120xf32, #tpu.memory_space<vmem>>, vector<16xf32>,
    } {sc.loop_unroll_factor = 4 : i64, sc.parallel_access}
    %barrier3A = arith.constant 0 : index
    tpu.barrier barrier_id(%barrier3A)
    %sc_fetch_and_add3A = arith.constant 1 : i32
    %sc_fetch_and_add3A_8 = arith.constant 0 : i32
    %sc_fetch_and_add3A_9 = arith.constant 0 : i32
    %sc_fetch_and_add3A_10 = tpu.fetch_and_add_sync %arg25[%sc_fetch_and_add3A_8], %sc_fetch_and_add3A, %sc_fetch_and_add3A_9 : memref<1xi32, #tpu.memory_space<smem>>, i32 -> i32
    %while3A = scf.while (%while3A_11 = %sc_fetch_and_add3A_10) : (i32) -> i32 {
      %lt3A = arith.constant 40 : i32
      %lt3A_12 = arith.cmpi slt, %while3A_11, %lt3A : i32
      scf.condition(%lt3A_12) %while3A_11 : i32
    } do {
    ^bb0(%while3A_11: i32):
      %mul3A = arith.constant 40 : i32
      %mul3A_12 = arith.muli %arg0, %mul3A : i32
      %add3A = arith.addi %mul3A_12, %while3A_11 : i32
      %add3A_13 = arith.constant 5 : i32
      %add3A_14 = arith.addi %add3A_13, %add3A : i32
      "tpu.region"() ({
        %run_scoped3A_118 = tpu.sem_alloc : memref<!tpu.dma_semaphore, #tpu.memory_space<semaphore_mem>>
        %dma_start3A = arith.constant 0 : i32
        %dma_start3A_119 = tpu.memref_slice %arg2[%add3A_14, %dma_start3A] : memref<85x5120xf32, #tpu.memory_space<hbm>> -> memref<1x5120xf32, #tpu.memory_space<hbm>>
        %dma_start3A_120 = tpu.memref_squeeze %dma_start3A_119 : memref<1x5120xf32, #tpu.memory_space<hbm>> -> memref<5120xf32, #tpu.memory_space<hbm>>
        %dma_start3A_121 = arith.constant 0 : i32
        %dma_start3A_122 = tpu.memref_slice %arg2[%add3A_14, %dma_start3A_121] : memref<85x5120xf32, #tpu.memory_space<hbm>> -> memref<1x5120xf32, #tpu.memory_space<hbm>>
        %dma_start3A_123 = tpu.memref_squeeze %dma_start3A_122 : memref<1x5120xf32, #tpu.memory_space<hbm>> -> memref<5120xf32, #tpu.memory_space<hbm>>
        tpu.enqueue_dma source(%dma_start3A_123 : memref<5120xf32, #tpu.memory_space<hbm>>) target(%arg10 : memref<5120xf32, #tpu.memory_space<vmem>>) target_semaphore(%run_scoped3A_118 : memref<!tpu.dma_semaphore, #tpu.memory_space<semaphore_mem>>)
        %dma_wait3A = arith.constant 0 : i32
        %dma_wait3A_124 = tpu.memref_slice %arg2[%add3A_14, %dma_wait3A] : memref<85x5120xf32, #tpu.memory_space<hbm>> -> memref<1x5120xf32, #tpu.memory_space<hbm>>
        %dma_wait3A_125 = tpu.memref_squeeze %dma_wait3A_124 : memref<1x5120xf32, #tpu.memory_space<hbm>> -> memref<5120xf32, #tpu.memory_space<hbm>>
        %dma_wait3A_126 = arith.constant 0 : i32
        %dma_wait3A_127 = tpu.memref_slice %arg2[%add3A_14, %dma_wait3A_126] : memref<85x5120xf32, #tpu.memory_space<hbm>> -> memref<1x5120xf32, #tpu.memory_space<hbm>>
        %dma_wait3A_128 = tpu.memref_squeeze %dma_wait3A_127 : memref<1x5120xf32, #tpu.memory_space<hbm>> -> memref<5120xf32, #tpu.memory_space<hbm>>
        tpu.wait_dma2 semaphore(%run_scoped3A_118 : memref<!tpu.dma_semaphore, #tpu.memory_space<semaphore_mem>>) src(%dma_wait3A_128 : memref<5120xf32, #tpu.memory_space<hbm>>) dst(%arg10 : memref<5120xf32, #tpu.memory_space<vmem>>)
        tpu.yield
      }) : () -> ()
      %parallel_loop3A_15 = arith.constant 0 : i32
      %parallel_loop3A_16 = arith.constant 5120 : i32
      %parallel_loop3A_17 = arith.constant 16 : i32
      %parallel_loop3A_18 = arith.constant 0 : i32
      %parallel_loop3A_19 = scf.for %parallel_loop3A_118 = %parallel_loop3A_15 to %parallel_loop3A_16 step %parallel_loop3A_17 iter_args(%parallel_loop3A_119 = %parallel_loop3A_18) -> (i32)  : i32 {
        %parallel_loop3A_120 = arith.index_cast %parallel_loop3A_118 : i32 to index
        %parallel_loop3A_121 = tpu.vector_load %arg10[%parallel_loop3A_120] {strides = array<i32>} : memref<5120xf32, #tpu.memory_space<vmem>>, vector<16xf32>,
        %parallel_loop3A_122 = arith.index_cast %parallel_loop3A_118 : i32 to index
        %parallel_loop3A_123 = tpu.vector_load %arg9[%parallel_loop3A_122] {strides = array<i32>} : memref<5120xf32, #tpu.memory_space<vmem>>, vector<16xf32>,
        %parallel_loop3A_124 = arith.mulf %parallel_loop3A_121, %parallel_loop3A_123 : vector<16xf32>
        %parallel_loop3A_125 = arith.constant 6.500000e-01 : f32
        %parallel_loop3A_126 = vector.broadcast %parallel_loop3A_125 : f32 to vector<16xf32>
        %parallel_loop3A_127 = arith.cmpf ogt, %parallel_loop3A_124, %parallel_loop3A_126 : vector<16xf32>
        %parallel_loop3A_128 = arith.index_cast %parallel_loop3A_119 : i32 to index
        %parallel_loop3A_129 = tpu.vector_load %arg13[%parallel_loop3A_128] masked %parallel_loop3A_127 {strides = array<i32>} : memref<5136xf32, #tpu.memory_space<vmem>>, vector<16xf32>, vector<16xi1>
        tpu.vector_store %arg13[%parallel_loop3A_128], %parallel_loop3A_124 masked %parallel_loop3A_127 {strides = array<i32>} : memref<5136xf32, #tpu.memory_space<vmem>>, vector<16xf32>, vector<16xi1>
        %parallel_loop3A_130 = arith.index_cast %parallel_loop3A_118 : i32 to index
        %parallel_loop3A_131 = tpu.vector_load %arg4[%parallel_loop3A_130] {strides = array<i32>} : memref<5120xf32, #tpu.memory_space<vmem>>, vector<16xf32>,
        %parallel_loop3A_132 = arith.index_cast %parallel_loop3A_119 : i32 to index
        %parallel_loop3A_133 = tpu.vector_load %arg14[%parallel_loop3A_132] masked %parallel_loop3A_127 {strides = array<i32>} : memref<5136xf32, #tpu.memory_space<vmem>>, vector<16xf32>, vector<16xi1>
        tpu.vector_store %arg14[%parallel_loop3A_132], %parallel_loop3A_131 masked %parallel_loop3A_127 {strides = array<i32>} : memref<5136xf32, #tpu.memory_space<vmem>>, vector<16xf32>, vector<16xi1>
        %parallel_loop3A_134 = arith.index_cast %parallel_loop3A_118 : i32 to index
        %parallel_loop3A_135 = tpu.vector_load %arg5[%parallel_loop3A_134] {strides = array<i32>} : memref<5120xf32, #tpu.memory_space<vmem>>, vector<16xf32>,
        %parallel_loop3A_136 = arith.index_cast %parallel_loop3A_119 : i32 to index
        %parallel_loop3A_137 = tpu.vector_load %arg15[%parallel_loop3A_136] masked %parallel_loop3A_127 {strides = array<i32>} : memref<5136xf32, #tpu.memory_space<vmem>>, vector<16xf32>, vector<16xi1>
        tpu.vector_store %arg15[%parallel_loop3A_136], %parallel_loop3A_135 masked %parallel_loop3A_127 {strides = array<i32>} : memref<5136xf32, #tpu.memory_space<vmem>>, vector<16xf32>, vector<16xi1>
        %parallel_loop3A_138 = arith.index_cast %parallel_loop3A_118 : i32 to index
        %parallel_loop3A_139 = tpu.vector_load %arg6[%parallel_loop3A_138] {strides = array<i32>} : memref<5120xf32, #tpu.memory_space<vmem>>, vector<16xf32>,
        %parallel_loop3A_140 = arith.index_cast %parallel_loop3A_119 : i32 to index
        %parallel_loop3A_141 = tpu.vector_load %arg16[%parallel_loop3A_140] masked %parallel_loop3A_127 {strides = array<i32>} : memref<5136xf32, #tpu.memory_space<vmem>>, vector<16xf32>, vector<16xi1>
        tpu.vector_store %arg16[%parallel_loop3A_140], %parallel_loop3A_139 masked %parallel_loop3A_127 {strides = array<i32>} : memref<5136xf32, #tpu.memory_space<vmem>>, vector<16xf32>, vector<16xi1>
        %parallel_loop3A_142 = arith.index_cast %parallel_loop3A_118 : i32 to index
        %parallel_loop3A_143 = tpu.vector_load %arg7[%parallel_loop3A_142] {strides = array<i32>} : memref<5120xf32, #tpu.memory_space<vmem>>, vector<16xf32>,
        %parallel_loop3A_144 = arith.index_cast %parallel_loop3A_119 : i32 to index
        %parallel_loop3A_145 = tpu.vector_load %arg17[%parallel_loop3A_144] masked %parallel_loop3A_127 {strides = array<i32>} : memref<5136xf32, #tpu.memory_space<vmem>>, vector<16xf32>, vector<16xi1>
        tpu.vector_store %arg17[%parallel_loop3A_144], %parallel_loop3A_143 masked %parallel_loop3A_127 {strides = array<i32>} : memref<5136xf32, #tpu.memory_space<vmem>>, vector<16xf32>, vector<16xi1>
        %parallel_loop3A_146 = arith.index_cast %parallel_loop3A_118 : i32 to index
        %parallel_loop3A_147 = tpu.vector_load %arg8[%parallel_loop3A_146] {strides = array<i32>} : memref<5120xf32, #tpu.memory_space<vmem>>, vector<16xf32>,
        %parallel_loop3A_148 = arith.index_cast %parallel_loop3A_119 : i32 to index
        %parallel_loop3A_149 = tpu.vector_load %arg18[%parallel_loop3A_148] masked %parallel_loop3A_127 {strides = array<i32>} : memref<5136xf32, #tpu.memory_space<vmem>>, vector<16xf32>, vector<16xi1>
        tpu.vector_store %arg18[%parallel_loop3A_148], %parallel_loop3A_147 masked %parallel_loop3A_127 {strides = array<i32>} : memref<5136xf32, #tpu.memory_space<vmem>>, vector<16xf32>, vector<16xi1>
        %parallel_loop3A_150 = tpu.all_reduce %parallel_loop3A_127 {dim = 0 : i64, kind = #tpu.reduction_kind<sum>} : vector<16xi1> -> vector<16xi32>
        %parallel_loop3A_151 = vector.extract_strided_slice %parallel_loop3A_150 {offsets = [0], sizes = [1], strides = [1]} : vector<16xi32> to vector<1xi32>
        %parallel_loop3A_152 = vector.extract %parallel_loop3A_151[0] : i32 from vector<1xi32>
        %parallel_loop3A_153 = arith.addi %parallel_loop3A_119, %parallel_loop3A_152 : i32
        scf.yield %parallel_loop3A_153 : i32
      } {sc.loop_unroll_factor = 2 : i64, sc.parallel_access}
      %broadcast_in_dim3A = arith.constant 0xFF800000 : f32
      %broadcast_in_dim3A_20 = vector.broadcast %broadcast_in_dim3A : f32 to vector<16xf32>
      %swap3A = arith.index_cast %parallel_loop3A_19 : i32 to index
      %swap3A_21 = tpu.vector_load %arg13[%swap3A] {strides = array<i32>} : memref<5136xf32, #tpu.memory_space<vmem>>, vector<16xf32>,
      tpu.vector_store %arg13[%swap3A], %broadcast_in_dim3A_20 {strides = array<i32>} : memref<5136xf32, #tpu.memory_space<vmem>>, vector<16xf32>,
      %add3A_22 = arith.constant 15 : i32
      %add3A_23 = arith.addi %parallel_loop3A_19, %add3A_22 : i32
      %jit3A = arith.constant 16 : i32
      %div3A = arith.divsi %add3A_23, %jit3A : i32
      %sign3A = arith.constant 0 : i32
      %sign3A_24 = arith.cmpi sgt, %add3A_23, %sign3A : i32
      %sign3A_25 = arith.extui %sign3A_24 : i1 to i32
      %sign3A_26 = arith.constant 0 : i32
      %sign3A_27 = arith.cmpi slt, %add3A_23, %sign3A_26 : i32
      %sign3A_28 = arith.extui %sign3A_27 : i1 to i32
      %sign3A_29 = arith.subi %sign3A_25, %sign3A_28 : i32
      %sign3A_30 = arith.constant 0 : i32
      %sign3A_31 = arith.cmpi sgt, %jit3A, %sign3A_30 : i32
      %sign3A_32 = arith.extui %sign3A_31 : i1 to i32
      %sign3A_33 = arith.constant 0 : i32
      %sign3A_34 = arith.cmpi slt, %jit3A, %sign3A_33 : i32
      %sign3A_35 = arith.extui %sign3A_34 : i1 to i32
      %sign3A_36 = arith.subi %sign3A_32, %sign3A_35 : i32
      %ne3A = arith.cmpi ne, %sign3A_29, %sign3A_36 : i32
      %rem3A = arith.remsi %add3A_23, %jit3A : i32
      %ne3A_37 = arith.constant 0 : i32
      %ne3A_38 = arith.cmpi ne, %rem3A, %ne3A_37 : i32
      %and3A = arith.andi %ne3A, %ne3A_38 : i1
      %sub3A = arith.constant 1 : i32
      %sub3A_39 = arith.subi %div3A, %sub3A : i32
      %select_n3A = arith.select %and3A, %sub3A_39, %div3A : i32
      %mul3A_40 = arith.constant 16 : i32
      %mul3A_41 = arith.muli %select_n3A, %mul3A_40 : i32
      %iota3A = tpu.iota {dimensions = array<i32: 0>} : vector<16xi32>
      %lt3A = arith.constant 6 : i32
      %lt3A_42 = vector.broadcast %lt3A : i32 to vector<16xi32>
      %lt3A_43 = arith.cmpi slt, %iota3A, %lt3A_42 : vector<16xi32>
      %eq3A_44 = arith.constant 0 : i32
      %eq3A_45 = vector.broadcast %eq3A_44 : i32 to vector<16xi32>
      %eq3A_46 = arith.cmpi eq, %iota3A, %eq3A_45 : vector<16xi32>
      %eq3A_47 = arith.constant 1 : i32
      %eq3A_48 = vector.broadcast %eq3A_47 : i32 to vector<16xi32>
      %eq3A_49 = arith.cmpi eq, %iota3A, %eq3A_48 : vector<16xi32>
      %eq3A_50 = arith.constant 2 : i32
      %eq3A_51 = vector.broadcast %eq3A_50 : i32 to vector<16xi32>
      %eq3A_52 = arith.cmpi eq, %iota3A, %eq3A_51 : vector<16xi32>
      %eq3A_53 = arith.constant 3 : i32
      %eq3A_54 = vector.broadcast %eq3A_53 : i32 to vector<16xi32>
      %eq3A_55 = arith.cmpi eq, %iota3A, %eq3A_54 : vector<16xi32>
      %eq3A_56 = arith.constant 4 : i32
      %eq3A_57 = vector.broadcast %eq3A_56 : i32 to vector<16xi32>
      %eq3A_58 = arith.cmpi eq, %iota3A, %eq3A_57 : vector<16xi32>
      %broadcast_in_dim3A_59 = arith.constant 0.000000e+00 : f32
      %broadcast_in_dim3A_60 = vector.broadcast %broadcast_in_dim3A_59 : f32 to vector<16xf32>
      %broadcast_in_dim3A_61 = arith.constant 0x7F800000 : f32
      %broadcast_in_dim3A_62 = vector.broadcast %broadcast_in_dim3A_61 : f32 to vector<16xf32>
      %scan3A = arith.constant 0 : i32
      %scan3A_63 = arith.constant 50 : i32
      %scan3A_64 = arith.addi %scan3A, %scan3A_63 : i32
      %scan3A_65 = arith.constant 1 : i32
      %scan3A_66:6 = scf.for %scan3A_118 = %scan3A to %scan3A_64 step %scan3A_65 iter_args(%scan3A_119 = %broadcast_in_dim3A_60, %scan3A_120 = %broadcast_in_dim3A_60, %scan3A_121 = %broadcast_in_dim3A_60, %scan3A_122 = %broadcast_in_dim3A_60, %scan3A_123 = %broadcast_in_dim3A_60, %scan3A_124 = %broadcast_in_dim3A_62) -> (vector<16xf32>, vector<16xf32>, vector<16xf32>, vector<16xf32>, vector<16xf32>, vector<16xf32>)  : i32 {
        %broadcast_in_dim3A_125 = arith.constant 0xFF800000 : f32
        %broadcast_in_dim3A_126 = vector.broadcast %broadcast_in_dim3A_125 : f32 to vector<16xf32>
        %broadcast_in_dim3A_127 = arith.constant 0 : i32
        %broadcast_in_dim3A_128 = vector.broadcast %broadcast_in_dim3A_127 : i32 to vector<16xi32>
        %parallel_loop3A_129 = arith.constant 0 : i32
        %parallel_loop3A_130 = arith.constant 16 : i32
        %parallel_loop3A_131:2 = scf.for %parallel_loop3A_265 = %parallel_loop3A_129 to %mul3A_41 step %parallel_loop3A_130 iter_args(%parallel_loop3A_266 = %broadcast_in_dim3A_126, %parallel_loop3A_267 = %broadcast_in_dim3A_128) -> (vector<16xf32>, vector<16xi32>)  : i32 {
          %parallel_loop3A_268 = arith.index_cast %parallel_loop3A_265 : i32 to index
          %parallel_loop3A_269 = tpu.vector_load %arg13[%parallel_loop3A_268] {strides = array<i32>} : memref<5136xf32, #tpu.memory_space<vmem>>, vector<16xf32>,
          %parallel_loop3A_270 = arith.index_cast %parallel_loop3A_265 : i32 to index
          %parallel_loop3A_271 = tpu.vector_load %arg14[%parallel_loop3A_270] {strides = array<i32>} : memref<5136xf32, #tpu.memory_space<vmem>>, vector<16xf32>,
          %parallel_loop3A_272 = arith.index_cast %parallel_loop3A_265 : i32 to index
          %parallel_loop3A_273 = tpu.vector_load %arg15[%parallel_loop3A_272] {strides = array<i32>} : memref<5136xf32, #tpu.memory_space<vmem>>, vector<16xf32>,
          %parallel_loop3A_274 = arith.index_cast %parallel_loop3A_265 : i32 to index
          %parallel_loop3A_275 = tpu.vector_load %arg16[%parallel_loop3A_274] {strides = array<i32>} : memref<5136xf32, #tpu.memory_space<vmem>>, vector<16xf32>,
          %parallel_loop3A_276 = arith.index_cast %parallel_loop3A_265 : i32 to index
          %parallel_loop3A_277 = tpu.vector_load %arg17[%parallel_loop3A_276] {strides = array<i32>} : memref<5136xf32, #tpu.memory_space<vmem>>, vector<16xf32>,
          %parallel_loop3A_278 = arith.index_cast %parallel_loop3A_265 : i32 to index
          %parallel_loop3A_279 = tpu.vector_load %arg18[%parallel_loop3A_278] {strides = array<i32>} : memref<5136xf32, #tpu.memory_space<vmem>>, vector<16xf32>,
          %parallel_loop3A_280 = arith.maximumf %scan3A_119, %parallel_loop3A_271 : vector<16xf32>
          %parallel_loop3A_281 = arith.maximumf %scan3A_120, %parallel_loop3A_273 : vector<16xf32>
          %parallel_loop3A_282 = arith.minimumf %scan3A_121, %parallel_loop3A_275 : vector<16xf32>
          %parallel_loop3A_283 = arith.minimumf %scan3A_122, %parallel_loop3A_277 : vector<16xf32>
          %parallel_loop3A_284 = arith.subf %parallel_loop3A_282, %parallel_loop3A_280 : vector<16xf32>
          %parallel_loop3A_285 = arith.constant 0.000000e+00 : f32
          %parallel_loop3A_286 = vector.broadcast %parallel_loop3A_285 : f32 to vector<16xf32>
          %parallel_loop3A_287 = arith.maximumf %parallel_loop3A_284, %parallel_loop3A_286 : vector<16xf32>
          %parallel_loop3A_288 = arith.subf %parallel_loop3A_283, %parallel_loop3A_281 : vector<16xf32>
          %parallel_loop3A_289 = arith.constant 0.000000e+00 : f32
          %parallel_loop3A_290 = vector.broadcast %parallel_loop3A_289 : f32 to vector<16xf32>
          %parallel_loop3A_291 = arith.maximumf %parallel_loop3A_288, %parallel_loop3A_290 : vector<16xf32>
          %parallel_loop3A_292 = arith.mulf %parallel_loop3A_287, %parallel_loop3A_291 : vector<16xf32>
          %parallel_loop3A_293 = arith.addf %scan3A_123, %parallel_loop3A_279 : vector<16xf32>
          %parallel_loop3A_294 = arith.subf %parallel_loop3A_293, %parallel_loop3A_292 : vector<16xf32>
          %parallel_loop3A_295 = arith.constant 9.99999971E-10 : f32
          %parallel_loop3A_296 = vector.broadcast %parallel_loop3A_295 : f32 to vector<16xf32>
          %parallel_loop3A_297 = arith.addf %parallel_loop3A_294, %parallel_loop3A_296 : vector<16xf32>
          %parallel_loop3A_298 = arith.constant 5.000000e-01 : f32
          %parallel_loop3A_299 = vector.broadcast %parallel_loop3A_298 : f32 to vector<16xf32>
          %parallel_loop3A_300 = arith.mulf %parallel_loop3A_297, %parallel_loop3A_299 : vector<16xf32>
          %parallel_loop3A_301 = arith.cmpf ogt, %parallel_loop3A_292, %parallel_loop3A_300 : vector<16xf32>
          %parallel_loop3A_302 = arith.constant 0xFF800000 : f32
          %parallel_loop3A_303 = vector.broadcast %parallel_loop3A_302 : f32 to vector<16xf32>
          %parallel_loop3A_304 = arith.select %parallel_loop3A_301, %parallel_loop3A_303, %parallel_loop3A_269 : vector<16xi1>, vector<16xf32>
          %parallel_loop3A_305 = arith.index_cast %parallel_loop3A_265 : i32 to index
          %parallel_loop3A_306 = tpu.vector_load %arg13[%parallel_loop3A_305] {strides = array<i32>} : memref<5136xf32, #tpu.memory_space<vmem>>, vector<16xf32>,
          tpu.vector_store %arg13[%parallel_loop3A_305], %parallel_loop3A_304 {strides = array<i32>} : memref<5136xf32, #tpu.memory_space<vmem>>, vector<16xf32>,
          %parallel_loop3A_307 = arith.cmpf ogt, %parallel_loop3A_304, %parallel_loop3A_266 : vector<16xf32>
          %parallel_loop3A_308 = arith.select %parallel_loop3A_307, %parallel_loop3A_304, %parallel_loop3A_266 : vector<16xi1>, vector<16xf32>
          %parallel_loop3A_309 = vector.broadcast %parallel_loop3A_265 : i32 to vector<16xi32>
          %parallel_loop3A_310 = arith.select %parallel_loop3A_307, %parallel_loop3A_309, %parallel_loop3A_267 : vector<16xi1>, vector<16xi32>
          scf.yield %parallel_loop3A_308, %parallel_loop3A_310 : vector<16xf32>, vector<16xi32>
        } {sc.loop_unroll_factor = 4 : i64, sc.parallel_access}
        %xor3A = arith.constant 8 : i32
        %xor3A_132 = vector.broadcast %xor3A : i32 to vector<16xi32>
        %xor3A_133 = arith.xori %iota3A, %xor3A_132 : vector<16xi32>
        %lt3A_134 = arith.constant 0 : i32
        %lt3A_135 = vector.broadcast %lt3A_134 : i32 to vector<16xi32>
        %lt3A_136 = arith.cmpi slt, %xor3A_133, %lt3A_135 : vector<16xi32>
        %add3A_137 = arith.constant 16 : i32
        %add3A_138 = vector.broadcast %add3A_137 : i32 to vector<16xi32>
        %add3A_139 = arith.addi %xor3A_133, %add3A_138 : vector<16xi32>
        %select_n3A_140 = arith.select %lt3A_136, %add3A_139, %xor3A_133 : vector<16xi1>, vector<16xi32>
        %broadcast_in_dim3A_141 = vector.shape_cast %select_n3A_140 : vector<16xi32> to vector<16x1xi32>
        %gather3A = vector.shape_cast %broadcast_in_dim3A_141 : vector<16x1xi32> to vector<16xi32>
        %gather3A_142 = tpu.dynamic_gather %parallel_loop3A_131#0[%gather3A] in [0] : vector<16xf32>, vector<16xi32> -> vector<16xf32>
        %max3A = arith.maximumf %parallel_loop3A_131#0, %gather3A_142 : vector<16xf32>
        %xor3A_143 = arith.constant 4 : i32
        %xor3A_144 = vector.broadcast %xor3A_143 : i32 to vector<16xi32>
        %xor3A_145 = arith.xori %iota3A, %xor3A_144 : vector<16xi32>
        %lt3A_146 = arith.constant 0 : i32
        %lt3A_147 = vector.broadcast %lt3A_146 : i32 to vector<16xi32>
        %lt3A_148 = arith.cmpi slt, %xor3A_145, %lt3A_147 : vector<16xi32>
        %add3A_149 = arith.constant 16 : i32
        %add3A_150 = vector.broadcast %add3A_149 : i32 to vector<16xi32>
        %add3A_151 = arith.addi %xor3A_145, %add3A_150 : vector<16xi32>
        %select_n3A_152 = arith.select %lt3A_148, %add3A_151, %xor3A_145 : vector<16xi1>, vector<16xi32>
        %broadcast_in_dim3A_153 = vector.shape_cast %select_n3A_152 : vector<16xi32> to vector<16x1xi32>
        %gather3A_154 = vector.shape_cast %broadcast_in_dim3A_153 : vector<16x1xi32> to vector<16xi32>
        %gather3A_155 = tpu.dynamic_gather %max3A[%gather3A_154] in [0] : vector<16xf32>, vector<16xi32> -> vector<16xf32>
        %max3A_156 = arith.maximumf %max3A, %gather3A_155 : vector<16xf32>
        %xor3A_157 = arith.constant 2 : i32
        %xor3A_158 = vector.broadcast %xor3A_157 : i32 to vector<16xi32>
        %xor3A_159 = arith.xori %iota3A, %xor3A_158 : vector<16xi32>
        %lt3A_160 = arith.constant 0 : i32
        %lt3A_161 = vector.broadcast %lt3A_160 : i32 to vector<16xi32>
        %lt3A_162 = arith.cmpi slt, %xor3A_159, %lt3A_161 : vector<16xi32>
        %add3A_163 = arith.constant 16 : i32
        %add3A_164 = vector.broadcast %add3A_163 : i32 to vector<16xi32>
        %add3A_165 = arith.addi %xor3A_159, %add3A_164 : vector<16xi32>
        %select_n3A_166 = arith.select %lt3A_162, %add3A_165, %xor3A_159 : vector<16xi1>, vector<16xi32>
        %broadcast_in_dim3A_167 = vector.shape_cast %select_n3A_166 : vector<16xi32> to vector<16x1xi32>
        %gather3A_168 = vector.shape_cast %broadcast_in_dim3A_167 : vector<16x1xi32> to vector<16xi32>
        %gather3A_169 = tpu.dynamic_gather %max3A_156[%gather3A_168] in [0] : vector<16xf32>, vector<16xi32> -> vector<16xf32>
        %max3A_170 = arith.maximumf %max3A_156, %gather3A_169 : vector<16xf32>
        %xor3A_171 = arith.constant 1 : i32
        %xor3A_172 = vector.broadcast %xor3A_171 : i32 to vector<16xi32>
        %xor3A_173 = arith.xori %iota3A, %xor3A_172 : vector<16xi32>
        %lt3A_174 = arith.constant 0 : i32
        %lt3A_175 = vector.broadcast %lt3A_174 : i32 to vector<16xi32>
        %lt3A_176 = arith.cmpi slt, %xor3A_173, %lt3A_175 : vector<16xi32>
        %add3A_177 = arith.constant 16 : i32
        %add3A_178 = vector.broadcast %add3A_177 : i32 to vector<16xi32>
        %add3A_179 = arith.addi %xor3A_173, %add3A_178 : vector<16xi32>
        %select_n3A_180 = arith.select %lt3A_176, %add3A_179, %xor3A_173 : vector<16xi1>, vector<16xi32>
        %broadcast_in_dim3A_181 = vector.shape_cast %select_n3A_180 : vector<16xi32> to vector<16x1xi32>
        %gather3A_182 = vector.shape_cast %broadcast_in_dim3A_181 : vector<16x1xi32> to vector<16xi32>
        %gather3A_183 = tpu.dynamic_gather %max3A_170[%gather3A_182] in [0] : vector<16xf32>, vector<16xi32> -> vector<16xf32>
        %max3A_184 = arith.maximumf %max3A_170, %gather3A_183 : vector<16xf32>
        %add3A_185 = arith.addi %parallel_loop3A_131#1, %iota3A : vector<16xi32>
        %eq3A_186 = arith.cmpf oeq, %parallel_loop3A_131#0, %max3A_184 : vector<16xf32>
        %broadcast_in_dim3A_187 = arith.constant 1073741824 : i32
        %broadcast_in_dim3A_188 = vector.broadcast %broadcast_in_dim3A_187 : i32 to vector<16xi32>
        %select_n3A_189 = arith.select %eq3A_186, %add3A_185, %broadcast_in_dim3A_188 : vector<16xi1>, vector<16xi32>
        %xor3A_190 = arith.constant 8 : i32
        %xor3A_191 = vector.broadcast %xor3A_190 : i32 to vector<16xi32>
        %xor3A_192 = arith.xori %iota3A, %xor3A_191 : vector<16xi32>
        %lt3A_193 = arith.constant 0 : i32
        %lt3A_194 = vector.broadcast %lt3A_193 : i32 to vector<16xi32>
        %lt3A_195 = arith.cmpi slt, %xor3A_192, %lt3A_194 : vector<16xi32>
        %add3A_196 = arith.constant 16 : i32
        %add3A_197 = vector.broadcast %add3A_196 : i32 to vector<16xi32>
        %add3A_198 = arith.addi %xor3A_192, %add3A_197 : vector<16xi32>
        %select_n3A_199 = arith.select %lt3A_195, %add3A_198, %xor3A_192 : vector<16xi1>, vector<16xi32>
        %broadcast_in_dim3A_200 = vector.shape_cast %select_n3A_199 : vector<16xi32> to vector<16x1xi32>
        %gather3A_201 = vector.shape_cast %broadcast_in_dim3A_200 : vector<16x1xi32> to vector<16xi32>
        %gather3A_202 = tpu.dynamic_gather %select_n3A_189[%gather3A_201] in [0] : vector<16xi32>, vector<16xi32> -> vector<16xi32>
        %min3A = arith.minsi %select_n3A_189, %gather3A_202 : vector<16xi32>
        %xor3A_203 = arith.constant 4 : i32
        %xor3A_204 = vector.broadcast %xor3A_203 : i32 to vector<16xi32>
        %xor3A_205 = arith.xori %iota3A, %xor3A_204 : vector<16xi32>
        %lt3A_206 = arith.constant 0 : i32
        %lt3A_207 = vector.broadcast %lt3A_206 : i32 to vector<16xi32>
        %lt3A_208 = arith.cmpi slt, %xor3A_205, %lt3A_207 : vector<16xi32>
        %add3A_209 = arith.constant 16 : i32
        %add3A_210 = vector.broadcast %add3A_209 : i32 to vector<16xi32>
        %add3A_211 = arith.addi %xor3A_205, %add3A_210 : vector<16xi32>
        %select_n3A_212 = arith.select %lt3A_208, %add3A_211, %xor3A_205 : vector<16xi1>, vector<16xi32>
        %broadcast_in_dim3A_213 = vector.shape_cast %select_n3A_212 : vector<16xi32> to vector<16x1xi32>
        %gather3A_214 = vector.shape_cast %broadcast_in_dim3A_213 : vector<16x1xi32> to vector<16xi32>
        %gather3A_215 = tpu.dynamic_gather %min3A[%gather3A_214] in [0] : vector<16xi32>, vector<16xi32> -> vector<16xi32>
        %min3A_216 = arith.minsi %min3A, %gather3A_215 : vector<16xi32>
        %xor3A_217 = arith.constant 2 : i32
        %xor3A_218 = vector.broadcast %xor3A_217 : i32 to vector<16xi32>
        %xor3A_219 = arith.xori %iota3A, %xor3A_218 : vector<16xi32>
        %lt3A_220 = arith.constant 0 : i32
        %lt3A_221 = vector.broadcast %lt3A_220 : i32 to vector<16xi32>
        %lt3A_222 = arith.cmpi slt, %xor3A_219, %lt3A_221 : vector<16xi32>
        %add3A_223 = arith.constant 16 : i32
        %add3A_224 = vector.broadcast %add3A_223 : i32 to vector<16xi32>
        %add3A_225 = arith.addi %xor3A_219, %add3A_224 : vector<16xi32>
        %select_n3A_226 = arith.select %lt3A_222, %add3A_225, %xor3A_219 : vector<16xi1>, vector<16xi32>
        %broadcast_in_dim3A_227 = vector.shape_cast %select_n3A_226 : vector<16xi32> to vector<16x1xi32>
        %gather3A_228 = vector.shape_cast %broadcast_in_dim3A_227 : vector<16x1xi32> to vector<16xi32>
        %gather3A_229 = tpu.dynamic_gather %min3A_216[%gather3A_228] in [0] : vector<16xi32>, vector<16xi32> -> vector<16xi32>
        %min3A_230 = arith.minsi %min3A_216, %gather3A_229 : vector<16xi32>
        %xor3A_231 = arith.constant 1 : i32
        %xor3A_232 = vector.broadcast %xor3A_231 : i32 to vector<16xi32>
        %xor3A_233 = arith.xori %iota3A, %xor3A_232 : vector<16xi32>
        %lt3A_234 = arith.constant 0 : i32
        %lt3A_235 = vector.broadcast %lt3A_234 : i32 to vector<16xi32>
        %lt3A_236 = arith.cmpi slt, %xor3A_233, %lt3A_235 : vector<16xi32>
        %add3A_237 = arith.constant 16 : i32
        %add3A_238 = vector.broadcast %add3A_237 : i32 to vector<16xi32>
        %add3A_239 = arith.addi %xor3A_233, %add3A_238 : vector<16xi32>
        %select_n3A_240 = arith.select %lt3A_236, %add3A_239, %xor3A_233 : vector<16xi1>, vector<16xi32>
        %broadcast_in_dim3A_241 = vector.shape_cast %select_n3A_240 : vector<16xi32> to vector<16x1xi32>
        %gather3A_242 = vector.shape_cast %broadcast_in_dim3A_241 : vector<16x1xi32> to vector<16xi32>
        %gather3A_243 = tpu.dynamic_gather %min3A_230[%gather3A_242] in [0] : vector<16xi32>, vector<16xi32> -> vector<16xi32>
        %min3A_244 = arith.minsi %min3A_230, %gather3A_243 : vector<16xi32>
        %gather3A_245 = tpu.vector_load_idx %arg14[%min3A_244] : memref<5136xf32, #tpu.memory_space<vmem>>[vector<16xi32>], vector<16xf32>,
        %gather3A_246 = tpu.vector_load_idx %arg15[%min3A_244] : memref<5136xf32, #tpu.memory_space<vmem>>[vector<16xi32>], vector<16xf32>,
        %gather3A_247 = tpu.vector_load_idx %arg16[%min3A_244] : memref<5136xf32, #tpu.memory_space<vmem>>[vector<16xi32>], vector<16xf32>,
        %gather3A_248 = tpu.vector_load_idx %arg17[%min3A_244] : memref<5136xf32, #tpu.memory_space<vmem>>[vector<16xi32>], vector<16xf32>,
        %gather3A_249 = tpu.vector_load_idx %arg18[%min3A_244] : memref<5136xf32, #tpu.memory_space<vmem>>[vector<16xi32>], vector<16xf32>,
        %broadcast_in_dim3A_250 = arith.constant 0xFF800000 : f32
        %broadcast_in_dim3A_251 = vector.broadcast %broadcast_in_dim3A_250 : f32 to vector<16xf32>
        %ne3A_252 = arith.cmpf one, %max3A_184, %broadcast_in_dim3A_251 : vector<16xf32>
        %jit3A_253 = arith.constant 1.000000e+00 : f32
        %broadcast_in_dim3A_254 = vector.broadcast %jit3A_253 : f32 to vector<16xf32>
        %select_n3A_255 = arith.select %eq3A_58, %max3A_184, %broadcast_in_dim3A_254 : vector<16xi1>, vector<16xf32>
        %select_n3A_256 = arith.select %eq3A_55, %gather3A_248, %select_n3A_255 : vector<16xi1>, vector<16xf32>
        %select_n3A_257 = arith.select %eq3A_52, %gather3A_247, %select_n3A_256 : vector<16xi1>, vector<16xf32>
        %select_n3A_258 = arith.select %eq3A_49, %gather3A_246, %select_n3A_257 : vector<16xi1>, vector<16xf32>
        %select_n3A_259 = arith.select %eq3A_46, %gather3A_245, %select_n3A_258 : vector<16xi1>, vector<16xf32>
        %broadcast_in_dim3A_260 = arith.constant 0.000000e+00 : f32
        %broadcast_in_dim3A_261 = vector.broadcast %broadcast_in_dim3A_260 : f32 to vector<16xf32>
        %select_n3A_262 = arith.select %ne3A_252, %select_n3A_259, %broadcast_in_dim3A_261 : vector<16xi1>, vector<16xf32>
        %broadcast_in_dim3A_263 = vector.broadcast %scan3A_118 : i32 to vector<16xi32>
        tpu.vector_store_idx %arg11[%broadcast_in_dim3A_263, %iota3A], %select_n3A_262 masked %lt3A_43 : memref<100x8xf32, #tpu.memory_space<vmem>>[vector<16xi32>, vector<16xi32>], vector<16xf32>, vector<16xi1>
        %min3A_264 = arith.minimumf %scan3A_124, %max3A_184 : vector<16xf32>
        scf.yield %gather3A_245, %gather3A_246, %gather3A_247, %gather3A_248, %gather3A_249, %min3A_264 : vector<16xf32>, vector<16xf32>, vector<16xf32>, vector<16xf32>, vector<16xf32>, vector<16xf32>
      }
      %scan3A_67 = arith.constant 50 : i32
      %parallel_loop3A_68 = arith.constant 0 : i32
      %parallel_loop3A_69 = arith.constant 16 : i32
      %parallel_loop3A_70 = arith.constant 0 : i32
      %parallel_loop3A_71 = scf.for %parallel_loop3A_118 = %parallel_loop3A_68 to %mul3A_41 step %parallel_loop3A_69 iter_args(%parallel_loop3A_119 = %parallel_loop3A_70) -> (i32)  : i32 {
        %parallel_loop3A_120 = arith.index_cast %parallel_loop3A_118 : i32 to index
        %parallel_loop3A_121 = tpu.vector_load %arg13[%parallel_loop3A_120] {strides = array<i32>} : memref<5136xf32, #tpu.memory_space<vmem>>, vector<16xf32>,
        %parallel_loop3A_122 = arith.constant 0xFF800000 : f32
        %parallel_loop3A_123 = vector.broadcast %parallel_loop3A_122 : f32 to vector<16xf32>
        %parallel_loop3A_124 = arith.cmpf one, %parallel_loop3A_121, %parallel_loop3A_123 : vector<16xf32>
        %parallel_loop3A_125 = arith.index_cast %parallel_loop3A_119 : i32 to index
        %parallel_loop3A_126 = tpu.vector_load %arg19[%parallel_loop3A_125] masked %parallel_loop3A_124 {strides = array<i32>} : memref<5136xf32, #tpu.memory_space<vmem>>, vector<16xf32>, vector<16xi1>
        tpu.vector_store %arg19[%parallel_loop3A_125], %parallel_loop3A_121 masked %parallel_loop3A_124 {strides = array<i32>} : memref<5136xf32, #tpu.memory_space<vmem>>, vector<16xf32>, vector<16xi1>
        %parallel_loop3A_127 = arith.index_cast %parallel_loop3A_118 : i32 to index
        %parallel_loop3A_128 = tpu.vector_load %arg14[%parallel_loop3A_127] {strides = array<i32>} : memref<5136xf32, #tpu.memory_space<vmem>>, vector<16xf32>,
        %parallel_loop3A_129 = arith.index_cast %parallel_loop3A_119 : i32 to index
        %parallel_loop3A_130 = tpu.vector_load %arg20[%parallel_loop3A_129] masked %parallel_loop3A_124 {strides = array<i32>} : memref<5136xf32, #tpu.memory_space<vmem>>, vector<16xf32>, vector<16xi1>
        tpu.vector_store %arg20[%parallel_loop3A_129], %parallel_loop3A_128 masked %parallel_loop3A_124 {strides = array<i32>} : memref<5136xf32, #tpu.memory_space<vmem>>, vector<16xf32>, vector<16xi1>
        %parallel_loop3A_131 = arith.index_cast %parallel_loop3A_118 : i32 to index
        %parallel_loop3A_132 = tpu.vector_load %arg15[%parallel_loop3A_131] {strides = array<i32>} : memref<5136xf32, #tpu.memory_space<vmem>>, vector<16xf32>,
        %parallel_loop3A_133 = arith.index_cast %parallel_loop3A_119 : i32 to index
        %parallel_loop3A_134 = tpu.vector_load %arg21[%parallel_loop3A_133] masked %parallel_loop3A_124 {strides = array<i32>} : memref<5136xf32, #tpu.memory_space<vmem>>, vector<16xf32>, vector<16xi1>
        tpu.vector_store %arg21[%parallel_loop3A_133], %parallel_loop3A_132 masked %parallel_loop3A_124 {strides = array<i32>} : memref<5136xf32, #tpu.memory_space<vmem>>, vector<16xf32>, vector<16xi1>
        %parallel_loop3A_135 = arith.index_cast %parallel_loop3A_118 : i32 to index
        %parallel_loop3A_136 = tpu.vector_load %arg16[%parallel_loop3A_135] {strides = array<i32>} : memref<5136xf32, #tpu.memory_space<vmem>>, vector<16xf32>,
        %parallel_loop3A_137 = arith.index_cast %parallel_loop3A_119 : i32 to index
        %parallel_loop3A_138 = tpu.vector_load %arg22[%parallel_loop3A_137] masked %parallel_loop3A_124 {strides = array<i32>} : memref<5136xf32, #tpu.memory_space<vmem>>, vector<16xf32>, vector<16xi1>
        tpu.vector_store %arg22[%parallel_loop3A_137], %parallel_loop3A_136 masked %parallel_loop3A_124 {strides = array<i32>} : memref<5136xf32, #tpu.memory_space<vmem>>, vector<16xf32>, vector<16xi1>
        %parallel_loop3A_139 = arith.index_cast %parallel_loop3A_118 : i32 to index
        %parallel_loop3A_140 = tpu.vector_load %arg17[%parallel_loop3A_139] {strides = array<i32>} : memref<5136xf32, #tpu.memory_space<vmem>>, vector<16xf32>,
        %parallel_loop3A_141 = arith.index_cast %parallel_loop3A_119 : i32 to index
        %parallel_loop3A_142 = tpu.vector_load %arg23[%parallel_loop3A_141] masked %parallel_loop3A_124 {strides = array<i32>} : memref<5136xf32, #tpu.memory_space<vmem>>, vector<16xf32>, vector<16xi1>
        tpu.vector_store %arg23[%parallel_loop3A_141], %parallel_loop3A_140 masked %parallel_loop3A_124 {strides = array<i32>} : memref<5136xf32, #tpu.memory_space<vmem>>, vector<16xf32>, vector<16xi1>
        %parallel_loop3A_143 = arith.index_cast %parallel_loop3A_118 : i32 to index
        %parallel_loop3A_144 = tpu.vector_load %arg18[%parallel_loop3A_143] {strides = array<i32>} : memref<5136xf32, #tpu.memory_space<vmem>>, vector<16xf32>,
        %parallel_loop3A_145 = arith.index_cast %parallel_loop3A_119 : i32 to index
        %parallel_loop3A_146 = tpu.vector_load %arg24[%parallel_loop3A_145] masked %parallel_loop3A_124 {strides = array<i32>} : memref<5136xf32, #tpu.memory_space<vmem>>, vector<16xf32>, vector<16xi1>
        tpu.vector_store %arg24[%parallel_loop3A_145], %parallel_loop3A_144 masked %parallel_loop3A_124 {strides = array<i32>} : memref<5136xf32, #tpu.memory_space<vmem>>, vector<16xf32>, vector<16xi1>
        %parallel_loop3A_147 = tpu.all_reduce %parallel_loop3A_124 {dim = 0 : i64, kind = #tpu.reduction_kind<sum>} : vector<16xi1> -> vector<16xi32>
        %parallel_loop3A_148 = vector.extract_strided_slice %parallel_loop3A_147 {offsets = [0], sizes = [1], strides = [1]} : vector<16xi32> to vector<1xi32>
        %parallel_loop3A_149 = vector.extract %parallel_loop3A_148[0] : i32 from vector<1xi32>
        %parallel_loop3A_150 = arith.addi %parallel_loop3A_119, %parallel_loop3A_149 : i32
        scf.yield %parallel_loop3A_150 : i32
      } {sc.loop_unroll_factor = 2 : i64, sc.parallel_access}
      %broadcast_in_dim3A_72 = arith.constant 0xFF800000 : f32
      %broadcast_in_dim3A_73 = vector.broadcast %broadcast_in_dim3A_72 : f32 to vector<16xf32>
      %swap3A_74 = arith.index_cast %parallel_loop3A_71 : i32 to index
      %swap3A_75 = tpu.vector_load %arg19[%swap3A_74] {strides = array<i32>} : memref<5136xf32, #tpu.memory_space<vmem>>, vector<16xf32>,
      tpu.vector_store %arg19[%swap3A_74], %broadcast_in_dim3A_73 {strides = array<i32>} : memref<5136xf32, #tpu.memory_space<vmem>>, vector<16xf32>,
      %add3A_76 = arith.constant 15 : i32
      %add3A_77 = arith.addi %parallel_loop3A_71, %add3A_76 : i32
      %jit3A_78 = arith.constant 16 : i32
      %div3A_79 = arith.divsi %add3A_77, %jit3A_78 : i32
      %sign3A_80 = arith.constant 0 : i32
      %sign3A_81 = arith.cmpi sgt, %add3A_77, %sign3A_80 : i32
      %sign3A_82 = arith.extui %sign3A_81 : i1 to i32
      %sign3A_83 = arith.constant 0 : i32
      %sign3A_84 = arith.cmpi slt, %add3A_77, %sign3A_83 : i32
      %sign3A_85 = arith.extui %sign3A_84 : i1 to i32
      %sign3A_86 = arith.subi %sign3A_82, %sign3A_85 : i32
      %sign3A_87 = arith.constant 0 : i32
      %sign3A_88 = arith.cmpi sgt, %jit3A_78, %sign3A_87 : i32
      %sign3A_89 = arith.extui %sign3A_88 : i1 to i32
      %sign3A_90 = arith.constant 0 : i32
      %sign3A_91 = arith.cmpi slt, %jit3A_78, %sign3A_90 : i32
      %sign3A_92 = arith.extui %sign3A_91 : i1 to i32
      %sign3A_93 = arith.subi %sign3A_89, %sign3A_92 : i32
      %ne3A_94 = arith.cmpi ne, %sign3A_86, %sign3A_93 : i32
      %rem3A_95 = arith.remsi %add3A_77, %jit3A_78 : i32
      %ne3A_96 = arith.constant 0 : i32
      %ne3A_97 = arith.cmpi ne, %rem3A_95, %ne3A_96 : i32
      %and3A_98 = arith.andi %ne3A_94, %ne3A_97 : i1
      %sub3A_99 = arith.constant 1 : i32
      %sub3A_100 = arith.subi %div3A_79, %sub3A_99 : i32
      %select_n3A_101 = arith.select %and3A_98, %sub3A_100, %div3A_79 : i32
      %mul3A_102 = arith.constant 16 : i32
      %mul3A_103 = arith.muli %select_n3A_101, %mul3A_102 : i32
      %scan3A_104 = arith.constant 50 : i32
      %scan3A_105 = arith.constant 50 : i32
      %scan3A_106 = arith.addi %scan3A_104, %scan3A_105 : i32
      %scan3A_107 = arith.constant 1 : i32
      %scan3A_108:6 = scf.for %scan3A_118 = %scan3A_104 to %scan3A_106 step %scan3A_107 iter_args(%scan3A_119 = %scan3A_66#0, %scan3A_120 = %scan3A_66#1, %scan3A_121 = %scan3A_66#2, %scan3A_122 = %scan3A_66#3, %scan3A_123 = %scan3A_66#4, %scan3A_124 = %scan3A_66#5) -> (vector<16xf32>, vector<16xf32>, vector<16xf32>, vector<16xf32>, vector<16xf32>, vector<16xf32>)  : i32 {
        %broadcast_in_dim3A_125 = arith.constant 0xFF800000 : f32
        %broadcast_in_dim3A_126 = vector.broadcast %broadcast_in_dim3A_125 : f32 to vector<16xf32>
        %broadcast_in_dim3A_127 = arith.constant 0 : i32
        %broadcast_in_dim3A_128 = vector.broadcast %broadcast_in_dim3A_127 : i32 to vector<16xi32>
        %parallel_loop3A_129 = arith.constant 0 : i32
        %parallel_loop3A_130 = arith.constant 16 : i32
        %parallel_loop3A_131:2 = scf.for %parallel_loop3A_265 = %parallel_loop3A_129 to %mul3A_103 step %parallel_loop3A_130 iter_args(%parallel_loop3A_266 = %broadcast_in_dim3A_126, %parallel_loop3A_267 = %broadcast_in_dim3A_128) -> (vector<16xf32>, vector<16xi32>)  : i32 {
          %parallel_loop3A_268 = arith.index_cast %parallel_loop3A_265 : i32 to index
          %parallel_loop3A_269 = tpu.vector_load %arg19[%parallel_loop3A_268] {strides = array<i32>} : memref<5136xf32, #tpu.memory_space<vmem>>, vector<16xf32>,
          %parallel_loop3A_270 = arith.index_cast %parallel_loop3A_265 : i32 to index
          %parallel_loop3A_271 = tpu.vector_load %arg20[%parallel_loop3A_270] {strides = array<i32>} : memref<5136xf32, #tpu.memory_space<vmem>>, vector<16xf32>,
          %parallel_loop3A_272 = arith.index_cast %parallel_loop3A_265 : i32 to index
          %parallel_loop3A_273 = tpu.vector_load %arg21[%parallel_loop3A_272] {strides = array<i32>} : memref<5136xf32, #tpu.memory_space<vmem>>, vector<16xf32>,
          %parallel_loop3A_274 = arith.index_cast %parallel_loop3A_265 : i32 to index
          %parallel_loop3A_275 = tpu.vector_load %arg22[%parallel_loop3A_274] {strides = array<i32>} : memref<5136xf32, #tpu.memory_space<vmem>>, vector<16xf32>,
          %parallel_loop3A_276 = arith.index_cast %parallel_loop3A_265 : i32 to index
          %parallel_loop3A_277 = tpu.vector_load %arg23[%parallel_loop3A_276] {strides = array<i32>} : memref<5136xf32, #tpu.memory_space<vmem>>, vector<16xf32>,
          %parallel_loop3A_278 = arith.index_cast %parallel_loop3A_265 : i32 to index
          %parallel_loop3A_279 = tpu.vector_load %arg24[%parallel_loop3A_278] {strides = array<i32>} : memref<5136xf32, #tpu.memory_space<vmem>>, vector<16xf32>,
          %parallel_loop3A_280 = arith.maximumf %scan3A_119, %parallel_loop3A_271 : vector<16xf32>
          %parallel_loop3A_281 = arith.maximumf %scan3A_120, %parallel_loop3A_273 : vector<16xf32>
          %parallel_loop3A_282 = arith.minimumf %scan3A_121, %parallel_loop3A_275 : vector<16xf32>
          %parallel_loop3A_283 = arith.minimumf %scan3A_122, %parallel_loop3A_277 : vector<16xf32>
          %parallel_loop3A_284 = arith.subf %parallel_loop3A_282, %parallel_loop3A_280 : vector<16xf32>
          %parallel_loop3A_285 = arith.constant 0.000000e+00 : f32
          %parallel_loop3A_286 = vector.broadcast %parallel_loop3A_285 : f32 to vector<16xf32>
          %parallel_loop3A_287 = arith.maximumf %parallel_loop3A_284, %parallel_loop3A_286 : vector<16xf32>
          %parallel_loop3A_288 = arith.subf %parallel_loop3A_283, %parallel_loop3A_281 : vector<16xf32>
          %parallel_loop3A_289 = arith.constant 0.000000e+00 : f32
          %parallel_loop3A_290 = vector.broadcast %parallel_loop3A_289 : f32 to vector<16xf32>
          %parallel_loop3A_291 = arith.maximumf %parallel_loop3A_288, %parallel_loop3A_290 : vector<16xf32>
          %parallel_loop3A_292 = arith.mulf %parallel_loop3A_287, %parallel_loop3A_291 : vector<16xf32>
          %parallel_loop3A_293 = arith.addf %scan3A_123, %parallel_loop3A_279 : vector<16xf32>
          %parallel_loop3A_294 = arith.subf %parallel_loop3A_293, %parallel_loop3A_292 : vector<16xf32>
          %parallel_loop3A_295 = arith.constant 9.99999971E-10 : f32
          %parallel_loop3A_296 = vector.broadcast %parallel_loop3A_295 : f32 to vector<16xf32>
          %parallel_loop3A_297 = arith.addf %parallel_loop3A_294, %parallel_loop3A_296 : vector<16xf32>
          %parallel_loop3A_298 = arith.constant 5.000000e-01 : f32
          %parallel_loop3A_299 = vector.broadcast %parallel_loop3A_298 : f32 to vector<16xf32>
          %parallel_loop3A_300 = arith.mulf %parallel_loop3A_297, %parallel_loop3A_299 : vector<16xf32>
          %parallel_loop3A_301 = arith.cmpf ogt, %parallel_loop3A_292, %parallel_loop3A_300 : vector<16xf32>
          %parallel_loop3A_302 = arith.constant 0xFF800000 : f32
          %parallel_loop3A_303 = vector.broadcast %parallel_loop3A_302 : f32 to vector<16xf32>
          %parallel_loop3A_304 = arith.select %parallel_loop3A_301, %parallel_loop3A_303, %parallel_loop3A_269 : vector<16xi1>, vector<16xf32>
          %parallel_loop3A_305 = arith.index_cast %parallel_loop3A_265 : i32 to index
          %parallel_loop3A_306 = tpu.vector_load %arg19[%parallel_loop3A_305] {strides = array<i32>} : memref<5136xf32, #tpu.memory_space<vmem>>, vector<16xf32>,
          tpu.vector_store %arg19[%parallel_loop3A_305], %parallel_loop3A_304 {strides = array<i32>} : memref<5136xf32, #tpu.memory_space<vmem>>, vector<16xf32>,
          %parallel_loop3A_307 = arith.cmpf ogt, %parallel_loop3A_304, %parallel_loop3A_266 : vector<16xf32>
          %parallel_loop3A_308 = arith.select %parallel_loop3A_307, %parallel_loop3A_304, %parallel_loop3A_266 : vector<16xi1>, vector<16xf32>
          %parallel_loop3A_309 = vector.broadcast %parallel_loop3A_265 : i32 to vector<16xi32>
          %parallel_loop3A_310 = arith.select %parallel_loop3A_307, %parallel_loop3A_309, %parallel_loop3A_267 : vector<16xi1>, vector<16xi32>
          scf.yield %parallel_loop3A_308, %parallel_loop3A_310 : vector<16xf32>, vector<16xi32>
        } {sc.loop_unroll_factor = 4 : i64, sc.parallel_access}
        %xor3A = arith.constant 8 : i32
        %xor3A_132 = vector.broadcast %xor3A : i32 to vector<16xi32>
        %xor3A_133 = arith.xori %iota3A, %xor3A_132 : vector<16xi32>
        %lt3A_134 = arith.constant 0 : i32
        %lt3A_135 = vector.broadcast %lt3A_134 : i32 to vector<16xi32>
        %lt3A_136 = arith.cmpi slt, %xor3A_133, %lt3A_135 : vector<16xi32>
        %add3A_137 = arith.constant 16 : i32
        %add3A_138 = vector.broadcast %add3A_137 : i32 to vector<16xi32>
        %add3A_139 = arith.addi %xor3A_133, %add3A_138 : vector<16xi32>
        %select_n3A_140 = arith.select %lt3A_136, %add3A_139, %xor3A_133 : vector<16xi1>, vector<16xi32>
        %broadcast_in_dim3A_141 = vector.shape_cast %select_n3A_140 : vector<16xi32> to vector<16x1xi32>
        %gather3A = vector.shape_cast %broadcast_in_dim3A_141 : vector<16x1xi32> to vector<16xi32>
        %gather3A_142 = tpu.dynamic_gather %parallel_loop3A_131#0[%gather3A] in [0] : vector<16xf32>, vector<16xi32> -> vector<16xf32>
        %max3A = arith.maximumf %parallel_loop3A_131#0, %gather3A_142 : vector<16xf32>
        %xor3A_143 = arith.constant 4 : i32
        %xor3A_144 = vector.broadcast %xor3A_143 : i32 to vector<16xi32>
        %xor3A_145 = arith.xori %iota3A, %xor3A_144 : vector<16xi32>
        %lt3A_146 = arith.constant 0 : i32
        %lt3A_147 = vector.broadcast %lt3A_146 : i32 to vector<16xi32>
        %lt3A_148 = arith.cmpi slt, %xor3A_145, %lt3A_147 : vector<16xi32>
        %add3A_149 = arith.constant 16 : i32
        %add3A_150 = vector.broadcast %add3A_149 : i32 to vector<16xi32>
        %add3A_151 = arith.addi %xor3A_145, %add3A_150 : vector<16xi32>
        %select_n3A_152 = arith.select %lt3A_148, %add3A_151, %xor3A_145 : vector<16xi1>, vector<16xi32>
        %broadcast_in_dim3A_153 = vector.shape_cast %select_n3A_152 : vector<16xi32> to vector<16x1xi32>
        %gather3A_154 = vector.shape_cast %broadcast_in_dim3A_153 : vector<16x1xi32> to vector<16xi32>
        %gather3A_155 = tpu.dynamic_gather %max3A[%gather3A_154] in [0] : vector<16xf32>, vector<16xi32> -> vector<16xf32>
        %max3A_156 = arith.maximumf %max3A, %gather3A_155 : vector<16xf32>
        %xor3A_157 = arith.constant 2 : i32
        %xor3A_158 = vector.broadcast %xor3A_157 : i32 to vector<16xi32>
        %xor3A_159 = arith.xori %iota3A, %xor3A_158 : vector<16xi32>
        %lt3A_160 = arith.constant 0 : i32
        %lt3A_161 = vector.broadcast %lt3A_160 : i32 to vector<16xi32>
        %lt3A_162 = arith.cmpi slt, %xor3A_159, %lt3A_161 : vector<16xi32>
        %add3A_163 = arith.constant 16 : i32
        %add3A_164 = vector.broadcast %add3A_163 : i32 to vector<16xi32>
        %add3A_165 = arith.addi %xor3A_159, %add3A_164 : vector<16xi32>
        %select_n3A_166 = arith.select %lt3A_162, %add3A_165, %xor3A_159 : vector<16xi1>, vector<16xi32>
        %broadcast_in_dim3A_167 = vector.shape_cast %select_n3A_166 : vector<16xi32> to vector<16x1xi32>
        %gather3A_168 = vector.shape_cast %broadcast_in_dim3A_167 : vector<16x1xi32> to vector<16xi32>
        %gather3A_169 = tpu.dynamic_gather %max3A_156[%gather3A_168] in [0] : vector<16xf32>, vector<16xi32> -> vector<16xf32>
        %max3A_170 = arith.maximumf %max3A_156, %gather3A_169 : vector<16xf32>
        %xor3A_171 = arith.constant 1 : i32
        %xor3A_172 = vector.broadcast %xor3A_171 : i32 to vector<16xi32>
        %xor3A_173 = arith.xori %iota3A, %xor3A_172 : vector<16xi32>
        %lt3A_174 = arith.constant 0 : i32
        %lt3A_175 = vector.broadcast %lt3A_174 : i32 to vector<16xi32>
        %lt3A_176 = arith.cmpi slt, %xor3A_173, %lt3A_175 : vector<16xi32>
        %add3A_177 = arith.constant 16 : i32
        %add3A_178 = vector.broadcast %add3A_177 : i32 to vector<16xi32>
        %add3A_179 = arith.addi %xor3A_173, %add3A_178 : vector<16xi32>
        %select_n3A_180 = arith.select %lt3A_176, %add3A_179, %xor3A_173 : vector<16xi1>, vector<16xi32>
        %broadcast_in_dim3A_181 = vector.shape_cast %select_n3A_180 : vector<16xi32> to vector<16x1xi32>
        %gather3A_182 = vector.shape_cast %broadcast_in_dim3A_181 : vector<16x1xi32> to vector<16xi32>
        %gather3A_183 = tpu.dynamic_gather %max3A_170[%gather3A_182] in [0] : vector<16xf32>, vector<16xi32> -> vector<16xf32>
        %max3A_184 = arith.maximumf %max3A_170, %gather3A_183 : vector<16xf32>
        %add3A_185 = arith.addi %parallel_loop3A_131#1, %iota3A : vector<16xi32>
        %eq3A_186 = arith.cmpf oeq, %parallel_loop3A_131#0, %max3A_184 : vector<16xf32>
        %broadcast_in_dim3A_187 = arith.constant 1073741824 : i32
        %broadcast_in_dim3A_188 = vector.broadcast %broadcast_in_dim3A_187 : i32 to vector<16xi32>
        %select_n3A_189 = arith.select %eq3A_186, %add3A_185, %broadcast_in_dim3A_188 : vector<16xi1>, vector<16xi32>
        %xor3A_190 = arith.constant 8 : i32
        %xor3A_191 = vector.broadcast %xor3A_190 : i32 to vector<16xi32>
        %xor3A_192 = arith.xori %iota3A, %xor3A_191 : vector<16xi32>
        %lt3A_193 = arith.constant 0 : i32
        %lt3A_194 = vector.broadcast %lt3A_193 : i32 to vector<16xi32>
        %lt3A_195 = arith.cmpi slt, %xor3A_192, %lt3A_194 : vector<16xi32>
        %add3A_196 = arith.constant 16 : i32
        %add3A_197 = vector.broadcast %add3A_196 : i32 to vector<16xi32>
        %add3A_198 = arith.addi %xor3A_192, %add3A_197 : vector<16xi32>
        %select_n3A_199 = arith.select %lt3A_195, %add3A_198, %xor3A_192 : vector<16xi1>, vector<16xi32>
        %broadcast_in_dim3A_200 = vector.shape_cast %select_n3A_199 : vector<16xi32> to vector<16x1xi32>
        %gather3A_201 = vector.shape_cast %broadcast_in_dim3A_200 : vector<16x1xi32> to vector<16xi32>
        %gather3A_202 = tpu.dynamic_gather %select_n3A_189[%gather3A_201] in [0] : vector<16xi32>, vector<16xi32> -> vector<16xi32>
        %min3A = arith.minsi %select_n3A_189, %gather3A_202 : vector<16xi32>
        %xor3A_203 = arith.constant 4 : i32
        %xor3A_204 = vector.broadcast %xor3A_203 : i32 to vector<16xi32>
        %xor3A_205 = arith.xori %iota3A, %xor3A_204 : vector<16xi32>
        %lt3A_206 = arith.constant 0 : i32
        %lt3A_207 = vector.broadcast %lt3A_206 : i32 to vector<16xi32>
        %lt3A_208 = arith.cmpi slt, %xor3A_205, %lt3A_207 : vector<16xi32>
        %add3A_209 = arith.constant 16 : i32
        %add3A_210 = vector.broadcast %add3A_209 : i32 to vector<16xi32>
        %add3A_211 = arith.addi %xor3A_205, %add3A_210 : vector<16xi32>
        %select_n3A_212 = arith.select %lt3A_208, %add3A_211, %xor3A_205 : vector<16xi1>, vector<16xi32>
        %broadcast_in_dim3A_213 = vector.shape_cast %select_n3A_212 : vector<16xi32> to vector<16x1xi32>
        %gather3A_214 = vector.shape_cast %broadcast_in_dim3A_213 : vector<16x1xi32> to vector<16xi32>
        %gather3A_215 = tpu.dynamic_gather %min3A[%gather3A_214] in [0] : vector<16xi32>, vector<16xi32> -> vector<16xi32>
        %min3A_216 = arith.minsi %min3A, %gather3A_215 : vector<16xi32>
        %xor3A_217 = arith.constant 2 : i32
        %xor3A_218 = vector.broadcast %xor3A_217 : i32 to vector<16xi32>
        %xor3A_219 = arith.xori %iota3A, %xor3A_218 : vector<16xi32>
        %lt3A_220 = arith.constant 0 : i32
        %lt3A_221 = vector.broadcast %lt3A_220 : i32 to vector<16xi32>
        %lt3A_222 = arith.cmpi slt, %xor3A_219, %lt3A_221 : vector<16xi32>
        %add3A_223 = arith.constant 16 : i32
        %add3A_224 = vector.broadcast %add3A_223 : i32 to vector<16xi32>
        %add3A_225 = arith.addi %xor3A_219, %add3A_224 : vector<16xi32>
        %select_n3A_226 = arith.select %lt3A_222, %add3A_225, %xor3A_219 : vector<16xi1>, vector<16xi32>
        %broadcast_in_dim3A_227 = vector.shape_cast %select_n3A_226 : vector<16xi32> to vector<16x1xi32>
        %gather3A_228 = vector.shape_cast %broadcast_in_dim3A_227 : vector<16x1xi32> to vector<16xi32>
        %gather3A_229 = tpu.dynamic_gather %min3A_216[%gather3A_228] in [0] : vector<16xi32>, vector<16xi32> -> vector<16xi32>
        %min3A_230 = arith.minsi %min3A_216, %gather3A_229 : vector<16xi32>
        %xor3A_231 = arith.constant 1 : i32
        %xor3A_232 = vector.broadcast %xor3A_231 : i32 to vector<16xi32>
        %xor3A_233 = arith.xori %iota3A, %xor3A_232 : vector<16xi32>
        %lt3A_234 = arith.constant 0 : i32
        %lt3A_235 = vector.broadcast %lt3A_234 : i32 to vector<16xi32>
        %lt3A_236 = arith.cmpi slt, %xor3A_233, %lt3A_235 : vector<16xi32>
        %add3A_237 = arith.constant 16 : i32
        %add3A_238 = vector.broadcast %add3A_237 : i32 to vector<16xi32>
        %add3A_239 = arith.addi %xor3A_233, %add3A_238 : vector<16xi32>
        %select_n3A_240 = arith.select %lt3A_236, %add3A_239, %xor3A_233 : vector<16xi1>, vector<16xi32>
        %broadcast_in_dim3A_241 = vector.shape_cast %select_n3A_240 : vector<16xi32> to vector<16x1xi32>
        %gather3A_242 = vector.shape_cast %broadcast_in_dim3A_241 : vector<16x1xi32> to vector<16xi32>
        %gather3A_243 = tpu.dynamic_gather %min3A_230[%gather3A_242] in [0] : vector<16xi32>, vector<16xi32> -> vector<16xi32>
        %min3A_244 = arith.minsi %min3A_230, %gather3A_243 : vector<16xi32>
        %gather3A_245 = tpu.vector_load_idx %arg20[%min3A_244] : memref<5136xf32, #tpu.memory_space<vmem>>[vector<16xi32>], vector<16xf32>,
        %gather3A_246 = tpu.vector_load_idx %arg21[%min3A_244] : memref<5136xf32, #tpu.memory_space<vmem>>[vector<16xi32>], vector<16xf32>,
        %gather3A_247 = tpu.vector_load_idx %arg22[%min3A_244] : memref<5136xf32, #tpu.memory_space<vmem>>[vector<16xi32>], vector<16xf32>,
        %gather3A_248 = tpu.vector_load_idx %arg23[%min3A_244] : memref<5136xf32, #tpu.memory_space<vmem>>[vector<16xi32>], vector<16xf32>,
        %gather3A_249 = tpu.vector_load_idx %arg24[%min3A_244] : memref<5136xf32, #tpu.memory_space<vmem>>[vector<16xi32>], vector<16xf32>,
        %broadcast_in_dim3A_250 = arith.constant 0xFF800000 : f32
        %broadcast_in_dim3A_251 = vector.broadcast %broadcast_in_dim3A_250 : f32 to vector<16xf32>
        %ne3A_252 = arith.cmpf one, %max3A_184, %broadcast_in_dim3A_251 : vector<16xf32>
        %jit3A_253 = arith.constant 1.000000e+00 : f32
        %broadcast_in_dim3A_254 = vector.broadcast %jit3A_253 : f32 to vector<16xf32>
        %select_n3A_255 = arith.select %eq3A_58, %max3A_184, %broadcast_in_dim3A_254 : vector<16xi1>, vector<16xf32>
        %select_n3A_256 = arith.select %eq3A_55, %gather3A_248, %select_n3A_255 : vector<16xi1>, vector<16xf32>
        %select_n3A_257 = arith.select %eq3A_52, %gather3A_247, %select_n3A_256 : vector<16xi1>, vector<16xf32>
        %select_n3A_258 = arith.select %eq3A_49, %gather3A_246, %select_n3A_257 : vector<16xi1>, vector<16xf32>
        %select_n3A_259 = arith.select %eq3A_46, %gather3A_245, %select_n3A_258 : vector<16xi1>, vector<16xf32>
        %broadcast_in_dim3A_260 = arith.constant 0.000000e+00 : f32
        %broadcast_in_dim3A_261 = vector.broadcast %broadcast_in_dim3A_260 : f32 to vector<16xf32>
        %select_n3A_262 = arith.select %ne3A_252, %select_n3A_259, %broadcast_in_dim3A_261 : vector<16xi1>, vector<16xf32>
        %broadcast_in_dim3A_263 = vector.broadcast %scan3A_118 : i32 to vector<16xi32>
        tpu.vector_store_idx %arg11[%broadcast_in_dim3A_263, %iota3A], %select_n3A_262 masked %lt3A_43 : memref<100x8xf32, #tpu.memory_space<vmem>>[vector<16xi32>, vector<16xi32>], vector<16xf32>, vector<16xi1>
        %min3A_264 = arith.minimumf %scan3A_124, %max3A_184 : vector<16xf32>
        scf.yield %gather3A_245, %gather3A_246, %gather3A_247, %gather3A_248, %gather3A_249, %min3A_264 : vector<16xf32>, vector<16xf32>, vector<16xf32>, vector<16xf32>, vector<16xf32>, vector<16xf32>
      }
      %scan3A_109 = arith.constant 50 : i32
      %slice3A = vector.extract_strided_slice %scan3A_108#5 {offsets = [0], sizes = [1], strides = [1]} : vector<16xf32> to vector<1xf32>
      %squeeze3A = vector.extract %slice3A[0] : f32 from vector<1xf32>
      %le3A = arith.constant 6.500000e-01 : f32
      %le3A_110 = arith.cmpf ole, %squeeze3A, %le3A : f32
      %convert_element_type3A_111 = arith.extui %le3A_110 : i1 to i32
      %cond3A_112 = arith.constant 0 : i32
      %cond3A_113 = arith.cmpi ne, %convert_element_type3A_111, %cond3A_112 : i32
      scf.if %cond3A_113 {
        %parallel_loop3A_118 = arith.constant 0 : i32
        %parallel_loop3A_119 = arith.constant 5120 : i32
        %parallel_loop3A_120 = arith.constant 16 : i32
        %parallel_loop3A_121 = arith.constant 0 : i32
        %parallel_loop3A_122 = scf.for %parallel_loop3A_226 = %parallel_loop3A_118 to %parallel_loop3A_119 step %parallel_loop3A_120 iter_args(%parallel_loop3A_227 = %parallel_loop3A_121) -> (i32)  : i32 {
          %parallel_loop3A_228 = arith.index_cast %parallel_loop3A_226 : i32 to index
          %parallel_loop3A_229 = tpu.vector_load %arg10[%parallel_loop3A_228] {strides = array<i32>} : memref<5120xf32, #tpu.memory_space<vmem>>, vector<16xf32>,
          %parallel_loop3A_230 = arith.index_cast %parallel_loop3A_226 : i32 to index
          %parallel_loop3A_231 = tpu.vector_load %arg9[%parallel_loop3A_230] {strides = array<i32>} : memref<5120xf32, #tpu.memory_space<vmem>>, vector<16xf32>,
          %parallel_loop3A_232 = arith.mulf %parallel_loop3A_229, %parallel_loop3A_231 : vector<16xf32>
          %parallel_loop3A_233 = arith.constant 1.000000e-01 : f32
          %parallel_loop3A_234 = vector.broadcast %parallel_loop3A_233 : f32 to vector<16xf32>
          %parallel_loop3A_235 = arith.cmpf ogt, %parallel_loop3A_232, %parallel_loop3A_234 : vector<16xf32>
          %parallel_loop3A_236 = arith.index_cast %parallel_loop3A_227 : i32 to index
          %parallel_loop3A_237 = tpu.vector_load %arg13[%parallel_loop3A_236] masked %parallel_loop3A_235 {strides = array<i32>} : memref<5136xf32, #tpu.memory_space<vmem>>, vector<16xf32>, vector<16xi1>
          tpu.vector_store %arg13[%parallel_loop3A_236], %parallel_loop3A_232 masked %parallel_loop3A_235 {strides = array<i32>} : memref<5136xf32, #tpu.memory_space<vmem>>, vector<16xf32>, vector<16xi1>
          %parallel_loop3A_238 = arith.index_cast %parallel_loop3A_226 : i32 to index
          %parallel_loop3A_239 = tpu.vector_load %arg4[%parallel_loop3A_238] {strides = array<i32>} : memref<5120xf32, #tpu.memory_space<vmem>>, vector<16xf32>,
          %parallel_loop3A_240 = arith.index_cast %parallel_loop3A_227 : i32 to index
          %parallel_loop3A_241 = tpu.vector_load %arg14[%parallel_loop3A_240] masked %parallel_loop3A_235 {strides = array<i32>} : memref<5136xf32, #tpu.memory_space<vmem>>, vector<16xf32>, vector<16xi1>
          tpu.vector_store %arg14[%parallel_loop3A_240], %parallel_loop3A_239 masked %parallel_loop3A_235 {strides = array<i32>} : memref<5136xf32, #tpu.memory_space<vmem>>, vector<16xf32>, vector<16xi1>
          %parallel_loop3A_242 = arith.index_cast %parallel_loop3A_226 : i32 to index
          %parallel_loop3A_243 = tpu.vector_load %arg5[%parallel_loop3A_242] {strides = array<i32>} : memref<5120xf32, #tpu.memory_space<vmem>>, vector<16xf32>,
          %parallel_loop3A_244 = arith.index_cast %parallel_loop3A_227 : i32 to index
          %parallel_loop3A_245 = tpu.vector_load %arg15[%parallel_loop3A_244] masked %parallel_loop3A_235 {strides = array<i32>} : memref<5136xf32, #tpu.memory_space<vmem>>, vector<16xf32>, vector<16xi1>
          tpu.vector_store %arg15[%parallel_loop3A_244], %parallel_loop3A_243 masked %parallel_loop3A_235 {strides = array<i32>} : memref<5136xf32, #tpu.memory_space<vmem>>, vector<16xf32>, vector<16xi1>
          %parallel_loop3A_246 = arith.index_cast %parallel_loop3A_226 : i32 to index
          %parallel_loop3A_247 = tpu.vector_load %arg6[%parallel_loop3A_246] {strides = array<i32>} : memref<5120xf32, #tpu.memory_space<vmem>>, vector<16xf32>,
          %parallel_loop3A_248 = arith.index_cast %parallel_loop3A_227 : i32 to index
          %parallel_loop3A_249 = tpu.vector_load %arg16[%parallel_loop3A_248] masked %parallel_loop3A_235 {strides = array<i32>} : memref<5136xf32, #tpu.memory_space<vmem>>, vector<16xf32>, vector<16xi1>
          tpu.vector_store %arg16[%parallel_loop3A_248], %parallel_loop3A_247 masked %parallel_loop3A_235 {strides = array<i32>} : memref<5136xf32, #tpu.memory_space<vmem>>, vector<16xf32>, vector<16xi1>
          %parallel_loop3A_250 = arith.index_cast %parallel_loop3A_226 : i32 to index
          %parallel_loop3A_251 = tpu.vector_load %arg7[%parallel_loop3A_250] {strides = array<i32>} : memref<5120xf32, #tpu.memory_space<vmem>>, vector<16xf32>,
          %parallel_loop3A_252 = arith.index_cast %parallel_loop3A_227 : i32 to index
          %parallel_loop3A_253 = tpu.vector_load %arg17[%parallel_loop3A_252] masked %parallel_loop3A_235 {strides = array<i32>} : memref<5136xf32, #tpu.memory_space<vmem>>, vector<16xf32>, vector<16xi1>
          tpu.vector_store %arg17[%parallel_loop3A_252], %parallel_loop3A_251 masked %parallel_loop3A_235 {strides = array<i32>} : memref<5136xf32, #tpu.memory_space<vmem>>, vector<16xf32>, vector<16xi1>
          %parallel_loop3A_254 = arith.index_cast %parallel_loop3A_226 : i32 to index
          %parallel_loop3A_255 = tpu.vector_load %arg8[%parallel_loop3A_254] {strides = array<i32>} : memref<5120xf32, #tpu.memory_space<vmem>>, vector<16xf32>,
          %parallel_loop3A_256 = arith.index_cast %parallel_loop3A_227 : i32 to index
          %parallel_loop3A_257 = tpu.vector_load %arg18[%parallel_loop3A_256] masked %parallel_loop3A_235 {strides = array<i32>} : memref<5136xf32, #tpu.memory_space<vmem>>, vector<16xf32>, vector<16xi1>
          tpu.vector_store %arg18[%parallel_loop3A_256], %parallel_loop3A_255 masked %parallel_loop3A_235 {strides = array<i32>} : memref<5136xf32, #tpu.memory_space<vmem>>, vector<16xf32>, vector<16xi1>
          %parallel_loop3A_258 = tpu.all_reduce %parallel_loop3A_235 {dim = 0 : i64, kind = #tpu.reduction_kind<sum>} : vector<16xi1> -> vector<16xi32>
          %parallel_loop3A_259 = vector.extract_strided_slice %parallel_loop3A_258 {offsets = [0], sizes = [1], strides = [1]} : vector<16xi32> to vector<1xi32>
          %parallel_loop3A_260 = vector.extract %parallel_loop3A_259[0] : i32 from vector<1xi32>
          %parallel_loop3A_261 = arith.addi %parallel_loop3A_227, %parallel_loop3A_260 : i32
          scf.yield %parallel_loop3A_261 : i32
        } {sc.loop_unroll_factor = 2 : i64, sc.parallel_access}
        %broadcast_in_dim3A_123 = arith.constant 0xFF800000 : f32
        %broadcast_in_dim3A_124 = vector.broadcast %broadcast_in_dim3A_123 : f32 to vector<16xf32>
        %swap3A_125 = arith.index_cast %parallel_loop3A_122 : i32 to index
        %swap3A_126 = tpu.vector_load %arg13[%swap3A_125] {strides = array<i32>} : memref<5136xf32, #tpu.memory_space<vmem>>, vector<16xf32>,
        tpu.vector_store %arg13[%swap3A_125], %broadcast_in_dim3A_124 {strides = array<i32>} : memref<5136xf32, #tpu.memory_space<vmem>>, vector<16xf32>,
        %add3A_127 = arith.constant 15 : i32
        %add3A_128 = arith.addi %parallel_loop3A_122, %add3A_127 : i32
        %jit3A_129 = arith.constant 16 : i32
        %div3A_130 = arith.divsi %add3A_128, %jit3A_129 : i32
        %sign3A_131 = arith.constant 0 : i32
        %sign3A_132 = arith.cmpi sgt, %add3A_128, %sign3A_131 : i32
        %sign3A_133 = arith.extui %sign3A_132 : i1 to i32
        %sign3A_134 = arith.constant 0 : i32
        %sign3A_135 = arith.cmpi slt, %add3A_128, %sign3A_134 : i32
        %sign3A_136 = arith.extui %sign3A_135 : i1 to i32
        %sign3A_137 = arith.subi %sign3A_133, %sign3A_136 : i32
        %sign3A_138 = arith.constant 0 : i32
        %sign3A_139 = arith.cmpi sgt, %jit3A_129, %sign3A_138 : i32
        %sign3A_140 = arith.extui %sign3A_139 : i1 to i32
        %sign3A_141 = arith.constant 0 : i32
        %sign3A_142 = arith.cmpi slt, %jit3A_129, %sign3A_141 : i32
        %sign3A_143 = arith.extui %sign3A_142 : i1 to i32
        %sign3A_144 = arith.subi %sign3A_140, %sign3A_143 : i32
        %ne3A_145 = arith.cmpi ne, %sign3A_137, %sign3A_144 : i32
        %rem3A_146 = arith.remsi %add3A_128, %jit3A_129 : i32
        %ne3A_147 = arith.constant 0 : i32
        %ne3A_148 = arith.cmpi ne, %rem3A_146, %ne3A_147 : i32
        %and3A_149 = arith.andi %ne3A_145, %ne3A_148 : i1
        %sub3A_150 = arith.constant 1 : i32
        %sub3A_151 = arith.subi %div3A_130, %sub3A_150 : i32
        %select_n3A_152 = arith.select %and3A_149, %sub3A_151, %div3A_130 : i32
        %mul3A_153 = arith.constant 16 : i32
        %mul3A_154 = arith.muli %select_n3A_152, %mul3A_153 : i32
        %iota3A_155 = tpu.iota {dimensions = array<i32: 0>} : vector<16xi32>
        %lt3A_156 = arith.constant 6 : i32
        %lt3A_157 = vector.broadcast %lt3A_156 : i32 to vector<16xi32>
        %lt3A_158 = arith.cmpi slt, %iota3A_155, %lt3A_157 : vector<16xi32>
        %eq3A_159 = arith.constant 0 : i32
        %eq3A_160 = vector.broadcast %eq3A_159 : i32 to vector<16xi32>
        %eq3A_161 = arith.cmpi eq, %iota3A_155, %eq3A_160 : vector<16xi32>
        %eq3A_162 = arith.constant 1 : i32
        %eq3A_163 = vector.broadcast %eq3A_162 : i32 to vector<16xi32>
        %eq3A_164 = arith.cmpi eq, %iota3A_155, %eq3A_163 : vector<16xi32>
        %eq3A_165 = arith.constant 2 : i32
        %eq3A_166 = vector.broadcast %eq3A_165 : i32 to vector<16xi32>
        %eq3A_167 = arith.cmpi eq, %iota3A_155, %eq3A_166 : vector<16xi32>
        %eq3A_168 = arith.constant 3 : i32
        %eq3A_169 = vector.broadcast %eq3A_168 : i32 to vector<16xi32>
        %eq3A_170 = arith.cmpi eq, %iota3A_155, %eq3A_169 : vector<16xi32>
        %eq3A_171 = arith.constant 4 : i32
        %eq3A_172 = vector.broadcast %eq3A_171 : i32 to vector<16xi32>
        %eq3A_173 = arith.cmpi eq, %iota3A_155, %eq3A_172 : vector<16xi32>
        %broadcast_in_dim3A_174 = arith.constant 0.000000e+00 : f32
        %broadcast_in_dim3A_175 = vector.broadcast %broadcast_in_dim3A_174 : f32 to vector<16xf32>
        %broadcast_in_dim3A_176 = arith.constant 0x7F800000 : f32
        %broadcast_in_dim3A_177 = vector.broadcast %broadcast_in_dim3A_176 : f32 to vector<16xf32>
        %scan3A_178 = arith.constant 0 : i32
        %scan3A_179 = arith.constant 50 : i32
        %scan3A_180 = arith.addi %scan3A_178, %scan3A_179 : i32
        %scan3A_181 = arith.constant 1 : i32
        %scan3A_182:6 = scf.for %scan3A_226 = %scan3A_178 to %scan3A_180 step %scan3A_181 iter_args(%scan3A_227 = %broadcast_in_dim3A_175, %scan3A_228 = %broadcast_in_dim3A_175, %scan3A_229 = %broadcast_in_dim3A_175, %scan3A_230 = %broadcast_in_dim3A_175, %scan3A_231 = %broadcast_in_dim3A_175, %scan3A_232 = %broadcast_in_dim3A_177) -> (vector<16xf32>, vector<16xf32>, vector<16xf32>, vector<16xf32>, vector<16xf32>, vector<16xf32>)  : i32 {
          %broadcast_in_dim3A_233 = arith.constant 0xFF800000 : f32
          %broadcast_in_dim3A_234 = vector.broadcast %broadcast_in_dim3A_233 : f32 to vector<16xf32>
          %broadcast_in_dim3A_235 = arith.constant 0 : i32
          %broadcast_in_dim3A_236 = vector.broadcast %broadcast_in_dim3A_235 : i32 to vector<16xi32>
          %parallel_loop3A_237 = arith.constant 0 : i32
          %parallel_loop3A_238 = arith.constant 16 : i32
          %parallel_loop3A_239:2 = scf.for %parallel_loop3A_373 = %parallel_loop3A_237 to %mul3A_154 step %parallel_loop3A_238 iter_args(%parallel_loop3A_374 = %broadcast_in_dim3A_234, %parallel_loop3A_375 = %broadcast_in_dim3A_236) -> (vector<16xf32>, vector<16xi32>)  : i32 {
            %parallel_loop3A_376 = arith.index_cast %parallel_loop3A_373 : i32 to index
            %parallel_loop3A_377 = tpu.vector_load %arg13[%parallel_loop3A_376] {strides = array<i32>} : memref<5136xf32, #tpu.memory_space<vmem>>, vector<16xf32>,
            %parallel_loop3A_378 = arith.index_cast %parallel_loop3A_373 : i32 to index
            %parallel_loop3A_379 = tpu.vector_load %arg14[%parallel_loop3A_378] {strides = array<i32>} : memref<5136xf32, #tpu.memory_space<vmem>>, vector<16xf32>,
            %parallel_loop3A_380 = arith.index_cast %parallel_loop3A_373 : i32 to index
            %parallel_loop3A_381 = tpu.vector_load %arg15[%parallel_loop3A_380] {strides = array<i32>} : memref<5136xf32, #tpu.memory_space<vmem>>, vector<16xf32>,
            %parallel_loop3A_382 = arith.index_cast %parallel_loop3A_373 : i32 to index
            %parallel_loop3A_383 = tpu.vector_load %arg16[%parallel_loop3A_382] {strides = array<i32>} : memref<5136xf32, #tpu.memory_space<vmem>>, vector<16xf32>,
            %parallel_loop3A_384 = arith.index_cast %parallel_loop3A_373 : i32 to index
            %parallel_loop3A_385 = tpu.vector_load %arg17[%parallel_loop3A_384] {strides = array<i32>} : memref<5136xf32, #tpu.memory_space<vmem>>, vector<16xf32>,
            %parallel_loop3A_386 = arith.index_cast %parallel_loop3A_373 : i32 to index
            %parallel_loop3A_387 = tpu.vector_load %arg18[%parallel_loop3A_386] {strides = array<i32>} : memref<5136xf32, #tpu.memory_space<vmem>>, vector<16xf32>,
            %parallel_loop3A_388 = arith.maximumf %scan3A_227, %parallel_loop3A_379 : vector<16xf32>
            %parallel_loop3A_389 = arith.maximumf %scan3A_228, %parallel_loop3A_381 : vector<16xf32>
            %parallel_loop3A_390 = arith.minimumf %scan3A_229, %parallel_loop3A_383 : vector<16xf32>
            %parallel_loop3A_391 = arith.minimumf %scan3A_230, %parallel_loop3A_385 : vector<16xf32>
            %parallel_loop3A_392 = arith.subf %parallel_loop3A_390, %parallel_loop3A_388 : vector<16xf32>
            %parallel_loop3A_393 = arith.constant 0.000000e+00 : f32
            %parallel_loop3A_394 = vector.broadcast %parallel_loop3A_393 : f32 to vector<16xf32>
            %parallel_loop3A_395 = arith.maximumf %parallel_loop3A_392, %parallel_loop3A_394 : vector<16xf32>
            %parallel_loop3A_396 = arith.subf %parallel_loop3A_391, %parallel_loop3A_389 : vector<16xf32>
            %parallel_loop3A_397 = arith.constant 0.000000e+00 : f32
            %parallel_loop3A_398 = vector.broadcast %parallel_loop3A_397 : f32 to vector<16xf32>
            %parallel_loop3A_399 = arith.maximumf %parallel_loop3A_396, %parallel_loop3A_398 : vector<16xf32>
            %parallel_loop3A_400 = arith.mulf %parallel_loop3A_395, %parallel_loop3A_399 : vector<16xf32>
            %parallel_loop3A_401 = arith.addf %scan3A_231, %parallel_loop3A_387 : vector<16xf32>
            %parallel_loop3A_402 = arith.subf %parallel_loop3A_401, %parallel_loop3A_400 : vector<16xf32>
            %parallel_loop3A_403 = arith.constant 9.99999971E-10 : f32
            %parallel_loop3A_404 = vector.broadcast %parallel_loop3A_403 : f32 to vector<16xf32>
            %parallel_loop3A_405 = arith.addf %parallel_loop3A_402, %parallel_loop3A_404 : vector<16xf32>
            %parallel_loop3A_406 = arith.constant 5.000000e-01 : f32
            %parallel_loop3A_407 = vector.broadcast %parallel_loop3A_406 : f32 to vector<16xf32>
            %parallel_loop3A_408 = arith.mulf %parallel_loop3A_405, %parallel_loop3A_407 : vector<16xf32>
            %parallel_loop3A_409 = arith.cmpf ogt, %parallel_loop3A_400, %parallel_loop3A_408 : vector<16xf32>
            %parallel_loop3A_410 = arith.constant 0xFF800000 : f32
            %parallel_loop3A_411 = vector.broadcast %parallel_loop3A_410 : f32 to vector<16xf32>
            %parallel_loop3A_412 = arith.select %parallel_loop3A_409, %parallel_loop3A_411, %parallel_loop3A_377 : vector<16xi1>, vector<16xf32>
            %parallel_loop3A_413 = arith.index_cast %parallel_loop3A_373 : i32 to index
            %parallel_loop3A_414 = tpu.vector_load %arg13[%parallel_loop3A_413] {strides = array<i32>} : memref<5136xf32, #tpu.memory_space<vmem>>, vector<16xf32>,
            tpu.vector_store %arg13[%parallel_loop3A_413], %parallel_loop3A_412 {strides = array<i32>} : memref<5136xf32, #tpu.memory_space<vmem>>, vector<16xf32>,
            %parallel_loop3A_415 = arith.cmpf ogt, %parallel_loop3A_412, %parallel_loop3A_374 : vector<16xf32>
            %parallel_loop3A_416 = arith.select %parallel_loop3A_415, %parallel_loop3A_412, %parallel_loop3A_374 : vector<16xi1>, vector<16xf32>
            %parallel_loop3A_417 = vector.broadcast %parallel_loop3A_373 : i32 to vector<16xi32>
            %parallel_loop3A_418 = arith.select %parallel_loop3A_415, %parallel_loop3A_417, %parallel_loop3A_375 : vector<16xi1>, vector<16xi32>
            scf.yield %parallel_loop3A_416, %parallel_loop3A_418 : vector<16xf32>, vector<16xi32>
          } {sc.loop_unroll_factor = 4 : i64, sc.parallel_access}
          %xor3A = arith.constant 8 : i32
          %xor3A_240 = vector.broadcast %xor3A : i32 to vector<16xi32>
          %xor3A_241 = arith.xori %iota3A_155, %xor3A_240 : vector<16xi32>
          %lt3A_242 = arith.constant 0 : i32
          %lt3A_243 = vector.broadcast %lt3A_242 : i32 to vector<16xi32>
          %lt3A_244 = arith.cmpi slt, %xor3A_241, %lt3A_243 : vector<16xi32>
          %add3A_245 = arith.constant 16 : i32
          %add3A_246 = vector.broadcast %add3A_245 : i32 to vector<16xi32>
          %add3A_247 = arith.addi %xor3A_241, %add3A_246 : vector<16xi32>
          %select_n3A_248 = arith.select %lt3A_244, %add3A_247, %xor3A_241 : vector<16xi1>, vector<16xi32>
          %broadcast_in_dim3A_249 = vector.shape_cast %select_n3A_248 : vector<16xi32> to vector<16x1xi32>
          %gather3A = vector.shape_cast %broadcast_in_dim3A_249 : vector<16x1xi32> to vector<16xi32>
          %gather3A_250 = tpu.dynamic_gather %parallel_loop3A_239#0[%gather3A] in [0] : vector<16xf32>, vector<16xi32> -> vector<16xf32>
          %max3A = arith.maximumf %parallel_loop3A_239#0, %gather3A_250 : vector<16xf32>
          %xor3A_251 = arith.constant 4 : i32
          %xor3A_252 = vector.broadcast %xor3A_251 : i32 to vector<16xi32>
          %xor3A_253 = arith.xori %iota3A_155, %xor3A_252 : vector<16xi32>
          %lt3A_254 = arith.constant 0 : i32
          %lt3A_255 = vector.broadcast %lt3A_254 : i32 to vector<16xi32>
          %lt3A_256 = arith.cmpi slt, %xor3A_253, %lt3A_255 : vector<16xi32>
          %add3A_257 = arith.constant 16 : i32
          %add3A_258 = vector.broadcast %add3A_257 : i32 to vector<16xi32>
          %add3A_259 = arith.addi %xor3A_253, %add3A_258 : vector<16xi32>
          %select_n3A_260 = arith.select %lt3A_256, %add3A_259, %xor3A_253 : vector<16xi1>, vector<16xi32>
          %broadcast_in_dim3A_261 = vector.shape_cast %select_n3A_260 : vector<16xi32> to vector<16x1xi32>
          %gather3A_262 = vector.shape_cast %broadcast_in_dim3A_261 : vector<16x1xi32> to vector<16xi32>
          %gather3A_263 = tpu.dynamic_gather %max3A[%gather3A_262] in [0] : vector<16xf32>, vector<16xi32> -> vector<16xf32>
          %max3A_264 = arith.maximumf %max3A, %gather3A_263 : vector<16xf32>
          %xor3A_265 = arith.constant 2 : i32
          %xor3A_266 = vector.broadcast %xor3A_265 : i32 to vector<16xi32>
          %xor3A_267 = arith.xori %iota3A_155, %xor3A_266 : vector<16xi32>
          %lt3A_268 = arith.constant 0 : i32
          %lt3A_269 = vector.broadcast %lt3A_268 : i32 to vector<16xi32>
          %lt3A_270 = arith.cmpi slt, %xor3A_267, %lt3A_269 : vector<16xi32>
          %add3A_271 = arith.constant 16 : i32
          %add3A_272 = vector.broadcast %add3A_271 : i32 to vector<16xi32>
          %add3A_273 = arith.addi %xor3A_267, %add3A_272 : vector<16xi32>
          %select_n3A_274 = arith.select %lt3A_270, %add3A_273, %xor3A_267 : vector<16xi1>, vector<16xi32>
          %broadcast_in_dim3A_275 = vector.shape_cast %select_n3A_274 : vector<16xi32> to vector<16x1xi32>
          %gather3A_276 = vector.shape_cast %broadcast_in_dim3A_275 : vector<16x1xi32> to vector<16xi32>
          %gather3A_277 = tpu.dynamic_gather %max3A_264[%gather3A_276] in [0] : vector<16xf32>, vector<16xi32> -> vector<16xf32>
          %max3A_278 = arith.maximumf %max3A_264, %gather3A_277 : vector<16xf32>
          %xor3A_279 = arith.constant 1 : i32
          %xor3A_280 = vector.broadcast %xor3A_279 : i32 to vector<16xi32>
          %xor3A_281 = arith.xori %iota3A_155, %xor3A_280 : vector<16xi32>
          %lt3A_282 = arith.constant 0 : i32
          %lt3A_283 = vector.broadcast %lt3A_282 : i32 to vector<16xi32>
          %lt3A_284 = arith.cmpi slt, %xor3A_281, %lt3A_283 : vector<16xi32>
          %add3A_285 = arith.constant 16 : i32
          %add3A_286 = vector.broadcast %add3A_285 : i32 to vector<16xi32>
          %add3A_287 = arith.addi %xor3A_281, %add3A_286 : vector<16xi32>
          %select_n3A_288 = arith.select %lt3A_284, %add3A_287, %xor3A_281 : vector<16xi1>, vector<16xi32>
          %broadcast_in_dim3A_289 = vector.shape_cast %select_n3A_288 : vector<16xi32> to vector<16x1xi32>
          %gather3A_290 = vector.shape_cast %broadcast_in_dim3A_289 : vector<16x1xi32> to vector<16xi32>
          %gather3A_291 = tpu.dynamic_gather %max3A_278[%gather3A_290] in [0] : vector<16xf32>, vector<16xi32> -> vector<16xf32>
          %max3A_292 = arith.maximumf %max3A_278, %gather3A_291 : vector<16xf32>
          %add3A_293 = arith.addi %parallel_loop3A_239#1, %iota3A_155 : vector<16xi32>
          %eq3A_294 = arith.cmpf oeq, %parallel_loop3A_239#0, %max3A_292 : vector<16xf32>
          %broadcast_in_dim3A_295 = arith.constant 1073741824 : i32
          %broadcast_in_dim3A_296 = vector.broadcast %broadcast_in_dim3A_295 : i32 to vector<16xi32>
          %select_n3A_297 = arith.select %eq3A_294, %add3A_293, %broadcast_in_dim3A_296 : vector<16xi1>, vector<16xi32>
          %xor3A_298 = arith.constant 8 : i32
          %xor3A_299 = vector.broadcast %xor3A_298 : i32 to vector<16xi32>
          %xor3A_300 = arith.xori %iota3A_155, %xor3A_299 : vector<16xi32>
          %lt3A_301 = arith.constant 0 : i32
          %lt3A_302 = vector.broadcast %lt3A_301 : i32 to vector<16xi32>
          %lt3A_303 = arith.cmpi slt, %xor3A_300, %lt3A_302 : vector<16xi32>
          %add3A_304 = arith.constant 16 : i32
          %add3A_305 = vector.broadcast %add3A_304 : i32 to vector<16xi32>
          %add3A_306 = arith.addi %xor3A_300, %add3A_305 : vector<16xi32>
          %select_n3A_307 = arith.select %lt3A_303, %add3A_306, %xor3A_300 : vector<16xi1>, vector<16xi32>
          %broadcast_in_dim3A_308 = vector.shape_cast %select_n3A_307 : vector<16xi32> to vector<16x1xi32>
          %gather3A_309 = vector.shape_cast %broadcast_in_dim3A_308 : vector<16x1xi32> to vector<16xi32>
          %gather3A_310 = tpu.dynamic_gather %select_n3A_297[%gather3A_309] in [0] : vector<16xi32>, vector<16xi32> -> vector<16xi32>
          %min3A = arith.minsi %select_n3A_297, %gather3A_310 : vector<16xi32>
          %xor3A_311 = arith.constant 4 : i32
          %xor3A_312 = vector.broadcast %xor3A_311 : i32 to vector<16xi32>
          %xor3A_313 = arith.xori %iota3A_155, %xor3A_312 : vector<16xi32>
          %lt3A_314 = arith.constant 0 : i32
          %lt3A_315 = vector.broadcast %lt3A_314 : i32 to vector<16xi32>
          %lt3A_316 = arith.cmpi slt, %xor3A_313, %lt3A_315 : vector<16xi32>
          %add3A_317 = arith.constant 16 : i32
          %add3A_318 = vector.broadcast %add3A_317 : i32 to vector<16xi32>
          %add3A_319 = arith.addi %xor3A_313, %add3A_318 : vector<16xi32>
          %select_n3A_320 = arith.select %lt3A_316, %add3A_319, %xor3A_313 : vector<16xi1>, vector<16xi32>
          %broadcast_in_dim3A_321 = vector.shape_cast %select_n3A_320 : vector<16xi32> to vector<16x1xi32>
          %gather3A_322 = vector.shape_cast %broadcast_in_dim3A_321 : vector<16x1xi32> to vector<16xi32>
          %gather3A_323 = tpu.dynamic_gather %min3A[%gather3A_322] in [0] : vector<16xi32>, vector<16xi32> -> vector<16xi32>
          %min3A_324 = arith.minsi %min3A, %gather3A_323 : vector<16xi32>
          %xor3A_325 = arith.constant 2 : i32
          %xor3A_326 = vector.broadcast %xor3A_325 : i32 to vector<16xi32>
          %xor3A_327 = arith.xori %iota3A_155, %xor3A_326 : vector<16xi32>
          %lt3A_328 = arith.constant 0 : i32
          %lt3A_329 = vector.broadcast %lt3A_328 : i32 to vector<16xi32>
          %lt3A_330 = arith.cmpi slt, %xor3A_327, %lt3A_329 : vector<16xi32>
          %add3A_331 = arith.constant 16 : i32
          %add3A_332 = vector.broadcast %add3A_331 : i32 to vector<16xi32>
          %add3A_333 = arith.addi %xor3A_327, %add3A_332 : vector<16xi32>
          %select_n3A_334 = arith.select %lt3A_330, %add3A_333, %xor3A_327 : vector<16xi1>, vector<16xi32>
          %broadcast_in_dim3A_335 = vector.shape_cast %select_n3A_334 : vector<16xi32> to vector<16x1xi32>
          %gather3A_336 = vector.shape_cast %broadcast_in_dim3A_335 : vector<16x1xi32> to vector<16xi32>
          %gather3A_337 = tpu.dynamic_gather %min3A_324[%gather3A_336] in [0] : vector<16xi32>, vector<16xi32> -> vector<16xi32>
          %min3A_338 = arith.minsi %min3A_324, %gather3A_337 : vector<16xi32>
          %xor3A_339 = arith.constant 1 : i32
          %xor3A_340 = vector.broadcast %xor3A_339 : i32 to vector<16xi32>
          %xor3A_341 = arith.xori %iota3A_155, %xor3A_340 : vector<16xi32>
          %lt3A_342 = arith.constant 0 : i32
          %lt3A_343 = vector.broadcast %lt3A_342 : i32 to vector<16xi32>
          %lt3A_344 = arith.cmpi slt, %xor3A_341, %lt3A_343 : vector<16xi32>
          %add3A_345 = arith.constant 16 : i32
          %add3A_346 = vector.broadcast %add3A_345 : i32 to vector<16xi32>
          %add3A_347 = arith.addi %xor3A_341, %add3A_346 : vector<16xi32>
          %select_n3A_348 = arith.select %lt3A_344, %add3A_347, %xor3A_341 : vector<16xi1>, vector<16xi32>
          %broadcast_in_dim3A_349 = vector.shape_cast %select_n3A_348 : vector<16xi32> to vector<16x1xi32>
          %gather3A_350 = vector.shape_cast %broadcast_in_dim3A_349 : vector<16x1xi32> to vector<16xi32>
          %gather3A_351 = tpu.dynamic_gather %min3A_338[%gather3A_350] in [0] : vector<16xi32>, vector<16xi32> -> vector<16xi32>
          %min3A_352 = arith.minsi %min3A_338, %gather3A_351 : vector<16xi32>
          %gather3A_353 = tpu.vector_load_idx %arg14[%min3A_352] : memref<5136xf32, #tpu.memory_space<vmem>>[vector<16xi32>], vector<16xf32>,
          %gather3A_354 = tpu.vector_load_idx %arg15[%min3A_352] : memref<5136xf32, #tpu.memory_space<vmem>>[vector<16xi32>], vector<16xf32>,
          %gather3A_355 = tpu.vector_load_idx %arg16[%min3A_352] : memref<5136xf32, #tpu.memory_space<vmem>>[vector<16xi32>], vector<16xf32>,
          %gather3A_356 = tpu.vector_load_idx %arg17[%min3A_352] : memref<5136xf32, #tpu.memory_space<vmem>>[vector<16xi32>], vector<16xf32>,
          %gather3A_357 = tpu.vector_load_idx %arg18[%min3A_352] : memref<5136xf32, #tpu.memory_space<vmem>>[vector<16xi32>], vector<16xf32>,
          %broadcast_in_dim3A_358 = arith.constant 0xFF800000 : f32
          %broadcast_in_dim3A_359 = vector.broadcast %broadcast_in_dim3A_358 : f32 to vector<16xf32>
          %ne3A_360 = arith.cmpf one, %max3A_292, %broadcast_in_dim3A_359 : vector<16xf32>
          %jit3A_361 = arith.constant 1.000000e+00 : f32
          %broadcast_in_dim3A_362 = vector.broadcast %jit3A_361 : f32 to vector<16xf32>
          %select_n3A_363 = arith.select %eq3A_173, %max3A_292, %broadcast_in_dim3A_362 : vector<16xi1>, vector<16xf32>
          %select_n3A_364 = arith.select %eq3A_170, %gather3A_356, %select_n3A_363 : vector<16xi1>, vector<16xf32>
          %select_n3A_365 = arith.select %eq3A_167, %gather3A_355, %select_n3A_364 : vector<16xi1>, vector<16xf32>
          %select_n3A_366 = arith.select %eq3A_164, %gather3A_354, %select_n3A_365 : vector<16xi1>, vector<16xf32>
          %select_n3A_367 = arith.select %eq3A_161, %gather3A_353, %select_n3A_366 : vector<16xi1>, vector<16xf32>
          %broadcast_in_dim3A_368 = arith.constant 0.000000e+00 : f32
          %broadcast_in_dim3A_369 = vector.broadcast %broadcast_in_dim3A_368 : f32 to vector<16xf32>
          %select_n3A_370 = arith.select %ne3A_360, %select_n3A_367, %broadcast_in_dim3A_369 : vector<16xi1>, vector<16xf32>
          %broadcast_in_dim3A_371 = vector.broadcast %scan3A_226 : i32 to vector<16xi32>
          tpu.vector_store_idx %arg11[%broadcast_in_dim3A_371, %iota3A_155], %select_n3A_370 masked %lt3A_158 : memref<100x8xf32, #tpu.memory_space<vmem>>[vector<16xi32>, vector<16xi32>], vector<16xf32>, vector<16xi1>
          %min3A_372 = arith.minimumf %scan3A_232, %max3A_292 : vector<16xf32>
          scf.yield %gather3A_353, %gather3A_354, %gather3A_355, %gather3A_356, %gather3A_357, %min3A_372 : vector<16xf32>, vector<16xf32>, vector<16xf32>, vector<16xf32>, vector<16xf32>, vector<16xf32>
        }
        %scan3A_183 = arith.constant 50 : i32
        %parallel_loop3A_184 = arith.constant 0 : i32
        %parallel_loop3A_185 = arith.constant 16 : i32
        %parallel_loop3A_186 = arith.constant 0 : i32
        %parallel_loop3A_187 = scf.for %parallel_loop3A_226 = %parallel_loop3A_184 to %mul3A_154 step %parallel_loop3A_185 iter_args(%parallel_loop3A_227 = %parallel_loop3A_186) -> (i32)  : i32 {
          %parallel_loop3A_228 = arith.index_cast %parallel_loop3A_226 : i32 to index
          %parallel_loop3A_229 = tpu.vector_load %arg13[%parallel_loop3A_228] {strides = array<i32>} : memref<5136xf32, #tpu.memory_space<vmem>>, vector<16xf32>,
          %parallel_loop3A_230 = arith.constant 0xFF800000 : f32
          %parallel_loop3A_231 = vector.broadcast %parallel_loop3A_230 : f32 to vector<16xf32>
          %parallel_loop3A_232 = arith.cmpf one, %parallel_loop3A_229, %parallel_loop3A_231 : vector<16xf32>
          %parallel_loop3A_233 = arith.index_cast %parallel_loop3A_227 : i32 to index
          %parallel_loop3A_234 = tpu.vector_load %arg19[%parallel_loop3A_233] masked %parallel_loop3A_232 {strides = array<i32>} : memref<5136xf32, #tpu.memory_space<vmem>>, vector<16xf32>, vector<16xi1>
          tpu.vector_store %arg19[%parallel_loop3A_233], %parallel_loop3A_229 masked %parallel_loop3A_232 {strides = array<i32>} : memref<5136xf32, #tpu.memory_space<vmem>>, vector<16xf32>, vector<16xi1>
          %parallel_loop3A_235 = arith.index_cast %parallel_loop3A_226 : i32 to index
          %parallel_loop3A_236 = tpu.vector_load %arg14[%parallel_loop3A_235] {strides = array<i32>} : memref<5136xf32, #tpu.memory_space<vmem>>, vector<16xf32>,
          %parallel_loop3A_237 = arith.index_cast %parallel_loop3A_227 : i32 to index
          %parallel_loop3A_238 = tpu.vector_load %arg20[%parallel_loop3A_237] masked %parallel_loop3A_232 {strides = array<i32>} : memref<5136xf32, #tpu.memory_space<vmem>>, vector<16xf32>, vector<16xi1>
          tpu.vector_store %arg20[%parallel_loop3A_237], %parallel_loop3A_236 masked %parallel_loop3A_232 {strides = array<i32>} : memref<5136xf32, #tpu.memory_space<vmem>>, vector<16xf32>, vector<16xi1>
          %parallel_loop3A_239 = arith.index_cast %parallel_loop3A_226 : i32 to index
          %parallel_loop3A_240 = tpu.vector_load %arg15[%parallel_loop3A_239] {strides = array<i32>} : memref<5136xf32, #tpu.memory_space<vmem>>, vector<16xf32>,
          %parallel_loop3A_241 = arith.index_cast %parallel_loop3A_227 : i32 to index
          %parallel_loop3A_242 = tpu.vector_load %arg21[%parallel_loop3A_241] masked %parallel_loop3A_232 {strides = array<i32>} : memref<5136xf32, #tpu.memory_space<vmem>>, vector<16xf32>, vector<16xi1>
          tpu.vector_store %arg21[%parallel_loop3A_241], %parallel_loop3A_240 masked %parallel_loop3A_232 {strides = array<i32>} : memref<5136xf32, #tpu.memory_space<vmem>>, vector<16xf32>, vector<16xi1>
          %parallel_loop3A_243 = arith.index_cast %parallel_loop3A_226 : i32 to index
          %parallel_loop3A_244 = tpu.vector_load %arg16[%parallel_loop3A_243] {strides = array<i32>} : memref<5136xf32, #tpu.memory_space<vmem>>, vector<16xf32>,
          %parallel_loop3A_245 = arith.index_cast %parallel_loop3A_227 : i32 to index
          %parallel_loop3A_246 = tpu.vector_load %arg22[%parallel_loop3A_245] masked %parallel_loop3A_232 {strides = array<i32>} : memref<5136xf32, #tpu.memory_space<vmem>>, vector<16xf32>, vector<16xi1>
          tpu.vector_store %arg22[%parallel_loop3A_245], %parallel_loop3A_244 masked %parallel_loop3A_232 {strides = array<i32>} : memref<5136xf32, #tpu.memory_space<vmem>>, vector<16xf32>, vector<16xi1>
          %parallel_loop3A_247 = arith.index_cast %parallel_loop3A_226 : i32 to index
          %parallel_loop3A_248 = tpu.vector_load %arg17[%parallel_loop3A_247] {strides = array<i32>} : memref<5136xf32, #tpu.memory_space<vmem>>, vector<16xf32>,
          %parallel_loop3A_249 = arith.index_cast %parallel_loop3A_227 : i32 to index
          %parallel_loop3A_250 = tpu.vector_load %arg23[%parallel_loop3A_249] masked %parallel_loop3A_232 {strides = array<i32>} : memref<5136xf32, #tpu.memory_space<vmem>>, vector<16xf32>, vector<16xi1>
          tpu.vector_store %arg23[%parallel_loop3A_249], %parallel_loop3A_248 masked %parallel_loop3A_232 {strides = array<i32>} : memref<5136xf32, #tpu.memory_space<vmem>>, vector<16xf32>, vector<16xi1>
          %parallel_loop3A_251 = arith.index_cast %parallel_loop3A_226 : i32 to index
          %parallel_loop3A_252 = tpu.vector_load %arg18[%parallel_loop3A_251] {strides = array<i32>} : memref<5136xf32, #tpu.memory_space<vmem>>, vector<16xf32>,
          %parallel_loop3A_253 = arith.index_cast %parallel_loop3A_227 : i32 to index
          %parallel_loop3A_254 = tpu.vector_load %arg24[%parallel_loop3A_253] masked %parallel_loop3A_232 {strides = array<i32>} : memref<5136xf32, #tpu.memory_space<vmem>>, vector<16xf32>, vector<16xi1>
          tpu.vector_store %arg24[%parallel_loop3A_253], %parallel_loop3A_252 masked %parallel_loop3A_232 {strides = array<i32>} : memref<5136xf32, #tpu.memory_space<vmem>>, vector<16xf32>, vector<16xi1>
          %parallel_loop3A_255 = tpu.all_reduce %parallel_loop3A_232 {dim = 0 : i64, kind = #tpu.reduction_kind<sum>} : vector<16xi1> -> vector<16xi32>
          %parallel_loop3A_256 = vector.extract_strided_slice %parallel_loop3A_255 {offsets = [0], sizes = [1], strides = [1]} : vector<16xi32> to vector<1xi32>
          %parallel_loop3A_257 = vector.extract %parallel_loop3A_256[0] : i32 from vector<1xi32>
          %parallel_loop3A_258 = arith.addi %parallel_loop3A_227, %parallel_loop3A_257 : i32
          scf.yield %parallel_loop3A_258 : i32
        } {sc.loop_unroll_factor = 2 : i64, sc.parallel_access}
        %broadcast_in_dim3A_188 = arith.constant 0xFF800000 : f32
        %broadcast_in_dim3A_189 = vector.broadcast %broadcast_in_dim3A_188 : f32 to vector<16xf32>
        %swap3A_190 = arith.index_cast %parallel_loop3A_187 : i32 to index
        %swap3A_191 = tpu.vector_load %arg19[%swap3A_190] {strides = array<i32>} : memref<5136xf32, #tpu.memory_space<vmem>>, vector<16xf32>,
        tpu.vector_store %arg19[%swap3A_190], %broadcast_in_dim3A_189 {strides = array<i32>} : memref<5136xf32, #tpu.memory_space<vmem>>, vector<16xf32>,
        %add3A_192 = arith.constant 15 : i32
        %add3A_193 = arith.addi %parallel_loop3A_187, %add3A_192 : i32
        %jit3A_194 = arith.constant 16 : i32
        %div3A_195 = arith.divsi %add3A_193, %jit3A_194 : i32
        %sign3A_196 = arith.constant 0 : i32
        %sign3A_197 = arith.cmpi sgt, %add3A_193, %sign3A_196 : i32
        %sign3A_198 = arith.extui %sign3A_197 : i1 to i32
        %sign3A_199 = arith.constant 0 : i32
        %sign3A_200 = arith.cmpi slt, %add3A_193, %sign3A_199 : i32
        %sign3A_201 = arith.extui %sign3A_200 : i1 to i32
        %sign3A_202 = arith.subi %sign3A_198, %sign3A_201 : i32
        %sign3A_203 = arith.constant 0 : i32
        %sign3A_204 = arith.cmpi sgt, %jit3A_194, %sign3A_203 : i32
        %sign3A_205 = arith.extui %sign3A_204 : i1 to i32
        %sign3A_206 = arith.constant 0 : i32
        %sign3A_207 = arith.cmpi slt, %jit3A_194, %sign3A_206 : i32
        %sign3A_208 = arith.extui %sign3A_207 : i1 to i32
        %sign3A_209 = arith.subi %sign3A_205, %sign3A_208 : i32
        %ne3A_210 = arith.cmpi ne, %sign3A_202, %sign3A_209 : i32
        %rem3A_211 = arith.remsi %add3A_193, %jit3A_194 : i32
        %ne3A_212 = arith.constant 0 : i32
        %ne3A_213 = arith.cmpi ne, %rem3A_211, %ne3A_212 : i32
        %and3A_214 = arith.andi %ne3A_210, %ne3A_213 : i1
        %sub3A_215 = arith.constant 1 : i32
        %sub3A_216 = arith.subi %div3A_195, %sub3A_215 : i32
        %select_n3A_217 = arith.select %and3A_214, %sub3A_216, %div3A_195 : i32
        %mul3A_218 = arith.constant 16 : i32
        %mul3A_219 = arith.muli %select_n3A_217, %mul3A_218 : i32
        %scan3A_220 = arith.constant 50 : i32
        %scan3A_221 = arith.constant 50 : i32
        %scan3A_222 = arith.addi %scan3A_220, %scan3A_221 : i32
        %scan3A_223 = arith.constant 1 : i32
        %scan3A_224:6 = scf.for %scan3A_226 = %scan3A_220 to %scan3A_222 step %scan3A_223 iter_args(%scan3A_227 = %scan3A_182#0, %scan3A_228 = %scan3A_182#1, %scan3A_229 = %scan3A_182#2, %scan3A_230 = %scan3A_182#3, %scan3A_231 = %scan3A_182#4, %scan3A_232 = %scan3A_182#5) -> (vector<16xf32>, vector<16xf32>, vector<16xf32>, vector<16xf32>, vector<16xf32>, vector<16xf32>)  : i32 {
          %broadcast_in_dim3A_233 = arith.constant 0xFF800000 : f32
          %broadcast_in_dim3A_234 = vector.broadcast %broadcast_in_dim3A_233 : f32 to vector<16xf32>
          %broadcast_in_dim3A_235 = arith.constant 0 : i32
          %broadcast_in_dim3A_236 = vector.broadcast %broadcast_in_dim3A_235 : i32 to vector<16xi32>
          %parallel_loop3A_237 = arith.constant 0 : i32
          %parallel_loop3A_238 = arith.constant 16 : i32
          %parallel_loop3A_239:2 = scf.for %parallel_loop3A_373 = %parallel_loop3A_237 to %mul3A_219 step %parallel_loop3A_238 iter_args(%parallel_loop3A_374 = %broadcast_in_dim3A_234, %parallel_loop3A_375 = %broadcast_in_dim3A_236) -> (vector<16xf32>, vector<16xi32>)  : i32 {
            %parallel_loop3A_376 = arith.index_cast %parallel_loop3A_373 : i32 to index
            %parallel_loop3A_377 = tpu.vector_load %arg19[%parallel_loop3A_376] {strides = array<i32>} : memref<5136xf32, #tpu.memory_space<vmem>>, vector<16xf32>,
            %parallel_loop3A_378 = arith.index_cast %parallel_loop3A_373 : i32 to index
            %parallel_loop3A_379 = tpu.vector_load %arg20[%parallel_loop3A_378] {strides = array<i32>} : memref<5136xf32, #tpu.memory_space<vmem>>, vector<16xf32>,
            %parallel_loop3A_380 = arith.index_cast %parallel_loop3A_373 : i32 to index
            %parallel_loop3A_381 = tpu.vector_load %arg21[%parallel_loop3A_380] {strides = array<i32>} : memref<5136xf32, #tpu.memory_space<vmem>>, vector<16xf32>,
            %parallel_loop3A_382 = arith.index_cast %parallel_loop3A_373 : i32 to index
            %parallel_loop3A_383 = tpu.vector_load %arg22[%parallel_loop3A_382] {strides = array<i32>} : memref<5136xf32, #tpu.memory_space<vmem>>, vector<16xf32>,
            %parallel_loop3A_384 = arith.index_cast %parallel_loop3A_373 : i32 to index
            %parallel_loop3A_385 = tpu.vector_load %arg23[%parallel_loop3A_384] {strides = array<i32>} : memref<5136xf32, #tpu.memory_space<vmem>>, vector<16xf32>,
            %parallel_loop3A_386 = arith.index_cast %parallel_loop3A_373 : i32 to index
            %parallel_loop3A_387 = tpu.vector_load %arg24[%parallel_loop3A_386] {strides = array<i32>} : memref<5136xf32, #tpu.memory_space<vmem>>, vector<16xf32>,
            %parallel_loop3A_388 = arith.maximumf %scan3A_227, %parallel_loop3A_379 : vector<16xf32>
            %parallel_loop3A_389 = arith.maximumf %scan3A_228, %parallel_loop3A_381 : vector<16xf32>
            %parallel_loop3A_390 = arith.minimumf %scan3A_229, %parallel_loop3A_383 : vector<16xf32>
            %parallel_loop3A_391 = arith.minimumf %scan3A_230, %parallel_loop3A_385 : vector<16xf32>
            %parallel_loop3A_392 = arith.subf %parallel_loop3A_390, %parallel_loop3A_388 : vector<16xf32>
            %parallel_loop3A_393 = arith.constant 0.000000e+00 : f32
            %parallel_loop3A_394 = vector.broadcast %parallel_loop3A_393 : f32 to vector<16xf32>
            %parallel_loop3A_395 = arith.maximumf %parallel_loop3A_392, %parallel_loop3A_394 : vector<16xf32>
            %parallel_loop3A_396 = arith.subf %parallel_loop3A_391, %parallel_loop3A_389 : vector<16xf32>
            %parallel_loop3A_397 = arith.constant 0.000000e+00 : f32
            %parallel_loop3A_398 = vector.broadcast %parallel_loop3A_397 : f32 to vector<16xf32>
            %parallel_loop3A_399 = arith.maximumf %parallel_loop3A_396, %parallel_loop3A_398 : vector<16xf32>
            %parallel_loop3A_400 = arith.mulf %parallel_loop3A_395, %parallel_loop3A_399 : vector<16xf32>
            %parallel_loop3A_401 = arith.addf %scan3A_231, %parallel_loop3A_387 : vector<16xf32>
            %parallel_loop3A_402 = arith.subf %parallel_loop3A_401, %parallel_loop3A_400 : vector<16xf32>
            %parallel_loop3A_403 = arith.constant 9.99999971E-10 : f32
            %parallel_loop3A_404 = vector.broadcast %parallel_loop3A_403 : f32 to vector<16xf32>
            %parallel_loop3A_405 = arith.addf %parallel_loop3A_402, %parallel_loop3A_404 : vector<16xf32>
            %parallel_loop3A_406 = arith.constant 5.000000e-01 : f32
            %parallel_loop3A_407 = vector.broadcast %parallel_loop3A_406 : f32 to vector<16xf32>
            %parallel_loop3A_408 = arith.mulf %parallel_loop3A_405, %parallel_loop3A_407 : vector<16xf32>
            %parallel_loop3A_409 = arith.cmpf ogt, %parallel_loop3A_400, %parallel_loop3A_408 : vector<16xf32>
            %parallel_loop3A_410 = arith.constant 0xFF800000 : f32
            %parallel_loop3A_411 = vector.broadcast %parallel_loop3A_410 : f32 to vector<16xf32>
            %parallel_loop3A_412 = arith.select %parallel_loop3A_409, %parallel_loop3A_411, %parallel_loop3A_377 : vector<16xi1>, vector<16xf32>
            %parallel_loop3A_413 = arith.index_cast %parallel_loop3A_373 : i32 to index
            %parallel_loop3A_414 = tpu.vector_load %arg19[%parallel_loop3A_413] {strides = array<i32>} : memref<5136xf32, #tpu.memory_space<vmem>>, vector<16xf32>,
            tpu.vector_store %arg19[%parallel_loop3A_413], %parallel_loop3A_412 {strides = array<i32>} : memref<5136xf32, #tpu.memory_space<vmem>>, vector<16xf32>,
            %parallel_loop3A_415 = arith.cmpf ogt, %parallel_loop3A_412, %parallel_loop3A_374 : vector<16xf32>
            %parallel_loop3A_416 = arith.select %parallel_loop3A_415, %parallel_loop3A_412, %parallel_loop3A_374 : vector<16xi1>, vector<16xf32>
            %parallel_loop3A_417 = vector.broadcast %parallel_loop3A_373 : i32 to vector<16xi32>
            %parallel_loop3A_418 = arith.select %parallel_loop3A_415, %parallel_loop3A_417, %parallel_loop3A_375 : vector<16xi1>, vector<16xi32>
            scf.yield %parallel_loop3A_416, %parallel_loop3A_418 : vector<16xf32>, vector<16xi32>
          } {sc.loop_unroll_factor = 4 : i64, sc.parallel_access}
          %xor3A = arith.constant 8 : i32
          %xor3A_240 = vector.broadcast %xor3A : i32 to vector<16xi32>
          %xor3A_241 = arith.xori %iota3A_155, %xor3A_240 : vector<16xi32>
          %lt3A_242 = arith.constant 0 : i32
          %lt3A_243 = vector.broadcast %lt3A_242 : i32 to vector<16xi32>
          %lt3A_244 = arith.cmpi slt, %xor3A_241, %lt3A_243 : vector<16xi32>
          %add3A_245 = arith.constant 16 : i32
          %add3A_246 = vector.broadcast %add3A_245 : i32 to vector<16xi32>
          %add3A_247 = arith.addi %xor3A_241, %add3A_246 : vector<16xi32>
          %select_n3A_248 = arith.select %lt3A_244, %add3A_247, %xor3A_241 : vector<16xi1>, vector<16xi32>
          %broadcast_in_dim3A_249 = vector.shape_cast %select_n3A_248 : vector<16xi32> to vector<16x1xi32>
          %gather3A = vector.shape_cast %broadcast_in_dim3A_249 : vector<16x1xi32> to vector<16xi32>
          %gather3A_250 = tpu.dynamic_gather %parallel_loop3A_239#0[%gather3A] in [0] : vector<16xf32>, vector<16xi32> -> vector<16xf32>
          %max3A = arith.maximumf %parallel_loop3A_239#0, %gather3A_250 : vector<16xf32>
          %xor3A_251 = arith.constant 4 : i32
          %xor3A_252 = vector.broadcast %xor3A_251 : i32 to vector<16xi32>
          %xor3A_253 = arith.xori %iota3A_155, %xor3A_252 : vector<16xi32>
          %lt3A_254 = arith.constant 0 : i32
          %lt3A_255 = vector.broadcast %lt3A_254 : i32 to vector<16xi32>
          %lt3A_256 = arith.cmpi slt, %xor3A_253, %lt3A_255 : vector<16xi32>
          %add3A_257 = arith.constant 16 : i32
          %add3A_258 = vector.broadcast %add3A_257 : i32 to vector<16xi32>
          %add3A_259 = arith.addi %xor3A_253, %add3A_258 : vector<16xi32>
          %select_n3A_260 = arith.select %lt3A_256, %add3A_259, %xor3A_253 : vector<16xi1>, vector<16xi32>
          %broadcast_in_dim3A_261 = vector.shape_cast %select_n3A_260 : vector<16xi32> to vector<16x1xi32>
          %gather3A_262 = vector.shape_cast %broadcast_in_dim3A_261 : vector<16x1xi32> to vector<16xi32>
          %gather3A_263 = tpu.dynamic_gather %max3A[%gather3A_262] in [0] : vector<16xf32>, vector<16xi32> -> vector<16xf32>
          %max3A_264 = arith.maximumf %max3A, %gather3A_263 : vector<16xf32>
          %xor3A_265 = arith.constant 2 : i32
          %xor3A_266 = vector.broadcast %xor3A_265 : i32 to vector<16xi32>
          %xor3A_267 = arith.xori %iota3A_155, %xor3A_266 : vector<16xi32>
          %lt3A_268 = arith.constant 0 : i32
          %lt3A_269 = vector.broadcast %lt3A_268 : i32 to vector<16xi32>
          %lt3A_270 = arith.cmpi slt, %xor3A_267, %lt3A_269 : vector<16xi32>
          %add3A_271 = arith.constant 16 : i32
          %add3A_272 = vector.broadcast %add3A_271 : i32 to vector<16xi32>
          %add3A_273 = arith.addi %xor3A_267, %add3A_272 : vector<16xi32>
          %select_n3A_274 = arith.select %lt3A_270, %add3A_273, %xor3A_267 : vector<16xi1>, vector<16xi32>
          %broadcast_in_dim3A_275 = vector.shape_cast %select_n3A_274 : vector<16xi32> to vector<16x1xi32>
          %gather3A_276 = vector.shape_cast %broadcast_in_dim3A_275 : vector<16x1xi32> to vector<16xi32>
          %gather3A_277 = tpu.dynamic_gather %max3A_264[%gather3A_276] in [0] : vector<16xf32>, vector<16xi32> -> vector<16xf32>
          %max3A_278 = arith.maximumf %max3A_264, %gather3A_277 : vector<16xf32>
          %xor3A_279 = arith.constant 1 : i32
          %xor3A_280 = vector.broadcast %xor3A_279 : i32 to vector<16xi32>
          %xor3A_281 = arith.xori %iota3A_155, %xor3A_280 : vector<16xi32>
          %lt3A_282 = arith.constant 0 : i32
          %lt3A_283 = vector.broadcast %lt3A_282 : i32 to vector<16xi32>
          %lt3A_284 = arith.cmpi slt, %xor3A_281, %lt3A_283 : vector<16xi32>
          %add3A_285 = arith.constant 16 : i32
          %add3A_286 = vector.broadcast %add3A_285 : i32 to vector<16xi32>
          %add3A_287 = arith.addi %xor3A_281, %add3A_286 : vector<16xi32>
          %select_n3A_288 = arith.select %lt3A_284, %add3A_287, %xor3A_281 : vector<16xi1>, vector<16xi32>
          %broadcast_in_dim3A_289 = vector.shape_cast %select_n3A_288 : vector<16xi32> to vector<16x1xi32>
          %gather3A_290 = vector.shape_cast %broadcast_in_dim3A_289 : vector<16x1xi32> to vector<16xi32>
          %gather3A_291 = tpu.dynamic_gather %max3A_278[%gather3A_290] in [0] : vector<16xf32>, vector<16xi32> -> vector<16xf32>
          %max3A_292 = arith.maximumf %max3A_278, %gather3A_291 : vector<16xf32>
          %add3A_293 = arith.addi %parallel_loop3A_239#1, %iota3A_155 : vector<16xi32>
          %eq3A_294 = arith.cmpf oeq, %parallel_loop3A_239#0, %max3A_292 : vector<16xf32>
          %broadcast_in_dim3A_295 = arith.constant 1073741824 : i32
          %broadcast_in_dim3A_296 = vector.broadcast %broadcast_in_dim3A_295 : i32 to vector<16xi32>
          %select_n3A_297 = arith.select %eq3A_294, %add3A_293, %broadcast_in_dim3A_296 : vector<16xi1>, vector<16xi32>
          %xor3A_298 = arith.constant 8 : i32
          %xor3A_299 = vector.broadcast %xor3A_298 : i32 to vector<16xi32>
          %xor3A_300 = arith.xori %iota3A_155, %xor3A_299 : vector<16xi32>
          %lt3A_301 = arith.constant 0 : i32
          %lt3A_302 = vector.broadcast %lt3A_301 : i32 to vector<16xi32>
          %lt3A_303 = arith.cmpi slt, %xor3A_300, %lt3A_302 : vector<16xi32>
          %add3A_304 = arith.constant 16 : i32
          %add3A_305 = vector.broadcast %add3A_304 : i32 to vector<16xi32>
          %add3A_306 = arith.addi %xor3A_300, %add3A_305 : vector<16xi32>
          %select_n3A_307 = arith.select %lt3A_303, %add3A_306, %xor3A_300 : vector<16xi1>, vector<16xi32>
          %broadcast_in_dim3A_308 = vector.shape_cast %select_n3A_307 : vector<16xi32> to vector<16x1xi32>
          %gather3A_309 = vector.shape_cast %broadcast_in_dim3A_308 : vector<16x1xi32> to vector<16xi32>
          %gather3A_310 = tpu.dynamic_gather %select_n3A_297[%gather3A_309] in [0] : vector<16xi32>, vector<16xi32> -> vector<16xi32>
          %min3A = arith.minsi %select_n3A_297, %gather3A_310 : vector<16xi32>
          %xor3A_311 = arith.constant 4 : i32
          %xor3A_312 = vector.broadcast %xor3A_311 : i32 to vector<16xi32>
          %xor3A_313 = arith.xori %iota3A_155, %xor3A_312 : vector<16xi32>
          %lt3A_314 = arith.constant 0 : i32
          %lt3A_315 = vector.broadcast %lt3A_314 : i32 to vector<16xi32>
          %lt3A_316 = arith.cmpi slt, %xor3A_313, %lt3A_315 : vector<16xi32>
          %add3A_317 = arith.constant 16 : i32
          %add3A_318 = vector.broadcast %add3A_317 : i32 to vector<16xi32>
          %add3A_319 = arith.addi %xor3A_313, %add3A_318 : vector<16xi32>
          %select_n3A_320 = arith.select %lt3A_316, %add3A_319, %xor3A_313 : vector<16xi1>, vector<16xi32>
          %broadcast_in_dim3A_321 = vector.shape_cast %select_n3A_320 : vector<16xi32> to vector<16x1xi32>
          %gather3A_322 = vector.shape_cast %broadcast_in_dim3A_321 : vector<16x1xi32> to vector<16xi32>
          %gather3A_323 = tpu.dynamic_gather %min3A[%gather3A_322] in [0] : vector<16xi32>, vector<16xi32> -> vector<16xi32>
          %min3A_324 = arith.minsi %min3A, %gather3A_323 : vector<16xi32>
          %xor3A_325 = arith.constant 2 : i32
          %xor3A_326 = vector.broadcast %xor3A_325 : i32 to vector<16xi32>
          %xor3A_327 = arith.xori %iota3A_155, %xor3A_326 : vector<16xi32>
          %lt3A_328 = arith.constant 0 : i32
          %lt3A_329 = vector.broadcast %lt3A_328 : i32 to vector<16xi32>
          %lt3A_330 = arith.cmpi slt, %xor3A_327, %lt3A_329 : vector<16xi32>
          %add3A_331 = arith.constant 16 : i32
          %add3A_332 = vector.broadcast %add3A_331 : i32 to vector<16xi32>
          %add3A_333 = arith.addi %xor3A_327, %add3A_332 : vector<16xi32>
          %select_n3A_334 = arith.select %lt3A_330, %add3A_333, %xor3A_327 : vector<16xi1>, vector<16xi32>
          %broadcast_in_dim3A_335 = vector.shape_cast %select_n3A_334 : vector<16xi32> to vector<16x1xi32>
          %gather3A_336 = vector.shape_cast %broadcast_in_dim3A_335 : vector<16x1xi32> to vector<16xi32>
          %gather3A_337 = tpu.dynamic_gather %min3A_324[%gather3A_336] in [0] : vector<16xi32>, vector<16xi32> -> vector<16xi32>
          %min3A_338 = arith.minsi %min3A_324, %gather3A_337 : vector<16xi32>
          %xor3A_339 = arith.constant 1 : i32
          %xor3A_340 = vector.broadcast %xor3A_339 : i32 to vector<16xi32>
          %xor3A_341 = arith.xori %iota3A_155, %xor3A_340 : vector<16xi32>
          %lt3A_342 = arith.constant 0 : i32
          %lt3A_343 = vector.broadcast %lt3A_342 : i32 to vector<16xi32>
          %lt3A_344 = arith.cmpi slt, %xor3A_341, %lt3A_343 : vector<16xi32>
          %add3A_345 = arith.constant 16 : i32
          %add3A_346 = vector.broadcast %add3A_345 : i32 to vector<16xi32>
          %add3A_347 = arith.addi %xor3A_341, %add3A_346 : vector<16xi32>
          %select_n3A_348 = arith.select %lt3A_344, %add3A_347, %xor3A_341 : vector<16xi1>, vector<16xi32>
          %broadcast_in_dim3A_349 = vector.shape_cast %select_n3A_348 : vector<16xi32> to vector<16x1xi32>
          %gather3A_350 = vector.shape_cast %broadcast_in_dim3A_349 : vector<16x1xi32> to vector<16xi32>
          %gather3A_351 = tpu.dynamic_gather %min3A_338[%gather3A_350] in [0] : vector<16xi32>, vector<16xi32> -> vector<16xi32>
          %min3A_352 = arith.minsi %min3A_338, %gather3A_351 : vector<16xi32>
          %gather3A_353 = tpu.vector_load_idx %arg20[%min3A_352] : memref<5136xf32, #tpu.memory_space<vmem>>[vector<16xi32>], vector<16xf32>,
          %gather3A_354 = tpu.vector_load_idx %arg21[%min3A_352] : memref<5136xf32, #tpu.memory_space<vmem>>[vector<16xi32>], vector<16xf32>,
          %gather3A_355 = tpu.vector_load_idx %arg22[%min3A_352] : memref<5136xf32, #tpu.memory_space<vmem>>[vector<16xi32>], vector<16xf32>,
          %gather3A_356 = tpu.vector_load_idx %arg23[%min3A_352] : memref<5136xf32, #tpu.memory_space<vmem>>[vector<16xi32>], vector<16xf32>,
          %gather3A_357 = tpu.vector_load_idx %arg24[%min3A_352] : memref<5136xf32, #tpu.memory_space<vmem>>[vector<16xi32>], vector<16xf32>,
          %broadcast_in_dim3A_358 = arith.constant 0xFF800000 : f32
          %broadcast_in_dim3A_359 = vector.broadcast %broadcast_in_dim3A_358 : f32 to vector<16xf32>
          %ne3A_360 = arith.cmpf one, %max3A_292, %broadcast_in_dim3A_359 : vector<16xf32>
          %jit3A_361 = arith.constant 1.000000e+00 : f32
          %broadcast_in_dim3A_362 = vector.broadcast %jit3A_361 : f32 to vector<16xf32>
          %select_n3A_363 = arith.select %eq3A_173, %max3A_292, %broadcast_in_dim3A_362 : vector<16xi1>, vector<16xf32>
          %select_n3A_364 = arith.select %eq3A_170, %gather3A_356, %select_n3A_363 : vector<16xi1>, vector<16xf32>
          %select_n3A_365 = arith.select %eq3A_167, %gather3A_355, %select_n3A_364 : vector<16xi1>, vector<16xf32>
          %select_n3A_366 = arith.select %eq3A_164, %gather3A_354, %select_n3A_365 : vector<16xi1>, vector<16xf32>
          %select_n3A_367 = arith.select %eq3A_161, %gather3A_353, %select_n3A_366 : vector<16xi1>, vector<16xf32>
          %broadcast_in_dim3A_368 = arith.constant 0.000000e+00 : f32
          %broadcast_in_dim3A_369 = vector.broadcast %broadcast_in_dim3A_368 : f32 to vector<16xf32>
          %select_n3A_370 = arith.select %ne3A_360, %select_n3A_367, %broadcast_in_dim3A_369 : vector<16xi1>, vector<16xf32>
          %broadcast_in_dim3A_371 = vector.broadcast %scan3A_226 : i32 to vector<16xi32>
          tpu.vector_store_idx %arg11[%broadcast_in_dim3A_371, %iota3A_155], %select_n3A_370 masked %lt3A_158 : memref<100x8xf32, #tpu.memory_space<vmem>>[vector<16xi32>, vector<16xi32>], vector<16xf32>, vector<16xi1>
          %min3A_372 = arith.minimumf %scan3A_232, %max3A_292 : vector<16xf32>
          scf.yield %gather3A_353, %gather3A_354, %gather3A_355, %gather3A_356, %gather3A_357, %min3A_372 : vector<16xf32>, vector<16xf32>, vector<16xf32>, vector<16xf32>, vector<16xf32>, vector<16xf32>
        }
        %scan3A_225 = arith.constant 50 : i32
      } else {
      }
      "tpu.region"() ({
        %run_scoped3A_118 = tpu.sem_alloc : memref<!tpu.dma_semaphore, #tpu.memory_space<semaphore_mem>>
        %dma_start3A = arith.constant 0 : i32
        %dma_start3A_119 = arith.constant 0 : i32
        %dma_start3A_120 = tpu.memref_slice %arg3[%add3A, %dma_start3A, %dma_start3A_119] : memref<80x100x8xf32, #tpu.memory_space<hbm>> -> memref<1x100x8xf32, #tpu.memory_space<hbm>>
        %dma_start3A_121 = tpu.memref_squeeze %dma_start3A_120 : memref<1x100x8xf32, #tpu.memory_space<hbm>> -> memref<100x8xf32, #tpu.memory_space<hbm>>
        %dma_start3A_122 = arith.constant 0 : i32
        %dma_start3A_123 = arith.constant 0 : i32
        %dma_start3A_124 = tpu.memref_slice %arg3[%add3A, %dma_start3A_122, %dma_start3A_123] : memref<80x100x8xf32, #tpu.memory_space<hbm>> -> memref<1x100x8xf32, #tpu.memory_space<hbm>>
        %dma_start3A_125 = tpu.memref_squeeze %dma_start3A_124 : memref<1x100x8xf32, #tpu.memory_space<hbm>> -> memref<100x8xf32, #tpu.memory_space<hbm>>
        tpu.enqueue_dma source(%arg11 : memref<100x8xf32, #tpu.memory_space<vmem>>) target(%dma_start3A_125 : memref<100x8xf32, #tpu.memory_space<hbm>>) target_semaphore(%run_scoped3A_118 : memref<!tpu.dma_semaphore, #tpu.memory_space<semaphore_mem>>)
        %dma_wait3A = arith.constant 0 : i32
        %dma_wait3A_126 = arith.constant 0 : i32
        %dma_wait3A_127 = tpu.memref_slice %arg3[%add3A, %dma_wait3A, %dma_wait3A_126] : memref<80x100x8xf32, #tpu.memory_space<hbm>> -> memref<1x100x8xf32, #tpu.memory_space<hbm>>
        %dma_wait3A_128 = tpu.memref_squeeze %dma_wait3A_127 : memref<1x100x8xf32, #tpu.memory_space<hbm>> -> memref<100x8xf32, #tpu.memory_space<hbm>>
        %dma_wait3A_129 = arith.constant 0 : i32
        %dma_wait3A_130 = arith.constant 0 : i32
        %dma_wait3A_131 = tpu.memref_slice %arg3[%add3A, %dma_wait3A_129, %dma_wait3A_130] : memref<80x100x8xf32, #tpu.memory_space<hbm>> -> memref<1x100x8xf32, #tpu.memory_space<hbm>>
        %dma_wait3A_132 = tpu.memref_squeeze %dma_wait3A_131 : memref<1x100x8xf32, #tpu.memory_space<hbm>> -> memref<100x8xf32, #tpu.memory_space<hbm>>
        tpu.wait_dma2 semaphore(%run_scoped3A_118 : memref<!tpu.dma_semaphore, #tpu.memory_space<semaphore_mem>>) src(%arg11 : memref<100x8xf32, #tpu.memory_space<vmem>>) dst(%dma_wait3A_132 : memref<100x8xf32, #tpu.memory_space<hbm>>)
        tpu.yield
      }) : () -> ()
      %sc_fetch_and_add3A_114 = arith.constant 1 : i32
      %sc_fetch_and_add3A_115 = arith.constant 0 : i32
      %sc_fetch_and_add3A_116 = arith.constant 0 : i32
      %sc_fetch_and_add3A_117 = tpu.fetch_and_add_sync %arg25[%sc_fetch_and_add3A_115], %sc_fetch_and_add3A_114, %sc_fetch_and_add3A_116 : memref<1xi32, #tpu.memory_space<smem>>, i32 -> i32
      scf.yield %sc_fetch_and_add3A_117 : i32
    }
    return
  }
}

</mosaic_0001>

<sc_bundles>
// kernel: kernel.3.cloned.1.call-start
scs
__scs_entry_jumppad:
0x0: {  	(pc) =	sbr.rel $0x88, $3  }
0x1: {  	(tag) =	ssettag $0x0;
	lr =	simm.s32 $0x1  }
0x2: {  	[smem:$0x3FA0] =	sst lr;
	_ =	strace $0xD0000000  }
0x3: {  	_ = 	snop  }
0x4: {  	_ = 	snop  }
0x5: {  	_ = 	snop  }
0x6: {  	_ = 	snop  }
0x7: {  	_ = 	snop  }
__scs_overlays_trampoline_lowered:
0x8: {  	[smem:$0x3FAF] =	sst s0  }
0x9: {  	[smem:$0x3FB0] =	sst s1  }
0xa: {  	[smem:$0x3FB1] =	sst s2  }
0xb: {  	[smem:$0x3FB2] =	sst s3  }
0xc: {  	[smem:$0x3FB3] =	sst s4  }
0xd: {  	[smem:$0x3FB4] =	sst s5  }
0xe: {  	[smem:$0x3FB5] =	sst s6  }
0xf: {  	[smem:$0x3FB6] =	sst s7  }
0x10: {  	[smem:$0x3FB7] =	sst s8  }
0x11: {  	[smem:$0x3FB8] =	sst s9;
	s0 =	simm.s32 @!p0 $0x0  }
0x12: {  	s1 =	sld [smem:$0x3F9E];
	s0 =	simm.s32 @p0 $0x1  }
0x13: {  	[smem:$0x3FB9] =	sst s0;
	s0 =	simm.s32 @!p1 $0x0  }
0x14: {  	s2 =	sld [smem:$0x3F9D];
	s0 =	simm.s32 @p1 $0x1  }
0x15: {  	[smem:$0x3FBA] =	sst s0;
	s0 =	simm.s32 @!p2 $0x0  }
0x16: {  	s3 =	sld [smem:$0x3FDB];
	s0 =	simm.s32 @p2 $0x1  }
0x17: {  	s4 =	simm.s32 $0x1BF5;
	[smem:$0x3FBC] =	sst s0  }
0x18: {  	s0 =	sld [smem:$0x3F9F];
	_ =	swait.ge [sflag:s4], $0x0  }
0x19: {  	s7 =	sld [smem:$0x3FA0]  }
0x1a: {  	s8 =	sadd.s32 $0xFFFFE003, lr  }
0x1b: {  	s9 =	sadd.s32 $0xFFFFFEF7, lr;
	s5 =	simm.s32 $0xFFFFFFFF;
	p2 =	slt.u32 s8, $0xFFFFF086  }
0x1c: {  	p1 =	slt.u32 s9, $0xF7A;
	s5 =	simm.s32 @!p2 $0x0  }
0x1d: {  	s5 =	simm.s32 @p1 $0x1;
	p0 =	seq.s32 s7, s2  }
0x1e: {  	s7 =	smul.u32 @!p0 $0xF7A, s2;
	p2 =	seq.s32 @!p0 s5, $0x0  }
0x1f: {  	s9 =	smul.u32 $0xF7A, s1;
	s8 =	simm.s32 @!p0 $0x1BF5;
	p2 =	por !p2, p0  }
0x20: {  	[sflag:s8] =	ssyncset.s32 @!p0 $0xFFFFF086;
	s6 =	sadd.s32 @!p0 s3, s7;
	s7 =	simm.s32 @!p0 $0x108  }
0x21: {  	s3 =	sadd.s32 s3, s9;
	s6 =	sadd.s32 @!p0 $0x88, s6;
	s7 =	simm.s32 @p2 $0x1082  }
0x22: {  	[simem:s7], [sflag:s8] =	dma.local @!p0 [hbm:s6], $0xF7A  }
0x23: {  	s9 =	sor.u32 $0xD0000000, s2;
	s6 =	simm.s32 $0x108;
	_ =	swait.ge @!p0 [sflag:s8], $0x0  }
0x24: {  	s3 =	sadd.s32 $0x88, s3;
	s6 =	simm.s32 @!p1 $0x1082;
	[sflag:s4] =	ssyncset.s32 $0xFFFFF086  }
0x25: {  	[simem:s6], [sflag:s4] =	dma.local [hbm:s3], $0xF7A  }
0x26: {  	[smem:$0x3FA0] =	sst s1;
	(tag) =	ssettag s2;
	_ =	strace s9  }
0x27: {  	s1 =	sld [smem:$0x3FB0]  }
0x28: {  	s2 =	sld [smem:$0x3FB1]  }
0x29: {  	s4 =	sld [smem:$0x3FB3]  }
0x2a: {  	p0 =	seq.s32 s5, $0x0;
	s5 =	sld [smem:$0x3FB4]  }
0x2b: {  	s6 =	sld [smem:$0x3FB5]  }
0x2c: {  	s7 =	sld [smem:$0x3FB6]  }
0x2d: {  	s3 =	simm.s32 $0x108;
	s8 =	sld [smem:$0x3FB7]  }
0x2e: {  	s3 =	simm.s32 @!p0 $0x1082;
	s9 =	sld [smem:$0x3FB8]  }
0x2f: {  	lr =	sadd.s32 s0, s3;
	s0 =	sld [smem:$0x3FAF]  }
0x30: {  	s3 =	sld [smem:$0x3FB2]  }
0x31: {  	[smem:$0x3FBB] =	sst s10  }
0x32: {  	s10 =	sld [smem:$0x3FB9];
	_ =	sdelay $0x3  }
0x33: {  	p0 =	seq.s32 s10, $0x1;
	s10 =	sld [smem:$0x3FBB];
	_ =	sdelay $0x3  }
0x34: {  	[smem:$0x3FBB] =	sst s10  }
0x35: {  	s10 =	sld [smem:$0x3FBA];
	_ =	sdelay $0x3  }
0x36: {  	p1 =	seq.s32 s10, $0x1;
	s10 =	sld [smem:$0x3FBB];
	_ =	sdelay $0x3  }
0x37: {  	[smem:$0x3FBB] =	sst s10  }
0x38: {  	s10 =	sld [smem:$0x3FBC]  }
0x39: {  	_ = 	snop;
	(pc) =	sbr.ind lr, $3  }
0x3a: {  	_ = 	snop  }
0x3b: {  	_ = 	snop  }
0x3c: {  	p2 =	seq.s32 s10, $0x1;
	s10 =	sld [smem:$0x3FBB]  }
0x3d: {  	_ =	shalt  }
0x3e: {  	_ =	shalt  }
0x3f: {  	_ =	shalt  }
0x40: {  	_ =	shalt  }
0x41: {  	_ =	shalt  }
0x42: {  	_ =	shalt  }
0x43: {  	_ =	shalt  }
0x44: {  	_ =	shalt  }
0x45: {  	_ =	shalt  }
0x46: {  	_ =	shalt  }
0x47: {  	_ =	shalt  }
0x48: {  	_ =	shalt  }
0x49: {  	_ =	shalt  }
0x4a: {  	_ =	shalt  }
0x4b: {  	_ =	shalt  }
0x4c: {  	_ =	shalt  }
0x4d: {  	_ =	shalt  }
0x4e: {  	_ =	shalt  }
0x4f: {  	_ =	shalt  }
0x50: {  	_ =	shalt  }
0x51: {  	_ =	shalt  }
0x52: {  	_ =	shalt  }
0x53: {  	_ =	shalt  }
0x54: {  	_ =	shalt  }
0x55: {  	_ =	shalt  }
0x56: {  	_ =	shalt  }
0x57: {  	_ =	shalt  }
0x58: {  	_ =	shalt  }
0x59: {  	_ =	shalt  }
0x5a: {  	_ =	shalt  }
0x5b: {  	_ =	shalt  }
0x5c: {  	_ =	shalt  }
0x5d: {  	_ =	shalt  }
0x5e: {  	_ =	shalt  }
0x5f: {  	_ =	shalt  }
0x60: {  	_ =	shalt  }
0x61: {  	_ =	shalt  }
0x62: {  	_ =	shalt  }
0x63: {  	_ =	shalt  }
0x64: {  	_ =	shalt  }
0x65: {  	_ =	shalt  }
0x66: {  	_ =	shalt  }
0x67: {  	_ =	shalt  }
0x68: {  	_ =	shalt  }
0x69: {  	_ =	shalt  }
0x6a: {  	_ =	shalt  }
0x6b: {  	_ =	shalt  }
0x6c: {  	_ =	shalt  }
0x6d: {  	_ =	shalt  }
0x6e: {  	_ =	shalt  }
0x6f: {  	_ =	shalt  }
0x70: {  	_ =	shalt  }
0x71: {  	_ =	shalt  }
0x72: {  	_ =	shalt  }
0x73: {  	_ =	shalt  }
0x74: {  	_ =	shalt  }
0x75: {  	_ =	shalt  }
0x76: {  	_ =	shalt  }
0x77: {  	_ =	shalt  }
0x78: {  	_ =	shalt  }
0x79: {  	_ =	shalt  }
0x7a: {  	_ =	shalt  }
0x7b: {  	_ =	shalt  }
0x7c: {  	_ =	shalt  }
0x7d: {  	_ =	shalt  }
0x7e: {  	_ =	shalt  }
0x7f: {  	_ =	shalt  }
0x80: {  	_ =	shalt  }
0x81: {  	_ =	shalt  }
0x82: {  	_ =	shalt  }
0x83: {  	_ =	shalt  }
0x84: {  	_ =	shalt  }
0x85: {  	_ =	shalt  }
0x86: {  	_ =	shalt  }
0x87: {  	_ =	shalt  }
.Lfunc_end0:
.L_simem_size_0:
called_computation_lowered:
.L_overlay_start_0:
0x88: {  	s2 =	sld [smem:$0x3FD9]  }
0x89: {  	s3 =	sld [smem:$0x3FFE];
	_ =	sdelay $0x1  }
0x8a: {  	s1 =	srdreg.scid  }
0x8b: {  	s0 =	sand.u32 $0x1, s1  }
0x8c: {  	s16 =	sshll.u32 s0, $0xA;
	s2 =	sadd.s32 s3, s2  }
0x8d: {  	s2 =	sadd.s32 s2, s16  }
0x8e: {  	[smem:$0x3FC7] =	sst s2  }
0x8f: {  	_ = 	snop  }
0x90: {  	(tm) =	ssettm $0x1  }
0x91: {  	s17 =	sld [smem:$0x3FFB];
	_ =	sdelay $0x3  }
0x92: {  	_ =	strace s17  }
0x93: {  	s2 =	sld [smem:$0x3FFC];
	_ =	sdelay $0x3  }
0x94: {  	_ =	strace s2  }
0x95: {  	s2 =	sld [smem:$0x3FFD];
	_ =	sdelay $0x3  }
0x96: {  	_ =	strace s2  }
0x97: {  	_ =	strace $0x8FFFFFFF  }
0x98: {  	s18 =	sld [smem:$0x3FDB];
	_ =	sdelay $0x1  }
0x99: {  	s19 =	simm.s32 $_scs_section_size  }
0x9a: {  	s4 =	simm.s32 $_size__tile_overlayer_lowered;
	s5 =	simm.s32 $_tile_overlayer_lowered  }
0x9b: {  	s22 =	simm.s32 $0x1BFF;
	s21 =	sshll.u32 s5, $0x1;
	s2 =	sadd.s32 s19, s18  }
0x9c: {  	s6 =	simm.s32 $0x0;
	s20 =	sshll.u32 s4, $0x1;
	s4 =	sadd.s32 s21, s2  }
0x9d: {  	[timem:s6], [sflag:s22] =	dma.local [hbm:s4], s20  }
0x9e: {  	_ =	swait.ge [sflag:s22], s20  }
0x9f: {  	s3 =	ssub.s32 $0x0, s20;
	[sflag:s22] =	ssyncset.done $0x0  }
0xa0: {  	[sflag:s22] =	ssyncadd.s32 s3;
	_ =	sdelay $0x1  }
0xa1: {  	s23 =	simm.s32 $0x1B8B  }
0xa2: {  	_ =	swait.ge [sflag:s23], $0x1  }
0xa3: {  	[sflag:s23] =	ssyncset.done $0x0  }
0xa4: {  	s25 =	simm.s32 $0x1B8E;
	s24 =	sld [smem:$0x3FFE];
	[sflag:s23] =	ssyncadd.s32 $0xFFFFFFFF  }
0xa5: {  	s26 =	simm.s32 $execute0_lowered;
	[smem:$0x3FD2] =	sst s25  }
0xa6: {  	s4 =	sshll.u32 s26, $0x1;
	_ =	strace $0x80000046;
	[dreg:$0x1] =	wrdreg $0xFFFFFFFF  }
0xa7: {  	s28 =	simm.s32 $_size_execute0_lowered;
	s2 =	sadd.s32 s2, s4;
	[dreg:$0x0] =	wrdreg $0x0  }
0xa8: {  	s4 =	sshll.u32 s28, $0x1;
	[dreg:$0x2] =	wrdreg s2  }
0xa9: {  	[dreg:$0x3] =	wrdreg s4  }
0xaa: {  	[dreg:$0x4] =	wrdreg $0xC0  }
0xab: {  	_ =	task [dreg:s6], $0x5FFFF  }
0xac: {  	[dreg:$0x1] =	wrdreg $0xFFFFFFFF  }
0xad: {  	[dreg:$0x0] =	wrdreg $0x60  }
0xae: {  	[dreg:$0x2] =	wrdreg s24  }
0xaf: {  	[dreg:$0x3] =	wrdreg $0x9  }
0xb0: {  	_ =	task.clear_ibuf [dreg:s6], $0x4FFFF;
	_ =	strace $0x90000046  }
0xb1: {  	s29 =	simm.s32 $0x9;
	_ =	strace $0x80000048  }
0xb2: {  	_ =	swait.ge [sflag:s29], $0x1  }
0xb3: {  	[sflag:s29] =	ssyncadd.s32 $0xFFFFFFFF  }
0xb4: {  	_ =	strace $0x90000048  }
0xb5: {  	_ =	sfence  }
0xb6: {  	s30 =	sld [smem:$0x0];
	_ =	sdelay $0x2  }
0xb7: {  	s31 =	sshll.u32 s1, $0xD;
	s1 =	sshrl.u32 s1, $0x2  }
0xb8: {  	s3 =	sand.u32 $0x4000, s31;
	s1 =	sadd.s32 s1, s30  }
0xb9: {  	s0 =	sor.u32 s3, s0;
	s1 =	sshll.u32 s1, $0x11  }
0xba: {  	s0 =	sor.u32 s1, s0  }
0xbb: {  	s0 =	sadd.s32 $0x8F2B, s0  }
0xbc: {  	[sflag:s0] =	ssyncadd.remote.s32 $0x1  }
0xbd: {  	_ =	sfence.sel $0xFFFF  }
0xbe: {  	[dreg:$0x0] =	wrdreg $0xFFFFFFFF;
	(pc) =	sbr.abs _section_cstart, $3  }
0xbf: {  	[dreg:$0x1] =	wrdreg $0xFFFFFFFF  }
0xc0: {  	_ =	task.clear_ibuf [dreg:s6], $0x2FFFF;
	_ =	strace $0x9FFFFFFF  }
0xc1: {  	(tm) =	ssettm $0x7FFFFFFF  }
tec
execute0_lowered:
.L_overlay_start_1:
0x0: {  	(tag) =	ssettag $0x1  }
0x1: {  	s4 =	rddreg [dreg:$0x0];
	v0 =	vimm.s32 $0xFEDCBA98  }
0x2: {  	s0 =	simm.s32 $0x0;
	s11 =	simm.s32 $0x0;
	s20 =	srdreg.scid;
	v2 =	vimm.s32 $0x76543210;
	v3 =	vimm.s32 $0x32107654;
	v4 =	vimm.s32 $0xDCFE98BA  }
0x3: {  	s21 =	stileid.u32;
	v5 =	vimm.s32 $0x54761032;
	v6 =	vimm.s32 $0xEFCDAB89;
	s19 =	simm.s32 $0x3;
	s31 =	simm.s32 $0xD480  }
0x4: {  	v7 =	vimm.s32 $0x67452301;
	s28 =	simm.s32 $0x17880;
	s29 =	simm.s32 $0x18D00;
	[smem:$0x7FF] =	sst s0  }
0x5: {  	v1 =	vimm.f32 $2.000000000e+00;
	vm2 =	vcmask $0x3F0C;
	s30 =	simm.s32 $0x1A180;
	s2 =	sadd.s32 $0xDC00, s4;
	_ =	strace $0x80000047  }
0x6: {  	vm3 =	vcmask $0x3F08;
	v0 =	vunpack.c.l.s4.s8 v0;
	s0 =	sand.u32 $0x1, s20;
	s22 =	sadd.s32 $0x10, s4;
	[dreg:$0x2] =	wrdreg s2;
	(erf) = vrcp.f32 v1  }
0x7: {  	v3 =	vunpack.c.l.s4.s8 v3;
	v4 =	vunpack.c.l.s4.s8 v4;
	s23 =	sadd.s32 $0x20, s4;
	s24 =	sadd.s32 $0x30, s4;
	v5 =	vunpack.c.l.s4.s8 v5;
	[dreg:$0x3] =	wrdreg s22  }
0x8: {  	s25 =	sadd.s32 $0x40, s4;
	v6 =	vunpack.c.l.s4.s8 v6;
	p0 =	sne.s32 s21, $0x0;
	[dreg:$0x4] =	wrdreg s23;
	v1 =	vunpack.c.l.s4.s8 v2;
	v2 =	vimm.s32 $0xBA98FEDC  }
0x9: {  	v7 =	vunpack.c.l.s4.s8 v7;
	s20 =	simm.s32 $0xE900;
	s21 =	simm.s32 $0xFD80;
	[dreg:$0x5] =	wrdreg s24;
	v0 =	vunpack.c.0.s8.s32 v0;
	v2 =	vunpack.c.l.s4.s8 v2  }
0xa: {  	s1 =	ssub.s32 $0x2, s0;
	[dreg:$0x6] =	wrdreg s25;
	s0 =	smul.u32 $0x28, s0;
	v3 =	vunpack.c.0.s8.s32 v3;
	v4 =	vunpack.c.0.s8.s32 v4;
	v5 =	vunpack.c.0.s8.s32 v5  }
.Ltmp0:
0xb: {  	s22 =	simm.s32 $0x11200;
	s3 =	sshrl.u32 s1, $0x1;
	v6 =	vunpack.c.0.s8.s32 v6;
	v7 =	vunpack.c.0.s8.s32 v7;
	v2 =	vunpack.c.0.s8.s32 v2;
	(pc) =	sbr.rel .LBB2_1-.Ltmp0, $4  }
0xc: {  	vm4 =	vmmov $0x1;
	s23 =	simm.s32 $0x12680;
	s24 =	simm.s32 $0x8C00;
	s1 =	ssub.s32 s1, s3;
	v1 =	vunpack.c.0.s8.s32 v1;
	v4 =	vcombine.low v5, v4  }
0xd: {  	[dreg:$0x7] =	wrdreg s0;
	s0 =	simm.s32 @!p0 $0x0;
	s26 =	smax.u32 s1, $0x1;
	v5 =	vcombine.low v7, v6;
	v2 =	vcombine.low v3, v2;
	v3 =	vand.u32 $0xF, v0  }
0xe: {  	s25 =	simm.s32 $0x14F80;
	s0 =	simm.s32 @p0 $0x1;
	[dreg:$0x8] =	wrdreg s26;
	v0 =	vimm.f32 $-Inf;
	v1 =	vcombine.low v3, v1;
	v3 =	vand.u32 $0xF, v4  }
0xf: {  	s1 =	simm.s32 $0x0;
	[smem:$0x7FD] =	sst s0;
	s26 =	simm.s32 $0x16400;
	v4 =	vand.u32 $0xF, v5;
	v5 =	vlaneseq.u32;
	v2 =	vand.u32 $0xF, v2;
	v6 =	vpop (erf)  }
.LBB2_69:
0x10: {  	s1 =	rddreg [dreg:$0x9]  }
0x11: {  	s0 =	rddreg [dreg:$0x8];
	s1 =	sadd.s32 $0x1, s1  }
0x12: {  	p0 =	sne.s32 s1, s0  }
.Ltmp1:
0x13: {  	_ = 	snop;
	(pc) =	sbr.rel @!p0 .LBB2_70-.Ltmp1, $1  }
0x14: {  	_ =	sdelay $0x3  }
.LBB2_1:
0x15: {  	s0 =	sld [smem:$0x7FD]  }
0x16: {  	s9 =	rddreg [dreg:$0x0];
	s10 =	simm.s32 $0x80;
	s2 =	simm.s32 $0x400  }
0x17: {  	[tilespmem:s11], [sflag:$0x3] =	stream.strided.gather [hbm4b:s9+s10], $0x1400, s2, s10, $0x38;
	[tilespmem:$0x1B600] =	vst v63  }
0x18: {  	p0 =	seq.s32 s0, $0x1  }
0x19: {  	[dreg:$0x9] =	wrdreg s1;
	s0 =	simm.s32 @!p0 $0x0  }
0x1a: {  	[smem:$0x0] =	sst @!p0 s0  }
0x1b: {  	_ =	swait.ge [sflag:s19], $0x1400  }
0x1c: {  	[sflag:s19] =	ssyncset.done $0x0  }
0x1d: {  	s3 =	simm.s32 $0x1400;
	s12 =	rddreg [dreg:$0x3];
	[sflag:s19] =	ssyncadd.s32 $0xFFFFEC00  }
0x1e: {  	[tilespmem:s3], [sflag:$0x3] =	stream.strided.gather [hbm4b:s12+s10], $0x1400, s2, s10, $0x38;
	[tilespmem:$0x1B600] =	vst v63  }
0x1f: {  	_ =	swait.ge [sflag:s19], $0x1400  }
0x20: {  	[sflag:s19] =	ssyncset.done $0x0  }
0x21: {  	s14 =	simm.s32 $0x2800;
	s13 =	rddreg [dreg:$0x4];
	[sflag:s19] =	ssyncadd.s32 $0xFFFFEC00  }
0x22: {  	[tilespmem:s14], [sflag:$0x3] =	stream.strided.gather [hbm4b:s13+s10], $0x1400, s2, s10, $0x38;
	[tilespmem:$0x1B600] =	vst v63  }
0x23: {  	_ =	swait.ge [sflag:s19], $0x1400  }
0x24: {  	[sflag:s19] =	ssyncset.done $0x0  }
0x25: {  	s16 =	simm.s32 $0x3C00;
	s15 =	rddreg [dreg:$0x5];
	[sflag:s19] =	ssyncadd.s32 $0xFFFFEC00  }
0x26: {  	[tilespmem:s16], [sflag:$0x3] =	stream.strided.gather [hbm4b:s15+s10], $0x1400, s2, s10, $0x38;
	[tilespmem:$0x1B600] =	vst v63  }
0x27: {  	_ =	swait.ge [sflag:s19], $0x1400  }
0x28: {  	[sflag:s19] =	ssyncset.done $0x0  }
0x29: {  	s18 =	simm.s32 $0x6400;
	s17 =	rddreg [dreg:$0x6];
	[sflag:s19] =	ssyncadd.s32 $0xFFFFEC00  }
0x2a: {  	[tilespmem:s18], [sflag:$0x3] =	stream.strided.gather [hbm4b:s17+s10], $0x1400, s2, s10, $0x38;
	[tilespmem:$0x1B600] =	vst v63  }
0x2b: {  	_ =	swait.ge [sflag:s19], $0x1400  }
0x2c: {  	[sflag:s19] =	ssyncset.done $0x0  }
0x2d: {  	s0 =	simm.s32 $0x2820;
	[sflag:s19] =	ssyncadd.s32 $0xFFFFEC00  }
0x2e: {  	s1 =	simm.s32 $0x3C20;
	v7 =	vld [tilespmem:s0+$0x10]  }
0x2f: {  	s2 =	simm.s32 $0x20;
	v8 =	vld [tilespmem:s1+$0x10]  }
0x30: {  	s3 =	simm.s32 $0x1420;
	v9 =	vld [tilespmem:s2+$0x10]  }
0x31: {  	v10 =	vld [tilespmem:s3+$0x10]  }
0x32: {  	v11 =	vld [tilespmem:s0+$0xFFFFFFE0]  }
0x33: {  	v14 =	vld [tilespmem:s1+$0xFFFFFFF0]  }
0x34: {  	v18 =	vld [tilespmem:s1+$0x0]  }
0x35: {  	v12 =	vld [tilespmem:s1+$0xFFFFFFE0]  }
0x36: {  	v7 =	vmul.f32 v7, v6;
	v8 =	vmul.f32 v8, v6  }
0x37: {  	v23 =	vld [tilespmem:s2+$0xFFFFFFE0]  }
0x38: {  	v13 =	vld [tilespmem:s0+$0xFFFFFFF0];
	v14 =	vmul.f32 v14, v6;
	v16 =	vsub.f32 v9, v7;
	v17 =	vsub.f32 v10, v8  }
0x39: {  	v15 =	vld [tilespmem:s0+$0x0];
	v18 =	vmul.f32 v18, v6;
	v7 =	vadd.f32 v7, v9;
	v8 =	vadd.f32 v8, v10  }
0x3a: {  	v24 =	vld [tilespmem:s3+$0x0];
	v9 =	vmul.f32 v11, v6;
	v11 =	vmul.f32 v12, v6;
	v12 =	vmax.f32 v16, $0.0e+00  }
0x3b: {  	v10 =	vld [tilespmem:s3+$0xFFFFFFE0];
	v16 =	vmax.f32 v17, $0.0e+00;
	v7 =	vmax.f32 v7, $0.0e+00;
	v8 =	vmax.f32 v8, $0.0e+00  }
0x3c: {  	v26 =	vsub.f32 v23, v9;
	v9 =	vadd.f32 v9, v23;
	v12 =	vmin.f32 v12, $1.000000000e+00  }
0x3d: {  	v19 =	vld [tilespmem:s3+$0xFFFFFFF0];
	v20 =	vmin.f32 v7, $1.000000000e+00;
	v16 =	vmin.f32 v16, $1.000000000e+00;
	v21 =	vmin.f32 v8, $1.000000000e+00  }
0x3e: {  	v17 =	vld [tilespmem:s2+$0xFFFFFFF0];
	v8 =	vmul.f32 v13, v6;
	v7 =	vsub.f32 v20, v12;
	v13 =	vsub.f32 v21, v16  }
0x3f: {  	v15 =	vmul.f32 v15, v6;
	[tilespmem:s2+$0x10] =	vst v12;
	v12 =	vsub.f32 v24, v18;
	v18 =	vadd.f32 v18, v24  }
0x40: {  	v22 =	vld [tilespmem:s2+$0x0];
	v23 =	vmax.f32 v9, $0.0e+00;
	v25 =	vsub.f32 v10, v11;
	v10 =	vadd.f32 v11, v10;
	[tilespmem:s3+$0x10] =	vst v16  }
0x41: {  	v7 =	vmax.f32 v7, $0.0e+00;
	v13 =	vmax.f32 v13, $0.0e+00;
	[tilespmem:s0+$0x10] =	vst v20;
	v20 =	vmax.f32 v26, $0.0e+00  }
0x42: {  	v9 =	vmax.f32 v18, $0.0e+00;
	v18 =	vmin.f32 v23, $1.000000000e+00;
	v11 =	vmul.f32 v13, v7  }
0x43: {  	v7 =	vsub.f32 v17, v8;
	v13 =	vsub.f32 v19, v14;
	v25 =	vmax.f32 v25, $0.0e+00  }
0x44: {  	v17 =	vadd.f32 v8, v17;
	v14 =	vadd.f32 v14, v19;
	v19 =	vmax.f32 v10, $0.0e+00  }
0x45: {  	v10 =	vsub.f32 v22, v15;
	v22 =	vadd.f32 v15, v22;
	v7 =	vmax.f32 v7, $0.0e+00  }
0x46: {  	s4 =	simm.s32 $0x5020;
	[tilespmem:s1+$0x10] =	vst v21;
	v8 =	vmax.f32 v13, $0.0e+00;
	v16 =	vmax.f32 v17, $0.0e+00;
	v14 =	vmax.f32 v14, $0.0e+00  }
0x47: {  	s5 =	simm.s32 $0x3C20;
	s8 =	simm.s32 $0x20;
	s7 =	simm.s32 $0x1420;
	v15 =	vmax.f32 v10, $0.0e+00;
	v13 =	vmax.f32 v12, $0.0e+00;
	[tilespmem:s4+$0x10] =	vst v11;
	v12 =	vmin.f32 v20, $1.000000000e+00  }
0x48: {  	s6 =	simm.s32 $0x5020;
	s9 =	simm.s32 $0x0;
	s10 =	simm.s32 $0x2860;
	v10 =	vmax.f32 v22, $0.0e+00;
	v11 =	vmin.f32 v25, $1.000000000e+00;
	v17 =	vmin.f32 v19, $1.000000000e+00;
	[tilespmem:s2+$0xFFFFFFE0] =	vst v12  }
.LBB2_2:
0x49: {  	v19 =	vld [tilespmem:s10+$0x10];
	[tilespmem:s3+$0xFFFFFFE0] =	vst v11;
	v7 =	vmin.f32 v7, $1.000000000e+00;
	v8 =	vmin.f32 v8, $1.000000000e+00;
	v16 =	vmin.f32 v16, $1.000000000e+00;
	s1 =	sadd.s32 $0x40, s1  }
0x4a: {  	v14 =	vmin.f32 v14, $1.000000000e+00;
	v15 =	vmin.f32 v15, $1.000000000e+00;
	v13 =	vmin.f32 v13, $1.000000000e+00;
	s2 =	sadd.s32 $0x40, s2;
	v20 =	vld [tilespmem:s1+$0x10];
	[tilespmem:s0+$0xFFFFFFE0] =	vst v18  }
0x4b: {  	s9 =	sadd.s32 $0x40, s9;
	v12 =	vsub.f32 v18, v12;
	v10 =	vmin.f32 v10, $1.000000000e+00;
	v9 =	vmin.f32 v9, $1.000000000e+00;
	s3 =	sadd.s32 $0x40, s3;
	v21 =	vld [tilespmem:s2+$0x10];
	[tilespmem:s5+$0xFFFFFFE0] =	vst v17  }
0x4c: {  	v11 =	vsub.f32 v17, v11;
	p1 =	slt.u32 s9, $0x13C0;
	v17 =	vsub.f32 v16, v7;
	v18 =	vld [tilespmem:s3+$0x10];
	[tilespmem:s8+$0xFFFFFFF0] =	vst v7  }
0x4d: {  	v22 =	vsub.f32 v14, v8;
	v12 =	vmax.f32 v12, $0.0e+00;
	v7 =	vld [tilespmem:s10+$0xFFFFFFE0];
	[tilespmem:s7+$0xFFFFFFF0] =	vst v8;
	v8 =	vsub.f32 v10, v15  }
0x4e: {  	v11 =	vmax.f32 v11, $0.0e+00;
	v17 =	vmax.f32 v17, $0.0e+00;
	v23 =	vld [tilespmem:s1+$0xFFFFFFE0];
	[tilespmem:s0+$0xFFFFFFF0] =	vst v16;
	v16 =	vsub.f32 v9, v13  }
0x4f: {  	v22 =	vmax.f32 v22, $0.0e+00;
	v19 =	vmul.f32 v19, v6;
	v24 =	vld [tilespmem:s10+$0xFFFFFFF0];
	v20 =	vmul.f32 v20, v6;
	[tilespmem:s5+$0xFFFFFFF0] =	vst v14  }
0x50: {  	v11 =	vmul.f32 v11, v12;
	v8 =	vmax.f32 v8, $0.0e+00;
	v14 =	vld [tilespmem:s1+$0xFFFFFFF0];
	v12 =	vmax.f32 v16, $0.0e+00;
	[tilespmem:s8+$0x0] =	vst v15;
	s8 =	smov.u32 s2  }
0x51: {  	v17 =	vmul.f32 v22, v17;
	v16 =	vsub.f32 v21, v19;
	v15 =	vld [tilespmem:s10+$0x0];
	v25 =	vsub.f32 v18, v20;
	[tilespmem:s7+$0x0] =	vst v13;
	s7 =	smov.u32 s3  }
0x52: {  	v19 =	vadd.f32 v19, v21;
	v18 =	vadd.f32 v20, v18;
	v7 =	vmul.f32 v7, v6;
	v13 =	vld [tilespmem:s1+$0x0];
	[tilespmem:s4+$0xFFFFFFE0] =	vst v11  }
0x53: {  	v16 =	vmax.f32 v16, $0.0e+00;
	v11 =	vld [tilespmem:s3+$0xFFFFFFE0];
	v20 =	vmul.f32 v23, v6;
	v21 =	vmax.f32 v25, $0.0e+00;
	[tilespmem:s4+$0xFFFFFFF0] =	vst v17  }
0x54: {  	v19 =	vmax.f32 v19, $0.0e+00;
	v16 =	vmin.f32 v16, $1.000000000e+00;
	v18 =	vmax.f32 v18, $0.0e+00;
	v17 =	vld [tilespmem:s2+$0xFFFFFFF0];
	[tilespmem:s0+$0x0] =	vst v10;
	s0 =	smov.u32 s10  }
0x55: {  	v19 =	vmin.f32 v19, $1.000000000e+00;
	v21 =	vmin.f32 v21, $1.000000000e+00;
	v18 =	vmin.f32 v18, $1.000000000e+00;
	v10 =	vld [tilespmem:s3+$0xFFFFFFF0];
	[tilespmem:s5+$0x0] =	vst v9;
	s5 =	smov.u32 s1  }
0x56: {  	v23 =	vsub.f32 v19, v16;
	v9 =	vmul.f32 v24, v6;
	v24 =	vsub.f32 v18, v21;
	v22 =	vld [tilespmem:s2+$0x0]  }
0x57: {  	v14 =	vmul.f32 v14, v6;
	v15 =	vmul.f32 v15, v6;
	v25 =	vld [tilespmem:s3+$0x0];
	[tilespmem:s2+$0x10] =	vst v16  }
0x58: {  	v23 =	vmax.f32 v23, $0.0e+00;
	v13 =	vmul.f32 v13, v6;
	v24 =	vmax.f32 v24, $0.0e+00;
	v16 =	vld [tilespmem:s2+$0xFFFFFFE0];
	[tilespmem:s3+$0x10] =	vst v21  }
0x59: {  	v21 =	vsub.f32 v11, v20;
	v11 =	vadd.f32 v20, v11;
	v20 =	vmul.f32 v24, v23;
	[tilespmem:s10+$0x10] =	vst v19  }
0x5a: {  	v8 =	vmul.f32 v12, v8;
	s4 =	sadd.s32 $0x40, s4;
	v19 =	vsub.f32 v17, v9;
	v23 =	vsub.f32 v10, v14;
	[tilespmem:s1+$0x10] =	vst v18  }
0x5b: {  	v9 =	vadd.f32 v9, v17;
	v18 =	vmax.f32 v21, $0.0e+00;
	v10 =	vadd.f32 v14, v10;
	[tilespmem:s4+$0x10] =	vst v20  }
0x5c: {  	v17 =	vmax.f32 v11, $0.0e+00;
	v11 =	vsub.f32 v22, v15;
	v12 =	vsub.f32 v25, v13;
	[tilespmem:s6+$0x0] =	vst v8;
	s6 =	smov.u32 s4  }
0x5d: {  	v14 =	vsub.f32 v16, v7;
	v16 =	vadd.f32 v7, v16;
	v7 =	vmax.f32 v19, $0.0e+00  }
.Ltmp2:
0x5e: {  	v8 =	vmax.f32 v23, $0.0e+00;
	v20 =	vadd.f32 v13, v25;
	v19 =	vadd.f32 v15, v22;
	(pc) =	sbr.rel @p1 .LBB2_2-.Ltmp2, $4  }
0x5f: {  	v21 =	vmax.f32 v14, $0.0e+00;
	v22 =	vmax.f32 v16, $0.0e+00;
	v16 =	vmax.f32 v9, $0.0e+00  }
0x60: {  	v15 =	vmax.f32 v11, $0.0e+00;
	v13 =	vmax.f32 v12, $0.0e+00;
	v14 =	vmax.f32 v10, $0.0e+00  }
0x61: {  	v10 =	vmax.f32 v19, $0.0e+00;
	v9 =	vmax.f32 v20, $0.0e+00;
	v12 =	vmin.f32 v21, $1.000000000e+00  }
0x62: {  	s10 =	sadd.s32 $0x40, s10;
	v17 =	vmin.f32 v17, $1.000000000e+00;
	v11 =	vmin.f32 v18, $1.000000000e+00;
	v18 =	vmin.f32 v22, $1.000000000e+00;
	[tilespmem:s2+$0xFFFFFFE0] =	vst v12  }
0x63: {  	[tilespmem:s3+$0xFFFFFFE0] =	vst v11  }
0x64: {  	v7 =	vmin.f32 v7, $1.000000000e+00;
	[tilespmem:s0+$0xFFFFFFE0] =	vst v18  }
0x65: {  	v15 =	vmin.f32 v15, $1.000000000e+00;
	[tilespmem:s8+$0xFFFFFFF0] =	vst v7  }
0x66: {  	[tilespmem:s8+$0x0] =	vst v15  }
0x67: {  	v8 =	vmin.f32 v8, $1.000000000e+00;
	v16 =	vmin.f32 v16, $1.000000000e+00;
	[tilespmem:s5+$0xFFFFFFE0] =	vst v17  }
0x68: {  	v14 =	vmin.f32 v14, $1.000000000e+00;
	v13 =	vmin.f32 v13, $1.000000000e+00;
	v12 =	vsub.f32 v18, v12;
	[tilespmem:s7+$0xFFFFFFF0] =	vst v8  }
0x69: {  	v10 =	vmin.f32 v10, $1.000000000e+00;
	v7 =	vsub.f32 v16, v7;
	v8 =	vsub.f32 v14, v8;
	[tilespmem:s7+$0x0] =	vst v13  }
0x6a: {  	v60 =	vsub.f32 v17, v11;
	v9 =	vmin.f32 v9, $1.000000000e+00;
	v61 =	vsub.f32 v10, v15;
	[tilespmem:s0+$0xFFFFFFF0] =	vst v16  }
0x6b: {  	v62 =	vsub.f32 v9, v13;
	v7 =	vmax.f32 v7, $0.0e+00;
	[tilespmem:s0+$0x0] =	vst v10;
	v8 =	vmax.f32 v8, $0.0e+00  }
0x6c: {  	v12 =	vmax.f32 v12, $0.0e+00;
	v11 =	vmax.f32 v60, $0.0e+00;
	[tilespmem:s5+$0xFFFFFFF0] =	vst v14;
	v7 =	vmul.f32 v8, v7  }
0x6d: {  	v11 =	vmul.f32 v11, v12;
	v63 =	vmax.f32 v62, $0.0e+00;
	[tilespmem:s5+$0x0] =	vst v9;
	v8 =	vmax.f32 v61, $0.0e+00  }
0x6e: {  	[tilespmem:s4+$0xFFFFFFF0] =	vst v7;
	v7 =	vmul.f32 v63, v8  }
0x6f: {  	[tilespmem:s4+$0xFFFFFFE0] =	vst v11  }
0x70: {  	[tilespmem:s6+$0x0] =	vst v7  }
0x71: {  	s1 =	simm.s32 $0x1;
	[bflag:$0x0] =	sbarrier.arrive $0xFFFF  }
0x72: {  	[sflag:s1] =	ssyncset.done $0x0  }
0x73: {  	[smem:s11], [sflag:$0x1] =	smem.add.s32 $0x1  }
0x74: {  	_ =	swait.done [sflag:s1]  }
0x75: {  	s0 =	ssyncread [sflag:$0x1];
	_ =	sdelay $0x2  }
0x76: {  	p0 =	sgt.s32 s0, $0x27  }
.Ltmp3:
0x77: {  	_ = 	snop;
	(pc) =	sbr.rel @p0 .LBB2_69-.Ltmp3, $4  }
.Ltmp4:
0x78: {  	_ = 	snop;
	(pc) =	sbr.rel @!p0 .LBB2_4-.Ltmp4, $4  }
0x79: {  	_ = 	snop  }
0x7a: {  	[sflag:s1] =	ssyncset.s32 $0x0  }
0x7b: {  	[sflag:s1] =	ssyncset.done $0x0  }
0x7c: {  	_ = 	snop  }
.LBB2_68:
0x7d: {  	s0 =	rddreg [dreg:$0xa]  }
0x7e: {  	s0 =	smul.u32 $0x3400, s0;
	_ =	sdelay $0x1  }
0x7f: {  	s1 =	rddreg [dreg:$0x2];
	s0 =	sshrl.u32 s0, $0x3  }
0x80: {  	s18 =	simm.s32 $0x0;
	s0 =	sadd.s32 s1, s0  }
0x81: {  	[hbm4b:s0+s18] =	stream.linear.scatter [tilespmem:s24], [sflag:$0x3], $0x3200, $0x38;
	[tilespmem:$0x1B600] =	vst v63  }
0x82: {  	_ =	swait.ge [sflag:s19], $0x3200  }
0x83: {  	[sflag:s19] =	ssyncset.done $0x0  }
0x84: {  	s2 =	simm.s32 $0x2;
	[sflag:s19] =	ssyncadd.s32 $0xFFFFCE00  }
0x85: {  	[sflag:s2] =	ssyncset.done $0x0  }
0x86: {  	[smem:s18], [sflag:$0x2] =	smem.add.s32 $0x1  }
0x87: {  	_ =	swait.done [sflag:s2]  }
0x88: {  	s0 =	ssyncread [sflag:$0x2];
	_ =	sdelay $0x2  }
0x89: {  	p0 =	slt.s32 s0, $0x28  }
.Ltmp5:
0x8a: {  	_ = 	snop;
	(pc) =	sbr.rel @!p0 .LBB2_69-.Ltmp5, $3  }
0x8b: {  	_ =	sdelay $0x1  }
0x8c: {  	[sflag:s2] =	ssyncset.s32 $0x0  }
0x8d: {  	s11 =	simm.s32 $0x0;
	[sflag:s2] =	ssyncset.done $0x0  }
.LBB2_4:
0x8e: {  	s1 =	rddreg [dreg:$0x7]  }
0x8f: {  	s0 =	sadd.s32 s1, s0  }
0x90: {  	[dreg:$0xa] =	wrdreg s0;
	s0 =	sadd.s32 $0x5, s0  }
0x91: {  	s4 =	sshrl.u32 s0, $0x3  }
0x92: {  	s0 =	sshll.u32 s0, $0x7;
	s1 =	smul.u32 $0xA000, s4  }
0x93: {  	s0 =	sand.u32 $0x380, s0  }
0x94: {  	s0 =	sor.u32 s0, s1  }
0x95: {  	s5 =	rddreg [dreg:$0x0];
	s6 =	simm.s32 $0x80;
	s0 =	sshrl.u32 s0, $0x3  }
0x96: {  	s2 =	simm.s32 $0x400;
	s3 =	simm.s32 $0x7800;
	s0 =	sadd.s32 s5, s0  }
0x97: {  	[tilespmem:s3], [sflag:$0x3] =	stream.strided.gather [hbm4b:s0+s6], $0x1400, s2, s6, $0x38;
	[tilespmem:$0x1B600] =	vst v63  }
0x98: {  	_ =	swait.ge [sflag:s19], $0x1400  }
0x99: {  	[sflag:s19] =	ssyncset.done $0x0  }
0x9a: {  	s7 =	simm.s32 $0x7810;
	[sflag:s19] =	ssyncadd.s32 $0xFFFFEC00  }
0x9b: {  	v7 =	vld [tilespmem:s7+$0x0]  }
0x9c: {  	s8 =	simm.s32 $0x6410;
	v8 =	vld [tilespmem:s7+$0xFFFFFFF0]  }
0x9d: {  	v9 =	vld [tilespmem:s8+$0xFFFFFFF0]  }
0x9e: {  	v10 =	vld [tilespmem:s8+$0x0];
	_ =	sdelay $0x3  }
0x9f: {  	v8 =	vmul.f32 v9, v8  }
0xa0: {  	v7 =	vmul.f32 v10, v7  }
0xa1: {  	vm5 =	vgt.f32 v8, $6.499999760e-01  }
0xa2: {  	s10 =	simm.s32 $0x6430;
	vm7 =	vgt.f32 v7, $6.499999760e-01;
	v9 =	vmpcnt.ones.xlane vm5  }
0xa3: {  	v11 =	vld [tilespmem:s10+$0xFFFFFFF0];
	v10 =	vmpcnt.ones.xlane vm7  }
0xa4: {  	s9 =	simm.s32 $0x7830;
	v12 =	vld [tilespmem:s10+$0x0];
	(v2sf) =	vpush v9, $0x0  }
0xa5: {  	(v2sf) =	vpush v10, $0x0;
	v10 =	vld [tilespmem:s9+$0xFFFFFFF0]  }
0xa6: {  	v9 =	vld [tilespmem:s9+$0x0]  }
0xa7: {  	s4 =	simm.s32 $0x0;
	vm5 =	vmmov vm5  }
0xa8: {  	s11 =	simm.s32 $0x10;
	[tilespmem:s4+$0xC000] =	vst.msk vm5, v8  }
0xa9: {  	v8 =	vld [tilespmem:s11+$0xFFFFFFF0]  }
0xaa: {  	v10 =	vmul.f32 v11, v10  }
0xab: {  	v9 =	vmul.f32 v12, v9  }
0xac: {  	vm8 =	vgt.f32 v10, $6.499999760e-01  }
0xad: {  	vm6 =	vgt.f32 v9, $6.499999760e-01;
	v11 =	vmpcnt.ones.xlane vm8  }
0xae: {  	[tilespmem:s4+$0xD480] =	vst.msk vm5, v8;
	v8 =	vmpcnt.ones.xlane vm6  }
0xaf: {  	(v2sf) =	vpush v11, $0x0  }
0xb0: {  	(v2sf) =	vpush v8, $0x0;
	_ =	sdelay $0x4  }
0xb1: {  	s12 =	simm.s32 $0x1410  }
0xb2: {  	s6 =	simm.s32 $0x6450;
	v12 =	vld [tilespmem:s12+$0xFFFFFFF0]  }
0xb3: {  	s5 =	simm.s32 $0x7850;
	v11 =	vld [tilespmem:s6+$0xFFFFFFF0]  }
0xb4: {  	v8 =	vld [tilespmem:s5+$0xFFFFFFF0];
	s13 =	spop (v2sf)  }
0xb5: {  	vm7 =	vmmov vm7;
	s2 =	sadd.s32 $0x0, s13  }
0xb6: {  	v13 =	vld [tilespmem:s6+$0x0];
	[tilespmem:s2+$0xC000] =	vst.msk vm7, v7  }
0xb7: {  	vm5 =	vmmov vm5;
	v7 =	vld [tilespmem:s11+$0x0]  }
0xb8: {  	[tilespmem:s4+$0xE900] =	vst.msk vm5, v12;
	v12 =	vld [tilespmem:s5+$0x0]  }
0xb9: {  	s8 =	simm.s32 $0x2810;
	s14 =	spop (v2sf);
	v8 =	vmul.f32 v11, v8  }
0xba: {  	vm8 =	vmmov vm8;
	s1 =	sadd.s32 s2, s14;
	v11 =	vld [tilespmem:s8+$0xFFFFFFF0];
	s17 =	spop (v2sf)  }
0xbb: {  	vm9 =	vmmov vm7;
	[tilespmem:s1+$0xC000] =	vst.msk vm8, v10;
	vm7 =	vgt.f32 v8, $6.499999760e-01;
	s0 =	sadd.s32 s1, s17;
	s18 =	spop (v2sf)  }
0xbc: {  	[tilespmem:s2+$0xD480] =	vst.msk vm9, v7;
	v7 =	vmpcnt.ones.xlane vm7;
	vm7 =	vmmov vm7;
	s11 =	sadd.s32 s0, s18  }
0xbd: {  	s7 =	simm.s32 $0x30;
	[tilespmem:s11+$0xC000] =	vst.msk vm7, v8;
	v8 =	vmul.f32 v13, v12  }
0xbe: {  	s16 =	simm.s32 $0x7870;
	v10 =	vld [tilespmem:s7+$0xFFFFFFF0]  }
0xbf: {  	v15 =	vld [tilespmem:s16+$0xFFFFFFF0];
	vm10 =	vmmov vm5;
	s6 =	simm.s32 $0x6470;
	[tilespmem:s4+$0xFD80] =	vst.msk vm5, v11;
	vm5 =	vgt.f32 v8, $6.499999760e-01  }
0xc0: {  	v16 =	vld [tilespmem:s6+$0xFFFFFFF0];
	v12 =	vmpcnt.ones.xlane vm5  }
0xc1: {  	v17 =	vld [tilespmem:s6+$0x0];
	(v2sf) =	vpush v7, $0x0  }
0xc2: {  	v11 =	vld [tilespmem:s16+$0x0];
	(v2sf) =	vpush v12, $0x0  }
0xc3: {  	s15 =	simm.s32 $0x1430;
	[tilespmem:s1+$0xD480] =	vst.msk vm8, v10;
	v10 =	vld [tilespmem:s12+$0x0]  }
0xc4: {  	s10 =	simm.s32 $0x3C10;
	v14 =	vld [tilespmem:s15+$0xFFFFFFF0]  }
0xc5: {  	vm11 =	vmmov vm6;
	v7 =	vld [tilespmem:s10+$0xFFFFFFF0]  }
0xc6: {  	[tilespmem:s0+$0xC000] =	vst.msk vm11, v9  }
0xc7: {  	vm13 =	vmmov vm9;
	s9 =	simm.s32 $0x50;
	v18 =	vld [tilespmem:s7+$0x0]  }
0xc8: {  	vm6 =	vmmov vm8;
	[tilespmem:s2+$0xE900] =	vst.msk vm13, v10;
	v10 =	vld [tilespmem:s9+$0xFFFFFFF0]  }
0xc9: {  	v9 =	vmul.f32 v16, v15;
	[tilespmem:s1+$0xE900] =	vst.msk vm6, v14;
	v13 =	vld [tilespmem:s8+$0x0];
	s8 =	simm.s32 $0x2830  }
0xca: {  	[tilespmem:s4+$0x11200] =	vst.msk vm10, v7;
	v7 =	vmul.f32 v17, v11;
	v15 =	vld [tilespmem:s8+$0xFFFFFFF0]  }
0xcb: {  	vm14 =	vmmov vm11;
	s5 =	simm.s32 $0x5010;
	vm12 =	vgt.f32 v9, $6.499999760e-01  }
0xcc: {  	v14 =	vld [tilespmem:s5+$0xFFFFFFF0];
	v62 =	vmpcnt.ones.xlane vm12;
	vm11 =	vgt.f32 v7, $6.499999760e-01;
	[tilespmem:s0+$0xD480] =	vst.msk vm14, v18  }
0xcd: {  	s7 =	simm.s32 $0x1450;
	v63 =	vmpcnt.ones.xlane vm11;
	[tilespmem:s11+$0xD480] =	vst.msk vm7, v10;
	v11 =	vld [tilespmem:s15+$0x0]  }
0xce: {  	[tilespmem:s2+$0xFD80] =	vst.msk vm13, v13;
	(v2sf) =	vpush v62, $0x0;
	v12 =	vld [tilespmem:s7+$0xFFFFFFF0]  }
0xcf: {  	s13 =	simm.s32 $0xA0;
	[tilespmem:s1+$0xFD80] =	vst.msk vm6, v15;
	v10 =	vld [tilespmem:s10+$0x0];
	s10 =	simm.s32 $0x3C30;
	(v2sf) =	vpush v63, $0x0  }
0xd0: {  	s12 =	simm.s32 $0x7890;
	vm8 =	vmmov vm13;
	s3 =	smov.u32 s11;
	vm9 =	vmmov vm5;
	vm5 =	vmmov vm14;
	v13 =	vld [tilespmem:s10+$0xFFFFFFF0];
	s14 =	spop (v2sf)  }
.LBB2_5:
0xd1: {  	s13 =	sadd.s32 $0x20, s13;
	v15 =	vld [tilespmem:s12+$0x0];
	s14 =	sadd.s32 s11, s14;
	s11 =	spop (v2sf);
	[tilespmem:s4+$0x12680] =	vst.msk vm10, v14;
	vm10 =	vmmov vm6;
	vm6 =	vmmov vm7;
	vm7 =	vmmov vm12  }
0xd2: {  	s6 =	sadd.s32 $0x20, s6;
	vm13 =	vmmov vm9;
	p1 =	slt.u32 s13, $0x13E0;
	v14 =	vld [tilespmem:s12+$0xFFFFFFF0];
	[tilespmem:s14+$0xC000] =	vst.msk vm9, v8;
	s11 =	sadd.s32 s14, s11;
	v8 =	vmov v7;
	vm9 =	vmmov vm11  }
0xd3: {  	s15 =	smov.u32 s0;
	s4 =	smov.u32 s1;
	s0 =	smov.u32 s14;
	v7 =	vld [tilespmem:s6+$0xFFFFFFF0];
	[tilespmem:s11+$0xC000] =	vst.msk vm7, v9  }
0xd4: {  	s1 =	smov.u32 s3;
	s3 =	smov.u32 s11;
	v16 =	vld [tilespmem:s6+$0x0];
	[tilespmem:s15+$0xE900] =	vst.msk vm5, v11  }
0xd5: {  	[tilespmem:s1+$0xE900] =	vst.msk vm6, v12;
	v11 =	vld [tilespmem:s9+$0x0];
	s9 =	sadd.s32 $0x20, s9  }
0xd6: {  	v12 =	vld [tilespmem:s9+$0xFFFFFFF0];
	[tilespmem:s2+$0x11200] =	vst.msk vm8, v10  }
0xd7: {  	[tilespmem:s4+$0x11200] =	vst.msk vm10, v13;
	v10 =	vld [tilespmem:s8+$0x0];
	s8 =	sadd.s32 $0x20, s8  }
0xd8: {  	v9 =	vmul.f32 v7, v14;
	v13 =	vld [tilespmem:s8+$0xFFFFFFF0]  }
0xd9: {  	v7 =	vmul.f32 v16, v15;
	v15 =	vld [tilespmem:s5+$0x0];
	s5 =	sadd.s32 $0x20, s5  }
.Ltmp6:
0xda: {  	vm12 =	vgt.f32 v9, $6.499999760e-01;
	[tilespmem:s0+$0xD480] =	vst.msk vm13, v11;
	v14 =	vld [tilespmem:s5+$0xFFFFFFF0];
	(pc) =	sbr.rel @p1 .LBB2_5-.Ltmp6, $4  }
0xdb: {  	v16 =	vmpcnt.ones.xlane vm12;
	vm11 =	vgt.f32 v7, $6.499999760e-01;
	[tilespmem:s11+$0xD480] =	vst.msk vm7, v12;
	v11 =	vld [tilespmem:s7+$0x0];
	s7 =	sadd.s32 $0x20, s7  }
0xdc: {  	v17 =	vmpcnt.ones.xlane vm11;
	v12 =	vld [tilespmem:s7+$0xFFFFFFF0];
	[tilespmem:s15+$0xFD80] =	vst.msk vm5, v10  }
0xdd: {  	(v2sf) =	vpush v16, $0x0;
	[tilespmem:s1+$0xFD80] =	vst.msk vm6, v13;
	v10 =	vld [tilespmem:s10+$0x0];
	s10 =	sadd.s32 $0x20, s10  }
0xde: {  	s12 =	sadd.s32 $0x20, s12;
	(v2sf) =	vpush v17, $0x0;
	s14 =	spop (v2sf);
	v13 =	vld [tilespmem:s10+$0xFFFFFFF0];
	[tilespmem:s2+$0x12680] =	vst.msk vm8, v15;
	vm8 =	vmmov vm5;
	vm5 =	vmmov vm13;
	s2 =	smov.u32 s15  }
0xdf: {  	v15 =	vld [tilespmem:s12+$0x0]  }
0xe0: {  	v16 =	vld [tilespmem:s12+$0xFFFFFFF0];
	s6 =	sadd.s32 $0x20, s6  }
0xe1: {  	v17 =	vld [tilespmem:s6+$0xFFFFFFF0]  }
0xe2: {  	s12 =	sadd.s32 $0x20, s12;
	v18 =	vld [tilespmem:s6+$0x0]  }
0xe3: {  	v19 =	vld [tilespmem:s12+$0xFFFFFFF0];
	s13 =	sadd.s32 $0x20, s6  }
0xe4: {  	[tilespmem:s4+$0x12680] =	vst.msk vm10, v14;
	v20 =	vld [tilespmem:s13+$0xFFFFFFF0]  }
0xe5: {  	s6 =	sadd.s32 s11, s14;
	s14 =	spop (v2sf);
	[tilespmem:s0+$0xE900] =	vst.msk vm5, v11  }
0xe6: {  	vm13 =	vmmov vm12;
	[tilespmem:s6+$0xC000] =	vst.msk vm9, v8;
	s4 =	sadd.s32 s6, s14;
	v14 =	vmul.f32 v17, v16  }
0xe7: {  	vm14 =	vmmov vm7;
	[tilespmem:s4+$0xC000] =	vst.msk vm13, v9;
	v9 =	vld [tilespmem:s9+$0x0]  }
0xe8: {  	s16 =	sadd.s32 $0x20, s8;
	[tilespmem:s3+$0xE900] =	vst.msk vm14, v12;
	v12 =	vld [tilespmem:s8+$0x0];
	v8 =	vmul.f32 v18, v15;
	vm15 =	vgt.f32 v14, $6.499999760e-01  }
0xe9: {  	s15 =	sadd.s32 $0x20, s9;
	[tilespmem:s2+$0x11200] =	vst.msk vm8, v10;
	v10 =	vld [tilespmem:s16+$0xFFFFFFF0];
	v15 =	vmul.f32 v20, v19;
	v60 =	vmpcnt.ones.xlane vm15  }
0xea: {  	vm6 =	vmmov vm6;
	vm9 =	vmmov vm9;
	v11 =	vld [tilespmem:s15+$0xFFFFFFF0];
	vm12 =	vgt.f32 v8, $6.499999760e-01  }
0xeb: {  	s17 =	sadd.s32 $0x20, s5;
	[tilespmem:s1+$0x11200] =	vst.msk vm6, v13;
	v13 =	vld [tilespmem:s5+$0x0];
	v61 =	vmpcnt.ones.xlane vm12;
	vm10 =	vgt.f32 v15, $6.499999760e-01;
	(v2sf) =	vpush v60, $0x0  }
0xec: {  	[tilespmem:s6+$0xD480] =	vst.msk vm9, v9;
	v9 =	vld [tilespmem:s17+$0xFFFFFFF0];
	v62 =	vmpcnt.ones.xlane vm10  }
0xed: {  	[tilespmem:s0+$0xFD80] =	vst.msk vm5, v12;
	(v2sf) =	vpush v61, $0x0  }
0xee: {  	[tilespmem:s3+$0xFD80] =	vst.msk vm14, v10;
	v10 =	vld [tilespmem:s10+$0x0];
	(v2sf) =	vpush v62, $0x0  }
0xef: {  	s10 =	sadd.s32 $0x20, s10;
	[tilespmem:s4+$0xD480] =	vst.msk vm13, v11;
	v11 =	vld [tilespmem:s7+$0x0]  }
0xf0: {  	v12 =	vld [tilespmem:s10+$0xFFFFFFF0];
	[tilespmem:s2+$0x12680] =	vst.msk vm8, v13;
	s18 =	spop (v2sf)  }
0xf1: {  	vm0 =	vmmov vm11;
	s11 =	sadd.s32 $0x20, s7;
	v13 =	vld [tilespmem:s12+$0x0];
	[tilespmem:s1+$0x12680] =	vst.msk vm6, v9;
	s2 =	sadd.s32 s4, s18  }
0xf2: {  	vm8 =	vmmov vm9;
	vm9 =	vmmov vm5;
	v63 =	vld [tilespmem:s11+$0xFFFFFFF0];
	[tilespmem:s2+$0xC000] =	vst.msk vm0, v7  }
0xf3: {  	[tilespmem:s0+$0x11200] =	vst.msk vm9, v10;
	s14 =	spop (v2sf);
	v9 =	vld [tilespmem:s15+$0x0]  }
0xf4: {  	vm7 =	vmmov vm15;
	v10 =	vld [tilespmem:s17+$0x0];
	s1 =	sadd.s32 s2, s14  }
0xf5: {  	v7 =	vld [tilespmem:s13+$0x0];
	[tilespmem:s1+$0xC000] =	vst.msk vm7, v14;
	s15 =	sadd.s32 $0x20, s15  }
0xf6: {  	vm6 =	vmmov vm13;
	[tilespmem:s6+$0xE900] =	vst.msk vm8, v11;
	v11 =	vld [tilespmem:s15+$0xFFFFFFF0]  }
0xf7: {  	vm5 =	vmmov vm0;
	[tilespmem:s4+$0xE900] =	vst.msk vm6, v63;
	s13 =	sadd.s32 $0x20, s16  }
0xf8: {  	vm11 =	vmmov vm14;
	[tilespmem:s2+$0xD480] =	vst.msk vm5, v9;
	v9 =	vld [tilespmem:s13+$0xFFFFFFF0]  }
0xf9: {  	[tilespmem:s3+$0x11200] =	vst.msk vm11, v12  }
0xfa: {  	v14 =	vld [tilespmem:s16+$0x0];
	[tilespmem:s0+$0x12680] =	vst.msk vm9, v10;
	s16 =	spop (v2sf)  }
0xfb: {  	s9 =	sadd.s32 $0x20, s17;
	vm0 =	vmmov vm12;
	v7 =	vmul.f32 v7, v13;
	[tilespmem:s1+$0xD480] =	vst.msk vm7, v11;
	s5 =	sadd.s32 s1, s16  }
0xfc: {  	v11 =	vld [tilespmem:s9+$0xFFFFFFF0];
	s17 =	spop (v2sf);
	[tilespmem:s5+$0xC000] =	vst.msk vm0, v8  }
0xfd: {  	vm10 =	vmmov vm10;
	vm12 =	vgt.f32 v7, $6.499999760e-01;
	[tilespmem:s4+$0xFD80] =	vst.msk vm6, v9;
	s7 =	sadd.s32 s5, s17;
	s18 =	spop (v2sf);
	v8 =	vld [tilespmem:s15+$0x0]  }
0xfe: {  	s12 =	sadd.s32 $0x20, s15;
	vm13 =	vmmov vm12;
	v9 =	vld [tilespmem:s11+$0x0];
	[tilespmem:s7+$0xC000] =	vst.msk vm10, v15;
	s8 =	sadd.s32 s7, s18  }
0xff: {  	v12 =	vmpcnt.ones.xlane vm12;
	v13 =	vld [tilespmem:s12+$0xFFFFFFF0];
	[tilespmem:s8+$0xC000] =	vst.msk vm13, v7  }
0x100: {  	[tilespmem:s6+$0xFD80] =	vst.msk vm8, v14;
	s11 =	sadd.s32 $0x20, s11;
	v7 =	vld [tilespmem:s12+$0x0]  }
0x101: {  	(v2sf) =	vpush v12, $0x0;
	v10 =	vld [tilespmem:s11+$0xFFFFFFF0];
	[tilespmem:s3+$0x12680] =	vst.msk vm11, v11;
	vm0 =	vmmov vm0  }
0x102: {  	v11 =	vld [tilespmem:s10+$0x0];
	vm11 =	vmmov vm5;
	[tilespmem:s5+$0xD480] =	vst.msk vm0, v8  }
0x103: {  	s15 =	sadd.s32 $0x20, s10;
	[tilespmem:s2+$0xE900] =	vst.msk vm11, v9;
	v8 =	vld [tilespmem:s11+$0x0]  }
0x104: {  	vm14 =	vmmov vm13;
	s14 =	sadd.s32 $0x20, s11;
	v9 =	vld [tilespmem:s15+$0xFFFFFFF0];
	[tilespmem:s7+$0xD480] =	vst.msk vm10, v13  }
0x105: {  	vm9 =	vmmov vm7;
	v12 =	vld [tilespmem:s14+$0xFFFFFFF0];
	[tilespmem:s8+$0xD480] =	vst.msk vm14, v7  }
0x106: {  	vm13 =	vmmov vm8;
	[tilespmem:s1+$0xE900] =	vst.msk vm9, v10;
	v7 =	vld [tilespmem:s14+$0x0]  }
0x107: {  	s16 =	sadd.s32 $0x20, s13;
	vm12 =	vmmov vm0;
	[tilespmem:s6+$0x11200] =	vst.msk vm13, v11;
	v10 =	vld [tilespmem:s13+$0x0]  }
0x108: {  	vm5 =	vmmov vm6;
	v11 =	vld [tilespmem:s16+$0xFFFFFFF0];
	[tilespmem:s5+$0xE900] =	vst.msk vm12, v8  }
0x109: {  	vm8 =	vmmov vm10;
	[tilespmem:s4+$0x11200] =	vst.msk vm5, v9;
	v8 =	vld [tilespmem:s16+$0x0]  }
0x10a: {  	vm7 =	vmmov vm14;
	s0 =	sadd.s32 $0x20, s16;
	v9 =	vld [tilespmem:s9+$0x0];
	[tilespmem:s7+$0xE900] =	vst.msk vm8, v12  }
0x10b: {  	v12 =	vld [tilespmem:s0+$0xFFFFFFF0];
	[tilespmem:s8+$0xE900] =	vst.msk vm7, v7  }
0x10c: {  	[tilespmem:s2+$0xFD80] =	vst.msk vm11, v10;
	v7 =	vld [tilespmem:s0+$0x0]  }
0x10d: {  	s17 =	sadd.s32 $0x20, s15;
	[tilespmem:s1+$0xFD80] =	vst.msk vm9, v11;
	v10 =	vld [tilespmem:s15+$0x0]  }
0x10e: {  	v11 =	vld [tilespmem:s17+$0xFFFFFFF0];
	[tilespmem:s5+$0xFD80] =	vst.msk vm12, v8  }
0x10f: {  	s9 =	sadd.s32 $0x20, s9;
	[tilespmem:s6+$0x12680] =	vst.msk vm13, v9;
	v8 =	vld [tilespmem:s17+$0x0]  }
0x110: {  	s18 =	spop (v2sf);
	v9 =	vld [tilespmem:s9+$0xFFFFFFF0];
	s0 =	sadd.s32 $0x20, s17;
	[tilespmem:s7+$0xFD80] =	vst.msk vm8, v12  }
0x111: {  	vm6 =	vmmov vm11;
	s10 =	sadd.s32 s8, s18;
	v12 =	vld [tilespmem:s0+$0xFFFFFFF0];
	[tilespmem:s8+$0xFD80] =	vst.msk vm7, v7  }
0x112: {  	vm0 =	vmmov vm9;
	s11 =	sadd.s32 $0xF, s10;
	[tilespmem:s2+$0x11200] =	vst.msk vm6, v10;
	v7 =	vld [tilespmem:s0+$0x0]  }
0x113: {  	vm15 =	vmmov vm12;
	s12 =	sadd.s32 $0x20, s9;
	s13 =	sand.u32 $0xF, s11;
	[tilespmem:s1+$0x11200] =	vst.msk vm0, v11;
	v10 =	vld [tilespmem:s9+$0x0]  }
0x114: {  	s14 =	sshra.s32 s11, $0x1F;
	p0 =	slt.s32 s11, $0x1;
	p1 =	sne.s32 s13, $0x0;
	v11 =	vld [tilespmem:s12+$0xFFFFFFF0];
	[tilespmem:s5+$0x11200] =	vst.msk vm15, v8  }
0x115: {  	s15 =	sadd.s32 $0x20, s12;
	s3 =	sshrl.u32 s14, $0x1C;
	p0 =	por !p0, !p1;
	[tilespmem:s4+$0x12680] =	vst.msk vm5, v9;
	vm8 =	vmmov vm8;
	v8 =	vld [tilespmem:s12+$0x0]  }
0x116: {  	p0 =	por !p0, !p0;
	vm7 =	vmmov vm7;
	s0 =	sadd.s32 s3, s11;
	s3 =	simm.s32 $0x1;
	[tilespmem:s7+$0x11200] =	vst.msk vm8, v12  }
0x117: {  	s0 =	sshra.s32 s0, $0x4;
	s3 =	simm.s32 @!p0 $0x0;
	v12 =	vld [tilespmem:s15+$0xFFFFFFF0];
	[tilespmem:s8+$0x11200] =	vst.msk vm7, v7  }
0x118: {  	[tilespmem:s2+$0x12680] =	vst.msk vm6, v10;
	s0 =	ssub.s32 s0, s3;
	v7 =	vld [tilespmem:s15+$0x0]  }
0x119: {  	[tilespmem:s1+$0x12680] =	vst.msk vm0, v11;
	s16 =	sshll.u32 s0, $0x6  }
.Ltmp7:
0x11a: {  	s14 =	sshll.u32 s0, $0x4;
	s17 =	sshra.s32 s16, $0x2;
	[tilespmem:s5+$0x12680] =	vst.msk vm15, v8;
	(pc) =	sbr.rel .LBB2_7-.Ltmp7, $4  }
0x11b: {  	s0 =	sand.u32 $0xFFFFFFC0, s14;
	s18 =	sand.u32 $0xFFFFFFC0, s17;
	[dreg:$0xb] =	wrdreg s17  }
0x11c: {  	vm1 =	vcmask $0x3F14;
	v9 =	vimm.f32 $0.0e+00;
	p1 =	slt.s32 s14, $0x40;
	p2 =	seq.s32 s0, s14;
	s1 =	sadd.s32 $0x12680, s18;
	[tilespmem:s7+$0x12680] =	vst.msk vm8, v12  }
0x11d: {  	v10 =	vimm.f32 $0.0e+00;
	v11 =	vimm.f32 $0.0e+00;
	s2 =	sadd.s32 $0x11200, s18;
	s3 =	sadd.s32 $0xFD80, s18;
	s4 =	sadd.s32 $0xE900, s18;
	v8 =	vimm.f32 $0.0e+00;
	[tilespmem:s8+$0x12680] =	vst.msk vm7, v7  }
0x11e: {  	s6 =	sadd.s32 $0xC000, s18;
	s5 =	sadd.s32 $0xD480, s18;
	v12 =	vimm.f32 $0.0e+00;
	v7 =	vimm.f32 $+Inf;
	s7 =	simm.s32 $0x0;
	vm7 =	vcmask $0x3F10;
	[tilespmem:s10+$0xC000] =	vst v0  }
.LBB2_11:
0x11f: {  	v8 =	vperm.xlane v13, v1;
	_ =	sdelay $0x1  }
0x120: {  	v8 =	vmax.f32 v13, v8  }
0x121: {  	v9 =	vperm.xlane v8, v2;
	_ =	sdelay $0x1  }
0x122: {  	v8 =	vmax.f32 v8, v9  }
0x123: {  	v9 =	vperm.xlane v8, v3;
	_ =	sdelay $0x1  }
0x124: {  	v8 =	vmax.f32 v8, v9  }
0x125: {  	v9 =	vperm.xlane v8, v4;
	_ =	sdelay $0x1  }
0x126: {  	v15 =	vmax.f32 v8, v9  }
0x127: {  	v8 =	vadd.s32 v5, v14;
	vm0 =	veq.f32 v13, v15  }
0x128: {  	v8 =	vnsel vm0, $0x40000000, v8  }
0x129: {  	v9 =	vperm.xlane v8, v1;
	_ =	sdelay $0x1  }
0x12a: {  	vm0 =	vlt.s32 v8, v9  }
0x12b: {  	v8 =	vsel vm0, v8, v9  }
0x12c: {  	v9 =	vperm.xlane v8, v2;
	_ =	sdelay $0x1  }
0x12d: {  	vm0 =	vlt.s32 v8, v9  }
0x12e: {  	v8 =	vsel vm0, v8, v9  }
0x12f: {  	v9 =	vperm.xlane v8, v3;
	_ =	sdelay $0x1  }
0x130: {  	vm0 =	vlt.s32 v8, v9  }
0x131: {  	v8 =	vsel vm0, v8, v9  }
0x132: {  	v9 =	vperm.xlane v8, v4;
	_ =	sdelay $0x1  }
0x133: {  	vm0 =	vlt.s32 v8, v9  }
0x134: {  	v12 =	vsel vm0, v8, v9;
	_ =	sdelay $0x4  }
0x135: {  	v8 =	vld.idx.msk [tilespmem:v12+s22+$0x0], $0xffff  }
0x136: {  	v9 =	vld.idx.msk [tilespmem:v12+s21+$0x0], $0xffff  }
0x137: {  	v10 =	vld.idx.msk [tilespmem:v12+s20+$0x0], $0xffff  }
0x138: {  	v11 =	vld.idx.msk [tilespmem:v12+s31+$0x0], $0xffff  }
0x139: {  	s8 =	sshll.u32 s7, $0x7;
	s7 =	sadd.s32 $0x1, s7;
	v13 =	vsel vm1, $0x3F800000, v15  }
0x13a: {  	p0 =	sne.s32 s7, $0x32;
	v14 =	vor.u32 s8, v5;
	v13 =	vsel vm7, v13, v8  }
.Ltmp8:
0x13b: {  	v13 =	vsel vm2, v13, v9;
	(pc) =	sbr.rel @!p0 .LBB2_12-.Ltmp8, $4  }
0x13c: {  	vm5 =	vgt.f32 v15, $-Inf;
	vm0 =	vlt.f32 v15, $-Inf;
	v13 =	vsel vm3, v13, v10  }
0x13d: {  	vm0 =	vmor vm5, vm0;
	v13 =	vsel vm4, v11, v13  }
0x13e: {  	v13 =	vnsel vm0, $0x0, v13  }
0x13f: {  	v7 =	vmin.f32 v7, v15;
	v12 =	vld.idx.msk [tilespmem:v12+s23+$0x0], $0xffff;
	[tilespmem:v14+s24+$0x0] =	vst.idx.msk $0x3f, v13  }
.LBB2_7:
.Ltmp9:
0x140: {  	(pc) =	sbr.rel @p1 .LBB2_8-.Ltmp9, $1  }
0x141: {  	_ =	sdelay $0x3  }
0x142: {  	s16 =	simm.s32 $0x126A0  }
0x143: {  	v14 =	vld [tilespmem:s16+$0x0]  }
0x144: {  	s10 =	simm.s32 $0xD4A0;
	v16 =	vld [tilespmem:s16+$0xFFFFFFF0]  }
0x145: {  	s11 =	simm.s32 $0xE920;
	v18 =	vld [tilespmem:s10+$0x10]  }
0x146: {  	s12 =	simm.s32 $0xFDA0;
	v19 =	vld [tilespmem:s11+$0x10]  }
0x147: {  	s13 =	simm.s32 $0x11220;
	v21 =	vld [tilespmem:s12+$0x10]  }
0x148: {  	v23 =	vld [tilespmem:s13+$0x10]  }
0x149: {  	v22 =	vld [tilespmem:s16+$0xFFFFFFE0]  }
0x14a: {  	v24 =	vld [tilespmem:s10+$0x0]  }
0x14b: {  	v25 =	vld [tilespmem:s11+$0x0]  }
0x14c: {  	v27 =	vld [tilespmem:s12+$0x0]  }
0x14d: {  	v29 =	vld [tilespmem:s13+$0x0]  }
0x14e: {  	v30 =	vld [tilespmem:s10+$0xFFFFFFF0]  }
0x14f: {  	v31 =	vld [tilespmem:s11+$0xFFFFFFF0]  }
0x150: {  	v32 =	vld [tilespmem:s10+$0xFFFFFFE0]  }
0x151: {  	v33 =	vld [tilespmem:s11+$0xFFFFFFE0]  }
0x152: {  	v15 =	vimm.f32 $-Inf;
	v34 =	vld [tilespmem:s12+$0xFFFFFFE0]  }
0x153: {  	v13 =	vimm.s32 $0x0;
	v35 =	vld [tilespmem:s13+$0xFFFFFFE0];
	v14 =	vadd.f32 v14, v12;
	v17 =	vadd.f32 v16, v12  }
0x154: {  	v38 =	vld [tilespmem:s12+$0xFFFFFFF0];
	v36 =	vmax.f32 v11, v18;
	v20 =	vmax.f32 v10, v19;
	v37 =	vmin.f32 v9, v21  }
0x155: {  	s9 =	simm.s32 $0xC020;
	p0 =	sgt.s32 s0, $0x40;
	v39 =	vld [tilespmem:s13+$0xFFFFFFF0];
	v22 =	vadd.f32 v22, v12;
	v23 =	vmin.f32 v8, v23;
	v26 =	vmax.f32 v11, v24  }
.Ltmp10:
0x156: {  	v24 =	vmax.f32 v10, v25;
	v28 =	vmin.f32 v9, v27;
	v25 =	vmin.f32 v8, v29;
	v16 =	vld [tilespmem:s9+$0x10];
	(pc) =	sbr.rel @!p0 .LBB2_17-.Ltmp10, $4  }
0x157: {  	v27 =	vmax.f32 v11, v32;
	v30 =	vmax.f32 v11, v30;
	v29 =	vmax.f32 v10, v31;
	v18 =	vld [tilespmem:s9+$0x0]  }
0x158: {  	v31 =	vmax.f32 v10, v33;
	v62 =	vmin.f32 v9, v34;
	v63 =	vmin.f32 v8, v35;
	v19 =	vld [tilespmem:s9+$0xFFFFFFF0]  }
0x159: {  	v21 =	vld [tilespmem:s9+$0xFFFFFFE0];
	v32 =	vsub.f32 v62, v27;
	v33 =	vsub.f32 v63, v31;
	v27 =	vmin.f32 v9, v38  }
0x15a: {  	s8 =	simm.s32 $0x0;
	s15 =	simm.s32 $0x40;
	v34 =	vmin.f32 v8, v39;
	v31 =	vsub.f32 v27, v30;
	v27 =	vld [tilespmem:s16+$0x10];
	v30 =	vsub.f32 v37, v36;
	s16 =	simm.s32 $0x126E0  }
.LBB2_16:
0x15b: {  	v35 =	vld [tilespmem:s16+$0x0];
	v32 =	vmax.f32 v32, $0.0e+00;
	v33 =	vmax.f32 v33, $0.0e+00;
	v29 =	vsub.f32 v34, v29;
	s17 =	smov.u32 s15  }
0x15c: {  	v26 =	vsub.f32 v28, v26;
	v20 =	vsub.f32 v23, v20;
	s10 =	sadd.s32 $0x40, s10;
	v34 =	vld [tilespmem:s16+$0xFFFFFFF0];
	v32 =	vmul.f32 v33, v32  }
0x15d: {  	v24 =	vsub.f32 v25, v24;
	s11 =	sadd.s32 $0x40, s11;
	v28 =	vmax.f32 v31, $0.0e+00;
	v23 =	vld [tilespmem:s10+$0x10];
	v29 =	vmax.f32 v29, $0.0e+00  }
0x15e: {  	s12 =	sadd.s32 $0x40, s12;
	v25 =	vld [tilespmem:s11+$0x10];
	v22 =	vsub.f32 v22, v32;
	v28 =	vmul.f32 v29, v28;
	v29 =	vmax.f32 v30, $0.0e+00  }
0x15f: {  	s13 =	sadd.s32 $0x40, s13;
	v26 =	vmax.f32 v26, $0.0e+00;
	v24 =	vmax.f32 v24, $0.0e+00;
	v20 =	vmax.f32 v20, $0.0e+00;
	v30 =	vld [tilespmem:s12+$0x10]  }
0x160: {  	v24 =	vmul.f32 v24, v26;
	v31 =	vld [tilespmem:s13+$0x10];
	v22 =	vadd.f32 $9.999999710e-10, v22;
	v17 =	vsub.f32 v17, v28  }
0x161: {  	v29 =	vmul.f32 v20, v29;
	v20 =	vadd.f32 v27, v12;
	v33 =	vadd.f32 v35, v12;
	v26 =	vld [tilespmem:s16+$0xFFFFFFE0]  }
0x162: {  	v36 =	vsub.f32 v14, v24;
	v27 =	vld [tilespmem:s10+$0x0];
	v22 =	vmul.f32 $5.000000000e-01, v22;
	v35 =	vadd.f32 $9.999999710e-10, v17  }
0x163: {  	v17 =	vadd.f32 v34, v12;
	v37 =	vmax.f32 v11, v23;
	v23 =	vsub.f32 v20, v29;
	v14 =	vmovc v33;
	v34 =	vld [tilespmem:s11+$0x0]  }
0x164: {  	v33 =	vld [tilespmem:s12+$0x0];
	vm0 =	vgt.f32 v32, v22;
	v22 =	vmul.f32 $5.000000000e-01, v35;
	v32 =	vadd.f32 $9.999999710e-10, v36  }
0x165: {  	v20 =	vmax.f32 v10, v25;
	v23 =	vadd.f32 $9.999999710e-10, v23;
	v35 =	vld [tilespmem:s13+$0x0];
	v21 =	vsel vm0, $0xFF800000, v21  }
0x166: {  	v36 =	vld [tilespmem:s10+$0xFFFFFFF0];
	[tilespmem:s9+$0xFFFFFFE0] =	vst v21;
	vm0 =	vgt.f32 v21, v15;
	vm5 =	vgt.f32 v28, v22;
	v22 =	vmul.f32 $5.000000000e-01, v32  }
0x167: {  	v32 =	vld [tilespmem:s11+$0xFFFFFFF0];
	v15 =	vsel vm0, v21, v15;
	v13 =	vsel vm0, s8, v13;
	v19 =	vsel vm5, $0xFF800000, v19  }
0x168: {  	s18 =	sadd.s32 $0x10, s8;
	v21 =	vld [tilespmem:s10+$0xFFFFFFE0];
	[tilespmem:s9+$0xFFFFFFF0] =	vst v19;
	vm0 =	vgt.f32 v19, v15;
	vm5 =	vgt.f32 v24, v22;
	v22 =	vmul.f32 $5.000000000e-01, v23  }
0x169: {  	v38 =	vld [tilespmem:s11+$0xFFFFFFE0];
	v15 =	vsel vm0, v19, v15;
	v13 =	vsel vm0, s18, v13;
	v18 =	vsel vm5, $0xFF800000, v18  }
0x16a: {  	v30 =	vmin.f32 v9, v30;
	s18 =	sadd.s32 $0x20, s8;
	v19 =	vld [tilespmem:s12+$0xFFFFFFE0];
	[tilespmem:s9+$0x0] =	vst v18;
	vm0 =	vgt.f32 v18, v15;
	vm5 =	vgt.f32 v29, v22  }
0x16b: {  	s15 =	sadd.s32 $0x40, s15;
	v39 =	vld [tilespmem:s13+$0xFFFFFFE0];
	v15 =	vsel vm0, v18, v15;
	v13 =	vsel vm0, s18, v13;
	v16 =	vsel vm5, $0xFF800000, v16  }
0x16c: {  	p0 =	slt.s32 s15, s0;
	v23 =	vmin.f32 v8, v31;
	v22 =	vadd.f32 v26, v12;
	s18 =	sadd.s32 $0x30, s8;
	s8 =	smov.u32 s17;
	v40 =	vld [tilespmem:s12+$0xFFFFFFF0];
	[tilespmem:s9+$0x10] =	vst v16;
	vm0 =	vgt.f32 v16, v15  }
0x16d: {  	v26 =	vmax.f32 v11, v27;
	s9 =	sadd.s32 $0x40, s9;
	v31 =	vld [tilespmem:s13+$0xFFFFFFF0];
	v15 =	vsel vm0, v16, v15;
	v13 =	vsel vm0, s18, v13  }
.Ltmp11:
0x16e: {  	v24 =	vmax.f32 v10, v34;
	v28 =	vmin.f32 v9, v33;
	v25 =	vmin.f32 v8, v35;
	v16 =	vld [tilespmem:s9+$0x10];
	(pc) =	sbr.rel @p0 .LBB2_16-.Ltmp11, $4  }
0x16f: {  	v35 =	vmax.f32 v11, v36;
	v29 =	vmax.f32 v10, v32;
	v27 =	vmax.f32 v11, v21;
	v18 =	vld [tilespmem:s9+$0x0]  }
0x170: {  	v33 =	vmax.f32 v10, v38;
	v32 =	vmin.f32 v9, v19;
	v34 =	vmin.f32 v8, v39;
	v19 =	vld [tilespmem:s9+$0xFFFFFFF0]  }
0x171: {  	v32 =	vsub.f32 v32, v27;
	v21 =	vld [tilespmem:s9+$0xFFFFFFE0];
	v33 =	vsub.f32 v34, v33;
	v27 =	vmin.f32 v9, v40  }
0x172: {  	v30 =	vsub.f32 v30, v37;
	v34 =	vmin.f32 v8, v31;
	v31 =	vsub.f32 v27, v35;
	v27 =	vld [tilespmem:s16+$0x10];
	s16 =	sadd.s32 $0x40, s16  }
.LBB2_17:
0x173: {  	v32 =	vmax.f32 v32, $0.0e+00;
	v33 =	vmax.f32 v33, $0.0e+00;
	v29 =	vsub.f32 v34, v29  }
0x174: {  	v26 =	vsub.f32 v28, v26;
	v20 =	vsub.f32 v23, v20;
	v32 =	vmul.f32 v33, v32  }
0x175: {  	v24 =	vsub.f32 v25, v24;
	v58 =	vmax.f32 v31, $0.0e+00;
	v59 =	vmax.f32 v29, $0.0e+00  }
0x176: {  	v60 =	vmax.f32 v30, $0.0e+00;
	v22 =	vsub.f32 v22, v32;
	v23 =	vmul.f32 v59, v58  }
0x177: {  	v26 =	vmax.f32 v26, $0.0e+00;
	v24 =	vmax.f32 v24, $0.0e+00;
	v20 =	vmax.f32 v20, $0.0e+00  }
0x178: {  	v24 =	vmul.f32 v24, v26;
	v22 =	vadd.f32 $9.999999710e-10, v22;
	v17 =	vsub.f32 v17, v23  }
0x179: {  	v20 =	vmul.f32 v20, v60;
	v61 =	vadd.f32 v27, v12  }
0x17a: {  	v14 =	vsub.f32 v14, v24;
	v22 =	vmul.f32 $5.000000000e-01, v22;
	v17 =	vadd.f32 $9.999999710e-10, v17  }
0x17b: {  	v25 =	vsub.f32 v61, v20  }
0x17c: {  	v14 =	vadd.f32 $9.999999710e-10, v14;
	vm0 =	vgt.f32 v32, v22;
	v17 =	vmul.f32 $5.000000000e-01, v17  }
0x17d: {  	v62 =	vadd.f32 $9.999999710e-10, v25;
	v21 =	vsel vm0, $0xFF800000, v21  }
0x17e: {  	v14 =	vmul.f32 $5.000000000e-01, v14;
	vm0 =	vgt.f32 v21, v15;
	vm5 =	vgt.f32 v23, v17  }
0x17f: {  	v15 =	vsel vm0, v21, v15;
	v17 =	vsel vm5, $0xFF800000, v19  }
0x180: {  	vm6 =	vgt.f32 v24, v14;
	v14 =	vmul.f32 $5.000000000e-01, v62;
	vm5 =	vgt.f32 v17, v15  }
.Ltmp12:
0x181: {  	v18 =	vsel vm6, $0xFF800000, v18;
	v15 =	vsel vm5, v17, v15;
	(pc) =	sbr.rel .LBB2_9-.Ltmp12, $4  }
0x182: {  	s10 =	sadd.s32 $0x10, s8;
	[tilespmem:s9+$0xFFFFFFE0] =	vst v21;
	v13 =	vsel vm0, s8, v13;
	vm6 =	vgt.f32 v20, v14;
	vm0 =	vgt.f32 v18, v15  }
0x183: {  	s17 =	sadd.s32 $0x20, s8;
	[tilespmem:s9+$0xFFFFFFF0] =	vst v17;
	v13 =	vsel vm5, s10, v13;
	v14 =	vsel vm0, v18, v15;
	v15 =	vsel vm6, $0xFF800000, v16  }
0x184: {  	s18 =	sadd.s32 $0x30, s8;
	[tilespmem:s9+$0x0] =	vst v18;
	v63 =	vsel vm0, s17, v13;
	vm0 =	vgt.f32 v15, v14  }
0x185: {  	[tilespmem:s9+$0x10] =	vst v15;
	v13 =	vsel vm0, v15, v14;
	v14 =	vsel vm0, s18, v63  }
.LBB2_8:
0x186: {  	v14 =	vimm.s32 $0x0;
	v13 =	vimm.f32 $-Inf  }
.LBB2_9:
.Ltmp13:
0x187: {  	(pc) =	sbr.rel @p2 .LBB2_11-.Ltmp13, $4  }
0x188: {  	_ = 	snop  }
0x189: {  	s8 =	smov.u32 s6  }
0x18a: {  	s9 =	smov.u32 s5;
	s10 =	smov.u32 s4;
	s11 =	smov.u32 s3  }
0x18b: {  	s12 =	smov.u32 s2;
	s13 =	smov.u32 s1;
	s15 =	smov.u32 s0  }
.LBB2_10:
0x18c: {  	v15 =	vld [tilespmem:s9+$0x0]  }
0x18d: {  	v16 =	vld [tilespmem:s10+$0x0]  }
0x18e: {  	v17 =	vld [tilespmem:s11+$0x0]  }
0x18f: {  	v18 =	vld [tilespmem:s12+$0x0];
	_ =	sdelay $0x3  }
0x190: {  	v19 =	vld [tilespmem:s13+$0x0];
	v15 =	vmax.f32 v11, v15  }
0x191: {  	v16 =	vmax.f32 v10, v16;
	v17 =	vmin.f32 v9, v17;
	v18 =	vmin.f32 v8, v18  }
0x192: {  	v15 =	vsub.f32 v17, v15;
	v16 =	vsub.f32 v18, v16;
	_ =	sdelay $0x1  }
0x193: {  	v15 =	vmax.f32 v15, $0.0e+00;
	v16 =	vmax.f32 v16, $0.0e+00  }
0x194: {  	v62 =	vadd.f32 v19, v12;
	v15 =	vmul.f32 v16, v15;
	_ =	sdelay $0x1  }
0x195: {  	v16 =	vsub.f32 v62, v15;
	_ =	sdelay $0x1  }
0x196: {  	v63 =	vld [tilespmem:s8+$0x0];
	v16 =	vadd.f32 $9.999999710e-10, v16;
	_ =	sdelay $0x1  }
0x197: {  	v16 =	vmul.f32 $5.000000000e-01, v16;
	_ =	sdelay $0x1  }
0x198: {  	vm0 =	vgt.f32 v15, v16  }
0x199: {  	v15 =	vsel vm0, $0xFF800000, v63  }
0x19a: {  	vm0 =	vgt.f32 v15, v13  }
0x19b: {  	v14 =	vsel vm0, s15, v14;
	s15 =	sadd.s32 $0x10, s15  }
0x19c: {  	p0 =	slt.s32 s15, s14  }
.Ltmp14:
0x19d: {  	_ = 	snop;
	(pc) =	sbr.rel @p0 .LBB2_10-.Ltmp14, $3  }
0x19e: {  	_ =	sdelay $0x1  }
0x19f: {  	s13 =	sadd.s32 $0x10, s13;
	s12 =	sadd.s32 $0x10, s12;
	s11 =	sadd.s32 $0x10, s11  }
0x1a0: {  	s10 =	sadd.s32 $0x10, s10;
	s9 =	sadd.s32 $0x10, s9;
	[tilespmem:s8+$0x0] =	vst v15;
	s8 =	sadd.s32 $0x10, s8;
	v13 =	vsel vm0, v15, v13  }
.Ltmp15:
0x1a1: {  	_ = 	snop;
	(pc) =	sbr.rel .LBB2_11-.Ltmp15, $1  }
0x1a2: {  	_ =	sdelay $0x3  }
.LBB2_12:
0x1a3: {  	p0 =	slt.s32 s14, $0x20  }
.Ltmp16:
0x1a4: {  	_ = 	snop;
	(pc) =	sbr.rel @p0 .LBB2_18-.Ltmp16, $2  }
0x1a5: {  	_ =	sdelay $0x2  }
0x1a6: {  	s16 =	sand.u32 $0xFFFFFFE0, s14;
	s8 =	simm.s32 $0x0  }
0x1a7: {  	p0 =	sgt.s32 s16, $0x20  }
.Ltmp17:
0x1a8: {  	s4 =	simm.s32 $0x0;
	(pc) =	sbr.rel @!p0 .LBB2_14-.Ltmp17, $4  }
0x1a9: {  	s2 =	simm.s32 $0x12690;
	s3 =	simm.s32 $0x11210;
	s5 =	simm.s32 $0xFD90  }
0x1aa: {  	s6 =	simm.s32 $0xE910;
	s8 =	simm.s32 $0xD490;
	s0 =	simm.s32 $0xC010  }
0x1ab: {  	p1 =	por $0x0, $0x0;
	p2 =	por $0x0, $0x0;
	p3 =	por $0x0, $0x0  }
0x1ac: {  	p4 =	por $0x0, $0x0;
	p5 =	por $0x0, $0x0;
	p6 =	por $0x0, $0x0  }
0x1ad: {  	p0 =	sgt.s32 s16, $0x40  }
.Ltmp18:
0x1ae: {  	_ = 	snop;
	(pc) =	sbr.rel @!p0 .LBB2_40-.Ltmp18, $2  }
0x1af: {  	_ =	sdelay $0x2  }
0x1b0: {  	p1 =	por $0x1, $0x1  }
0x1b1: {  	v17 =	vld [tilespmem:s0+$0xFFFFFFF0];
	p0 =	sgt.s32 s16, $0x60  }
.Ltmp19:
0x1b2: {  	_ = 	snop;
	(pc) =	sbr.rel @!p0 .LBB2_42-.Ltmp19, $2  }
0x1b3: {  	_ =	sdelay $0x2  }
0x1b4: {  	v26 =	vld [tilespmem:s0+$0x0];
	p2 =	por $0x1, $0x1;
	vm9 =	vlt.f32 v17, $-Inf;
	vm7 =	vgt.f32 v17, $-Inf  }
0x1b5: {  	_ =	sdelay $0x1  }
0x1b6: {  	s1 =	simm.s32 $0xC030  }
0x1b7: {  	p0 =	sgt.s32 s16, $0x80;
	v13 =	vld [tilespmem:s1+$0xFFFFFFF0]  }
.Ltmp20:
0x1b8: {  	vm0 =	vmor vm7, vm9;
	vm5 =	vlt.f32 v26, $-Inf;
	vm6 =	vgt.f32 v26, $-Inf;
	(pc) =	sbr.rel @!p0 .LBB2_44-.Ltmp20, $4  }
0x1b9: {  	v14 =	vmpcnt.ones.xlane vm0;
	vm5 =	vmor vm6, vm5  }
0x1ba: {  	vm11 =	vmmov vm0;
	v15 =	vmpcnt.ones.xlane vm5  }
0x1bb: {  	[tilespmem:s4+$0x13B00] =	vst.msk vm11, v17;
	(v2sf) =	vpush v14, $0x0;
	v14 =	vld [tilespmem:s1+$0x0];
	vm10 =	vmmov vm5  }
0x1bc: {  	p3 =	por $0x1, $0x1;
	v28 =	vld [tilespmem:s8+$0xFFFFFFF0];
	vm9 =	vlt.f32 v13, $-Inf;
	vm7 =	vgt.f32 v13, $-Inf;
	(v2sf) =	vpush v15, $0x0  }
0x1bd: {  	_ =	sdelay $0x7  }
0x1be: {  	[tilespmem:s4+$0x14F80] =	vst.msk vm11, v28  }
0x1bf: {  	v16 =	vld [tilespmem:s6+$0xFFFFFFF0];
	_ =	sdelay $0x3  }
0x1c0: {  	s1 =	simm.s32 $0xC050;
	vm0 =	vmor vm7, vm9;
	vm1 =	vmmov vm11;
	s0 =	spop (v2sf)  }
0x1c1: {  	vm8 =	vmmov vm10;
	v17 =	vld [tilespmem:s1+$0xFFFFFFF0];
	v15 =	vmpcnt.ones.xlane vm0;
	[tilespmem:s4+$0x16400] =	vst.msk vm1, v16;
	s7 =	sadd.s32 $0x0, s0;
	s20 =	spop (v2sf)  }
0x1c2: {  	v18 =	vld [tilespmem:s1+$0x0];
	vm10 =	vmmov vm0;
	v16 =	vimm.s32 $0x0;
	[tilespmem:s7+$0x13B00] =	vst.msk vm8, v26;
	s15 =	sadd.s32 s7, s20  }
0x1c3: {  	s31 =	simm.s32 $0xD4B0;
	v16 =	vsel vm8, $0xFFFFFFFF, v16;
	(v2sf) =	vpush v15, $0x0;
	[tilespmem:s15+$0x13B00] =	vst.msk vm10, v13;
	v15 =	vld [tilespmem:s8+$0x0]  }
0x1c4: {  	vm5 =	vlt.f32 v14, $-Inf;
	vm6 =	vgt.f32 v14, $-Inf;
	v13 =	vld [tilespmem:s31+$0xFFFFFFF0];
	[tilespmem:$0x1FFC0] =	vst v16;
	v16 =	vimm.s32 $0x0  }
0x1c5: {  	p0 =	sgt.s32 s16, $0xA0;
	vm5 =	vmor vm6, vm5;
	v16 =	vsel vm10, $0xFFFFFFFF, v16  }
.Ltmp21:
0x1c6: {  	vm13 =	vmmov vm5;
	[tilespmem:$0x1FFD0] =	vst v16;
	v16 =	vimm.s32 $0x0;
	(pc) =	sbr.rel @!p0 .LBB2_46-.Ltmp21, $4  }
0x1c7: {  	v16 =	vsel vm13, $0xFFFFFFFF, v16  }
0x1c8: {  	v19 =	vmpcnt.ones.xlane vm5;
	[tilespmem:$0x1FFE0] =	vst v16;
	v16 =	vimm.s32 $0x0  }
0x1c9: {  	v16 =	vsel vm1, $0xFFFFFFFF, v16  }
0x1ca: {  	p4 =	por $0x1, $0x1;
	vm9 =	vlt.f32 v17, $-Inf;
	vm7 =	vgt.f32 v17, $-Inf;
	(v2sf) =	vpush v19, $0x0;
	[tilespmem:$0x1FFF0] =	vst v16  }
0x1cb: {  	_ =	sdelay $0x6  }
0x1cc: {  	v16 =	vld [tilespmem:s5+$0xFFFFFFF0];
	[tilespmem:s7+$0x14F80] =	vst.msk vm8, v15  }
0x1cd: {  	[tilespmem:s15+$0x14F80] =	vst.msk vm10, v13;
	s11 =	simm.s32 $0xE930;
	v23 =	vld [tilespmem:s6+$0x0]  }
0x1ce: {  	v25 =	vld [tilespmem:s11+$0xFFFFFFF0];
	_ =	sdelay $0x1  }
0x1cf: {  	vm0 =	vmor vm7, vm9;
	s1 =	simm.s32 $0xC070  }
0x1d0: {  	vm9 =	vmmov vm8;
	v20 =	vld [tilespmem:s1+$0xFFFFFFF0];
	v21 =	vmpcnt.ones.xlane vm0;
	[tilespmem:s4+$0x17880] =	vst.msk vm1, v16  }
0x1d1: {  	vm5 =	vlt.f32 v18, $-Inf;
	vm6 =	vgt.f32 v18, $-Inf;
	vm11 =	vmmov vm10;
	v24 =	vld [tilespmem:s1+$0x0];
	[tilespmem:s7+$0x16400] =	vst.msk vm9, v23;
	s0 =	spop (v2sf)  }
0x1d2: {  	vm13 =	vmmov vm13;
	vm5 =	vmor vm6, vm5;
	[tilespmem:s15+$0x16400] =	vst.msk vm11, v25;
	(v2sf) =	vpush v21, $0x0;
	v21 =	vld [tilespmem:s3+$0xFFFFFFF0];
	s9 =	sadd.s32 s15, s0;
	s20 =	spop (v2sf)  }
0x1d3: {  	vm15 =	vmmov vm0;
	v22 =	vmpcnt.ones.xlane vm5;
	v16 =	vimm.s32 $0x0;
	v25 =	vld [tilespmem:s5+$0x0];
	[tilespmem:s9+$0x13B00] =	vst.msk vm13, v14;
	s13 =	sadd.s32 s9, s20  }
0x1d4: {  	v16 =	vsel vm13, $0xFFFFFFFF, v16;
	v19 =	vld [tilespmem:s31+$0x0];
	s31 =	simm.s32 $0xD4D0;
	[tilespmem:s13+$0x13B00] =	vst.msk vm15, v17  }
0x1d5: {  	(v2sf) =	vpush v22, $0x0;
	v22 =	vld [tilespmem:s31+$0xFFFFFFF0];
	[tilespmem:$0x1FF40] =	vst v16;
	v16 =	vimm.s32 $0x0  }
0x1d6: {  	v16 =	vsel vm15, $0xFFFFFFFF, v16  }
0x1d7: {  	vm12 =	vmmov vm1;
	[tilespmem:$0x1FF50] =	vst v16;
	v16 =	vimm.s32 $0x0  }
0x1d8: {  	v16 =	vsel vm12, $0xFFFFFFFF, v16  }
0x1d9: {  	[tilespmem:$0x1FF60] =	vst v16;
	v16 =	vimm.s32 $0x0  }
0x1da: {  	v16 =	vsel vm9, $0xFFFFFFFF, v16  }
0x1db: {  	[tilespmem:$0x1FF70] =	vst v16;
	v16 =	vimm.s32 $0x0  }
0x1dc: {  	v16 =	vsel vm11, $0xFFFFFFFF, v16  }
0x1dd: {  	vm3 =	vmmov vm5;
	[tilespmem:$0x1FF80] =	vst v16;
	v16 =	vimm.s32 $0x0  }
0x1de: {  	p0 =	sgt.s32 s16, $0xC0;
	v16 =	vsel vm3, $0xFFFFFFFF, v16  }
.Ltmp22:
0x1df: {  	vm7 =	vgt.f32 v20, $-Inf;
	[tilespmem:$0x1FF90] =	vst v16;
	v16 =	vimm.s32 $0x0;
	(pc) =	sbr.rel @!p0 .LBB2_48-.Ltmp22, $4  }
0x1e0: {  	v16 =	vsel vm7, $0xFFFFFFFF, v16  }
0x1e1: {  	vm0 =	vlt.f32 v20, $-Inf;
	[tilespmem:$0x1FFA0] =	vst v16;
	v16 =	vimm.s32 $0x0  }
0x1e2: {  	v16 =	vsel vm0, $0xFFFFFFFF, v16  }
0x1e3: {  	s10 =	simm.s32 $0xFDB0;
	p5 =	por $0x1, $0x1;
	[tilespmem:$0x1FFB0] =	vst v16  }
0x1e4: {  	vm0 =	vmor vm7, vm0;
	vm5 =	vlt.f32 v24, $-Inf;
	vm6 =	vgt.f32 v24, $-Inf  }
0x1e5: {  	v16 =	vld [tilespmem:s10+$0xFFFFFFF0];
	[tilespmem:s9+$0x14F80] =	vst.msk vm13, v19;
	v28 =	vmpcnt.ones.xlane vm0;
	vm7 =	vmor vm6, vm5  }
0x1e6: {  	[tilespmem:s4+$0x18D00] =	vst.msk vm12, v21;
	v26 =	vld [tilespmem:s11+$0x0];
	v31 =	vmpcnt.ones.xlane vm7  }
0x1e7: {  	[tilespmem:s7+$0x17880] =	vst.msk vm9, v25;
	s0 =	spop (v2sf);
	v27 =	vld [tilespmem:s2+$0xFFFFFFF0];
	(v2sf) =	vpush v28, $0x0  }
0x1e8: {  	s1 =	simm.s32 $0xC090;
	v23 =	vld [tilespmem:s3+$0x0];
	s20 =	spop (v2sf);
	(v2sf) =	vpush v31, $0x0  }
0x1e9: {  	[tilespmem:s13+$0x14F80] =	vst.msk vm15, v22;
	s11 =	simm.s32 $0xE950;
	v17 =	vld [tilespmem:s1+$0xFFFFFFF0];
	vm6 =	vmmov vm3;
	s18 =	sadd.s32 s13, s0  }
0x1ea: {  	p0 =	sgt.s32 s16, $0xE0;
	v30 =	vld [tilespmem:s11+$0xFFFFFFF0];
	[tilespmem:s18+$0x13B00] =	vst.msk vm6, v18  }
.Ltmp23:
0x1eb: {  	s17 =	simm.s32 $0x11230;
	[tilespmem:s15+$0x17880] =	vst.msk vm11, v16;
	v16 =	vld [tilespmem:s1+$0x0];
	(pc) =	sbr.rel @!p0 .LBB2_50-.Ltmp23, $4  }
0x1ec: {  	vm1 =	vmmov vm11;
	s3 =	sadd.s32 s18, s20;
	vm11 =	vmmov vm0;
	[tilespmem:s4+$0x1A180] =	vst.msk vm12, v27;
	v27 =	vld [tilespmem:s17+$0xFFFFFFF0]  }
0x1ed: {  	vm14 =	vmmov vm13;
	s8 =	simm.s32 $0xFDD0;
	v29 =	vld [tilespmem:s31+$0x0];
	s31 =	simm.s32 $0xD4F0;
	[tilespmem:s3+$0x13B00] =	vst.msk vm11, v20  }
0x1ee: {  	vm15 =	vmmov vm15;
	p6 =	por $0x1, $0x1;
	s6 =	smov.u32 s7;
	s12 =	smov.u32 s15;
	vm5 =	vmmov vm9;
	vm10 =	vmmov vm7;
	[tilespmem:s9+$0x16400] =	vst.msk vm14, v26;
	v28 =	vld [tilespmem:s31+$0xFFFFFFF0]  }
0x1ef: {  	s5 =	simm.s32 $0x12690;
	s0 =	simm.s32 $0xE0;
	s2 =	smov.u32 s9;
	vm12 =	vmmov vm1;
	vm9 =	vlt.f32 v17, $-Inf;
	vm7 =	vgt.f32 v17, $-Inf;
	v26 =	vmovc v24;
	[tilespmem:s13+$0x16400] =	vst.msk vm15, v30;
	v30 =	vld [tilespmem:s10+$0x0]  }
.LBB2_51:
0x1f0: {  	s0 =	sadd.s32 $0x20, s0;
	vm7 =	vmor vm7, vm9;
	vm0 =	vlt.f32 v16, $-Inf;
	vm8 =	vgt.f32 v16, $-Inf;
	v31 =	vld [tilespmem:s8+$0xFFFFFFF0];
	[tilespmem:s6+$0x18D00] =	vst.msk vm5, v23;
	v32 =	vmovc v16  }
0x1f1: {  	p0 =	slt.s32 s0, s16;
	v16 =	vmpcnt.ones.xlane vm7;
	vm8 =	vmor vm8, vm0;
	[tilespmem:s12+$0x18D00] =	vst.msk vm12, v27;
	v27 =	vld [tilespmem:s5+$0x0];
	s5 =	sadd.s32 $0x20, s5  }
0x1f2: {  	v23 =	vmpcnt.ones.xlane vm8;
	[tilespmem:s18+$0x14F80] =	vst.msk vm6, v29;
	v29 =	vld [tilespmem:s5+$0xFFFFFFF0]  }
0x1f3: {  	(v2sf) =	vpush v16, $0x0;
	[tilespmem:s3+$0x14F80] =	vst.msk vm11, v28;
	v33 =	vld [tilespmem:s11+$0x0];
	s11 =	sadd.s32 $0x20, s11  }
0x1f4: {  	(v2sf) =	vpush v23, $0x0;
	v34 =	vld [tilespmem:s11+$0xFFFFFFF0];
	[tilespmem:s2+$0x17880] =	vst.msk vm14, v30  }
0x1f5: {  	s1 =	sadd.s32 $0x20, s1;
	[tilespmem:s13+$0x17880] =	vst.msk vm15, v31;
	v23 =	vld [tilespmem:s17+$0x0];
	s17 =	sadd.s32 $0x20, s17  }
0x1f6: {  	v31 =	vld [tilespmem:s1+$0xFFFFFFF0];
	s19 =	spop (v2sf);
	[tilespmem:s6+$0x1A180] =	vst.msk vm5, v27;
	vm5 =	vmmov vm14;
	vm14 =	vmmov vm6;
	vm6 =	vmmov vm10;
	s6 =	smov.u32 s2;
	s2 =	smov.u32 s18  }
.Ltmp24:
0x1f7: {  	v16 =	vld [tilespmem:s1+$0x0];
	s18 =	sadd.s32 s3, s19;
	s19 =	spop (v2sf);
	[tilespmem:s12+$0x1A180] =	vst.msk vm12, v29;
	(pc) =	sbr.rel @p0 .LBB2_51-.Ltmp24, $4  }
0x1f8: {  	vm12 =	vmmov vm15;
	vm15 =	vmmov vm11;
	vm11 =	vmmov vm7;
	s12 =	smov.u32 s13;
	s13 =	smov.u32 s3;
	[tilespmem:s18+$0x13B00] =	vst.msk vm6, v26;
	v27 =	vld [tilespmem:s17+$0xFFFFFFF0];
	v26 =	vmovc v32;
	s3 =	sadd.s32 s18, s19  }
0x1f9: {  	vm10 =	vmmov vm8;
	[tilespmem:s3+$0x13B00] =	vst.msk vm11, v17;
	v29 =	vld [tilespmem:s31+$0x0];
	s31 =	sadd.s32 $0x20, s31  }
0x1fa: {  	v28 =	vld [tilespmem:s31+$0xFFFFFFF0];
	[tilespmem:s2+$0x16400] =	vst.msk vm14, v33  }
0x1fb: {  	vm9 =	vlt.f32 v31, $-Inf;
	vm7 =	vgt.f32 v31, $-Inf;
	[tilespmem:s13+$0x16400] =	vst.msk vm15, v34;
	v30 =	vld [tilespmem:s8+$0x0];
	s8 =	sadd.s32 $0x20, s8;
	v17 =	vmov v31  }
.LBB2_52:
0x1fc: {  	[tilespmem:s6+$0x18D00] =	vst.msk @p6 vm5, v23  }
0x1fd: {  	v23 =	vld @p6 [tilespmem:s5+$0x0]  }
0x1fe: {  	s0 =	sadd.s32 @p2 $0x20, s1;
	s1 =	simm.s32 $0xC010  }
0x1ff: {  	v33 =	vld @p4 [tilespmem:s8+$0xFFFFFFF0];
	s1 =	smov.u32 @p2 s0;
	[tilespmem:s18+$0x14F80] =	vst.msk @p4 vm6, v29  }
0x200: {  	v31 =	vld @p1 [tilespmem:s1+$0xFFFFFFF0];
	[tilespmem:s2+$0x17880] =	vst.msk @p5 vm14, v30  }
0x201: {  	v35 =	vld [tilespmem:$0x1FFA0];
	[tilespmem:s3+$0x14F80] =	vst.msk @p3 vm11, v28  }
0x202: {  	vm13 =	vmor @p2 vm7, vm9;
	vm0 =	vlt.f32 @p2 v16, $-Inf;
	vm7 =	vgt.f32 @p2 v16, $-Inf;
	v32 =	vld @p1 [tilespmem:s1+$0x0];
	[tilespmem:s6+$0x1A180] =	vst.msk @p6 vm5, v23  }
0x203: {  	vm7 =	vmor @p2 vm7, vm0;
	v34 =	vmpcnt.ones.xlane @p2 vm13;
	v23 =	vld [tilespmem:$0x1FFB0]  }
0x204: {  	s0 =	sadd.s32 @p4 $0x20, s11;
	v29 =	vmpcnt.ones.xlane @p2 vm7;
	v30 =	vld @p4 [tilespmem:s11+$0x0];
	s11 =	simm.s32 $0xE910  }
0x205: {  	vm8 =	vmmov @p4 vm6;
	(v2sf) =	vpush @p2 v34, $0x0;
	s11 =	smov.u32 @p4 s0;
	v28 =	vld @p5 [tilespmem:s17+$0x0]  }
0x206: {  	vm10 =	vmmov @p3 vm10;
	s5 =	sadd.s32 @p6 $0x20, s5;
	vm6 =	vmmov @p4 vm15;
	(v2sf) =	vpush @p2 v29, $0x0;
	s0 =	sadd.s32 @p1 $0x20, s1;
	s1 =	simm.s32 $0x12690;
	v29 =	vld @p3 [tilespmem:s11+$0xFFFFFFF0]  }
0x207: {  	s20 =	simm.s32 $0xC010;
	s1 =	smov.u32 @p6 s5;
	s6 =	spop @p3 (v2sf);
	vm0 =	vgt.f32 @p1 v31, $-Inf;
	v24 =	vpsel p1, v32, v24;
	[tilespmem:s12+$0x18D00] =	vst.msk @p5 vm12, v27;
	vm1 =	vnez.u8 v35  }
0x208: {  	s5 =	sadd.s32 @p5 $0x20, s17;
	s17 =	smov.u32 @p4 s18;
	[tilespmem:s13+$0x17880] =	vst.msk @p4 vm15, v33;
	s18 =	sadd.s32 @p3 s3, s6;
	vm1 =	vmmov @p1 vm0;
	vm0 =	vlt.f32 @p1 v31, $-Inf;
	vm3 =	vnez.u8 v23  }
0x209: {  	s20 =	smov.u32 @p1 s0;
	s0 =	simm.s32 $0x11210;
	vm5 =	vgt.f32 @p1 v24, $-Inf;
	v27 =	vld @p5 [tilespmem:s1+$0xFFFFFFF0];
	[tilespmem:s18+$0x13B00] =	vst.msk @p3 vm10, v26;
	vm3 =	vmmov @p1 vm0;
	vm0 =	vlt.f32 @p1 v24, $-Inf  }
0x20a: {  	s0 =	smov.u32 @p5 s5;
	s5 =	spop @p3 (v2sf);
	vm15 =	vmmov @p3 vm11;
	[tilespmem:s17+$0x16400] =	vst.msk @p4 vm8, v30;
	vm5 =	vmor @p1 vm5, vm0;
	vm0 =	vmmov @p5 vm14  }
0x20b: {  	s19 =	smov.u32 @p5 s2;
	s6 =	sadd.s32 @p3 s18, s5;
	s5 =	smov.u32 s4;
	v28 =	vpsel p5, v28, v0;
	[tilespmem:s3+$0x16400] =	vst.msk @p3 vm15, v29;
	vm14 =	vmmov @p5 vm0  }
0x20c: {  	vm11 =	vmmov @p2 vm13;
	s5 =	smov.u32 @p3 s6;
	[tilespmem:s19+$0x18D00] =	vst.msk @p5 vm14, v28  }
0x20d: {  	v33 =	vld [tilespmem:$0x1FF60];
	[tilespmem:s5+$0x13B00] =	vst.msk @p2 vm11, v17  }
0x20e: {  	v32 =	vld @p4 [tilespmem:s0+$0xFFFFFFF0];
	[tilespmem:s12+$0x1A180] =	vst.msk @p5 vm12, v27  }
0x20f: {  	v56 =	vld [tilespmem:$0x1FF70]  }
0x210: {  	v26 =	vld @p4 [tilespmem:s8+$0x0];
	_ =	sdelay $0x1  }
0x211: {  	s2 =	sadd.s32 @p4 $0x20, s8;
	v29 =	vld @p5 [tilespmem:s1+$0x0]  }
0x212: {  	s10 =	smov.u32 @p4 s2;
	s2 =	smov.u32 @p4 s13;
	s13 =	smov.u32 s4;
	vm9 =	vmor @p1 vm1, vm3;
	vm1 =	vnez.u8 v33  }
0x213: {  	s13 =	smov.u32 @p4 s2;
	v21 =	vpsel p4, v32, v21;
	s12 =	smov.u32 s7;
	vm1 =	vmmov @p4 vm6;
	vm12 =	vnez.u8 v56  }
0x214: {  	v25 =	vpsel p4, v26, v25;
	s12 =	smov.u32 @p4 s17;
	vm12 =	vmmov @p4 vm8;
	[tilespmem:s13+$0x18D00] =	vst.msk @p4 vm1, v21  }
0x215: {  	v28 =	vld @p3 [tilespmem:s31+$0x0];
	[tilespmem:s12+$0x17880] =	vst.msk @p4 vm12, v25  }
0x216: {  	v25 =	vld [tilespmem:$0x1FF80];
	[tilespmem:s19+$0x1A180] =	vst.msk @p5 vm14, v29  }
0x217: {  	v57 =	vld [tilespmem:$0x1FF40]  }
0x218: {  	v17 =	vld @p3 [tilespmem:s10+$0xFFFFFFF0];
	_ =	sdelay $0x2  }
0x219: {  	s6 =	simm.s32 $0xD490;
	s8 =	sadd.s32 @p3 $0x20, s31;
	vm3 =	vnez.u8 v25  }
0x21a: {  	s15 =	smov.u32 @p3 s3;
	v54 =	vld [tilespmem:s20+$0xFFFFFFF0];
	s6 =	smov.u32 @p3 s8;
	vm3 =	vmmov @p3 vm15;
	vm8 =	vnez.u8 v57  }
0x21b: {  	s9 =	smov.u32 @p3 s18;
	v27 =	vld @p2 [tilespmem:s6+$0xFFFFFFF0];
	v19 =	vpsel p3, v28, v19;
	vm8 =	vmmov @p3 vm10;
	[tilespmem:s15+$0x17880] =	vst.msk @p3 vm3, v17  }
0x21c: {  	s2 =	simm.s32 $0x12690;
	s1 =	sadd.s32 @p5 $0x20, s1;
	v17 =	vld [tilespmem:$0x1FF50];
	[tilespmem:s9+$0x14F80] =	vst.msk @p3 vm8, v19  }
0x21d: {  	s2 =	smov.u32 @p5 s1;
	v58 =	vld [tilespmem:$0x1FF90]  }
0x21e: {  	v30 =	vmpcnt.ones.xlane @p1 vm9;
	v21 =	vld @p4 [tilespmem:s2+$0xFFFFFFF0];
	_ =	sdelay $0x1  }
0x21f: {  	vm13 =	vgt.f32 v54, $-Inf;
	vm0 =	vlt.f32 v54, $-Inf;
	(v2sf) =	vpush @p1 v30, $0x0;
	s1 =	simm.s32 $0x11210;
	v25 =	vld @p4 [tilespmem:s0+$0x0];
	s0 =	sadd.s32 @p4 $0x20, s0  }
0x220: {  	v16 =	vpsel p2, v16, v18;
	vm6 =	vmor vm13, vm0;
	s1 =	smov.u32 @p4 s0  }
0x221: {  	s8 =	simm.s32 $0xE910;
	vm0 =	vmmov @p2 vm7;
	s0 =	sadd.s32 @p3 $0x20, s11;
	v19 =	vld @p3 [tilespmem:s1+$0xFFFFFFF0];
	vm13 =	vnez.u8 v17;
	vm7 =	vnez.u8 v58  }
0x222: {  	s3 =	spop @p2 (v2sf);
	s8 =	smov.u32 @p3 s0;
	[tilespmem:s13+$0x1A180] =	vst.msk @p4 vm1, v21;
	v17 =	vpsel p2, v27, v22;
	vm13 =	vmmov @p2 vm11;
	vm7 =	vmmov @p2 vm0  }
0x223: {  	v30 =	vmpcnt.ones.xlane @p1 vm5;
	s0 =	smov.u32 @p4 s12;
	[tilespmem:s5+$0x14F80] =	vst.msk @p2 vm13, v17;
	v17 =	vld @p3 [tilespmem:s11+$0x0];
	vm0 =	vmmov @p4 vm12;
	s11 =	sadd.s32 @p2 s5, s3;
	s3 =	spop @p2 (v2sf);
	vm7 =	vmmov @p2 vm7  }
0x224: {  	vm9 =	vmmov @p1 vm9;
	s0 =	smov.u32 @p4 s0;
	v21 =	vmovc @p1 v31;
	s12 =	sadd.s32 @p2 s11, s3;
	s3 =	smov.u32 s4;
	vm10 =	vmmov @p4 vm0;
	[tilespmem:s11+$0x13B00] =	vst.msk @p2 vm7, v16;
	v16 =	vpsel p4, v25, v0  }
0x225: {  	(v2sf) =	vpush @p1 v30, $0x0;
	s13 =	smov.u32 @p3 s15;
	v20 =	vpsel p1, v21, v20;
	vm0 =	vmmov @p3 vm3;
	s3 =	smov.u32 @p2 s12;
	[tilespmem:s0+$0x18D00] =	vst.msk @p4 vm10, v16  }
0x226: {  	vm11 =	vmmov @p3 vm0;
	s12 =	smov.u32 @p3 s13;
	[tilespmem:s3+$0x13B00] =	vst.msk @p1 vm9, v20;
	v16 =	vpsel p3, v19, v0  }
0x227: {  	[tilespmem:s12+$0x18D00] =	vst.msk @p3 vm11, v16  }
0x228: {  	v16 =	vld [tilespmem:$0x1FFE0];
	_ =	sdelay $0x1  }
0x229: {  	v18 =	vld @p2 [tilespmem:s8+$0xFFFFFFF0];
	_ =	sdelay $0x1  }
0x22a: {  	v55 =	vmpcnt.ones.xlane vm6  }
0x22b: {  	vm8 =	vmmov @p3 vm8;
	s15 =	smov.u32 @p3 s9;
	s13 =	sadd.s32 @p4 $0x20, s2;
	vm0 =	vmmov @p1 vm5;
	v20 =	vmovc @p1 v24;
	v19 =	vld @p4 [tilespmem:s2+$0x0];
	s2 =	simm.s32 $0x12690;
	vm12 =	vnez.u8 v16  }
0x22c: {  	(v2sf) =	vpush v55, $0x0;
	s9 =	smov.u32 @p2 s5;
	vm5 =	vmmov @p2 vm13;
	s2 =	smov.u32 @p4 s13;
	[tilespmem:s15+$0x16400] =	vst.msk @p3 vm8, v17;
	s13 =	spop @p1 (v2sf);
	v16 =	vmovc @p1 v20;
	vm12 =	vmmov @p1 vm0  }
0x22d: {  	[tilespmem:s9+$0x16400] =	vst.msk @p2 vm5, v18;
	s13 =	sadd.s32 @p1 s3, s13;
	v14 =	vpsel p1, v16, v14;
	vm12 =	vmmov @p1 vm12  }
0x22e: {  	v17 =	vld @p3 [tilespmem:s2+$0xFFFFFFF0];
	[tilespmem:s13+$0x13B00] =	vst.msk @p1 vm12, v14  }
0x22f: {  	v14 =	vld [tilespmem:$0x1FFC0]  }
0x230: {  	v21 =	vld @p2 [tilespmem:s6+$0x0]  }
0x231: {  	s17 =	simm.s32 $0xFD90  }
0x232: {  	s5 =	sadd.s32 @p2 $0x20, s6;
	s6 =	simm.s32 $0xD490;
	[tilespmem:s0+$0x1A180] =	vst.msk @p4 vm10, v19;
	s0 =	spop @p1 (v2sf)  }
0x233: {  	s6 =	smov.u32 @p2 s5;
	s5 =	sadd.s32 @p3 $0x20, s10;
	s0 =	sadd.s32 @p1 s13, s0  }
0x234: {  	v59 =	vld [tilespmem:s20+$0x0];
	vm6 =	vmmov vm6;
	s17 =	smov.u32 @p3 s5;
	s5 =	smov.u32 s4;
	[tilespmem:s12+$0x1A180] =	vst.msk @p3 vm11, v17;
	s4 =	smov.u32 @p1 s0;
	vm13 =	vnez.u8 v14  }
0x235: {  	s7 =	smov.u32 @p2 s11;
	v15 =	vpsel p2, v21, v15;
	[tilespmem:s4+$0x13B00] =	vst.msk vm6, v54;
	vm13 =	vmmov @p2 vm7  }
0x236: {  	v18 =	vld @p3 [tilespmem:s10+$0x0];
	[tilespmem:s7+$0x14F80] =	vst.msk @p2 vm13, v15  }
0x237: {  	v19 =	vld [tilespmem:$0x1FFD0]  }
0x238: {  	s10 =	simm.s32 $0xD490;
	v16 =	vld @p1 [tilespmem:s6+$0xFFFFFFF0];
	s0 =	sadd.s32 @p1 $0x20, s6  }
0x239: {  	vm0 =	vlt.f32 v59, $-Inf;
	s10 =	smov.u32 @p1 s0;
	v14 =	vld @p1 [tilespmem:s6+$0x0];
	vm7 =	vgt.f32 v59, $-Inf  }
0x23a: {  	v60 =	vld [tilespmem:s10+$0xFFFFFFF0];
	vm7 =	vmor vm7, vm0  }
0x23b: {  	s18 =	spop (v2sf);
	vm0 =	vmmov vm7;
	v17 =	vld @p2 [tilespmem:s8+$0x0]  }
0x23c: {  	s19 =	sadd.s32 s4, s18;
	vm10 =	vmmov vm0;
	vm11 =	vnez.u8 v19  }
0x23d: {  	v13 =	vpsel p1, v16, v13;
	s6 =	sadd.s32 @p2 $0x20, s8;
	s8 =	simm.s32 $0xE910;
	[tilespmem:s19+$0x13B00] =	vst.msk vm10, v59;
	vm11 =	vmmov @p1 vm9  }
0x23e: {  	s8 =	smov.u32 @p2 s6;
	[tilespmem:s3+$0x14F80] =	vst.msk @p1 vm11, v13;
	v13 =	vpsel p1, v14, v0;
	v14 =	vld [tilespmem:s10+$0x0]  }
0x23f: {  	vm0 =	vmmov @p1 vm12;
	vm12 =	vmmov @p3 vm8;
	vm8 =	vmmov @p2 vm13;
	[tilespmem:s4+$0x14F80] =	vst.msk vm6, v60;
	v19 =	vld @p1 [tilespmem:s8+$0xFFFFFFF0]  }
0x240: {  	s6 =	smov.u32 @p1 s13;
	[tilespmem:s7+$0x16400] =	vst.msk @p2 vm8, v17  }
0x241: {  	v18 =	vpsel p3, v18, v0;
	s10 =	smov.u32 @p3 s15;
	[tilespmem:s6+$0x14F80] =	vst.msk @p1 vm0, v13  }
0x242: {  	[tilespmem:s10+$0x17880] =	vst.msk @p3 vm12, v18  }
0x243: {  	vm11 =	vmmov @p1 vm11;
	v13 =	vld @p1 [tilespmem:s8+$0x0];
	[tilespmem:s19+$0x14F80] =	vst.msk vm10, v14  }
0x244: {  	v18 =	vld @p3 [tilespmem:s1+$0x0];
	[tilespmem:s3+$0x16400] =	vst.msk @p1 vm11, v19  }
0x245: {  	v19 =	vld [tilespmem:$0x1FFF0]  }
0x246: {  	s11 =	simm.s32 $0xFD90  }
0x247: {  	s5 =	smov.u32 @p2 s9;
	s12 =	simm.s32 $0xE910;
	v15 =	vld @p2 [tilespmem:s17+$0xFFFFFFF0];
	s8 =	sadd.s32 @p1 $0x20, s8  }
0x248: {  	s9 =	simm.s32 $0x11210;
	v17 =	vld @p2 [tilespmem:s17+$0x0];
	s12 =	smov.u32 @p1 s8;
	s8 =	sadd.s32 @p2 $0x20, s17  }
0x249: {  	vm9 =	vmmov @p1 vm0;
	vm0 =	vmmov @p3 vm12;
	s1 =	sadd.s32 @p3 $0x20, s1;
	v16 =	vld [tilespmem:s12+$0xFFFFFFF0];
	s11 =	smov.u32 @p2 s8;
	s8 =	smov.u32 @p3 s10  }
0x24a: {  	vm12 =	vmmov @p3 vm0;
	s9 =	smov.u32 @p3 s1;
	s1 =	smov.u32 @p3 s8;
	v14 =	vld [tilespmem:s12+$0x0];
	[tilespmem:s6+$0x16400] =	vst.msk @p1 vm9, v13;
	v13 =	vpsel p3, v18, v0;
	vm1 =	vnez.u8 v19  }
0x24b: {  	[tilespmem:s1+$0x18D00] =	vst.msk @p3 vm12, v13;
	v19 =	vld @p1 [tilespmem:s11+$0xFFFFFFF0];
	vm1 =	vmmov @p2 vm5  }
0x24c: {  	[tilespmem:s5+$0x17880] =	vst.msk @p2 vm1, v15;
	v15 =	vld @p1 [tilespmem:s11+$0x0]  }
0x24d: {  	vm6 =	vmmov vm6;
	s8 =	sadd.s32 @p1 $0x20, s11;
	v13 =	vld @p3 [tilespmem:s2+$0x0];
	s11 =	simm.s32 $0xFD90  }
0x24e: {  	[tilespmem:s4+$0x16400] =	vst.msk vm6, v16;
	vm5 =	vmmov vm10;
	v18 =	vld @p2 [tilespmem:s9+$0xFFFFFFF0];
	s11 =	smov.u32 @p1 s8  }
0x24f: {  	s7 =	smov.u32 @p2 s7;
	vm0 =	vmmov @p2 vm8;
	v17 =	vpsel p2, v17, v0;
	[tilespmem:s19+$0x16400] =	vst.msk vm5, v14;
	v62 =	vld [tilespmem:s11+$0xFFFFFFF0]  }
0x250: {  	v61 =	vmpcnt.ones.xlane vm7;
	s10 =	simm.s32 $0x11210;
	s3 =	smov.u32 @p1 s3;
	[tilespmem:s7+$0x17880] =	vst.msk @p2 vm0, v17;
	vm10 =	vmmov @p1 vm11;
	s8 =	sadd.s32 @p2 $0x20, s9;
	v14 =	vld [tilespmem:s11+$0x0]  }
0x251: {  	vm8 =	vmmov @p1 vm9;
	s6 =	smov.u32 @p1 s6;
	v16 =	vld @p2 [tilespmem:s9+$0x0];
	s10 =	smov.u32 @p2 s8;
	[tilespmem:s3+$0x17880] =	vst.msk @p1 vm10, v19;
	v15 =	vpsel p1, v15, v0  }
0x252: {  	(v2sf) =	vpush v61, $0x0;
	v17 =	vld @p1 [tilespmem:s10+$0xFFFFFFF0];
	[tilespmem:s6+$0x17880] =	vst.msk @p1 vm8, v15  }
0x253: {  	[tilespmem:s1+$0x1A180] =	vst.msk @p3 vm12, v13;
	s1 =	smov.u32 @p2 s5;
	s9 =	simm.s32 $0x11210;
	s5 =	sadd.s32 @p1 $0x20, s10;
	v13 =	vld @p1 [tilespmem:s10+$0x0]  }
0x254: {  	s2 =	sadd.s32 @p3 $0x20, s2;
	vm7 =	vmmov @p2 vm1;
	s8 =	simm.s32 $0x12690;
	s9 =	smov.u32 @p1 s5;
	[tilespmem:s4+$0x17880] =	vst.msk vm6, v62  }
0x255: {  	vm0 =	vmmov @p2 vm0;
	vm7 =	vmmov @p2 vm7;
	s8 =	smov.u32 @p3 s2;
	s2 =	smov.u32 @p2 s7;
	v15 =	vpsel p2, v18, v0;
	[tilespmem:s19+$0x17880] =	vst.msk vm5, v14;
	v63 =	vld [tilespmem:s9+$0xFFFFFFF0]  }
0x256: {  	vm0 =	vmmov @p2 vm0;
	vm9 =	vmmov @p1 vm10;
	s2 =	smov.u32 @p2 s2;
	[tilespmem:s1+$0x18D00] =	vst.msk @p2 vm7, v15;
	v14 =	vpsel p2, v16, v0;
	v15 =	vld [tilespmem:s9+$0x0]  }
0x257: {  	vm9 =	vmmov @p1 vm9;
	s3 =	smov.u32 @p1 s3;
	s7 =	simm.s32 $0x12690;
	s5 =	sadd.s32 @p2 $0x20, s8;
	vm8 =	vmmov @p1 vm8;
	v16 =	vld @p2 [tilespmem:s8+$0xFFFFFFF0];
	[tilespmem:s2+$0x18D00] =	vst.msk @p2 vm0, v14;
	v17 =	vpsel p1, v17, v0  }
0x258: {  	s7 =	smov.u32 @p2 s5;
	s5 =	smov.u32 @p1 s6;
	vm8 =	vmmov @p1 vm8;
	v14 =	vld @p2 [tilespmem:s8+$0x0];
	[tilespmem:s3+$0x18D00] =	vst.msk @p1 vm9, v17;
	v13 =	vpsel p1, v13, v0  }
0x259: {  	v17 =	vld @p1 [tilespmem:s7+$0xFFFFFFF0];
	[tilespmem:s5+$0x18D00] =	vst.msk @p1 vm8, v13  }
0x25a: {  	s6 =	sadd.s32 @p1 $0x20, s7;
	vm6 =	vmmov vm6;
	v13 =	vld @p1 [tilespmem:s7+$0x0];
	s7 =	simm.s32 $0x12690  }
0x25b: {  	vm5 =	vmmov vm5;
	[tilespmem:s4+$0x18D00] =	vst.msk vm6, v63;
	s7 =	smov.u32 @p1 s6  }
0x25c: {  	[tilespmem:s19+$0x18D00] =	vst.msk vm5, v15;
	v18 =	vld [tilespmem:s7+$0xFFFFFFF0]  }
0x25d: {  	[tilespmem:s1+$0x1A180] =	vst.msk @p2 vm7, v16;
	v15 =	vld [tilespmem:s7+$0x0]  }
0x25e: {  	[tilespmem:s2+$0x1A180] =	vst.msk @p2 vm0, v14  }
0x25f: {  	[tilespmem:s3+$0x1A180] =	vst.msk @p1 vm9, v17  }
0x260: {  	[tilespmem:s5+$0x1A180] =	vst.msk @p1 vm8, v13  }
0x261: {  	s31 =	simm.s32 $0xD480;
	s20 =	spop (v2sf);
	[tilespmem:s4+$0x1A180] =	vst.msk vm6, v18  }
0x262: {  	vm3 =	vcmask $0x3F08;
	vm1 =	vcmask $0x3F14;
	s8 =	sadd.s32 s19, s20;
	s20 =	simm.s32 $0xE900;
	vm7 =	vcmask $0x3F10;
	[tilespmem:s19+$0x1A180] =	vst.msk vm5, v15;
	s19 =	simm.s32 $0x3  }
.LBB2_18:
0x263: {  	p0 =	seq.s32 s16, s14  }
.Ltmp25:
0x264: {  	_ = 	snop;
	(pc) =	sbr.rel @p0 .LBB2_21-.Ltmp25, $1  }
0x265: {  	_ =	sdelay $0x3  }
0x266: {  	s0 =	rddreg [dreg:$0xb]  }
0x267: {  	s5 =	sand.u32 $0xFFFFFFE0, s0  }
0x268: {  	s0 =	sadd.s32 $0x12680, s5;
	s1 =	sadd.s32 $0x11200, s5;
	s2 =	sadd.s32 $0xFD80, s5  }
0x269: {  	s3 =	sadd.s32 $0xE900, s5;
	s4 =	sadd.s32 $0xD480, s5;
	s5 =	sadd.s32 $0xC000, s5  }
.LBB2_20:
0x26a: {  	v13 =	vld [tilespmem:s5+$0x0];
	_ =	sdelay $0x4  }
0x26b: {  	vm0 =	vlt.f32 v13, $-Inf;
	vm5 =	vgt.f32 v13, $-Inf  }
0x26c: {  	vm0 =	vmor vm5, vm0  }
0x26d: {  	[tilespmem:s8+$0x13B00] =	vst.msk vm0, v13  }
0x26e: {  	v13 =	vld [tilespmem:s4+$0x0];
	_ =	sdelay $0x4  }
0x26f: {  	[tilespmem:s8+$0x14F80] =	vst.msk vm0, v13  }
0x270: {  	v13 =	vld [tilespmem:s3+$0x0];
	_ =	sdelay $0x4  }
0x271: {  	v14 =	vmpcnt.ones.xlane vm0;
	[tilespmem:s8+$0x16400] =	vst.msk vm0, v13  }
0x272: {  	v13 =	vld [tilespmem:s2+$0x0]  }
0x273: {  	(v2sf) =	vpush v14, $0x0;
	_ =	sdelay $0x3  }
0x274: {  	[tilespmem:s8+$0x17880] =	vst.msk vm0, v13  }
0x275: {  	v13 =	vld [tilespmem:s1+$0x0];
	_ =	sdelay $0x4  }
0x276: {  	s16 =	sadd.s32 $0x10, s16;
	[tilespmem:s8+$0x18D00] =	vst.msk vm0, v13  }
0x277: {  	p0 =	slt.s32 s16, s14;
	v13 =	vld [tilespmem:s0+$0x0]  }
.Ltmp26:
0x278: {  	_ = 	snop;
	(pc) =	sbr.rel @p0 .LBB2_20-.Ltmp26, $4  }
0x279: {  	_ = 	snop  }
0x27a: {  	s5 =	sadd.s32 $0x10, s5;
	s4 =	sadd.s32 $0x10, s4  }
0x27b: {  	s3 =	sadd.s32 $0x10, s3;
	s2 =	sadd.s32 $0x10, s2;
	s6 =	spop (v2sf)  }
0x27c: {  	s1 =	sadd.s32 $0x10, s1;
	s0 =	sadd.s32 $0x10, s0;
	[tilespmem:s8+$0x1A180] =	vst.msk vm0, v13;
	s8 =	sadd.s32 s8, s6  }
.LBB2_21:
0x27d: {  	s0 =	sadd.s32 $0xF, s8  }
0x27e: {  	s1 =	sand.u32 $0xF, s0  }
0x27f: {  	s2 =	sshra.s32 s0, $0x1F;
	p0 =	slt.s32 s0, $0x1;
	p1 =	sne.s32 s1, $0x0  }
0x280: {  	s17 =	sshrl.u32 s2, $0x1C;
	p0 =	por !p0, !p1  }
0x281: {  	s1 =	simm.s32 $0x1;
	s0 =	sadd.s32 s17, s0;
	p0 =	por !p0, !p0  }
0x282: {  	s0 =	sshra.s32 s0, $0x4;
	s1 =	simm.s32 @!p0 $0x0  }
0x283: {  	s0 =	ssub.s32 s0, s1  }
.Ltmp27:
0x284: {  	s1 =	sshll.u32 s0, $0x6;
	s0 =	sshll.u32 s0, $0x4;
	(pc) =	sbr.rel .LBB2_22-.Ltmp27, $4  }
0x285: {  	[tilespmem:s8+$0x13B00] =	vst v0;
	s8 =	simm.s32 $0x32;
	s18 =	sshra.s32 s1, $0x2;
	s1 =	sand.u32 $0xFFFFFFC0, s0  }
0x286: {  	p1 =	slt.s32 s0, $0x40;
	s7 =	sand.u32 $0xFFFFFFC0, s18;
	p2 =	seq.s32 s1, s0  }
0x287: {  	s2 =	sadd.s32 $0x1A180, s7;
	s3 =	sadd.s32 $0x18D00, s7;
	s4 =	sadd.s32 $0x17880, s7  }
0x288: {  	s5 =	sadd.s32 $0x16400, s7;
	s6 =	sadd.s32 $0x14F80, s7;
	s7 =	sadd.s32 $0x13B00, s7  }
.LBB2_26:
0x289: {  	v8 =	vperm.xlane v13, v1;
	_ =	sdelay $0x1  }
0x28a: {  	v8 =	vmax.f32 v13, v8  }
0x28b: {  	v9 =	vperm.xlane v8, v2;
	_ =	sdelay $0x1  }
0x28c: {  	v8 =	vmax.f32 v8, v9  }
0x28d: {  	v9 =	vperm.xlane v8, v3;
	_ =	sdelay $0x1  }
0x28e: {  	v8 =	vmax.f32 v8, v9  }
0x28f: {  	v9 =	vperm.xlane v8, v4;
	_ =	sdelay $0x1  }
0x290: {  	v15 =	vmax.f32 v8, v9  }
0x291: {  	v8 =	vadd.s32 v5, v14;
	vm0 =	veq.f32 v13, v15  }
0x292: {  	v8 =	vnsel vm0, $0x40000000, v8  }
0x293: {  	v9 =	vperm.xlane v8, v1;
	_ =	sdelay $0x1  }
0x294: {  	vm0 =	vlt.s32 v8, v9  }
0x295: {  	v8 =	vsel vm0, v8, v9  }
0x296: {  	v9 =	vperm.xlane v8, v2;
	_ =	sdelay $0x1  }
0x297: {  	vm0 =	vlt.s32 v8, v9  }
0x298: {  	v8 =	vsel vm0, v8, v9  }
0x299: {  	v9 =	vperm.xlane v8, v3;
	_ =	sdelay $0x1  }
0x29a: {  	vm0 =	vlt.s32 v8, v9  }
0x29b: {  	v8 =	vsel vm0, v8, v9  }
0x29c: {  	v9 =	vperm.xlane v8, v4;
	_ =	sdelay $0x1  }
0x29d: {  	vm0 =	vlt.s32 v8, v9  }
0x29e: {  	v12 =	vsel vm0, v8, v9;
	_ =	sdelay $0x4  }
0x29f: {  	v8 =	vld.idx.msk [tilespmem:v12+s29+$0x0], $0xffff  }
0x2a0: {  	v9 =	vld.idx.msk [tilespmem:v12+s28+$0x0], $0xffff  }
0x2a1: {  	v10 =	vld.idx.msk [tilespmem:v12+s26+$0x0], $0xffff  }
0x2a2: {  	v11 =	vld.idx.msk [tilespmem:v12+s25+$0x0], $0xffff  }
0x2a3: {  	s9 =	sshll.u32 s8, $0x7;
	s8 =	sadd.s32 $0x1, s8;
	v13 =	vsel vm1, $0x3F800000, v15  }
0x2a4: {  	p0 =	sne.s32 s8, $0x64;
	v14 =	vor.u32 s9, v5;
	v13 =	vsel vm7, v13, v8  }
.Ltmp28:
0x2a5: {  	v13 =	vsel vm2, v13, v9;
	(pc) =	sbr.rel @!p0 .LBB2_27-.Ltmp28, $4  }
0x2a6: {  	vm5 =	vgt.f32 v15, $-Inf;
	vm0 =	vlt.f32 v15, $-Inf;
	v13 =	vsel vm3, v13, v10  }
0x2a7: {  	vm0 =	vmor vm5, vm0;
	v13 =	vsel vm4, v11, v13  }
0x2a8: {  	v13 =	vnsel vm0, $0x0, v13  }
0x2a9: {  	v7 =	vmin.f32 v7, v15;
	v12 =	vld.idx.msk [tilespmem:v12+s30+$0x0], $0xffff;
	[tilespmem:v14+s24+$0x0] =	vst.idx.msk $0x3f, v13  }
.LBB2_22:
.Ltmp29:
0x2aa: {  	(pc) =	sbr.rel @p1 .LBB2_23-.Ltmp29, $1  }
0x2ab: {  	_ =	sdelay $0x3  }
0x2ac: {  	s16 =	simm.s32 $0x1A1A0  }
0x2ad: {  	v14 =	vld [tilespmem:s16+$0x0]  }
0x2ae: {  	s11 =	simm.s32 $0x14FA0;
	v16 =	vld [tilespmem:s16+$0xFFFFFFF0]  }
0x2af: {  	s12 =	simm.s32 $0x16420;
	v18 =	vld [tilespmem:s11+$0x10]  }
0x2b0: {  	s13 =	simm.s32 $0x178A0;
	v19 =	vld [tilespmem:s12+$0x10]  }
0x2b1: {  	s14 =	simm.s32 $0x18D20;
	v21 =	vld [tilespmem:s13+$0x10]  }
0x2b2: {  	v23 =	vld [tilespmem:s14+$0x10]  }
0x2b3: {  	v22 =	vld [tilespmem:s16+$0xFFFFFFE0]  }
0x2b4: {  	v24 =	vld [tilespmem:s11+$0x0]  }
0x2b5: {  	v25 =	vld [tilespmem:s12+$0x0]  }
0x2b6: {  	v27 =	vld [tilespmem:s13+$0x0]  }
0x2b7: {  	v29 =	vld [tilespmem:s14+$0x0]  }
0x2b8: {  	v30 =	vld [tilespmem:s11+$0xFFFFFFF0]  }
0x2b9: {  	v31 =	vld [tilespmem:s12+$0xFFFFFFF0]  }
0x2ba: {  	v32 =	vld [tilespmem:s11+$0xFFFFFFE0]  }
0x2bb: {  	v33 =	vld [tilespmem:s12+$0xFFFFFFE0]  }
0x2bc: {  	v15 =	vimm.f32 $-Inf;
	v34 =	vld [tilespmem:s13+$0xFFFFFFE0]  }
0x2bd: {  	v13 =	vimm.s32 $0x0;
	v35 =	vld [tilespmem:s14+$0xFFFFFFE0];
	v14 =	vadd.f32 v14, v12;
	v17 =	vadd.f32 v16, v12  }
0x2be: {  	v38 =	vld [tilespmem:s13+$0xFFFFFFF0];
	v36 =	vmax.f32 v11, v18;
	v20 =	vmax.f32 v10, v19;
	v37 =	vmin.f32 v9, v21  }
0x2bf: {  	s10 =	simm.s32 $0x13B20;
	p0 =	sgt.s32 s1, $0x40;
	v39 =	vld [tilespmem:s14+$0xFFFFFFF0];
	v22 =	vadd.f32 v22, v12;
	v23 =	vmin.f32 v8, v23;
	v26 =	vmax.f32 v11, v24  }
.Ltmp30:
0x2c0: {  	v24 =	vmax.f32 v10, v25;
	v28 =	vmin.f32 v9, v27;
	v25 =	vmin.f32 v8, v29;
	v16 =	vld [tilespmem:s10+$0x10];
	(pc) =	sbr.rel @!p0 .LBB2_55-.Ltmp30, $4  }
0x2c1: {  	v27 =	vmax.f32 v11, v32;
	v30 =	vmax.f32 v11, v30;
	v29 =	vmax.f32 v10, v31;
	v18 =	vld [tilespmem:s10+$0x0]  }
0x2c2: {  	v31 =	vmax.f32 v10, v33;
	v62 =	vmin.f32 v9, v34;
	v63 =	vmin.f32 v8, v35;
	v19 =	vld [tilespmem:s10+$0xFFFFFFF0]  }
0x2c3: {  	v21 =	vld [tilespmem:s10+$0xFFFFFFE0];
	v32 =	vsub.f32 v62, v27;
	v33 =	vsub.f32 v63, v31;
	v27 =	vmin.f32 v9, v38  }
0x2c4: {  	s9 =	simm.s32 $0x0;
	s15 =	simm.s32 $0x40;
	v34 =	vmin.f32 v8, v39;
	v31 =	vsub.f32 v27, v30;
	v27 =	vld [tilespmem:s16+$0x10];
	v30 =	vsub.f32 v37, v36;
	s16 =	simm.s32 $0x1A1E0  }
.LBB2_54:
0x2c5: {  	v35 =	vld [tilespmem:s16+$0x0];
	v32 =	vmax.f32 v32, $0.0e+00;
	v33 =	vmax.f32 v33, $0.0e+00;
	v29 =	vsub.f32 v34, v29;
	s17 =	smov.u32 s15  }
0x2c6: {  	v26 =	vsub.f32 v28, v26;
	v20 =	vsub.f32 v23, v20;
	s11 =	sadd.s32 $0x40, s11;
	v34 =	vld [tilespmem:s16+$0xFFFFFFF0];
	v32 =	vmul.f32 v33, v32  }
0x2c7: {  	v24 =	vsub.f32 v25, v24;
	s12 =	sadd.s32 $0x40, s12;
	v28 =	vmax.f32 v31, $0.0e+00;
	v23 =	vld [tilespmem:s11+$0x10];
	v29 =	vmax.f32 v29, $0.0e+00  }
0x2c8: {  	s13 =	sadd.s32 $0x40, s13;
	v25 =	vld [tilespmem:s12+$0x10];
	v22 =	vsub.f32 v22, v32;
	v28 =	vmul.f32 v29, v28;
	v29 =	vmax.f32 v30, $0.0e+00  }
0x2c9: {  	s14 =	sadd.s32 $0x40, s14;
	v26 =	vmax.f32 v26, $0.0e+00;
	v24 =	vmax.f32 v24, $0.0e+00;
	v20 =	vmax.f32 v20, $0.0e+00;
	v30 =	vld [tilespmem:s13+$0x10]  }
0x2ca: {  	v24 =	vmul.f32 v24, v26;
	v31 =	vld [tilespmem:s14+$0x10];
	v22 =	vadd.f32 $9.999999710e-10, v22;
	v17 =	vsub.f32 v17, v28  }
0x2cb: {  	v29 =	vmul.f32 v20, v29;
	v20 =	vadd.f32 v27, v12;
	v33 =	vadd.f32 v35, v12;
	v26 =	vld [tilespmem:s16+$0xFFFFFFE0]  }
0x2cc: {  	v36 =	vsub.f32 v14, v24;
	v27 =	vld [tilespmem:s11+$0x0];
	v22 =	vmul.f32 $5.000000000e-01, v22;
	v35 =	vadd.f32 $9.999999710e-10, v17  }
0x2cd: {  	v17 =	vadd.f32 v34, v12;
	v37 =	vmax.f32 v11, v23;
	v23 =	vsub.f32 v20, v29;
	v14 =	vmovc v33;
	v34 =	vld [tilespmem:s12+$0x0]  }
0x2ce: {  	v33 =	vld [tilespmem:s13+$0x0];
	vm0 =	vgt.f32 v32, v22;
	v22 =	vmul.f32 $5.000000000e-01, v35;
	v32 =	vadd.f32 $9.999999710e-10, v36  }
0x2cf: {  	v20 =	vmax.f32 v10, v25;
	v23 =	vadd.f32 $9.999999710e-10, v23;
	v35 =	vld [tilespmem:s14+$0x0];
	v21 =	vsel vm0, $0xFF800000, v21  }
0x2d0: {  	v36 =	vld [tilespmem:s11+$0xFFFFFFF0];
	[tilespmem:s10+$0xFFFFFFE0] =	vst v21;
	vm0 =	vgt.f32 v21, v15;
	vm5 =	vgt.f32 v28, v22;
	v22 =	vmul.f32 $5.000000000e-01, v32  }
0x2d1: {  	v32 =	vld [tilespmem:s12+$0xFFFFFFF0];
	v15 =	vsel vm0, v21, v15;
	v13 =	vsel vm0, s9, v13;
	v19 =	vsel vm5, $0xFF800000, v19  }
0x2d2: {  	s18 =	sadd.s32 $0x10, s9;
	v21 =	vld [tilespmem:s11+$0xFFFFFFE0];
	[tilespmem:s10+$0xFFFFFFF0] =	vst v19;
	vm0 =	vgt.f32 v19, v15;
	vm5 =	vgt.f32 v24, v22;
	v22 =	vmul.f32 $5.000000000e-01, v23  }
0x2d3: {  	v38 =	vld [tilespmem:s12+$0xFFFFFFE0];
	v15 =	vsel vm0, v19, v15;
	v13 =	vsel vm0, s18, v13;
	v18 =	vsel vm5, $0xFF800000, v18  }
0x2d4: {  	v30 =	vmin.f32 v9, v30;
	s18 =	sadd.s32 $0x20, s9;
	v19 =	vld [tilespmem:s13+$0xFFFFFFE0];
	[tilespmem:s10+$0x0] =	vst v18;
	vm0 =	vgt.f32 v18, v15;
	vm5 =	vgt.f32 v29, v22  }
0x2d5: {  	s15 =	sadd.s32 $0x40, s15;
	v39 =	vld [tilespmem:s14+$0xFFFFFFE0];
	v15 =	vsel vm0, v18, v15;
	v13 =	vsel vm0, s18, v13;
	v16 =	vsel vm5, $0xFF800000, v16  }
0x2d6: {  	p0 =	slt.s32 s15, s1;
	v23 =	vmin.f32 v8, v31;
	v22 =	vadd.f32 v26, v12;
	s18 =	sadd.s32 $0x30, s9;
	s9 =	smov.u32 s17;
	v40 =	vld [tilespmem:s13+$0xFFFFFFF0];
	[tilespmem:s10+$0x10] =	vst v16;
	vm0 =	vgt.f32 v16, v15  }
0x2d7: {  	v26 =	vmax.f32 v11, v27;
	s10 =	sadd.s32 $0x40, s10;
	v31 =	vld [tilespmem:s14+$0xFFFFFFF0];
	v15 =	vsel vm0, v16, v15;
	v13 =	vsel vm0, s18, v13  }
.Ltmp31:
0x2d8: {  	v24 =	vmax.f32 v10, v34;
	v28 =	vmin.f32 v9, v33;
	v25 =	vmin.f32 v8, v35;
	v16 =	vld [tilespmem:s10+$0x10];
	(pc) =	sbr.rel @p0 .LBB2_54-.Ltmp31, $4  }
0x2d9: {  	v35 =	vmax.f32 v11, v36;
	v29 =	vmax.f32 v10, v32;
	v27 =	vmax.f32 v11, v21;
	v18 =	vld [tilespmem:s10+$0x0]  }
0x2da: {  	v33 =	vmax.f32 v10, v38;
	v32 =	vmin.f32 v9, v19;
	v34 =	vmin.f32 v8, v39;
	v19 =	vld [tilespmem:s10+$0xFFFFFFF0]  }
0x2db: {  	v32 =	vsub.f32 v32, v27;
	v21 =	vld [tilespmem:s10+$0xFFFFFFE0];
	v33 =	vsub.f32 v34, v33;
	v27 =	vmin.f32 v9, v40  }
0x2dc: {  	v30 =	vsub.f32 v30, v37;
	v34 =	vmin.f32 v8, v31;
	v31 =	vsub.f32 v27, v35;
	v27 =	vld [tilespmem:s16+$0x10];
	s16 =	sadd.s32 $0x40, s16  }
.LBB2_55:
0x2dd: {  	v32 =	vmax.f32 v32, $0.0e+00;
	v33 =	vmax.f32 v33, $0.0e+00;
	v29 =	vsub.f32 v34, v29  }
0x2de: {  	v26 =	vsub.f32 v28, v26;
	v20 =	vsub.f32 v23, v20;
	v32 =	vmul.f32 v33, v32  }
0x2df: {  	v24 =	vsub.f32 v25, v24;
	v58 =	vmax.f32 v31, $0.0e+00;
	v59 =	vmax.f32 v29, $0.0e+00  }
0x2e0: {  	v60 =	vmax.f32 v30, $0.0e+00;
	v22 =	vsub.f32 v22, v32;
	v23 =	vmul.f32 v59, v58  }
0x2e1: {  	v26 =	vmax.f32 v26, $0.0e+00;
	v24 =	vmax.f32 v24, $0.0e+00;
	v20 =	vmax.f32 v20, $0.0e+00  }
0x2e2: {  	v24 =	vmul.f32 v24, v26;
	v22 =	vadd.f32 $9.999999710e-10, v22;
	v17 =	vsub.f32 v17, v23  }
0x2e3: {  	v20 =	vmul.f32 v20, v60;
	v61 =	vadd.f32 v27, v12  }
0x2e4: {  	v14 =	vsub.f32 v14, v24;
	v22 =	vmul.f32 $5.000000000e-01, v22;
	v17 =	vadd.f32 $9.999999710e-10, v17  }
0x2e5: {  	v25 =	vsub.f32 v61, v20  }
0x2e6: {  	v14 =	vadd.f32 $9.999999710e-10, v14;
	vm0 =	vgt.f32 v32, v22;
	v17 =	vmul.f32 $5.000000000e-01, v17  }
0x2e7: {  	v62 =	vadd.f32 $9.999999710e-10, v25;
	v21 =	vsel vm0, $0xFF800000, v21  }
0x2e8: {  	v14 =	vmul.f32 $5.000000000e-01, v14;
	vm0 =	vgt.f32 v21, v15;
	vm5 =	vgt.f32 v23, v17  }
0x2e9: {  	v15 =	vsel vm0, v21, v15;
	v17 =	vsel vm5, $0xFF800000, v19  }
0x2ea: {  	vm6 =	vgt.f32 v24, v14;
	v14 =	vmul.f32 $5.000000000e-01, v62;
	vm5 =	vgt.f32 v17, v15  }
.Ltmp32:
0x2eb: {  	v18 =	vsel vm6, $0xFF800000, v18;
	v15 =	vsel vm5, v17, v15;
	(pc) =	sbr.rel .LBB2_24-.Ltmp32, $4  }
0x2ec: {  	s11 =	sadd.s32 $0x10, s9;
	[tilespmem:s10+$0xFFFFFFE0] =	vst v21;
	v13 =	vsel vm0, s9, v13;
	vm6 =	vgt.f32 v20, v14;
	vm0 =	vgt.f32 v18, v15  }
0x2ed: {  	s17 =	sadd.s32 $0x20, s9;
	[tilespmem:s10+$0xFFFFFFF0] =	vst v17;
	v13 =	vsel vm5, s11, v13;
	v14 =	vsel vm0, v18, v15;
	v15 =	vsel vm6, $0xFF800000, v16  }
0x2ee: {  	s18 =	sadd.s32 $0x30, s9;
	[tilespmem:s10+$0x0] =	vst v18;
	v63 =	vsel vm0, s17, v13;
	vm0 =	vgt.f32 v15, v14  }
0x2ef: {  	[tilespmem:s10+$0x10] =	vst v15;
	v13 =	vsel vm0, v15, v14;
	v14 =	vsel vm0, s18, v63  }
.LBB2_23:
0x2f0: {  	v14 =	vimm.s32 $0x0;
	v13 =	vimm.f32 $-Inf  }
.LBB2_24:
.Ltmp33:
0x2f1: {  	(pc) =	sbr.rel @p2 .LBB2_26-.Ltmp33, $4  }
0x2f2: {  	_ = 	snop  }
0x2f3: {  	s9 =	smov.u32 s7  }
0x2f4: {  	s10 =	smov.u32 s6;
	s11 =	smov.u32 s5;
	s12 =	smov.u32 s4  }
0x2f5: {  	s13 =	smov.u32 s3;
	s14 =	smov.u32 s2;
	s15 =	smov.u32 s1  }
.LBB2_25:
0x2f6: {  	v15 =	vld [tilespmem:s10+$0x0]  }
0x2f7: {  	v16 =	vld [tilespmem:s11+$0x0]  }
0x2f8: {  	v17 =	vld [tilespmem:s12+$0x0]  }
0x2f9: {  	v18 =	vld [tilespmem:s13+$0x0];
	_ =	sdelay $0x3  }
0x2fa: {  	v19 =	vld [tilespmem:s14+$0x0];
	v15 =	vmax.f32 v11, v15  }
0x2fb: {  	v16 =	vmax.f32 v10, v16;
	v17 =	vmin.f32 v9, v17;
	v18 =	vmin.f32 v8, v18  }
0x2fc: {  	v15 =	vsub.f32 v17, v15;
	v16 =	vsub.f32 v18, v16;
	_ =	sdelay $0x1  }
0x2fd: {  	v15 =	vmax.f32 v15, $0.0e+00;
	v16 =	vmax.f32 v16, $0.0e+00  }
0x2fe: {  	v62 =	vadd.f32 v19, v12;
	v15 =	vmul.f32 v16, v15;
	_ =	sdelay $0x1  }
0x2ff: {  	v16 =	vsub.f32 v62, v15;
	_ =	sdelay $0x1  }
0x300: {  	v63 =	vld [tilespmem:s9+$0x0];
	v16 =	vadd.f32 $9.999999710e-10, v16;
	_ =	sdelay $0x1  }
0x301: {  	v16 =	vmul.f32 $5.000000000e-01, v16;
	_ =	sdelay $0x1  }
0x302: {  	vm0 =	vgt.f32 v15, v16  }
0x303: {  	v15 =	vsel vm0, $0xFF800000, v63  }
0x304: {  	vm0 =	vgt.f32 v15, v13  }
0x305: {  	v14 =	vsel vm0, s15, v14;
	s15 =	sadd.s32 $0x10, s15  }
0x306: {  	p0 =	slt.s32 s15, s0  }
.Ltmp34:
0x307: {  	_ = 	snop;
	(pc) =	sbr.rel @p0 .LBB2_25-.Ltmp34, $3  }
0x308: {  	_ =	sdelay $0x1  }
0x309: {  	s14 =	sadd.s32 $0x10, s14;
	s13 =	sadd.s32 $0x10, s13;
	s12 =	sadd.s32 $0x10, s12  }
0x30a: {  	s11 =	sadd.s32 $0x10, s11;
	s10 =	sadd.s32 $0x10, s10;
	[tilespmem:s9+$0x0] =	vst v15;
	s9 =	sadd.s32 $0x10, s9;
	v13 =	vsel vm0, v15, v13  }
.Ltmp35:
0x30b: {  	_ = 	snop;
	(pc) =	sbr.rel .LBB2_26-.Ltmp35, $1  }
0x30c: {  	_ =	sdelay $0x3  }
.LBB2_27:
0x30d: {  	(v2sf) =	vpush v7, $0x0;
	_ =	sdelay $0xe  }
0x30e: {  	s0 =	spop (v2sf)  }
0x30f: {  	p0 =	sle.f32 s0, $6.499999760e-01  }
.Ltmp36:
0x310: {  	_ = 	snop;
	(pc) =	sbr.rel @!p0 .LBB2_68-.Ltmp36, $1  }
0x311: {  	_ =	sdelay $0x3  }
0x312: {  	s0 =	simm.s32 $0x7810  }
0x313: {  	v7 =	vld [tilespmem:s0+$0x0]  }
0x314: {  	s1 =	simm.s32 $0x6410;
	v8 =	vld [tilespmem:s0+$0xFFFFFFF0]  }
0x315: {  	v9 =	vld [tilespmem:s1+$0xFFFFFFF0]  }
0x316: {  	v10 =	vld [tilespmem:s1+$0x0];
	_ =	sdelay $0x3  }
0x317: {  	v8 =	vmul.f32 v9, v8  }
0x318: {  	v7 =	vmul.f32 v10, v7  }
0x319: {  	vm0 =	vgt.f32 v8, $1.000000010e-01  }
0x31a: {  	s11 =	simm.s32 $0x6430;
	vm5 =	vgt.f32 v7, $1.000000010e-01;
	v9 =	vmpcnt.ones.xlane vm0  }
0x31b: {  	v11 =	vld [tilespmem:s11+$0xFFFFFFF0];
	v10 =	vmpcnt.ones.xlane vm5  }
0x31c: {  	s10 =	simm.s32 $0x7830;
	v12 =	vld [tilespmem:s11+$0x0];
	(v2sf) =	vpush v9, $0x0  }
0x31d: {  	(v2sf) =	vpush v10, $0x0;
	v10 =	vld [tilespmem:s10+$0xFFFFFFF0]  }
0x31e: {  	v9 =	vld [tilespmem:s10+$0x0]  }
0x31f: {  	s4 =	simm.s32 $0x0;
	vm0 =	vmmov vm0  }
0x320: {  	s12 =	simm.s32 $0x10;
	[tilespmem:s4+$0xC000] =	vst.msk vm0, v8  }
0x321: {  	v8 =	vld [tilespmem:s12+$0xFFFFFFF0]  }
0x322: {  	v10 =	vmul.f32 v11, v10  }
0x323: {  	v9 =	vmul.f32 v12, v9  }
0x324: {  	vm7 =	vgt.f32 v10, $1.000000010e-01  }
0x325: {  	vm6 =	vgt.f32 v9, $1.000000010e-01;
	v11 =	vmpcnt.ones.xlane vm7  }
0x326: {  	[tilespmem:s4+$0xD480] =	vst.msk vm0, v8;
	v8 =	vmpcnt.ones.xlane vm6  }
0x327: {  	(v2sf) =	vpush v11, $0x0  }
0x328: {  	(v2sf) =	vpush v8, $0x0;
	_ =	sdelay $0x4  }
0x329: {  	s3 =	simm.s32 $0x1410  }
0x32a: {  	s6 =	simm.s32 $0x6450;
	v12 =	vld [tilespmem:s3+$0xFFFFFFF0]  }
0x32b: {  	s5 =	simm.s32 $0x7850;
	v11 =	vld [tilespmem:s6+$0xFFFFFFF0]  }
0x32c: {  	v8 =	vld [tilespmem:s5+$0xFFFFFFF0];
	s13 =	spop (v2sf)  }
0x32d: {  	vm9 =	vmmov vm5;
	s2 =	sadd.s32 $0x0, s13  }
0x32e: {  	v13 =	vld [tilespmem:s6+$0x0];
	[tilespmem:s2+$0xC000] =	vst.msk vm9, v7  }
0x32f: {  	vm5 =	vmmov vm0;
	v7 =	vld [tilespmem:s12+$0x0]  }
0x330: {  	[tilespmem:s4+$0xE900] =	vst.msk vm5, v12;
	v12 =	vld [tilespmem:s5+$0x0]  }
0x331: {  	s14 =	spop (v2sf);
	v8 =	vmul.f32 v11, v8  }
0x332: {  	vm8 =	vmmov vm7;
	s1 =	sadd.s32 s2, s14;
	s17 =	spop (v2sf)  }
0x333: {  	vm0 =	vmmov vm9;
	[tilespmem:s1+$0xC000] =	vst.msk vm8, v10;
	vm7 =	vgt.f32 v8, $1.000000010e-01;
	s0 =	sadd.s32 s1, s17;
	s18 =	spop (v2sf)  }
0x334: {  	s8 =	simm.s32 $0x2810;
	[tilespmem:s2+$0xD480] =	vst.msk vm0, v7;
	v7 =	vmpcnt.ones.xlane vm7;
	vm7 =	vmmov vm7;
	s11 =	sadd.s32 s0, s18  }
0x335: {  	s7 =	simm.s32 $0x30;
	v11 =	vld [tilespmem:s8+$0xFFFFFFF0];
	[tilespmem:s11+$0xC000] =	vst.msk vm7, v8;
	v8 =	vmul.f32 v13, v12  }
0x336: {  	s16 =	simm.s32 $0x7870;
	v10 =	vld [tilespmem:s7+$0xFFFFFFF0]  }
0x337: {  	v15 =	vld [tilespmem:s16+$0xFFFFFFF0];
	vm13 =	vmmov vm0;
	s6 =	simm.s32 $0x6470;
	vm0 =	vgt.f32 v8, $1.000000010e-01  }
0x338: {  	v16 =	vld [tilespmem:s6+$0xFFFFFFF0];
	v12 =	vmpcnt.ones.xlane vm0  }
0x339: {  	v17 =	vld [tilespmem:s6+$0x0];
	(v2sf) =	vpush v7, $0x0  }
0x33a: {  	[tilespmem:s4+$0xFD80] =	vst.msk vm5, v11;
	v11 =	vld [tilespmem:s16+$0x0];
	(v2sf) =	vpush v12, $0x0  }
0x33b: {  	s15 =	simm.s32 $0x1430;
	[tilespmem:s1+$0xD480] =	vst.msk vm8, v10;
	v10 =	vld [tilespmem:s3+$0x0]  }
0x33c: {  	s10 =	simm.s32 $0x3C10;
	v14 =	vld [tilespmem:s15+$0xFFFFFFF0]  }
0x33d: {  	vm9 =	vmmov vm6;
	v7 =	vld [tilespmem:s10+$0xFFFFFFF0]  }
0x33e: {  	[tilespmem:s0+$0xC000] =	vst.msk vm9, v9  }
0x33f: {  	s9 =	simm.s32 $0x50;
	v18 =	vld [tilespmem:s7+$0x0]  }
0x340: {  	vm6 =	vmmov vm8;
	[tilespmem:s2+$0xE900] =	vst.msk vm13, v10;
	v10 =	vld [tilespmem:s9+$0xFFFFFFF0]  }
0x341: {  	vm10 =	vmmov vm5;
	v9 =	vmul.f32 v16, v15;
	[tilespmem:s1+$0xE900] =	vst.msk vm6, v14;
	v13 =	vld [tilespmem:s8+$0x0];
	s8 =	simm.s32 $0x2830  }
0x342: {  	[tilespmem:s4+$0x11200] =	vst.msk vm10, v7;
	v7 =	vmul.f32 v17, v11;
	v15 =	vld [tilespmem:s8+$0xFFFFFFF0]  }
0x343: {  	s5 =	simm.s32 $0x5010;
	vm5 =	vmmov vm9;
	vm12 =	vgt.f32 v9, $1.000000010e-01  }
0x344: {  	v14 =	vld [tilespmem:s5+$0xFFFFFFF0];
	v62 =	vmpcnt.ones.xlane vm12;
	vm11 =	vgt.f32 v7, $1.000000010e-01;
	[tilespmem:s0+$0xD480] =	vst.msk vm5, v18  }
0x345: {  	s7 =	simm.s32 $0x1450;
	v63 =	vmpcnt.ones.xlane vm11;
	[tilespmem:s11+$0xD480] =	vst.msk vm7, v10;
	v11 =	vld [tilespmem:s15+$0x0]  }
0x346: {  	[tilespmem:s2+$0xFD80] =	vst.msk vm13, v13;
	(v2sf) =	vpush v62, $0x0;
	v12 =	vld [tilespmem:s7+$0xFFFFFFF0]  }
0x347: {  	s13 =	simm.s32 $0xA0;
	[tilespmem:s1+$0xFD80] =	vst.msk vm6, v15;
	v10 =	vld [tilespmem:s10+$0x0];
	s10 =	simm.s32 $0x3C30;
	(v2sf) =	vpush v63, $0x0  }
0x348: {  	s12 =	simm.s32 $0x7890;
	vm8 =	vmmov vm13;
	s3 =	smov.u32 s11;
	vm9 =	vmmov vm0;
	vm5 =	vmmov vm5;
	v13 =	vld [tilespmem:s10+$0xFFFFFFF0];
	s14 =	spop (v2sf)  }
.LBB2_29:
0x349: {  	s13 =	sadd.s32 $0x20, s13;
	v15 =	vld [tilespmem:s12+$0x0];
	s14 =	sadd.s32 s11, s14;
	s11 =	spop (v2sf);
	[tilespmem:s4+$0x12680] =	vst.msk vm10, v14;
	vm10 =	vmmov vm6;
	vm6 =	vmmov vm7;
	vm7 =	vmmov vm12  }
0x34a: {  	s6 =	sadd.s32 $0x20, s6;
	vm13 =	vmmov vm9;
	p1 =	slt.u32 s13, $0x13E0;
	v14 =	vld [tilespmem:s12+$0xFFFFFFF0];
	[tilespmem:s14+$0xC000] =	vst.msk vm9, v8;
	s11 =	sadd.s32 s14, s11;
	v8 =	vmov v7;
	vm9 =	vmmov vm11  }
0x34b: {  	s15 =	smov.u32 s0;
	s4 =	smov.u32 s1;
	s0 =	smov.u32 s14;
	v7 =	vld [tilespmem:s6+$0xFFFFFFF0];
	[tilespmem:s11+$0xC000] =	vst.msk vm7, v9  }
0x34c: {  	s1 =	smov.u32 s3;
	s3 =	smov.u32 s11;
	v16 =	vld [tilespmem:s6+$0x0];
	[tilespmem:s15+$0xE900] =	vst.msk vm5, v11  }
0x34d: {  	[tilespmem:s1+$0xE900] =	vst.msk vm6, v12;
	v11 =	vld [tilespmem:s9+$0x0];
	s9 =	sadd.s32 $0x20, s9  }
0x34e: {  	v12 =	vld [tilespmem:s9+$0xFFFFFFF0];
	[tilespmem:s2+$0x11200] =	vst.msk vm8, v10  }
0x34f: {  	[tilespmem:s4+$0x11200] =	vst.msk vm10, v13;
	v10 =	vld [tilespmem:s8+$0x0];
	s8 =	sadd.s32 $0x20, s8  }
0x350: {  	v9 =	vmul.f32 v7, v14;
	v13 =	vld [tilespmem:s8+$0xFFFFFFF0]  }
0x351: {  	v7 =	vmul.f32 v16, v15;
	v15 =	vld [tilespmem:s5+$0x0];
	s5 =	sadd.s32 $0x20, s5  }
.Ltmp37:
0x352: {  	vm12 =	vgt.f32 v9, $1.000000010e-01;
	[tilespmem:s0+$0xD480] =	vst.msk vm13, v11;
	v14 =	vld [tilespmem:s5+$0xFFFFFFF0];
	(pc) =	sbr.rel @p1 .LBB2_29-.Ltmp37, $4  }
0x353: {  	v16 =	vmpcnt.ones.xlane vm12;
	vm11 =	vgt.f32 v7, $1.000000010e-01;
	[tilespmem:s11+$0xD480] =	vst.msk vm7, v12;
	v11 =	vld [tilespmem:s7+$0x0];
	s7 =	sadd.s32 $0x20, s7  }
0x354: {  	v17 =	vmpcnt.ones.xlane vm11;
	v12 =	vld [tilespmem:s7+$0xFFFFFFF0];
	[tilespmem:s15+$0xFD80] =	vst.msk vm5, v10  }
0x355: {  	(v2sf) =	vpush v16, $0x0;
	[tilespmem:s1+$0xFD80] =	vst.msk vm6, v13;
	v10 =	vld [tilespmem:s10+$0x0];
	s10 =	sadd.s32 $0x20, s10  }
0x356: {  	s12 =	sadd.s32 $0x20, s12;
	(v2sf) =	vpush v17, $0x0;
	s14 =	spop (v2sf);
	v13 =	vld [tilespmem:s10+$0xFFFFFFF0];
	[tilespmem:s2+$0x12680] =	vst.msk vm8, v15;
	vm8 =	vmmov vm5;
	vm5 =	vmmov vm13;
	s2 =	smov.u32 s15  }
0x357: {  	v15 =	vld [tilespmem:s12+$0x0]  }
0x358: {  	v16 =	vld [tilespmem:s12+$0xFFFFFFF0];
	s6 =	sadd.s32 $0x20, s6  }
0x359: {  	v17 =	vld [tilespmem:s6+$0xFFFFFFF0]  }
0x35a: {  	s12 =	sadd.s32 $0x20, s12;
	v18 =	vld [tilespmem:s6+$0x0]  }
0x35b: {  	v19 =	vld [tilespmem:s12+$0xFFFFFFF0];
	s13 =	sadd.s32 $0x20, s6  }
0x35c: {  	[tilespmem:s4+$0x12680] =	vst.msk vm10, v14;
	v20 =	vld [tilespmem:s13+$0xFFFFFFF0]  }
0x35d: {  	s6 =	sadd.s32 s11, s14;
	s14 =	spop (v2sf);
	[tilespmem:s0+$0xE900] =	vst.msk vm5, v11  }
0x35e: {  	vm13 =	vmmov vm12;
	[tilespmem:s6+$0xC000] =	vst.msk vm9, v8;
	s4 =	sadd.s32 s6, s14;
	v50 =	vmul.f32 v17, v16  }
0x35f: {  	vm14 =	vmmov vm7;
	[tilespmem:s4+$0xC000] =	vst.msk vm13, v9;
	v9 =	vld [tilespmem:s9+$0x0]  }
0x360: {  	s16 =	sadd.s32 $0x20, s8;
	[tilespmem:s3+$0xE900] =	vst.msk vm14, v12;
	v53 =	vld [tilespmem:s8+$0x0];
	v8 =	vmul.f32 v18, v15;
	vm15 =	vgt.f32 v50, $1.000000010e-01  }
0x361: {  	s15 =	sadd.s32 $0x20, s9;
	[tilespmem:s2+$0x11200] =	vst.msk vm8, v10;
	v10 =	vld [tilespmem:s16+$0xFFFFFFF0];
	v51 =	vmul.f32 v20, v19;
	v52 =	vmpcnt.ones.xlane vm15  }
0x362: {  	vm0 =	vmmov vm6;
	vm6 =	vmmov vm9;
	v11 =	vld [tilespmem:s15+$0xFFFFFFF0];
	vm12 =	vgt.f32 v8, $1.000000010e-01  }
0x363: {  	s17 =	sadd.s32 $0x20, s5;
	[tilespmem:s1+$0x11200] =	vst.msk vm0, v13;
	v56 =	vld [tilespmem:s5+$0x0];
	v54 =	vmpcnt.ones.xlane vm12;
	vm10 =	vgt.f32 v51, $1.000000010e-01;
	(v2sf) =	vpush v52, $0x0  }
0x364: {  	[tilespmem:s6+$0xD480] =	vst.msk vm6, v9;
	v9 =	vld [tilespmem:s17+$0xFFFFFFF0];
	v55 =	vmpcnt.ones.xlane vm10  }
0x365: {  	[tilespmem:s0+$0xFD80] =	vst.msk vm5, v53;
	(v2sf) =	vpush v54, $0x0  }
0x366: {  	[tilespmem:s3+$0xFD80] =	vst.msk vm14, v10;
	v10 =	vld [tilespmem:s10+$0x0];
	(v2sf) =	vpush v55, $0x0  }
0x367: {  	v59 =	vld [tilespmem:s12+$0x0];
	[tilespmem:s4+$0xD480] =	vst.msk vm13, v11  }
0x368: {  	s10 =	sadd.s32 $0x20, s10;
	v11 =	vld [tilespmem:s7+$0x0];
	[tilespmem:s2+$0x12680] =	vst.msk vm8, v56;
	s18 =	spop (v2sf)  }
0x369: {  	vm1 =	vmmov vm11;
	s11 =	sadd.s32 $0x20, s7;
	v58 =	vld [tilespmem:s10+$0xFFFFFFF0];
	[tilespmem:s1+$0x12680] =	vst.msk vm0, v9;
	s2 =	sadd.s32 s4, s18  }
0x36a: {  	vm9 =	vmmov vm5;
	v57 =	vld [tilespmem:s11+$0xFFFFFFF0];
	[tilespmem:s2+$0xC000] =	vst.msk vm1, v7  }
0x36b: {  	[tilespmem:s0+$0x11200] =	vst.msk vm9, v10;
	s14 =	spop (v2sf);
	v9 =	vld [tilespmem:s15+$0x0]  }
0x36c: {  	vm7 =	vmmov vm15;
	v10 =	vld [tilespmem:s17+$0x0];
	s1 =	sadd.s32 s2, s14  }
0x36d: {  	vm8 =	vmmov vm6;
	v7 =	vld [tilespmem:s13+$0x0];
	[tilespmem:s1+$0xC000] =	vst.msk vm7, v50;
	s15 =	sadd.s32 $0x20, s15  }
0x36e: {  	vm6 =	vmmov vm13;
	[tilespmem:s6+$0xE900] =	vst.msk vm8, v11;
	v11 =	vld [tilespmem:s15+$0xFFFFFFF0]  }
0x36f: {  	vm5 =	vmmov vm1;
	[tilespmem:s4+$0xE900] =	vst.msk vm6, v57;
	s13 =	sadd.s32 $0x20, s16  }
0x370: {  	vm11 =	vmmov vm14;
	[tilespmem:s2+$0xD480] =	vst.msk vm5, v9;
	v9 =	vld [tilespmem:s13+$0xFFFFFFF0]  }
0x371: {  	[tilespmem:s3+$0x11200] =	vst.msk vm11, v58  }
0x372: {  	v60 =	vld [tilespmem:s16+$0x0];
	[tilespmem:s0+$0x12680] =	vst.msk vm9, v10;
	s16 =	spop (v2sf)  }
0x373: {  	s9 =	sadd.s32 $0x20, s17;
	vm0 =	vmmov vm12;
	v7 =	vmul.f32 v7, v59;
	[tilespmem:s1+$0xD480] =	vst.msk vm7, v11;
	s5 =	sadd.s32 s1, s16  }
0x374: {  	v11 =	vld [tilespmem:s9+$0xFFFFFFF0];
	s17 =	spop (v2sf);
	[tilespmem:s5+$0xC000] =	vst.msk vm0, v8  }
0x375: {  	vm10 =	vmmov vm10;
	vm1 =	vgt.f32 v7, $1.000000010e-01;
	[tilespmem:s4+$0xFD80] =	vst.msk vm6, v9;
	s7 =	sadd.s32 s5, s17;
	s18 =	spop (v2sf);
	v8 =	vld [tilespmem:s15+$0x0]  }
0x376: {  	s12 =	sadd.s32 $0x20, s15;
	vm12 =	vmmov vm1;
	v9 =	vld [tilespmem:s11+$0x0];
	[tilespmem:s7+$0xC000] =	vst.msk vm10, v51;
	s8 =	sadd.s32 s7, s18  }
0x377: {  	v61 =	vmpcnt.ones.xlane vm1;
	v62 =	vld [tilespmem:s12+$0xFFFFFFF0];
	[tilespmem:s8+$0xC000] =	vst.msk vm12, v7  }
0x378: {  	[tilespmem:s6+$0xFD80] =	vst.msk vm8, v60;
	s11 =	sadd.s32 $0x20, s11;
	v7 =	vld [tilespmem:s12+$0x0]  }
0x379: {  	(v2sf) =	vpush v61, $0x0;
	v10 =	vld [tilespmem:s11+$0xFFFFFFF0];
	[tilespmem:s3+$0x12680] =	vst.msk vm11, v11;
	vm0 =	vmmov vm0  }
0x37a: {  	v11 =	vld [tilespmem:s10+$0x0];
	vm11 =	vmmov vm5;
	[tilespmem:s5+$0xD480] =	vst.msk vm0, v8  }
0x37b: {  	s15 =	sadd.s32 $0x20, s10;
	[tilespmem:s2+$0xE900] =	vst.msk vm11, v9;
	v8 =	vld [tilespmem:s11+$0x0]  }
0x37c: {  	vm1 =	vmmov vm12;
	s14 =	sadd.s32 $0x20, s11;
	v9 =	vld [tilespmem:s15+$0xFFFFFFF0];
	[tilespmem:s7+$0xD480] =	vst.msk vm10, v62  }
0x37d: {  	vm9 =	vmmov vm7;
	v63 =	vld [tilespmem:s14+$0xFFFFFFF0];
	[tilespmem:s8+$0xD480] =	vst.msk vm1, v7  }
0x37e: {  	vm13 =	vmmov vm8;
	[tilespmem:s1+$0xE900] =	vst.msk vm9, v10;
	v7 =	vld [tilespmem:s14+$0x0]  }
0x37f: {  	s16 =	sadd.s32 $0x20, s13;
	vm12 =	vmmov vm0;
	[tilespmem:s6+$0x11200] =	vst.msk vm13, v11;
	v10 =	vld [tilespmem:s13+$0x0]  }
0x380: {  	vm5 =	vmmov vm6;
	v11 =	vld [tilespmem:s16+$0xFFFFFFF0];
	[tilespmem:s5+$0xE900] =	vst.msk vm12, v8  }
0x381: {  	vm8 =	vmmov vm10;
	[tilespmem:s4+$0x11200] =	vst.msk vm5, v9;
	v8 =	vld [tilespmem:s16+$0x0]  }
0x382: {  	vm7 =	vmmov vm1;
	s0 =	sadd.s32 $0x20, s16;
	v9 =	vld [tilespmem:s9+$0x0];
	[tilespmem:s7+$0xE900] =	vst.msk vm8, v63  }
0x383: {  	v12 =	vld [tilespmem:s0+$0xFFFFFFF0];
	[tilespmem:s8+$0xE900] =	vst.msk vm7, v7  }
0x384: {  	[tilespmem:s2+$0xFD80] =	vst.msk vm11, v10;
	v7 =	vld [tilespmem:s0+$0x0]  }
0x385: {  	s17 =	sadd.s32 $0x20, s15;
	[tilespmem:s1+$0xFD80] =	vst.msk vm9, v11;
	v10 =	vld [tilespmem:s15+$0x0]  }
0x386: {  	v11 =	vld [tilespmem:s17+$0xFFFFFFF0];
	[tilespmem:s5+$0xFD80] =	vst.msk vm12, v8  }
0x387: {  	s9 =	sadd.s32 $0x20, s9;
	[tilespmem:s6+$0x12680] =	vst.msk vm13, v9;
	v8 =	vld [tilespmem:s17+$0x0]  }
0x388: {  	s18 =	spop (v2sf);
	v9 =	vld [tilespmem:s9+$0xFFFFFFF0];
	s0 =	sadd.s32 $0x20, s17;
	[tilespmem:s7+$0xFD80] =	vst.msk vm8, v12  }
0x389: {  	vm6 =	vmmov vm11;
	s10 =	sadd.s32 s8, s18;
	v12 =	vld [tilespmem:s0+$0xFFFFFFF0];
	[tilespmem:s8+$0xFD80] =	vst.msk vm7, v7  }
0x38a: {  	vm0 =	vmmov vm9;
	s11 =	sadd.s32 $0xF, s10;
	[tilespmem:s2+$0x11200] =	vst.msk vm6, v10;
	v7 =	vld [tilespmem:s0+$0x0]  }
0x38b: {  	vm1 =	vmmov vm12;
	s12 =	sadd.s32 $0x20, s9;
	s13 =	sand.u32 $0xF, s11;
	[tilespmem:s1+$0x11200] =	vst.msk vm0, v11;
	v10 =	vld [tilespmem:s9+$0x0]  }
0x38c: {  	s14 =	sshra.s32 s11, $0x1F;
	p0 =	slt.s32 s11, $0x1;
	p1 =	sne.s32 s13, $0x0;
	v11 =	vld [tilespmem:s12+$0xFFFFFFF0];
	[tilespmem:s5+$0x11200] =	vst.msk vm1, v8  }
0x38d: {  	s15 =	sadd.s32 $0x20, s12;
	s3 =	sshrl.u32 s14, $0x1C;
	p0 =	por !p0, !p1;
	[tilespmem:s4+$0x12680] =	vst.msk vm5, v9;
	vm8 =	vmmov vm8;
	v8 =	vld [tilespmem:s12+$0x0]  }
0x38e: {  	p0 =	por !p0, !p0;
	vm7 =	vmmov vm7;
	s0 =	sadd.s32 s3, s11;
	s3 =	simm.s32 $0x1;
	[tilespmem:s7+$0x11200] =	vst.msk vm8, v12  }
0x38f: {  	s0 =	sshra.s32 s0, $0x4;
	s3 =	simm.s32 @!p0 $0x0;
	v12 =	vld [tilespmem:s15+$0xFFFFFFF0];
	[tilespmem:s8+$0x11200] =	vst.msk vm7, v7  }
0x390: {  	[tilespmem:s2+$0x12680] =	vst.msk vm6, v10;
	s0 =	ssub.s32 s0, s3;
	v7 =	vld [tilespmem:s15+$0x0]  }
0x391: {  	[tilespmem:s1+$0x12680] =	vst.msk vm0, v11;
	s16 =	sshll.u32 s0, $0x6  }
.Ltmp38:
0x392: {  	s14 =	sshll.u32 s0, $0x4;
	s17 =	sshra.s32 s16, $0x2;
	[tilespmem:s5+$0x12680] =	vst.msk vm1, v8;
	(pc) =	sbr.rel .LBB2_31-.Ltmp38, $4  }
0x393: {  	s0 =	sand.u32 $0xFFFFFFC0, s14;
	s18 =	sand.u32 $0xFFFFFFC0, s17;
	[dreg:$0xc] =	wrdreg s17  }
0x394: {  	v9 =	vimm.f32 $0.0e+00;
	p1 =	slt.s32 s14, $0x40;
	p2 =	seq.s32 s0, s14;
	s1 =	sadd.s32 $0x12680, s18;
	[tilespmem:s7+$0x12680] =	vst.msk vm8, v12  }
0x395: {  	v10 =	vimm.f32 $0.0e+00;
	vm6 =	vcmask $0x3F14;
	v11 =	vimm.f32 $0.0e+00;
	s2 =	sadd.s32 $0x11200, s18;
	s3 =	sadd.s32 $0xFD80, s18;
	s4 =	sadd.s32 $0xE900, s18;
	[tilespmem:s8+$0x12680] =	vst.msk vm7, v7  }
0x396: {  	s6 =	sadd.s32 $0xC000, s18;
	s5 =	sadd.s32 $0xD480, s18;
	v8 =	vimm.f32 $0.0e+00;
	v7 =	vimm.f32 $0.0e+00;
	s7 =	simm.s32 $0x0;
	vm7 =	vcmask $0x3F10;
	[tilespmem:s10+$0xC000] =	vst v0  }
.LBB2_35:
0x397: {  	v7 =	vperm.xlane v12, v1;
	_ =	sdelay $0x1  }
0x398: {  	v7 =	vmax.f32 v12, v7  }
0x399: {  	v8 =	vperm.xlane v7, v2;
	_ =	sdelay $0x1  }
0x39a: {  	v7 =	vmax.f32 v7, v8  }
0x39b: {  	v8 =	vperm.xlane v7, v3;
	_ =	sdelay $0x1  }
0x39c: {  	v7 =	vmax.f32 v7, v8  }
0x39d: {  	v8 =	vperm.xlane v7, v4;
	_ =	sdelay $0x1  }
0x39e: {  	v11 =	vmax.f32 v7, v8  }
0x39f: {  	v7 =	vadd.s32 v5, v13;
	vm0 =	veq.f32 v12, v11  }
0x3a0: {  	v7 =	vnsel vm0, $0x40000000, v7  }
0x3a1: {  	v8 =	vperm.xlane v7, v1;
	_ =	sdelay $0x1  }
0x3a2: {  	vm0 =	vlt.s32 v7, v8  }
0x3a3: {  	v7 =	vsel vm0, v7, v8  }
0x3a4: {  	v8 =	vperm.xlane v7, v2;
	_ =	sdelay $0x1  }
0x3a5: {  	vm0 =	vlt.s32 v7, v8  }
0x3a6: {  	v7 =	vsel vm0, v7, v8  }
0x3a7: {  	v8 =	vperm.xlane v7, v3;
	_ =	sdelay $0x1  }
0x3a8: {  	vm0 =	vlt.s32 v7, v8  }
0x3a9: {  	v7 =	vsel vm0, v7, v8  }
0x3aa: {  	v8 =	vperm.xlane v7, v4;
	_ =	sdelay $0x1  }
0x3ab: {  	vm0 =	vlt.s32 v7, v8  }
0x3ac: {  	v61 =	vsel vm0, v7, v8;
	_ =	sdelay $0x4  }
0x3ad: {  	v7 =	vld.idx.msk [tilespmem:v61+s22+$0x0], $0xffff  }
0x3ae: {  	v8 =	vld.idx.msk [tilespmem:v61+s21+$0x0], $0xffff  }
0x3af: {  	v9 =	vld.idx.msk [tilespmem:v61+s20+$0x0], $0xffff  }
0x3b0: {  	v10 =	vld.idx.msk [tilespmem:v61+s31+$0x0], $0xffff  }
0x3b1: {  	s8 =	sshll.u32 s7, $0x7;
	s7 =	sadd.s32 $0x1, s7;
	v62 =	vsel vm6, $0x3F800000, v11  }
0x3b2: {  	v14 =	vor.u32 s8, v5;
	p0 =	sne.s32 s7, $0x32;
	v13 =	vsel vm7, v62, v7  }
.Ltmp39:
0x3b3: {  	v13 =	vsel vm2, v13, v8;
	(pc) =	sbr.rel @!p0 .LBB2_36-.Ltmp39, $4  }
0x3b4: {  	vm1 =	vgt.f32 v11, $-Inf;
	vm0 =	vlt.f32 v11, $-Inf;
	v11 =	vsel vm3, v13, v9  }
0x3b5: {  	vm0 =	vmor vm1, vm0;
	v13 =	vsel vm4, v10, v11  }
0x3b6: {  	v63 =	vnsel vm0, $0x0, v13  }
0x3b7: {  	v11 =	vld.idx.msk [tilespmem:v61+s23+$0x0], $0xffff;
	[tilespmem:v14+s24+$0x0] =	vst.idx.msk $0x3f, v63  }
.LBB2_31:
.Ltmp40:
0x3b8: {  	(pc) =	sbr.rel @p1 .LBB2_32-.Ltmp40, $1  }
0x3b9: {  	_ =	sdelay $0x3  }
0x3ba: {  	s16 =	simm.s32 $0x126A0  }
0x3bb: {  	v13 =	vld [tilespmem:s16+$0x0]  }
0x3bc: {  	s10 =	simm.s32 $0xD4A0;
	v15 =	vld [tilespmem:s16+$0xFFFFFFF0]  }
0x3bd: {  	s11 =	simm.s32 $0xE920;
	v17 =	vld [tilespmem:s10+$0x10]  }
0x3be: {  	s12 =	simm.s32 $0xFDA0;
	v18 =	vld [tilespmem:s11+$0x10]  }
0x3bf: {  	s13 =	simm.s32 $0x11220;
	v20 =	vld [tilespmem:s12+$0x10]  }
0x3c0: {  	v22 =	vld [tilespmem:s13+$0x10]  }
0x3c1: {  	v21 =	vld [tilespmem:s16+$0xFFFFFFE0]  }
0x3c2: {  	v23 =	vld [tilespmem:s10+$0x0]  }
0x3c3: {  	v24 =	vld [tilespmem:s11+$0x0]  }
0x3c4: {  	v26 =	vld [tilespmem:s12+$0x0]  }
0x3c5: {  	v28 =	vld [tilespmem:s13+$0x0]  }
0x3c6: {  	v29 =	vld [tilespmem:s10+$0xFFFFFFF0]  }
0x3c7: {  	v30 =	vld [tilespmem:s11+$0xFFFFFFF0]  }
0x3c8: {  	v31 =	vld [tilespmem:s10+$0xFFFFFFE0]  }
0x3c9: {  	v32 =	vld [tilespmem:s11+$0xFFFFFFE0]  }
0x3ca: {  	v14 =	vimm.f32 $-Inf;
	v33 =	vld [tilespmem:s12+$0xFFFFFFE0]  }
0x3cb: {  	v12 =	vimm.s32 $0x0;
	v34 =	vld [tilespmem:s13+$0xFFFFFFE0];
	v13 =	vadd.f32 v13, v11;
	v16 =	vadd.f32 v15, v11  }
0x3cc: {  	v37 =	vld [tilespmem:s12+$0xFFFFFFF0];
	v35 =	vmax.f32 v10, v17;
	v19 =	vmax.f32 v9, v18;
	v36 =	vmin.f32 v8, v20  }
0x3cd: {  	s9 =	simm.s32 $0xC020;
	p0 =	sgt.s32 s0, $0x40;
	v38 =	vld [tilespmem:s13+$0xFFFFFFF0];
	v21 =	vadd.f32 v21, v11;
	v22 =	vmin.f32 v7, v22;
	v25 =	vmax.f32 v10, v23  }
.Ltmp41:
0x3ce: {  	v23 =	vmax.f32 v9, v24;
	v27 =	vmin.f32 v8, v26;
	v24 =	vmin.f32 v7, v28;
	v15 =	vld [tilespmem:s9+$0x10];
	(pc) =	sbr.rel @!p0 .LBB2_58-.Ltmp41, $4  }
0x3cf: {  	v26 =	vmax.f32 v10, v31;
	v29 =	vmax.f32 v10, v29;
	v28 =	vmax.f32 v9, v30;
	v17 =	vld [tilespmem:s9+$0x0]  }
0x3d0: {  	v30 =	vmax.f32 v9, v32;
	v31 =	vmin.f32 v8, v33;
	v63 =	vmin.f32 v7, v34;
	v18 =	vld [tilespmem:s9+$0xFFFFFFF0]  }
0x3d1: {  	v20 =	vld [tilespmem:s9+$0xFFFFFFE0];
	v31 =	vsub.f32 v31, v26;
	v32 =	vsub.f32 v63, v30;
	v26 =	vmin.f32 v8, v37  }
0x3d2: {  	s8 =	simm.s32 $0x0;
	s15 =	simm.s32 $0x40;
	v33 =	vmin.f32 v7, v38;
	v30 =	vsub.f32 v26, v29;
	v26 =	vld [tilespmem:s16+$0x10];
	v29 =	vsub.f32 v36, v35;
	s16 =	simm.s32 $0x126E0  }
.LBB2_57:
0x3d3: {  	v34 =	vld [tilespmem:s16+$0x0];
	v31 =	vmax.f32 v31, $0.0e+00;
	v32 =	vmax.f32 v32, $0.0e+00;
	v28 =	vsub.f32 v33, v28;
	s17 =	smov.u32 s15  }
0x3d4: {  	v25 =	vsub.f32 v27, v25;
	v19 =	vsub.f32 v22, v19;
	s10 =	sadd.s32 $0x40, s10;
	v33 =	vld [tilespmem:s16+$0xFFFFFFF0];
	v31 =	vmul.f32 v32, v31  }
0x3d5: {  	v23 =	vsub.f32 v24, v23;
	s11 =	sadd.s32 $0x40, s11;
	v27 =	vmax.f32 v30, $0.0e+00;
	v22 =	vld [tilespmem:s10+$0x10];
	v28 =	vmax.f32 v28, $0.0e+00  }
0x3d6: {  	s12 =	sadd.s32 $0x40, s12;
	v24 =	vld [tilespmem:s11+$0x10];
	v21 =	vsub.f32 v21, v31;
	v27 =	vmul.f32 v28, v27;
	v28 =	vmax.f32 v29, $0.0e+00  }
0x3d7: {  	s13 =	sadd.s32 $0x40, s13;
	v25 =	vmax.f32 v25, $0.0e+00;
	v23 =	vmax.f32 v23, $0.0e+00;
	v19 =	vmax.f32 v19, $0.0e+00;
	v29 =	vld [tilespmem:s12+$0x10]  }
0x3d8: {  	v23 =	vmul.f32 v23, v25;
	v30 =	vld [tilespmem:s13+$0x10];
	v21 =	vadd.f32 $9.999999710e-10, v21;
	v16 =	vsub.f32 v16, v27  }
0x3d9: {  	v28 =	vmul.f32 v19, v28;
	v19 =	vadd.f32 v26, v11;
	v32 =	vadd.f32 v34, v11;
	v25 =	vld [tilespmem:s16+$0xFFFFFFE0]  }
0x3da: {  	v35 =	vsub.f32 v13, v23;
	v26 =	vld [tilespmem:s10+$0x0];
	v21 =	vmul.f32 $5.000000000e-01, v21;
	v34 =	vadd.f32 $9.999999710e-10, v16  }
0x3db: {  	v16 =	vadd.f32 v33, v11;
	v36 =	vmax.f32 v10, v22;
	v22 =	vsub.f32 v19, v28;
	v13 =	vmovc v32;
	v33 =	vld [tilespmem:s11+$0x0]  }
0x3dc: {  	v32 =	vld [tilespmem:s12+$0x0];
	vm0 =	vgt.f32 v31, v21;
	v21 =	vmul.f32 $5.000000000e-01, v34;
	v31 =	vadd.f32 $9.999999710e-10, v35  }
0x3dd: {  	v19 =	vmax.f32 v9, v24;
	v22 =	vadd.f32 $9.999999710e-10, v22;
	v34 =	vld [tilespmem:s13+$0x0];
	v20 =	vsel vm0, $0xFF800000, v20  }
0x3de: {  	v35 =	vld [tilespmem:s10+$0xFFFFFFF0];
	[tilespmem:s9+$0xFFFFFFE0] =	vst v20;
	vm0 =	vgt.f32 v20, v14;
	vm1 =	vgt.f32 v27, v21;
	v21 =	vmul.f32 $5.000000000e-01, v31  }
0x3df: {  	v31 =	vld [tilespmem:s11+$0xFFFFFFF0];
	v14 =	vsel vm0, v20, v14;
	v12 =	vsel vm0, s8, v12;
	v18 =	vsel vm1, $0xFF800000, v18  }
0x3e0: {  	s18 =	sadd.s32 $0x10, s8;
	v20 =	vld [tilespmem:s10+$0xFFFFFFE0];
	[tilespmem:s9+$0xFFFFFFF0] =	vst v18;
	vm0 =	vgt.f32 v18, v14;
	vm1 =	vgt.f32 v23, v21;
	v21 =	vmul.f32 $5.000000000e-01, v22  }
0x3e1: {  	v37 =	vld [tilespmem:s11+$0xFFFFFFE0];
	v14 =	vsel vm0, v18, v14;
	v12 =	vsel vm0, s18, v12;
	v17 =	vsel vm1, $0xFF800000, v17  }
0x3e2: {  	v29 =	vmin.f32 v8, v29;
	s18 =	sadd.s32 $0x20, s8;
	v18 =	vld [tilespmem:s12+$0xFFFFFFE0];
	[tilespmem:s9+$0x0] =	vst v17;
	vm0 =	vgt.f32 v17, v14;
	vm1 =	vgt.f32 v28, v21  }
0x3e3: {  	s15 =	sadd.s32 $0x40, s15;
	v38 =	vld [tilespmem:s13+$0xFFFFFFE0];
	v14 =	vsel vm0, v17, v14;
	v12 =	vsel vm0, s18, v12;
	v15 =	vsel vm1, $0xFF800000, v15  }
0x3e4: {  	p0 =	slt.s32 s15, s0;
	v22 =	vmin.f32 v7, v30;
	v21 =	vadd.f32 v25, v11;
	s18 =	sadd.s32 $0x30, s8;
	s8 =	smov.u32 s17;
	v39 =	vld [tilespmem:s12+$0xFFFFFFF0];
	[tilespmem:s9+$0x10] =	vst v15;
	vm0 =	vgt.f32 v15, v14  }
0x3e5: {  	v25 =	vmax.f32 v10, v26;
	s9 =	sadd.s32 $0x40, s9;
	v30 =	vld [tilespmem:s13+$0xFFFFFFF0];
	v14 =	vsel vm0, v15, v14;
	v12 =	vsel vm0, s18, v12  }
.Ltmp42:
0x3e6: {  	v23 =	vmax.f32 v9, v33;
	v27 =	vmin.f32 v8, v32;
	v24 =	vmin.f32 v7, v34;
	v15 =	vld [tilespmem:s9+$0x10];
	(pc) =	sbr.rel @p0 .LBB2_57-.Ltmp42, $4  }
0x3e7: {  	v34 =	vmax.f32 v10, v35;
	v28 =	vmax.f32 v9, v31;
	v26 =	vmax.f32 v10, v20;
	v17 =	vld [tilespmem:s9+$0x0]  }
0x3e8: {  	v32 =	vmax.f32 v9, v37;
	v31 =	vmin.f32 v8, v18;
	v33 =	vmin.f32 v7, v38;
	v18 =	vld [tilespmem:s9+$0xFFFFFFF0]  }
0x3e9: {  	v31 =	vsub.f32 v31, v26;
	v20 =	vld [tilespmem:s9+$0xFFFFFFE0];
	v32 =	vsub.f32 v33, v32;
	v26 =	vmin.f32 v8, v39  }
0x3ea: {  	v29 =	vsub.f32 v29, v36;
	v33 =	vmin.f32 v7, v30;
	v30 =	vsub.f32 v26, v34;
	v26 =	vld [tilespmem:s16+$0x10];
	s16 =	sadd.s32 $0x40, s16  }
.LBB2_58:
0x3eb: {  	v31 =	vmax.f32 v31, $0.0e+00;
	v32 =	vmax.f32 v32, $0.0e+00;
	v28 =	vsub.f32 v33, v28  }
0x3ec: {  	v25 =	vsub.f32 v27, v25;
	v19 =	vsub.f32 v22, v19;
	v31 =	vmul.f32 v32, v31  }
0x3ed: {  	v23 =	vsub.f32 v24, v23;
	v59 =	vmax.f32 v30, $0.0e+00;
	v60 =	vmax.f32 v28, $0.0e+00  }
0x3ee: {  	v61 =	vmax.f32 v29, $0.0e+00;
	v21 =	vsub.f32 v21, v31;
	v22 =	vmul.f32 v60, v59  }
0x3ef: {  	v25 =	vmax.f32 v25, $0.0e+00;
	v23 =	vmax.f32 v23, $0.0e+00;
	v19 =	vmax.f32 v19, $0.0e+00  }
0x3f0: {  	v23 =	vmul.f32 v23, v25;
	v21 =	vadd.f32 $9.999999710e-10, v21;
	v16 =	vsub.f32 v16, v22  }
0x3f1: {  	v19 =	vmul.f32 v19, v61;
	v62 =	vadd.f32 v26, v11  }
0x3f2: {  	v13 =	vsub.f32 v13, v23;
	v21 =	vmul.f32 $5.000000000e-01, v21;
	v16 =	vadd.f32 $9.999999710e-10, v16  }
0x3f3: {  	v24 =	vsub.f32 v62, v19  }
0x3f4: {  	v13 =	vadd.f32 $9.999999710e-10, v13;
	vm0 =	vgt.f32 v31, v21;
	v16 =	vmul.f32 $5.000000000e-01, v16  }
0x3f5: {  	v63 =	vadd.f32 $9.999999710e-10, v24;
	v20 =	vsel vm0, $0xFF800000, v20  }
0x3f6: {  	v13 =	vmul.f32 $5.000000000e-01, v13;
	vm0 =	vgt.f32 v20, v14;
	vm1 =	vgt.f32 v22, v16  }
0x3f7: {  	v14 =	vsel vm0, v20, v14;
	v16 =	vsel vm1, $0xFF800000, v18  }
0x3f8: {  	vm5 =	vgt.f32 v23, v13;
	v13 =	vmul.f32 $5.000000000e-01, v63;
	vm1 =	vgt.f32 v16, v14  }
.Ltmp43:
0x3f9: {  	v17 =	vsel vm5, $0xFF800000, v17;
	v14 =	vsel vm1, v16, v14;
	(pc) =	sbr.rel .LBB2_33-.Ltmp43, $4  }
0x3fa: {  	s10 =	sadd.s32 $0x10, s8;
	[tilespmem:s9+$0xFFFFFFE0] =	vst v20;
	v12 =	vsel vm0, s8, v12;
	vm5 =	vgt.f32 v19, v13;
	vm0 =	vgt.f32 v17, v14  }
0x3fb: {  	s17 =	sadd.s32 $0x20, s8;
	[tilespmem:s9+$0xFFFFFFF0] =	vst v16;
	v12 =	vsel vm1, s10, v12;
	v13 =	vsel vm0, v17, v14;
	v14 =	vsel vm5, $0xFF800000, v15  }
0x3fc: {  	s18 =	sadd.s32 $0x30, s8;
	[tilespmem:s9+$0x0] =	vst v17;
	v15 =	vsel vm0, s17, v12;
	vm0 =	vgt.f32 v14, v13  }
0x3fd: {  	[tilespmem:s9+$0x10] =	vst v14;
	v12 =	vsel vm0, v14, v13;
	v13 =	vsel vm0, s18, v15  }
.LBB2_32:
0x3fe: {  	v13 =	vimm.s32 $0x0;
	v12 =	vimm.f32 $-Inf  }
.LBB2_33:
.Ltmp44:
0x3ff: {  	(pc) =	sbr.rel @p2 .LBB2_35-.Ltmp44, $4  }
0x400: {  	_ = 	snop  }
0x401: {  	s8 =	smov.u32 s6  }
0x402: {  	s9 =	smov.u32 s5;
	s10 =	smov.u32 s4;
	s11 =	smov.u32 s3  }
0x403: {  	s12 =	smov.u32 s2;
	s13 =	smov.u32 s1;
	s15 =	smov.u32 s0  }
.LBB2_34:
0x404: {  	v14 =	vld [tilespmem:s9+$0x0]  }
0x405: {  	v15 =	vld [tilespmem:s10+$0x0]  }
0x406: {  	v16 =	vld [tilespmem:s11+$0x0]  }
0x407: {  	v17 =	vld [tilespmem:s12+$0x0];
	_ =	sdelay $0x3  }
0x408: {  	v18 =	vld [tilespmem:s13+$0x0];
	v14 =	vmax.f32 v10, v14  }
0x409: {  	v15 =	vmax.f32 v9, v15;
	v16 =	vmin.f32 v8, v16;
	v17 =	vmin.f32 v7, v17  }
0x40a: {  	v14 =	vsub.f32 v16, v14;
	v15 =	vsub.f32 v17, v15;
	_ =	sdelay $0x1  }
0x40b: {  	v14 =	vmax.f32 v14, $0.0e+00;
	v15 =	vmax.f32 v15, $0.0e+00  }
0x40c: {  	v14 =	vmul.f32 v15, v14;
	v15 =	vadd.f32 v18, v11;
	_ =	sdelay $0x1  }
0x40d: {  	v15 =	vsub.f32 v15, v14;
	_ =	sdelay $0x1  }
0x40e: {  	v63 =	vld [tilespmem:s8+$0x0];
	v15 =	vadd.f32 $9.999999710e-10, v15;
	_ =	sdelay $0x1  }
0x40f: {  	v15 =	vmul.f32 $5.000000000e-01, v15;
	_ =	sdelay $0x1  }
0x410: {  	vm0 =	vgt.f32 v14, v15  }
0x411: {  	v14 =	vsel vm0, $0xFF800000, v63  }
0x412: {  	vm0 =	vgt.f32 v14, v12  }
0x413: {  	v13 =	vsel vm0, s15, v13;
	s15 =	sadd.s32 $0x10, s15  }
0x414: {  	p0 =	slt.s32 s15, s14  }
.Ltmp45:
0x415: {  	_ = 	snop;
	(pc) =	sbr.rel @p0 .LBB2_34-.Ltmp45, $3  }
0x416: {  	_ =	sdelay $0x1  }
0x417: {  	s13 =	sadd.s32 $0x10, s13;
	s12 =	sadd.s32 $0x10, s12;
	s11 =	sadd.s32 $0x10, s11  }
0x418: {  	s10 =	sadd.s32 $0x10, s10;
	s9 =	sadd.s32 $0x10, s9;
	[tilespmem:s8+$0x0] =	vst v14;
	s8 =	sadd.s32 $0x10, s8;
	v12 =	vsel vm0, v14, v12  }
.Ltmp46:
0x419: {  	_ = 	snop;
	(pc) =	sbr.rel .LBB2_35-.Ltmp46, $1  }
0x41a: {  	_ =	sdelay $0x3  }
.LBB2_36:
0x41b: {  	p0 =	slt.s32 s14, $0x20  }
.Ltmp47:
0x41c: {  	_ = 	snop;
	(pc) =	sbr.rel @p0 .LBB2_59-.Ltmp47, $2  }
0x41d: {  	_ =	sdelay $0x2  }
0x41e: {  	s16 =	sand.u32 $0xFFFFFFE0, s14;
	s8 =	simm.s32 $0x0  }
0x41f: {  	p0 =	sgt.s32 s16, $0x20  }
.Ltmp48:
0x420: {  	s4 =	simm.s32 $0x0;
	(pc) =	sbr.rel @!p0 .LBB2_38-.Ltmp48, $4  }
0x421: {  	s2 =	simm.s32 $0x12690;
	s3 =	simm.s32 $0x11210;
	s5 =	simm.s32 $0xFD90  }
0x422: {  	s6 =	simm.s32 $0xE910;
	s8 =	simm.s32 $0xD490;
	s0 =	simm.s32 $0xC010  }
0x423: {  	p1 =	por $0x0, $0x0;
	p2 =	por $0x0, $0x0;
	p3 =	por $0x0, $0x0  }
0x424: {  	p4 =	por $0x0, $0x0;
	p5 =	por $0x0, $0x0;
	p6 =	por $0x0, $0x0  }
0x425: {  	p0 =	sgt.s32 s16, $0x40  }
.Ltmp49:
0x426: {  	_ = 	snop;
	(pc) =	sbr.rel @!p0 .LBB2_72-.Ltmp49, $2  }
0x427: {  	_ =	sdelay $0x2  }
0x428: {  	p1 =	por $0x1, $0x1  }
0x429: {  	v16 =	vld [tilespmem:s0+$0xFFFFFFF0];
	p0 =	sgt.s32 s16, $0x60  }
.Ltmp50:
0x42a: {  	_ = 	snop;
	(pc) =	sbr.rel @!p0 .LBB2_74-.Ltmp50, $2  }
0x42b: {  	_ =	sdelay $0x2  }
0x42c: {  	v25 =	vld [tilespmem:s0+$0x0];
	p2 =	por $0x1, $0x1;
	vm9 =	vlt.f32 v16, $-Inf;
	vm7 =	vgt.f32 v16, $-Inf  }
0x42d: {  	_ =	sdelay $0x1  }
0x42e: {  	s1 =	simm.s32 $0xC030  }
0x42f: {  	p0 =	sgt.s32 s16, $0x80;
	v12 =	vld [tilespmem:s1+$0xFFFFFFF0]  }
.Ltmp51:
0x430: {  	vm0 =	vmor vm7, vm9;
	vm1 =	vlt.f32 v25, $-Inf;
	vm5 =	vgt.f32 v25, $-Inf;
	(pc) =	sbr.rel @!p0 .LBB2_76-.Ltmp51, $4  }
0x431: {  	v13 =	vmpcnt.ones.xlane vm0;
	vm1 =	vmor vm5, vm1  }
0x432: {  	vm11 =	vmmov vm0;
	v14 =	vmpcnt.ones.xlane vm1  }
0x433: {  	[tilespmem:s4+$0x13B00] =	vst.msk vm11, v16;
	(v2sf) =	vpush v13, $0x0;
	v13 =	vld [tilespmem:s1+$0x0];
	vm10 =	vmmov vm1  }
0x434: {  	p3 =	por $0x1, $0x1;
	v27 =	vld [tilespmem:s8+$0xFFFFFFF0];
	vm9 =	vlt.f32 v12, $-Inf;
	vm7 =	vgt.f32 v12, $-Inf;
	(v2sf) =	vpush v14, $0x0  }
0x435: {  	_ =	sdelay $0x7  }
0x436: {  	[tilespmem:s4+$0x14F80] =	vst.msk vm11, v27  }
0x437: {  	v15 =	vld [tilespmem:s6+$0xFFFFFFF0];
	_ =	sdelay $0x3  }
0x438: {  	s1 =	simm.s32 $0xC050;
	vm0 =	vmor vm7, vm9;
	vm15 =	vmmov vm11;
	s0 =	spop (v2sf)  }
0x439: {  	vm6 =	vmmov vm10;
	v16 =	vld [tilespmem:s1+$0xFFFFFFF0];
	v14 =	vmpcnt.ones.xlane vm0;
	[tilespmem:s4+$0x16400] =	vst.msk vm15, v15;
	s7 =	sadd.s32 $0x0, s0;
	s19 =	spop (v2sf)  }
0x43a: {  	v17 =	vld [tilespmem:s1+$0x0];
	vm8 =	vmmov vm0;
	v15 =	vimm.s32 $0x0;
	[tilespmem:s7+$0x13B00] =	vst.msk vm6, v25;
	s15 =	sadd.s32 s7, s19  }
0x43b: {  	s31 =	simm.s32 $0xD4B0;
	v15 =	vsel vm15, $0xFFFFFFFF, v15;
	(v2sf) =	vpush v14, $0x0;
	[tilespmem:s15+$0x13B00] =	vst.msk vm8, v12;
	v14 =	vld [tilespmem:s8+$0x0]  }
0x43c: {  	v12 =	vld [tilespmem:s31+$0xFFFFFFF0];
	[tilespmem:$0x1FF00] =	vst v15;
	v15 =	vimm.s32 $0x0  }
0x43d: {  	p0 =	sgt.s32 s16, $0xA0;
	v15 =	vsel vm6, $0xFFFFFFFF, v15  }
.Ltmp52:
0x43e: {  	vm1 =	vlt.f32 v13, $-Inf;
	vm5 =	vgt.f32 v13, $-Inf;
	[tilespmem:$0x1FF10] =	vst v15;
	v15 =	vimm.s32 $0x0;
	(pc) =	sbr.rel @!p0 .LBB2_78-.Ltmp52, $4  }
0x43f: {  	vm1 =	vmor vm5, vm1;
	v15 =	vsel vm8, $0xFFFFFFFF, v15  }
0x440: {  	v18 =	vmpcnt.ones.xlane vm1;
	vm13 =	vmmov vm1;
	[tilespmem:$0x1FF20] =	vst v15;
	v15 =	vimm.s32 $0x0  }
0x441: {  	v15 =	vsel vm13, $0xFFFFFFFF, v15  }
0x442: {  	p4 =	por $0x1, $0x1;
	vm9 =	vlt.f32 v16, $-Inf;
	vm7 =	vgt.f32 v16, $-Inf;
	(v2sf) =	vpush v18, $0x0;
	[tilespmem:$0x1FF30] =	vst v15  }
0x443: {  	_ =	sdelay $0x6  }
0x444: {  	v15 =	vld [tilespmem:s5+$0xFFFFFFF0];
	[tilespmem:s7+$0x14F80] =	vst.msk vm6, v14  }
0x445: {  	[tilespmem:s15+$0x14F80] =	vst.msk vm8, v12;
	s11 =	simm.s32 $0xE930;
	v22 =	vld [tilespmem:s6+$0x0]  }
0x446: {  	v24 =	vld [tilespmem:s11+$0xFFFFFFF0];
	_ =	sdelay $0x1  }
0x447: {  	vm0 =	vmor vm7, vm9;
	s1 =	simm.s32 $0xC070  }
0x448: {  	vm9 =	vmmov vm6;
	v19 =	vld [tilespmem:s1+$0xFFFFFFF0];
	v20 =	vmpcnt.ones.xlane vm0;
	[tilespmem:s4+$0x17880] =	vst.msk vm15, v15  }
0x449: {  	vm1 =	vlt.f32 v17, $-Inf;
	vm5 =	vgt.f32 v17, $-Inf;
	vm2 =	vmmov vm8;
	v23 =	vld [tilespmem:s1+$0x0];
	[tilespmem:s7+$0x16400] =	vst.msk vm9, v22;
	s0 =	spop (v2sf)  }
0x44a: {  	vm10 =	vmmov vm13;
	vm1 =	vmor vm5, vm1;
	[tilespmem:s15+$0x16400] =	vst.msk vm2, v24;
	(v2sf) =	vpush v20, $0x0;
	v20 =	vld [tilespmem:s3+$0xFFFFFFF0];
	s9 =	sadd.s32 s15, s0;
	s19 =	spop (v2sf)  }
0x44b: {  	vm7 =	vmmov vm0;
	v21 =	vmpcnt.ones.xlane vm1;
	v15 =	vimm.s32 $0x0;
	v24 =	vld [tilespmem:s5+$0x0];
	[tilespmem:s9+$0x13B00] =	vst.msk vm10, v13;
	s12 =	sadd.s32 s9, s19  }
0x44c: {  	v15 =	vsel vm10, $0xFFFFFFFF, v15;
	v18 =	vld [tilespmem:s31+$0x0];
	s31 =	simm.s32 $0xD4D0;
	[tilespmem:s12+$0x13B00] =	vst.msk vm7, v16  }
0x44d: {  	(v2sf) =	vpush v21, $0x0;
	v21 =	vld [tilespmem:s31+$0xFFFFFFF0];
	[tilespmem:$0x1FE80] =	vst v15;
	v15 =	vimm.s32 $0x0  }
0x44e: {  	v15 =	vsel vm7, $0xFFFFFFFF, v15  }
0x44f: {  	vm12 =	vmmov vm15;
	[tilespmem:$0x1FE90] =	vst v15;
	v15 =	vimm.s32 $0x0  }
0x450: {  	v15 =	vsel vm12, $0xFFFFFFFF, v15  }
0x451: {  	[tilespmem:$0x1FEA0] =	vst v15;
	v15 =	vimm.s32 $0x0  }
0x452: {  	v15 =	vsel vm9, $0xFFFFFFFF, v15  }
0x453: {  	[tilespmem:$0x1FEB0] =	vst v15;
	v15 =	vimm.s32 $0x0  }
0x454: {  	v15 =	vsel vm2, $0xFFFFFFFF, v15  }
0x455: {  	vm11 =	vmmov vm1;
	[tilespmem:$0x1FEC0] =	vst v15;
	v15 =	vimm.s32 $0x0  }
0x456: {  	p0 =	sgt.s32 s16, $0xC0;
	v15 =	vsel vm11, $0xFFFFFFFF, v15  }
.Ltmp53:
0x457: {  	vm1 =	vgt.f32 v19, $-Inf;
	[tilespmem:$0x1FED0] =	vst v15;
	v15 =	vimm.s32 $0x0;
	(pc) =	sbr.rel @!p0 .LBB2_80-.Ltmp53, $4  }
0x458: {  	v15 =	vsel vm1, $0xFFFFFFFF, v15  }
0x459: {  	vm5 =	vlt.f32 v19, $-Inf;
	[tilespmem:$0x1FEE0] =	vst v15;
	v15 =	vimm.s32 $0x0  }
0x45a: {  	s5 =	simm.s32 $0xFDB0;
	v15 =	vsel vm5, $0xFFFFFFFF, v15  }
0x45b: {  	p5 =	por $0x1, $0x1;
	[dreg:$0xd] =	wrdreg s5;
	[tilespmem:$0x1FEF0] =	vst v15  }
0x45c: {  	vm0 =	vmor vm1, vm5;
	vm1 =	vlt.f32 v23, $-Inf;
	vm5 =	vgt.f32 v23, $-Inf  }
0x45d: {  	v15 =	vld [tilespmem:s5+$0xFFFFFFF0];
	[tilespmem:s9+$0x14F80] =	vst.msk vm10, v18;
	v27 =	vmpcnt.ones.xlane vm0;
	vm1 =	vmor vm5, vm1  }
0x45e: {  	[tilespmem:s4+$0x18D00] =	vst.msk vm12, v20;
	v25 =	vld [tilespmem:s11+$0x0];
	v30 =	vmpcnt.ones.xlane vm1  }
0x45f: {  	[tilespmem:s7+$0x17880] =	vst.msk vm9, v24;
	s0 =	spop (v2sf);
	v26 =	vld [tilespmem:s2+$0xFFFFFFF0];
	(v2sf) =	vpush v27, $0x0  }
0x460: {  	s1 =	simm.s32 $0xC090;
	v22 =	vld [tilespmem:s3+$0x0];
	s19 =	spop (v2sf);
	(v2sf) =	vpush v30, $0x0  }
0x461: {  	[tilespmem:s12+$0x14F80] =	vst.msk vm7, v21;
	vm6 =	vmmov vm11;
	s11 =	simm.s32 $0xE950;
	v16 =	vld [tilespmem:s1+$0xFFFFFFF0];
	s18 =	sadd.s32 s12, s0  }
0x462: {  	p0 =	sgt.s32 s16, $0xE0;
	v29 =	vld [tilespmem:s11+$0xFFFFFFF0];
	[tilespmem:s18+$0x13B00] =	vst.msk vm6, v17  }
.Ltmp54:
0x463: {  	s17 =	simm.s32 $0x11230;
	[tilespmem:s15+$0x17880] =	vst.msk vm2, v15;
	v15 =	vld [tilespmem:s1+$0x0];
	(pc) =	sbr.rel @!p0 .LBB2_82-.Ltmp54, $4  }
0x464: {  	vm11 =	vmmov vm0;
	s3 =	sadd.s32 s18, s19;
	[tilespmem:s4+$0x1A180] =	vst.msk vm12, v26;
	v26 =	vld [tilespmem:s17+$0xFFFFFFF0]  }
0x465: {  	vm14 =	vmmov vm10;
	s8 =	simm.s32 $0xFDD0;
	v28 =	vld [tilespmem:s31+$0x0];
	[tilespmem:s3+$0x13B00] =	vst.msk vm11, v19;
	s31 =	simm.s32 $0xD4F0  }
0x466: {  	vm15 =	vmmov vm7;
	p6 =	por $0x1, $0x1;
	s6 =	smov.u32 s7;
	s13 =	smov.u32 s15;
	vm5 =	vmmov vm9;
	vm10 =	vmmov vm1;
	v27 =	vld [tilespmem:s31+$0xFFFFFFF0];
	[tilespmem:s9+$0x16400] =	vst.msk vm14, v25  }
0x467: {  	s0 =	simm.s32 $0xE0;
	s2 =	smov.u32 s9;
	vm12 =	vmmov vm2;
	vm9 =	vlt.f32 v16, $-Inf;
	vm7 =	vgt.f32 v16, $-Inf;
	v25 =	vmovc v23;
	[tilespmem:s12+$0x16400] =	vst.msk vm15, v29;
	v29 =	vld [tilespmem:s5+$0x0];
	s5 =	simm.s32 $0x12690  }
.LBB2_83:
0x468: {  	s0 =	sadd.s32 $0x20, s0;
	vm7 =	vmor vm7, vm9;
	vm0 =	vlt.f32 v15, $-Inf;
	vm1 =	vgt.f32 v15, $-Inf;
	v30 =	vld [tilespmem:s8+$0xFFFFFFF0];
	[tilespmem:s6+$0x18D00] =	vst.msk vm5, v22;
	v31 =	vmovc v15  }
0x469: {  	p0 =	slt.s32 s0, s16;
	v15 =	vmpcnt.ones.xlane vm7;
	vm8 =	vmor vm1, vm0;
	[tilespmem:s13+$0x18D00] =	vst.msk vm12, v26;
	v26 =	vld [tilespmem:s5+$0x0];
	s5 =	sadd.s32 $0x20, s5  }
0x46a: {  	v22 =	vmpcnt.ones.xlane vm8;
	[tilespmem:s18+$0x14F80] =	vst.msk vm6, v28;
	v28 =	vld [tilespmem:s5+$0xFFFFFFF0]  }
0x46b: {  	(v2sf) =	vpush v15, $0x0;
	[tilespmem:s3+$0x14F80] =	vst.msk vm11, v27;
	v32 =	vld [tilespmem:s11+$0x0];
	s11 =	sadd.s32 $0x20, s11  }
0x46c: {  	(v2sf) =	vpush v22, $0x0;
	v33 =	vld [tilespmem:s11+$0xFFFFFFF0];
	[tilespmem:s2+$0x17880] =	vst.msk vm14, v29  }
0x46d: {  	s1 =	sadd.s32 $0x20, s1;
	[tilespmem:s12+$0x17880] =	vst.msk vm15, v30;
	v22 =	vld [tilespmem:s17+$0x0];
	s17 =	sadd.s32 $0x20, s17  }
0x46e: {  	v30 =	vld [tilespmem:s1+$0xFFFFFFF0];
	s19 =	spop (v2sf);
	[tilespmem:s6+$0x1A180] =	vst.msk vm5, v26;
	vm5 =	vmmov vm14;
	vm14 =	vmmov vm6;
	vm6 =	vmmov vm10;
	s6 =	smov.u32 s2;
	s2 =	smov.u32 s18  }
.Ltmp55:
0x46f: {  	v15 =	vld [tilespmem:s1+$0x0];
	s18 =	sadd.s32 s3, s19;
	s19 =	spop (v2sf);
	[tilespmem:s13+$0x1A180] =	vst.msk vm12, v28;
	(pc) =	sbr.rel @p0 .LBB2_83-.Ltmp55, $4  }
0x470: {  	vm12 =	vmmov vm15;
	vm15 =	vmmov vm11;
	vm11 =	vmmov vm7;
	s13 =	smov.u32 s12;
	s12 =	smov.u32 s3;
	[tilespmem:s18+$0x13B00] =	vst.msk vm6, v25;
	v26 =	vld [tilespmem:s17+$0xFFFFFFF0];
	v25 =	vmovc v31;
	s3 =	sadd.s32 s18, s19  }
0x471: {  	vm10 =	vmmov vm8;
	[tilespmem:s3+$0x13B00] =	vst.msk vm11, v16;
	v28 =	vld [tilespmem:s31+$0x0];
	s31 =	sadd.s32 $0x20, s31  }
0x472: {  	v27 =	vld [tilespmem:s31+$0xFFFFFFF0];
	[tilespmem:s2+$0x16400] =	vst.msk vm14, v32  }
0x473: {  	vm9 =	vlt.f32 v30, $-Inf;
	vm7 =	vgt.f32 v30, $-Inf;
	[tilespmem:s12+$0x16400] =	vst.msk vm15, v33;
	v29 =	vld [tilespmem:s8+$0x0];
	s8 =	sadd.s32 $0x20, s8;
	v16 =	vmov v30  }
.LBB2_84:
0x474: {  	[tilespmem:s6+$0x18D00] =	vst.msk @p6 vm5, v22  }
0x475: {  	v22 =	vld @p6 [tilespmem:s5+$0x0]  }
0x476: {  	s0 =	sadd.s32 @p2 $0x20, s1;
	s1 =	simm.s32 $0xC010  }
0x477: {  	s1 =	smov.u32 @p2 s0;
	[tilespmem:s18+$0x14F80] =	vst.msk @p4 vm6, v28  }
0x478: {  	v30 =	vld @p1 [tilespmem:s1+$0xFFFFFFF0];
	[tilespmem:s2+$0x17880] =	vst.msk @p5 vm14, v29  }
0x479: {  	v34 =	vld [tilespmem:$0x1FEE0];
	[tilespmem:s3+$0x14F80] =	vst.msk @p3 vm11, v27  }
0x47a: {  	vm13 =	vmor @p2 vm7, vm9;
	vm0 =	vlt.f32 @p2 v15, $-Inf;
	vm1 =	vgt.f32 @p2 v15, $-Inf;
	v31 =	vld @p1 [tilespmem:s1+$0x0];
	[tilespmem:s6+$0x1A180] =	vst.msk @p6 vm5, v22  }
0x47b: {  	vm7 =	vmor @p2 vm1, vm0;
	v33 =	vmpcnt.ones.xlane @p2 vm13;
	v22 =	vld [tilespmem:$0x1FEF0]  }
0x47c: {  	v32 =	vld @p4 [tilespmem:s8+$0xFFFFFFF0];
	v28 =	vmpcnt.ones.xlane @p2 vm7  }
0x47d: {  	s0 =	sadd.s32 @p4 $0x20, s11;
	(v2sf) =	vpush @p2 v33, $0x0;
	v29 =	vld @p4 [tilespmem:s11+$0x0];
	s11 =	simm.s32 $0xE910  }
0x47e: {  	vm10 =	vmmov @p3 vm10;
	(v2sf) =	vpush @p2 v28, $0x0;
	s11 =	smov.u32 @p4 s0;
	v27 =	vld @p5 [tilespmem:s17+$0x0]  }
0x47f: {  	s5 =	sadd.s32 @p6 $0x20, s5;
	s0 =	sadd.s32 @p1 $0x20, s1;
	s1 =	simm.s32 $0x12690;
	v28 =	vld @p3 [tilespmem:s11+$0xFFFFFFF0];
	vm0 =	vgt.f32 @p1 v30, $-Inf;
	v23 =	vpsel p1, v31, v23;
	vm2 =	vnez.u8 v34  }
0x480: {  	s10 =	simm.s32 $0xC010;
	s1 =	smov.u32 @p6 s5;
	s6 =	spop @p3 (v2sf);
	[tilespmem:s13+$0x18D00] =	vst.msk @p5 vm12, v26;
	vm2 =	vmmov @p1 vm0;
	vm0 =	vlt.f32 @p1 v30, $-Inf;
	vm5 =	vnez.u8 v22  }
0x481: {  	s5 =	sadd.s32 @p5 $0x20, s17;
	s17 =	smov.u32 @p4 s18;
	[tilespmem:s12+$0x17880] =	vst.msk @p4 vm15, v32;
	s18 =	sadd.s32 @p3 s3, s6;
	vm1 =	vgt.f32 @p1 v23, $-Inf;
	vm5 =	vmmov @p1 vm0;
	vm0 =	vlt.f32 @p1 v23, $-Inf  }
0x482: {  	vm8 =	vmmov @p4 vm6;
	s10 =	smov.u32 @p1 s0;
	s0 =	simm.s32 $0x11210;
	v26 =	vld @p5 [tilespmem:s1+$0xFFFFFFF0];
	[tilespmem:s18+$0x13B00] =	vst.msk @p3 vm10, v25;
	vm9 =	vmor @p1 vm2, vm5;
	vm5 =	vmor @p1 vm1, vm0  }
0x483: {  	s0 =	smov.u32 @p5 s5;
	s5 =	spop @p3 (v2sf);
	[tilespmem:s17+$0x16400] =	vst.msk @p4 vm8, v29;
	vm0 =	vmmov @p5 vm14;
	vm1 =	vmmov @p4 vm15;
	vm15 =	vmmov @p3 vm11  }
0x484: {  	s19 =	smov.u32 @p5 s2;
	s6 =	sadd.s32 @p3 s18, s5;
	s5 =	smov.u32 s4;
	v25 =	vld @p4 [tilespmem:s8+$0x0];
	v27 =	vpsel p5, v27, v0;
	vm14 =	vmmov @p5 vm0;
	[tilespmem:s3+$0x16400] =	vst.msk @p3 vm15, v28  }
0x485: {  	s5 =	smov.u32 @p3 s6;
	vm11 =	vmmov @p2 vm13;
	[tilespmem:s19+$0x18D00] =	vst.msk @p5 vm14, v27;
	v27 =	vld @p3 [tilespmem:s31+$0x0]  }
0x486: {  	s2 =	sadd.s32 @p4 $0x20, s8;
	s8 =	sadd.s32 @p3 $0x20, s31;
	s31 =	rddreg [dreg:$0xd];
	v32 =	vld [tilespmem:$0x1FEA0];
	[tilespmem:s5+$0x13B00] =	vst.msk @p2 vm11, v16  }
0x487: {  	v31 =	vld @p4 [tilespmem:s0+$0xFFFFFFF0];
	[tilespmem:s13+$0x1A180] =	vst.msk @p5 vm12, v26  }
0x488: {  	v54 =	vld [tilespmem:$0x1FEB0];
	_ =	sdelay $0x2  }
0x489: {  	v28 =	vld @p5 [tilespmem:s1+$0x0]  }
0x48a: {  	s31 =	smov.u32 @p4 s2;
	s2 =	smov.u32 @p4 s12;
	s12 =	smov.u32 s4;
	vm13 =	vnez.u8 v32  }
0x48b: {  	v20 =	vpsel p4, v31, v20;
	s13 =	smov.u32 s7;
	s12 =	smov.u32 @p4 s2;
	vm13 =	vmmov @p4 vm1;
	vm2 =	vnez.u8 v54  }
0x48c: {  	v24 =	vpsel p4, v25, v24;
	s13 =	smov.u32 @p4 s17;
	vm2 =	vmmov @p4 vm8;
	[tilespmem:s12+$0x18D00] =	vst.msk @p4 vm13, v20  }
0x48d: {  	[tilespmem:s13+$0x17880] =	vst.msk @p4 vm2, v24  }
0x48e: {  	v24 =	vld [tilespmem:$0x1FEC0];
	[tilespmem:s19+$0x1A180] =	vst.msk @p5 vm14, v28  }
0x48f: {  	v55 =	vld [tilespmem:$0x1FE80]  }
0x490: {  	v16 =	vld @p3 [tilespmem:s31+$0xFFFFFFF0];
	_ =	sdelay $0x2  }
0x491: {  	s6 =	simm.s32 $0xD490;
	vm8 =	vnez.u8 v24  }
0x492: {  	s15 =	smov.u32 @p3 s3;
	v52 =	vld [tilespmem:s10+$0xFFFFFFF0];
	s6 =	smov.u32 @p3 s8;
	vm8 =	vmmov @p3 vm15;
	vm1 =	vnez.u8 v55  }
0x493: {  	s9 =	smov.u32 @p3 s18;
	v26 =	vld @p2 [tilespmem:s6+$0xFFFFFFF0];
	v18 =	vpsel p3, v27, v18;
	vm1 =	vmmov @p3 vm10;
	[tilespmem:s15+$0x17880] =	vst.msk @p3 vm8, v16  }
0x494: {  	s1 =	sadd.s32 @p5 $0x20, s1;
	s2 =	simm.s32 $0x12690;
	v16 =	vld [tilespmem:$0x1FE90];
	[tilespmem:s9+$0x14F80] =	vst.msk @p3 vm1, v18  }
0x495: {  	s2 =	smov.u32 @p5 s1;
	v56 =	vld [tilespmem:$0x1FED0]  }
0x496: {  	v29 =	vmpcnt.ones.xlane @p1 vm9;
	v20 =	vld @p4 [tilespmem:s2+$0xFFFFFFF0];
	_ =	sdelay $0x1  }
0x497: {  	vm6 =	vgt.f32 v52, $-Inf;
	vm0 =	vlt.f32 v52, $-Inf;
	(v2sf) =	vpush @p1 v29, $0x0;
	s1 =	simm.s32 $0x11210;
	v24 =	vld @p4 [tilespmem:s0+$0x0];
	s0 =	sadd.s32 @p4 $0x20, s0  }
0x498: {  	v15 =	vpsel p2, v15, v17;
	vm6 =	vmor vm6, vm0;
	s1 =	smov.u32 @p4 s0  }
0x499: {  	s8 =	simm.s32 $0xE910;
	vm0 =	vmmov @p2 vm7;
	s0 =	sadd.s32 @p3 $0x20, s11;
	v18 =	vld @p3 [tilespmem:s1+$0xFFFFFFF0];
	vm12 =	vnez.u8 v16;
	vm7 =	vnez.u8 v56  }
0x49a: {  	s3 =	spop @p2 (v2sf);
	s8 =	smov.u32 @p3 s0;
	[tilespmem:s12+$0x1A180] =	vst.msk @p4 vm13, v20;
	v16 =	vpsel p2, v26, v21;
	vm12 =	vmmov @p2 vm11;
	vm7 =	vmmov @p2 vm0  }
0x49b: {  	v29 =	vmpcnt.ones.xlane @p1 vm5;
	s0 =	smov.u32 @p4 s13;
	[tilespmem:s5+$0x14F80] =	vst.msk @p2 vm12, v16;
	v16 =	vld @p3 [tilespmem:s11+$0x0];
	vm0 =	vmmov @p4 vm2;
	s11 =	sadd.s32 @p2 s5, s3;
	s3 =	spop @p2 (v2sf);
	vm7 =	vmmov @p2 vm7  }
0x49c: {  	vm9 =	vmmov @p1 vm9;
	s0 =	smov.u32 @p4 s0;
	v20 =	vmovc @p1 v30;
	s12 =	sadd.s32 @p2 s11, s3;
	s3 =	smov.u32 s4;
	vm10 =	vmmov @p4 vm0;
	[tilespmem:s11+$0x13B00] =	vst.msk @p2 vm7, v15;
	v15 =	vpsel p4, v24, v0  }
0x49d: {  	(v2sf) =	vpush @p1 v29, $0x0;
	s13 =	smov.u32 @p3 s15;
	v19 =	vpsel p1, v20, v19;
	vm0 =	vmmov @p3 vm8;
	s3 =	smov.u32 @p2 s12;
	[tilespmem:s0+$0x18D00] =	vst.msk @p4 vm10, v15  }
0x49e: {  	vm11 =	vmmov @p3 vm0;
	s12 =	smov.u32 @p3 s13;
	[tilespmem:s3+$0x13B00] =	vst.msk @p1 vm9, v19;
	v15 =	vpsel p3, v18, v0  }
0x49f: {  	[tilespmem:s12+$0x18D00] =	vst.msk @p3 vm11, v15  }
0x4a0: {  	v15 =	vld [tilespmem:$0x1FF30];
	_ =	sdelay $0x1  }
0x4a1: {  	v53 =	vmpcnt.ones.xlane vm6;
	v17 =	vld @p2 [tilespmem:s8+$0xFFFFFFF0];
	_ =	sdelay $0x1  }
0x4a2: {  	(v2sf) =	vpush v53, $0x0  }
0x4a3: {  	s15 =	smov.u32 @p3 s9;
	vm8 =	vmmov @p3 vm1;
	s13 =	sadd.s32 @p4 $0x20, s2;
	vm0 =	vmmov @p1 vm5;
	v19 =	vmovc @p1 v23;
	v18 =	vld @p4 [tilespmem:s2+$0x0];
	s2 =	simm.s32 $0x12690;
	vm1 =	vnez.u8 v15  }
0x4a4: {  	s9 =	smov.u32 @p2 s5;
	vm5 =	vmmov @p2 vm12;
	s2 =	smov.u32 @p4 s13;
	[tilespmem:s15+$0x16400] =	vst.msk @p3 vm8, v16;
	s13 =	spop @p1 (v2sf);
	v15 =	vmov @p1 v19;
	vm1 =	vmmov @p1 vm0  }
0x4a5: {  	[tilespmem:s9+$0x16400] =	vst.msk @p2 vm5, v17;
	s13 =	sadd.s32 @p1 s3, s13;
	v13 =	vpsel p1, v15, v13;
	vm12 =	vmmov @p1 vm1  }
0x4a6: {  	v16 =	vld @p3 [tilespmem:s2+$0xFFFFFFF0];
	[tilespmem:s13+$0x13B00] =	vst.msk @p1 vm12, v13  }
0x4a7: {  	v13 =	vld [tilespmem:$0x1FF10]  }
0x4a8: {  	v20 =	vld @p2 [tilespmem:s6+$0x0]  }
0x4a9: {  	s17 =	simm.s32 $0xFD90  }
0x4aa: {  	s5 =	sadd.s32 @p2 $0x20, s6;
	s6 =	simm.s32 $0xD490;
	[tilespmem:s0+$0x1A180] =	vst.msk @p4 vm10, v18;
	s0 =	spop @p1 (v2sf)  }
0x4ab: {  	v57 =	vld [tilespmem:s10+$0x0];
	s6 =	smov.u32 @p2 s5;
	s5 =	sadd.s32 @p3 $0x20, s31;
	s0 =	sadd.s32 @p1 s13, s0  }
0x4ac: {  	vm6 =	vmmov vm6;
	s17 =	smov.u32 @p3 s5;
	s5 =	smov.u32 s4;
	[tilespmem:s12+$0x1A180] =	vst.msk @p3 vm11, v16;
	s4 =	smov.u32 @p1 s0;
	vm13 =	vnez.u8 v13  }
0x4ad: {  	s7 =	smov.u32 @p2 s11;
	v14 =	vpsel p2, v20, v14;
	[tilespmem:s4+$0x13B00] =	vst.msk vm6, v52;
	vm13 =	vmmov @p2 vm7  }
0x4ae: {  	[tilespmem:s7+$0x14F80] =	vst.msk @p2 vm13, v14  }
0x4af: {  	v18 =	vld [tilespmem:$0x1FF20]  }
0x4b0: {  	s10 =	simm.s32 $0xD490;
	v15 =	vld @p1 [tilespmem:s6+$0xFFFFFFF0];
	vm0 =	vlt.f32 v57, $-Inf;
	vm1 =	vgt.f32 v57, $-Inf;
	s0 =	sadd.s32 @p1 $0x20, s6  }
0x4b1: {  	v17 =	vld @p3 [tilespmem:s31+$0x0];
	s10 =	smov.u32 @p1 s0;
	vm7 =	vmor vm1, vm0  }
0x4b2: {  	s12 =	spop (v2sf);
	v58 =	vld [tilespmem:s10+$0xFFFFFFF0];
	vm0 =	vmmov vm7  }
0x4b3: {  	s18 =	sadd.s32 s4, s12;
	v13 =	vld @p1 [tilespmem:s6+$0x0];
	vm10 =	vmmov vm0  }
0x4b4: {  	v16 =	vld @p2 [tilespmem:s8+$0x0];
	[tilespmem:s18+$0x13B00] =	vst.msk vm10, v57;
	vm11 =	vnez.u8 v18  }
0x4b5: {  	v12 =	vpsel p1, v15, v12;
	s6 =	sadd.s32 @p2 $0x20, s8;
	s8 =	simm.s32 $0xE910;
	v59 =	vld [tilespmem:s10+$0x0];
	vm11 =	vmmov @p1 vm9  }
0x4b6: {  	s8 =	smov.u32 @p2 s6;
	[tilespmem:s3+$0x14F80] =	vst.msk @p1 vm11, v12  }
0x4b7: {  	v17 =	vpsel p3, v17, v0;
	vm1 =	vmmov @p3 vm8;
	[tilespmem:s4+$0x14F80] =	vst.msk vm6, v58;
	s10 =	smov.u32 @p3 s15;
	v18 =	vld @p1 [tilespmem:s8+$0xFFFFFFF0]  }
0x4b8: {  	vm8 =	vmmov @p2 vm13;
	[tilespmem:s10+$0x17880] =	vst.msk @p3 vm1, v17  }
0x4b9: {  	[tilespmem:s7+$0x16400] =	vst.msk @p2 vm8, v16  }
0x4ba: {  	vm0 =	vmmov @p1 vm12;
	s6 =	smov.u32 @p1 s13;
	v12 =	vpsel p1, v13, v0;
	[tilespmem:s18+$0x14F80] =	vst.msk vm10, v59  }
0x4bb: {  	v17 =	vld @p3 [tilespmem:s1+$0x0];
	vm11 =	vmmov @p1 vm11;
	[tilespmem:s6+$0x14F80] =	vst.msk @p1 vm0, v12  }
0x4bc: {  	v12 =	vld @p1 [tilespmem:s8+$0x0];
	[tilespmem:s3+$0x16400] =	vst.msk @p1 vm11, v18  }
0x4bd: {  	v18 =	vld [tilespmem:$0x1FF00]  }
0x4be: {  	s11 =	simm.s32 $0xFD90  }
0x4bf: {  	s5 =	smov.u32 @p2 s9;
	s12 =	simm.s32 $0xE910;
	v14 =	vld @p2 [tilespmem:s17+$0xFFFFFFF0];
	s8 =	sadd.s32 @p1 $0x20, s8  }
0x4c0: {  	s9 =	simm.s32 $0x11210;
	v16 =	vld @p2 [tilespmem:s17+$0x0];
	s12 =	smov.u32 @p1 s8;
	s8 =	sadd.s32 @p2 $0x20, s17  }
0x4c1: {  	s1 =	sadd.s32 @p3 $0x20, s1;
	vm9 =	vmmov @p1 vm0;
	vm0 =	vmmov @p3 vm1;
	v15 =	vld [tilespmem:s12+$0xFFFFFFF0];
	s11 =	smov.u32 @p2 s8;
	s8 =	smov.u32 @p3 s10  }
0x4c2: {  	s9 =	smov.u32 @p3 s1;
	vm12 =	vmmov @p3 vm0;
	v13 =	vld [tilespmem:s12+$0x0];
	s1 =	smov.u32 @p3 s8;
	[tilespmem:s6+$0x16400] =	vst.msk @p1 vm9, v12;
	v12 =	vpsel p3, v17, v0;
	vm13 =	vnez.u8 v18  }
0x4c3: {  	[tilespmem:s1+$0x18D00] =	vst.msk @p3 vm12, v12;
	v18 =	vld @p1 [tilespmem:s11+$0xFFFFFFF0];
	vm13 =	vmmov @p2 vm5  }
0x4c4: {  	[tilespmem:s5+$0x17880] =	vst.msk @p2 vm13, v14;
	v14 =	vld @p1 [tilespmem:s11+$0x0]  }
0x4c5: {  	vm6 =	vmmov vm6;
	s8 =	sadd.s32 @p1 $0x20, s11;
	v12 =	vld @p3 [tilespmem:s2+$0x0];
	s11 =	simm.s32 $0xFD90  }
0x4c6: {  	[tilespmem:s4+$0x16400] =	vst.msk vm6, v15;
	vm5 =	vmmov vm10;
	v17 =	vld @p2 [tilespmem:s9+$0xFFFFFFF0];
	s11 =	smov.u32 @p1 s8  }
0x4c7: {  	s7 =	smov.u32 @p2 s7;
	vm0 =	vmmov @p2 vm8;
	v16 =	vpsel p2, v16, v0;
	[tilespmem:s18+$0x16400] =	vst.msk vm5, v13;
	v61 =	vld [tilespmem:s11+$0xFFFFFFF0]  }
0x4c8: {  	v60 =	vmpcnt.ones.xlane vm7;
	s10 =	simm.s32 $0x11210;
	s3 =	smov.u32 @p1 s3;
	[tilespmem:s7+$0x17880] =	vst.msk @p2 vm0, v16;
	vm10 =	vmmov @p1 vm11;
	s8 =	sadd.s32 @p2 $0x20, s9;
	v13 =	vld [tilespmem:s11+$0x0]  }
0x4c9: {  	vm8 =	vmmov @p1 vm9;
	s6 =	smov.u32 @p1 s6;
	v15 =	vld @p2 [tilespmem:s9+$0x0];
	s10 =	smov.u32 @p2 s8;
	[tilespmem:s3+$0x17880] =	vst.msk @p1 vm10, v18;
	v14 =	vpsel p1, v14, v0  }
0x4ca: {  	(v2sf) =	vpush v60, $0x0;
	v16 =	vld @p1 [tilespmem:s10+$0xFFFFFFF0];
	[tilespmem:s6+$0x17880] =	vst.msk @p1 vm8, v14  }
0x4cb: {  	[tilespmem:s1+$0x1A180] =	vst.msk @p3 vm12, v12;
	s1 =	smov.u32 @p2 s5;
	s9 =	simm.s32 $0x11210;
	s5 =	sadd.s32 @p1 $0x20, s10;
	v12 =	vld @p1 [tilespmem:s10+$0x0]  }
0x4cc: {  	s2 =	sadd.s32 @p3 $0x20, s2;
	vm1 =	vmmov @p2 vm13;
	s8 =	simm.s32 $0x12690;
	s9 =	smov.u32 @p1 s5;
	[tilespmem:s4+$0x17880] =	vst.msk vm6, v61  }
0x4cd: {  	vm0 =	vmmov @p2 vm0;
	vm7 =	vmmov @p2 vm1;
	s8 =	smov.u32 @p3 s2;
	s2 =	smov.u32 @p2 s7;
	v14 =	vpsel p2, v17, v0;
	[tilespmem:s18+$0x17880] =	vst.msk vm5, v13;
	v62 =	vld [tilespmem:s9+$0xFFFFFFF0]  }
0x4ce: {  	vm0 =	vmmov @p2 vm0;
	vm1 =	vmmov @p1 vm10;
	s2 =	smov.u32 @p2 s2;
	[tilespmem:s1+$0x18D00] =	vst.msk @p2 vm7, v14;
	v13 =	vpsel p2, v15, v0;
	v63 =	vld [tilespmem:s9+$0x0]  }
0x4cf: {  	vm1 =	vmmov @p1 vm1;
	s3 =	smov.u32 @p1 s3;
	s7 =	simm.s32 $0x12690;
	s5 =	sadd.s32 @p2 $0x20, s8;
	vm8 =	vmmov @p1 vm8;
	v15 =	vld @p2 [tilespmem:s8+$0xFFFFFFF0];
	[tilespmem:s2+$0x18D00] =	vst.msk @p2 vm0, v13;
	v16 =	vpsel p1, v16, v0  }
0x4d0: {  	s7 =	smov.u32 @p2 s5;
	s5 =	smov.u32 @p1 s6;
	vm8 =	vmmov @p1 vm8;
	v13 =	vld @p2 [tilespmem:s8+$0x0];
	[tilespmem:s3+$0x18D00] =	vst.msk @p1 vm1, v16;
	v12 =	vpsel p1, v12, v0  }
0x4d1: {  	v16 =	vld @p1 [tilespmem:s7+$0xFFFFFFF0];
	[tilespmem:s5+$0x18D00] =	vst.msk @p1 vm8, v12  }
0x4d2: {  	s6 =	sadd.s32 @p1 $0x20, s7;
	vm6 =	vmmov vm6;
	v12 =	vld @p1 [tilespmem:s7+$0x0];
	s7 =	simm.s32 $0x12690  }
0x4d3: {  	vm5 =	vmmov vm5;
	[tilespmem:s4+$0x18D00] =	vst.msk vm6, v62;
	s7 =	smov.u32 @p1 s6  }
0x4d4: {  	[tilespmem:s18+$0x18D00] =	vst.msk vm5, v63;
	v17 =	vld [tilespmem:s7+$0xFFFFFFF0]  }
0x4d5: {  	[tilespmem:s1+$0x1A180] =	vst.msk @p2 vm7, v15;
	v14 =	vld [tilespmem:s7+$0x0]  }
0x4d6: {  	[tilespmem:s2+$0x1A180] =	vst.msk @p2 vm0, v13  }
0x4d7: {  	[tilespmem:s3+$0x1A180] =	vst.msk @p1 vm1, v16  }
0x4d8: {  	[tilespmem:s5+$0x1A180] =	vst.msk @p1 vm8, v12  }
0x4d9: {  	s19 =	spop (v2sf);
	[tilespmem:s4+$0x1A180] =	vst.msk vm6, v17  }
0x4da: {  	vm2 =	vcmask $0x3F0C;
	s31 =	simm.s32 $0xD480;
	s8 =	sadd.s32 s18, s19;
	s19 =	simm.s32 $0x3;
	vm7 =	vcmask $0x3F10;
	[tilespmem:s18+$0x1A180] =	vst.msk vm5, v14;
	vm6 =	vcmask $0x3F14  }
.LBB2_59:
0x4db: {  	p0 =	seq.s32 s16, s14  }
.Ltmp56:
0x4dc: {  	_ = 	snop;
	(pc) =	sbr.rel @p0 .LBB2_62-.Ltmp56, $1  }
0x4dd: {  	_ =	sdelay $0x3  }
0x4de: {  	s0 =	rddreg [dreg:$0xc]  }
0x4df: {  	s5 =	sand.u32 $0xFFFFFFE0, s0  }
0x4e0: {  	s0 =	sadd.s32 $0x12680, s5;
	s1 =	sadd.s32 $0x11200, s5;
	s2 =	sadd.s32 $0xFD80, s5  }
0x4e1: {  	s3 =	sadd.s32 $0xE900, s5;
	s4 =	sadd.s32 $0xD480, s5;
	s5 =	sadd.s32 $0xC000, s5  }
.LBB2_61:
0x4e2: {  	v12 =	vld [tilespmem:s5+$0x0];
	_ =	sdelay $0x4  }
0x4e3: {  	vm0 =	vlt.f32 v12, $-Inf;
	vm1 =	vgt.f32 v12, $-Inf  }
0x4e4: {  	vm0 =	vmor vm1, vm0  }
0x4e5: {  	[tilespmem:s8+$0x13B00] =	vst.msk vm0, v12  }
0x4e6: {  	v12 =	vld [tilespmem:s4+$0x0];
	_ =	sdelay $0x4  }
0x4e7: {  	[tilespmem:s8+$0x14F80] =	vst.msk vm0, v12  }
0x4e8: {  	v12 =	vld [tilespmem:s3+$0x0];
	_ =	sdelay $0x4  }
0x4e9: {  	v13 =	vmpcnt.ones.xlane vm0;
	[tilespmem:s8+$0x16400] =	vst.msk vm0, v12  }
0x4ea: {  	v12 =	vld [tilespmem:s2+$0x0]  }
0x4eb: {  	(v2sf) =	vpush v13, $0x0;
	_ =	sdelay $0x3  }
0x4ec: {  	[tilespmem:s8+$0x17880] =	vst.msk vm0, v12  }
0x4ed: {  	v12 =	vld [tilespmem:s1+$0x0];
	_ =	sdelay $0x4  }
0x4ee: {  	s16 =	sadd.s32 $0x10, s16;
	[tilespmem:s8+$0x18D00] =	vst.msk vm0, v12  }
0x4ef: {  	p0 =	slt.s32 s16, s14;
	v12 =	vld [tilespmem:s0+$0x0]  }
.Ltmp57:
0x4f0: {  	_ = 	snop;
	(pc) =	sbr.rel @p0 .LBB2_61-.Ltmp57, $4  }
0x4f1: {  	_ = 	snop  }
0x4f2: {  	s5 =	sadd.s32 $0x10, s5;
	s4 =	sadd.s32 $0x10, s4  }
0x4f3: {  	s3 =	sadd.s32 $0x10, s3;
	s2 =	sadd.s32 $0x10, s2;
	s6 =	spop (v2sf)  }
0x4f4: {  	s1 =	sadd.s32 $0x10, s1;
	s0 =	sadd.s32 $0x10, s0;
	[tilespmem:s8+$0x1A180] =	vst.msk vm0, v12;
	s8 =	sadd.s32 s8, s6  }
.LBB2_62:
0x4f5: {  	s0 =	sadd.s32 $0xF, s8  }
0x4f6: {  	s1 =	sand.u32 $0xF, s0  }
0x4f7: {  	s2 =	sshra.s32 s0, $0x1F;
	p0 =	slt.s32 s0, $0x1;
	p1 =	sne.s32 s1, $0x0  }
0x4f8: {  	s17 =	sshrl.u32 s2, $0x1C;
	p0 =	por !p0, !p1  }
0x4f9: {  	s1 =	simm.s32 $0x1;
	s0 =	sadd.s32 s17, s0;
	p0 =	por !p0, !p0  }
0x4fa: {  	s0 =	sshra.s32 s0, $0x4;
	s1 =	simm.s32 @!p0 $0x0  }
0x4fb: {  	s0 =	ssub.s32 s0, s1  }
.Ltmp58:
0x4fc: {  	s1 =	sshll.u32 s0, $0x6;
	s0 =	sshll.u32 s0, $0x4;
	(pc) =	sbr.rel .LBB2_63-.Ltmp58, $4  }
0x4fd: {  	[tilespmem:s8+$0x13B00] =	vst v0;
	s8 =	simm.s32 $0x32;
	s18 =	sshra.s32 s1, $0x2;
	s1 =	sand.u32 $0xFFFFFFC0, s0  }
0x4fe: {  	p1 =	slt.s32 s0, $0x40;
	s7 =	sand.u32 $0xFFFFFFC0, s18;
	p2 =	seq.s32 s1, s0  }
0x4ff: {  	s2 =	sadd.s32 $0x1A180, s7;
	s3 =	sadd.s32 $0x18D00, s7;
	s4 =	sadd.s32 $0x17880, s7  }
0x500: {  	s5 =	sadd.s32 $0x16400, s7;
	s6 =	sadd.s32 $0x14F80, s7;
	s7 =	sadd.s32 $0x13B00, s7  }
.LBB2_67:
0x501: {  	v7 =	vperm.xlane v12, v1;
	_ =	sdelay $0x1  }
0x502: {  	v7 =	vmax.f32 v12, v7  }
0x503: {  	v8 =	vperm.xlane v7, v2;
	_ =	sdelay $0x1  }
0x504: {  	v7 =	vmax.f32 v7, v8  }
0x505: {  	v8 =	vperm.xlane v7, v3;
	_ =	sdelay $0x1  }
0x506: {  	v7 =	vmax.f32 v7, v8  }
0x507: {  	v8 =	vperm.xlane v7, v4;
	_ =	sdelay $0x1  }
0x508: {  	v11 =	vmax.f32 v7, v8  }
0x509: {  	v7 =	vadd.s32 v5, v13;
	vm0 =	veq.f32 v12, v11  }
0x50a: {  	v7 =	vnsel vm0, $0x40000000, v7  }
0x50b: {  	v8 =	vperm.xlane v7, v1;
	_ =	sdelay $0x1  }
0x50c: {  	vm0 =	vlt.s32 v7, v8  }
0x50d: {  	v7 =	vsel vm0, v7, v8  }
0x50e: {  	v8 =	vperm.xlane v7, v2;
	_ =	sdelay $0x1  }
0x50f: {  	vm0 =	vlt.s32 v7, v8  }
0x510: {  	v7 =	vsel vm0, v7, v8  }
0x511: {  	v8 =	vperm.xlane v7, v3;
	_ =	sdelay $0x1  }
0x512: {  	vm0 =	vlt.s32 v7, v8  }
0x513: {  	v7 =	vsel vm0, v7, v8  }
0x514: {  	v8 =	vperm.xlane v7, v4;
	_ =	sdelay $0x1  }
0x515: {  	vm0 =	vlt.s32 v7, v8  }
0x516: {  	v61 =	vsel vm0, v7, v8;
	_ =	sdelay $0x4  }
0x517: {  	v7 =	vld.idx.msk [tilespmem:v61+s29+$0x0], $0xffff  }
0x518: {  	v8 =	vld.idx.msk [tilespmem:v61+s28+$0x0], $0xffff  }
0x519: {  	v9 =	vld.idx.msk [tilespmem:v61+s26+$0x0], $0xffff  }
0x51a: {  	v10 =	vld.idx.msk [tilespmem:v61+s25+$0x0], $0xffff  }
0x51b: {  	s9 =	sshll.u32 s8, $0x7;
	s8 =	sadd.s32 $0x1, s8;
	v62 =	vsel vm6, $0x3F800000, v11  }
0x51c: {  	v14 =	vor.u32 s9, v5;
	p0 =	sne.s32 s8, $0x64;
	v13 =	vsel vm7, v62, v7  }
.Ltmp59:
0x51d: {  	v13 =	vsel vm2, v13, v8;
	(pc) =	sbr.rel @!p0 .LBB2_68-.Ltmp59, $4  }
0x51e: {  	vm1 =	vgt.f32 v11, $-Inf;
	vm0 =	vlt.f32 v11, $-Inf;
	v11 =	vsel vm3, v13, v9  }
0x51f: {  	vm0 =	vmor vm1, vm0;
	v13 =	vsel vm4, v10, v11  }
0x520: {  	v63 =	vnsel vm0, $0x0, v13  }
0x521: {  	v11 =	vld.idx.msk [tilespmem:v61+s30+$0x0], $0xffff;
	[tilespmem:v14+s24+$0x0] =	vst.idx.msk $0x3f, v63  }
.LBB2_63:
.Ltmp60:
0x522: {  	(pc) =	sbr.rel @p1 .LBB2_64-.Ltmp60, $1  }
0x523: {  	_ =	sdelay $0x3  }
0x524: {  	s16 =	simm.s32 $0x1A1A0  }
0x525: {  	v13 =	vld [tilespmem:s16+$0x0]  }
0x526: {  	s11 =	simm.s32 $0x14FA0;
	v15 =	vld [tilespmem:s16+$0xFFFFFFF0]  }
0x527: {  	s12 =	simm.s32 $0x16420;
	v17 =	vld [tilespmem:s11+$0x10]  }
0x528: {  	s13 =	simm.s32 $0x178A0;
	v18 =	vld [tilespmem:s12+$0x10]  }
0x529: {  	s14 =	simm.s32 $0x18D20;
	v20 =	vld [tilespmem:s13+$0x10]  }
0x52a: {  	v22 =	vld [tilespmem:s14+$0x10]  }
0x52b: {  	v21 =	vld [tilespmem:s16+$0xFFFFFFE0]  }
0x52c: {  	v23 =	vld [tilespmem:s11+$0x0]  }
0x52d: {  	v24 =	vld [tilespmem:s12+$0x0]  }
0x52e: {  	v26 =	vld [tilespmem:s13+$0x0]  }
0x52f: {  	v28 =	vld [tilespmem:s14+$0x0]  }
0x530: {  	v29 =	vld [tilespmem:s11+$0xFFFFFFF0]  }
0x531: {  	v30 =	vld [tilespmem:s12+$0xFFFFFFF0]  }
0x532: {  	v31 =	vld [tilespmem:s11+$0xFFFFFFE0]  }
0x533: {  	v32 =	vld [tilespmem:s12+$0xFFFFFFE0]  }
0x534: {  	v14 =	vimm.f32 $-Inf;
	v33 =	vld [tilespmem:s13+$0xFFFFFFE0]  }
0x535: {  	v12 =	vimm.s32 $0x0;
	v34 =	vld [tilespmem:s14+$0xFFFFFFE0];
	v13 =	vadd.f32 v13, v11;
	v16 =	vadd.f32 v15, v11  }
0x536: {  	v37 =	vld [tilespmem:s13+$0xFFFFFFF0];
	v35 =	vmax.f32 v10, v17;
	v19 =	vmax.f32 v9, v18;
	v36 =	vmin.f32 v8, v20  }
0x537: {  	s10 =	simm.s32 $0x13B20;
	p0 =	sgt.s32 s1, $0x40;
	v38 =	vld [tilespmem:s14+$0xFFFFFFF0];
	v21 =	vadd.f32 v21, v11;
	v22 =	vmin.f32 v7, v22;
	v25 =	vmax.f32 v10, v23  }
.Ltmp61:
0x538: {  	v23 =	vmax.f32 v9, v24;
	v27 =	vmin.f32 v8, v26;
	v24 =	vmin.f32 v7, v28;
	v15 =	vld [tilespmem:s10+$0x10];
	(pc) =	sbr.rel @!p0 .LBB2_87-.Ltmp61, $4  }
0x539: {  	v26 =	vmax.f32 v10, v31;
	v29 =	vmax.f32 v10, v29;
	v28 =	vmax.f32 v9, v30;
	v17 =	vld [tilespmem:s10+$0x0]  }
0x53a: {  	v30 =	vmax.f32 v9, v32;
	v31 =	vmin.f32 v8, v33;
	v63 =	vmin.f32 v7, v34;
	v18 =	vld [tilespmem:s10+$0xFFFFFFF0]  }
0x53b: {  	v20 =	vld [tilespmem:s10+$0xFFFFFFE0];
	v31 =	vsub.f32 v31, v26;
	v32 =	vsub.f32 v63, v30;
	v26 =	vmin.f32 v8, v37  }
0x53c: {  	s9 =	simm.s32 $0x0;
	s15 =	simm.s32 $0x40;
	v33 =	vmin.f32 v7, v38;
	v30 =	vsub.f32 v26, v29;
	v26 =	vld [tilespmem:s16+$0x10];
	v29 =	vsub.f32 v36, v35;
	s16 =	simm.s32 $0x1A1E0  }
.LBB2_86:
0x53d: {  	v34 =	vld [tilespmem:s16+$0x0];
	v31 =	vmax.f32 v31, $0.0e+00;
	v32 =	vmax.f32 v32, $0.0e+00;
	v28 =	vsub.f32 v33, v28;
	s17 =	smov.u32 s15  }
0x53e: {  	v25 =	vsub.f32 v27, v25;
	v19 =	vsub.f32 v22, v19;
	s11 =	sadd.s32 $0x40, s11;
	v33 =	vld [tilespmem:s16+$0xFFFFFFF0];
	v31 =	vmul.f32 v32, v31  }
0x53f: {  	v23 =	vsub.f32 v24, v23;
	s12 =	sadd.s32 $0x40, s12;
	v27 =	vmax.f32 v30, $0.0e+00;
	v22 =	vld [tilespmem:s11+$0x10];
	v28 =	vmax.f32 v28, $0.0e+00  }
0x540: {  	s13 =	sadd.s32 $0x40, s13;
	v24 =	vld [tilespmem:s12+$0x10];
	v21 =	vsub.f32 v21, v31;
	v27 =	vmul.f32 v28, v27;
	v28 =	vmax.f32 v29, $0.0e+00  }
0x541: {  	s14 =	sadd.s32 $0x40, s14;
	v25 =	vmax.f32 v25, $0.0e+00;
	v23 =	vmax.f32 v23, $0.0e+00;
	v19 =	vmax.f32 v19, $0.0e+00;
	v29 =	vld [tilespmem:s13+$0x10]  }
0x542: {  	v23 =	vmul.f32 v23, v25;
	v30 =	vld [tilespmem:s14+$0x10];
	v21 =	vadd.f32 $9.999999710e-10, v21;
	v16 =	vsub.f32 v16, v27  }
0x543: {  	v28 =	vmul.f32 v19, v28;
	v19 =	vadd.f32 v26, v11;
	v32 =	vadd.f32 v34, v11;
	v25 =	vld [tilespmem:s16+$0xFFFFFFE0]  }
0x544: {  	v35 =	vsub.f32 v13, v23;
	v26 =	vld [tilespmem:s11+$0x0];
	v21 =	vmul.f32 $5.000000000e-01, v21;
	v34 =	vadd.f32 $9.999999710e-10, v16  }
0x545: {  	v16 =	vadd.f32 v33, v11;
	v36 =	vmax.f32 v10, v22;
	v22 =	vsub.f32 v19, v28;
	v13 =	vmovc v32;
	v33 =	vld [tilespmem:s12+$0x0]  }
0x546: {  	v32 =	vld [tilespmem:s13+$0x0];
	vm0 =	vgt.f32 v31, v21;
	v21 =	vmul.f32 $5.000000000e-01, v34;
	v31 =	vadd.f32 $9.999999710e-10, v35  }
0x547: {  	v19 =	vmax.f32 v9, v24;
	v22 =	vadd.f32 $9.999999710e-10, v22;
	v34 =	vld [tilespmem:s14+$0x0];
	v20 =	vsel vm0, $0xFF800000, v20  }
0x548: {  	v35 =	vld [tilespmem:s11+$0xFFFFFFF0];
	[tilespmem:s10+$0xFFFFFFE0] =	vst v20;
	vm0 =	vgt.f32 v20, v14;
	vm1 =	vgt.f32 v27, v21;
	v21 =	vmul.f32 $5.000000000e-01, v31  }
0x549: {  	v31 =	vld [tilespmem:s12+$0xFFFFFFF0];
	v14 =	vsel vm0, v20, v14;
	v12 =	vsel vm0, s9, v12;
	v18 =	vsel vm1, $0xFF800000, v18  }
0x54a: {  	s18 =	sadd.s32 $0x10, s9;
	v20 =	vld [tilespmem:s11+$0xFFFFFFE0];
	[tilespmem:s10+$0xFFFFFFF0] =	vst v18;
	vm0 =	vgt.f32 v18, v14;
	vm1 =	vgt.f32 v23, v21;
	v21 =	vmul.f32 $5.000000000e-01, v22  }
0x54b: {  	v37 =	vld [tilespmem:s12+$0xFFFFFFE0];
	v14 =	vsel vm0, v18, v14;
	v12 =	vsel vm0, s18, v12;
	v17 =	vsel vm1, $0xFF800000, v17  }
0x54c: {  	v29 =	vmin.f32 v8, v29;
	s18 =	sadd.s32 $0x20, s9;
	v18 =	vld [tilespmem:s13+$0xFFFFFFE0];
	[tilespmem:s10+$0x0] =	vst v17;
	vm0 =	vgt.f32 v17, v14;
	vm1 =	vgt.f32 v28, v21  }
0x54d: {  	s15 =	sadd.s32 $0x40, s15;
	v38 =	vld [tilespmem:s14+$0xFFFFFFE0];
	v14 =	vsel vm0, v17, v14;
	v12 =	vsel vm0, s18, v12;
	v15 =	vsel vm1, $0xFF800000, v15  }
0x54e: {  	p0 =	slt.s32 s15, s1;
	v22 =	vmin.f32 v7, v30;
	v21 =	vadd.f32 v25, v11;
	s18 =	sadd.s32 $0x30, s9;
	s9 =	smov.u32 s17;
	v39 =	vld [tilespmem:s13+$0xFFFFFFF0];
	[tilespmem:s10+$0x10] =	vst v15;
	vm0 =	vgt.f32 v15, v14  }
0x54f: {  	v25 =	vmax.f32 v10, v26;
	s10 =	sadd.s32 $0x40, s10;
	v30 =	vld [tilespmem:s14+$0xFFFFFFF0];
	v14 =	vsel vm0, v15, v14;
	v12 =	vsel vm0, s18, v12  }
.Ltmp62:
0x550: {  	v23 =	vmax.f32 v9, v33;
	v27 =	vmin.f32 v8, v32;
	v24 =	vmin.f32 v7, v34;
	v15 =	vld [tilespmem:s10+$0x10];
	(pc) =	sbr.rel @p0 .LBB2_86-.Ltmp62, $4  }
0x551: {  	v34 =	vmax.f32 v10, v35;
	v28 =	vmax.f32 v9, v31;
	v26 =	vmax.f32 v10, v20;
	v17 =	vld [tilespmem:s10+$0x0]  }
0x552: {  	v32 =	vmax.f32 v9, v37;
	v31 =	vmin.f32 v8, v18;
	v33 =	vmin.f32 v7, v38;
	v18 =	vld [tilespmem:s10+$0xFFFFFFF0]  }
0x553: {  	v31 =	vsub.f32 v31, v26;
	v20 =	vld [tilespmem:s10+$0xFFFFFFE0];
	v32 =	vsub.f32 v33, v32;
	v26 =	vmin.f32 v8, v39  }
0x554: {  	v29 =	vsub.f32 v29, v36;
	v33 =	vmin.f32 v7, v30;
	v30 =	vsub.f32 v26, v34;
	v26 =	vld [tilespmem:s16+$0x10];
	s16 =	sadd.s32 $0x40, s16  }
.LBB2_87:
0x555: {  	v31 =	vmax.f32 v31, $0.0e+00;
	v32 =	vmax.f32 v32, $0.0e+00;
	v28 =	vsub.f32 v33, v28  }
0x556: {  	v25 =	vsub.f32 v27, v25;
	v19 =	vsub.f32 v22, v19;
	v31 =	vmul.f32 v32, v31  }
0x557: {  	v23 =	vsub.f32 v24, v23;
	v59 =	vmax.f32 v30, $0.0e+00;
	v60 =	vmax.f32 v28, $0.0e+00  }
0x558: {  	v61 =	vmax.f32 v29, $0.0e+00;
	v21 =	vsub.f32 v21, v31;
	v22 =	vmul.f32 v60, v59  }
0x559: {  	v25 =	vmax.f32 v25, $0.0e+00;
	v23 =	vmax.f32 v23, $0.0e+00;
	v19 =	vmax.f32 v19, $0.0e+00  }
0x55a: {  	v23 =	vmul.f32 v23, v25;
	v21 =	vadd.f32 $9.999999710e-10, v21;
	v16 =	vsub.f32 v16, v22  }
0x55b: {  	v19 =	vmul.f32 v19, v61;
	v62 =	vadd.f32 v26, v11  }
0x55c: {  	v13 =	vsub.f32 v13, v23;
	v21 =	vmul.f32 $5.000000000e-01, v21;
	v16 =	vadd.f32 $9.999999710e-10, v16  }
0x55d: {  	v24 =	vsub.f32 v62, v19  }
0x55e: {  	v13 =	vadd.f32 $9.999999710e-10, v13;
	vm0 =	vgt.f32 v31, v21;
	v16 =	vmul.f32 $5.000000000e-01, v16  }
0x55f: {  	v63 =	vadd.f32 $9.999999710e-10, v24;
	v20 =	vsel vm0, $0xFF800000, v20  }
0x560: {  	v13 =	vmul.f32 $5.000000000e-01, v13;
	vm0 =	vgt.f32 v20, v14;
	vm1 =	vgt.f32 v22, v16  }
0x561: {  	v14 =	vsel vm0, v20, v14;
	v16 =	vsel vm1, $0xFF800000, v18  }
0x562: {  	vm5 =	vgt.f32 v23, v13;
	v13 =	vmul.f32 $5.000000000e-01, v63;
	vm1 =	vgt.f32 v16, v14  }
.Ltmp63:
0x563: {  	v17 =	vsel vm5, $0xFF800000, v17;
	v14 =	vsel vm1, v16, v14;
	(pc) =	sbr.rel .LBB2_65-.Ltmp63, $4  }
0x564: {  	s11 =	sadd.s32 $0x10, s9;
	[tilespmem:s10+$0xFFFFFFE0] =	vst v20;
	v12 =	vsel vm0, s9, v12;
	vm5 =	vgt.f32 v19, v13;
	vm0 =	vgt.f32 v17, v14  }
0x565: {  	s17 =	sadd.s32 $0x20, s9;
	[tilespmem:s10+$0xFFFFFFF0] =	vst v16;
	v12 =	vsel vm1, s11, v12;
	v13 =	vsel vm0, v17, v14;
	v14 =	vsel vm5, $0xFF800000, v15  }
0x566: {  	s18 =	sadd.s32 $0x30, s9;
	[tilespmem:s10+$0x0] =	vst v17;
	v15 =	vsel vm0, s17, v12;
	vm0 =	vgt.f32 v14, v13  }
0x567: {  	[tilespmem:s10+$0x10] =	vst v14;
	v12 =	vsel vm0, v14, v13;
	v13 =	vsel vm0, s18, v15  }
.LBB2_64:
0x568: {  	v13 =	vimm.s32 $0x0;
	v12 =	vimm.f32 $-Inf  }
.LBB2_65:
.Ltmp64:
0x569: {  	(pc) =	sbr.rel @p2 .LBB2_67-.Ltmp64, $4  }
0x56a: {  	_ = 	snop  }
0x56b: {  	s9 =	smov.u32 s7  }
0x56c: {  	s10 =	smov.u32 s6;
	s11 =	smov.u32 s5;
	s12 =	smov.u32 s4  }
0x56d: {  	s13 =	smov.u32 s3;
	s14 =	smov.u32 s2;
	s15 =	smov.u32 s1  }
.LBB2_66:
0x56e: {  	v14 =	vld [tilespmem:s10+$0x0]  }
0x56f: {  	v15 =	vld [tilespmem:s11+$0x0]  }
0x570: {  	v16 =	vld [tilespmem:s12+$0x0]  }
0x571: {  	v17 =	vld [tilespmem:s13+$0x0];
	_ =	sdelay $0x3  }
0x572: {  	v18 =	vld [tilespmem:s14+$0x0];
	v14 =	vmax.f32 v10, v14  }
0x573: {  	v15 =	vmax.f32 v9, v15;
	v16 =	vmin.f32 v8, v16;
	v17 =	vmin.f32 v7, v17  }
0x574: {  	v14 =	vsub.f32 v16, v14;
	v15 =	vsub.f32 v17, v15;
	_ =	sdelay $0x1  }
0x575: {  	v14 =	vmax.f32 v14, $0.0e+00;
	v15 =	vmax.f32 v15, $0.0e+00  }
0x576: {  	v14 =	vmul.f32 v15, v14;
	v15 =	vadd.f32 v18, v11;
	_ =	sdelay $0x1  }
0x577: {  	v15 =	vsub.f32 v15, v14;
	_ =	sdelay $0x1  }
0x578: {  	v63 =	vld [tilespmem:s9+$0x0];
	v15 =	vadd.f32 $9.999999710e-10, v15;
	_ =	sdelay $0x1  }
0x579: {  	v15 =	vmul.f32 $5.000000000e-01, v15;
	_ =	sdelay $0x1  }
0x57a: {  	vm0 =	vgt.f32 v14, v15  }
0x57b: {  	v14 =	vsel vm0, $0xFF800000, v63  }
0x57c: {  	vm0 =	vgt.f32 v14, v12  }
0x57d: {  	v13 =	vsel vm0, s15, v13;
	s15 =	sadd.s32 $0x10, s15  }
0x57e: {  	p0 =	slt.s32 s15, s0  }
.Ltmp65:
0x57f: {  	_ = 	snop;
	(pc) =	sbr.rel @p0 .LBB2_66-.Ltmp65, $3  }
0x580: {  	_ =	sdelay $0x1  }
0x581: {  	s14 =	sadd.s32 $0x10, s14;
	s13 =	sadd.s32 $0x10, s13;
	s12 =	sadd.s32 $0x10, s12  }
0x582: {  	s11 =	sadd.s32 $0x10, s11;
	s10 =	sadd.s32 $0x10, s10;
	[tilespmem:s9+$0x0] =	vst v14;
	s9 =	sadd.s32 $0x10, s9;
	v12 =	vsel vm0, v14, v12  }
.Ltmp66:
0x583: {  	_ = 	snop;
	(pc) =	sbr.rel .LBB2_67-.Ltmp66, $1  }
0x584: {  	_ =	sdelay $0x3  }
.LBB2_14:
0x585: {  	_ = 	snop  }
0x586: {  	_ = 	snop  }
0x587: {  	_ = 	snop  }
0x588: {  	_ = 	snop  }
0x589: {  	_ = 	snop  }
0x58a: {  	_ = 	snop  }
0x58b: {  	_ = 	snop  }
.Ltmp67:
0x58c: {  	(pc) =	sbr.rel .LBB2_52-.Ltmp67, $4  }
0x58d: {  	_ = 	snop  }
0x58e: {  	s8 =	simm.s32 $0xFD90;
	s5 =	simm.s32 $0x12690  }
0x58f: {  	s3 =	simm.s32 $0x0;
	s11 =	simm.s32 $0xE910;
	s1 =	simm.s32 $0xC010  }
0x590: {  	s17 =	simm.s32 $0x11210;
	s31 =	simm.s32 $0xD490;
	s10 =	simm.s32 $0xFD90  }
.LBB2_40:
0x591: {  	_ = 	snop  }
0x592: {  	_ = 	snop  }
0x593: {  	_ = 	snop  }
0x594: {  	_ = 	snop  }
0x595: {  	_ = 	snop  }
0x596: {  	_ = 	snop  }
0x597: {  	_ = 	snop  }
.Ltmp68:
0x598: {  	(pc) =	sbr.rel .LBB2_52-.Ltmp68, $4  }
0x599: {  	_ = 	snop  }
0x59a: {  	s8 =	simm.s32 $0xFD90;
	s5 =	simm.s32 $0x12690  }
0x59b: {  	s3 =	simm.s32 $0x0;
	s11 =	simm.s32 $0xE910;
	s1 =	simm.s32 $0xC010  }
0x59c: {  	s17 =	simm.s32 $0x11210;
	s31 =	simm.s32 $0xD490;
	s10 =	simm.s32 $0xFD90  }
.LBB2_42:
0x59d: {  	_ = 	snop  }
0x59e: {  	_ = 	snop  }
0x59f: {  	_ = 	snop  }
0x5a0: {  	_ = 	snop  }
0x5a1: {  	_ = 	snop  }
0x5a2: {  	_ = 	snop  }
0x5a3: {  	_ = 	snop  }
.Ltmp69:
0x5a4: {  	(pc) =	sbr.rel .LBB2_52-.Ltmp69, $4  }
0x5a5: {  	_ = 	snop  }
0x5a6: {  	s8 =	simm.s32 $0xFD90;
	s5 =	simm.s32 $0x12690  }
0x5a7: {  	s3 =	simm.s32 $0x0;
	s11 =	simm.s32 $0xE910;
	s1 =	simm.s32 $0xC010  }
0x5a8: {  	s17 =	simm.s32 $0x11210;
	s31 =	simm.s32 $0xD490;
	s10 =	simm.s32 $0xFD90;
	v16 =	vmov v26  }
.LBB2_44:
0x5a9: {  	_ = 	snop  }
0x5aa: {  	_ = 	snop  }
0x5ab: {  	_ = 	snop  }
0x5ac: {  	_ = 	snop  }
0x5ad: {  	_ = 	snop  }
0x5ae: {  	_ = 	snop  }
0x5af: {  	_ = 	snop  }
.Ltmp70:
0x5b0: {  	(pc) =	sbr.rel .LBB2_52-.Ltmp70, $4  }
0x5b1: {  	_ = 	snop  }
0x5b2: {  	s8 =	simm.s32 $0xFD90  }
0x5b3: {  	s5 =	simm.s32 $0x12690;
	s3 =	simm.s32 $0x0;
	s11 =	simm.s32 $0xE910  }
0x5b4: {  	s17 =	simm.s32 $0x11210;
	v17 =	vmov v13;
	s31 =	simm.s32 $0xD490;
	s10 =	simm.s32 $0xFD90;
	v16 =	vmov v14  }
.LBB2_46:
0x5b5: {  	_ = 	snop  }
0x5b6: {  	_ = 	snop  }
0x5b7: {  	_ = 	snop  }
.Ltmp71:
0x5b8: {  	(pc) =	sbr.rel .LBB2_52-.Ltmp71, $4  }
0x5b9: {  	_ = 	snop  }
0x5ba: {  	s8 =	simm.s32 $0xFD90;
	s5 =	simm.s32 $0x12690  }
0x5bb: {  	v16 =	vmov v18;
	s3 =	smov.u32 s15;
	s11 =	simm.s32 $0xE910;
	v29 =	vmov v15;
	vm6 =	vmmov vm8;
	s18 =	smov.u32 s7  }
0x5bc: {  	v28 =	vmovc v13;
	vm11 =	vmmov vm10;
	vm15 =	vmmov vm1;
	s13 =	simm.s32 $0x0;
	s17 =	simm.s32 $0x11210;
	vm10 =	vmmov vm13;
	v26 =	vmovc v14;
	s10 =	simm.s32 $0xFD90  }
.LBB2_48:
.Ltmp72:
0x5bd: {  	(pc) =	sbr.rel .LBB2_52-.Ltmp72, $4  }
0x5be: {  	_ = 	snop  }
0x5bf: {  	s8 =	simm.s32 $0xFDB0;
	s3 =	smov.u32 s13;
	vm14 =	vmmov vm9;
	vm9 =	vmmov vm0;
	v16 =	vmovc v24;
	v27 =	vmov v21  }
0x5c0: {  	s12 =	simm.s32 $0x0;
	s5 =	simm.s32 $0x12690;
	v29 =	vmovc v19;
	vm6 =	vmmov vm13;
	s18 =	smov.u32 s9;
	v28 =	vmovc v22;
	vm0 =	vmmov vm11;
	vm11 =	vmmov vm15  }
0x5c1: {  	v30 =	vmovc v25;
	s2 =	smov.u32 s7;
	s13 =	smov.u32 s15;
	s17 =	simm.s32 $0x11210;
	vm10 =	vmmov vm3;
	v26 =	vmovc v18;
	v17 =	vmov v20;
	vm15 =	vmmov vm0  }
.LBB2_50:
.Ltmp73:
0x5c2: {  	(pc) =	sbr.rel .LBB2_52-.Ltmp73, $3  }
0x5c3: {  	_ =	sdelay $0x1  }
0x5c4: {  	s6 =	smov.u32 s7  }
0x5c5: {  	s12 =	smov.u32 s15;
	s5 =	simm.s32 $0x12690;
	s2 =	smov.u32 s9;
	v26 =	vmov v24  }
.LBB2_38:
0x5c6: {  	_ = 	snop  }
0x5c7: {  	_ = 	snop  }
0x5c8: {  	_ = 	snop  }
0x5c9: {  	_ = 	snop  }
0x5ca: {  	_ = 	snop  }
0x5cb: {  	_ = 	snop  }
0x5cc: {  	_ = 	snop  }
.Ltmp74:
0x5cd: {  	(pc) =	sbr.rel .LBB2_84-.Ltmp74, $4  }
0x5ce: {  	_ = 	snop  }
0x5cf: {  	s8 =	simm.s32 $0xFD90;
	s5 =	simm.s32 $0x12690;
	s3 =	simm.s32 $0x0  }
0x5d0: {  	s11 =	simm.s32 $0xE910;
	s1 =	simm.s32 $0xC010;
	s0 =	simm.s32 $0xFD90  }
0x5d1: {  	s17 =	simm.s32 $0x11210;
	s31 =	simm.s32 $0xD490;
	[dreg:$0xd] =	wrdreg s0  }
.LBB2_72:
0x5d2: {  	_ = 	snop  }
0x5d3: {  	_ = 	snop  }
0x5d4: {  	_ = 	snop  }
0x5d5: {  	_ = 	snop  }
0x5d6: {  	_ = 	snop  }
0x5d7: {  	_ = 	snop  }
0x5d8: {  	_ = 	snop  }
.Ltmp75:
0x5d9: {  	(pc) =	sbr.rel .LBB2_84-.Ltmp75, $4  }
0x5da: {  	_ = 	snop  }
0x5db: {  	s8 =	simm.s32 $0xFD90;
	s5 =	simm.s32 $0x12690;
	s3 =	simm.s32 $0x0  }
0x5dc: {  	s11 =	simm.s32 $0xE910;
	s1 =	simm.s32 $0xC010;
	s0 =	simm.s32 $0xFD90  }
0x5dd: {  	s17 =	simm.s32 $0x11210;
	s31 =	simm.s32 $0xD490;
	[dreg:$0xd] =	wrdreg s0  }
.LBB2_74:
0x5de: {  	_ = 	snop  }
0x5df: {  	_ = 	snop  }
0x5e0: {  	_ = 	snop  }
0x5e1: {  	_ = 	snop  }
0x5e2: {  	_ = 	snop  }
0x5e3: {  	_ = 	snop  }
0x5e4: {  	_ = 	snop  }
.Ltmp76:
0x5e5: {  	(pc) =	sbr.rel .LBB2_84-.Ltmp76, $4  }
0x5e6: {  	_ = 	snop  }
0x5e7: {  	s8 =	simm.s32 $0xFD90;
	s5 =	simm.s32 $0x12690;
	s3 =	simm.s32 $0x0  }
0x5e8: {  	s11 =	simm.s32 $0xE910;
	s1 =	simm.s32 $0xC010;
	s0 =	simm.s32 $0xFD90  }
0x5e9: {  	s17 =	simm.s32 $0x11210;
	s31 =	simm.s32 $0xD490;
	[dreg:$0xd] =	wrdreg s0;
	v15 =	vmov v25  }
.LBB2_76:
0x5ea: {  	_ = 	snop  }
0x5eb: {  	_ = 	snop  }
0x5ec: {  	_ = 	snop  }
0x5ed: {  	_ = 	snop  }
0x5ee: {  	_ = 	snop  }
0x5ef: {  	_ = 	snop  }
0x5f0: {  	_ = 	snop  }
.Ltmp77:
0x5f1: {  	(pc) =	sbr.rel .LBB2_84-.Ltmp77, $4  }
0x5f2: {  	_ = 	snop  }
0x5f3: {  	s8 =	simm.s32 $0xFD90;
	s5 =	simm.s32 $0x12690  }
0x5f4: {  	s3 =	simm.s32 $0x0;
	s11 =	simm.s32 $0xE910;
	s0 =	simm.s32 $0xFD90  }
0x5f5: {  	s17 =	simm.s32 $0x11210;
	v16 =	vmov v12;
	s31 =	simm.s32 $0xD490;
	[dreg:$0xd] =	wrdreg s0;
	v15 =	vmov v13  }
.LBB2_78:
0x5f6: {  	_ = 	snop  }
0x5f7: {  	_ = 	snop  }
0x5f8: {  	_ = 	snop  }
.Ltmp78:
0x5f9: {  	(pc) =	sbr.rel .LBB2_84-.Ltmp78, $4  }
0x5fa: {  	_ = 	snop  }
0x5fb: {  	s8 =	simm.s32 $0xFD90;
	s5 =	simm.s32 $0x12690;
	s3 =	smov.u32 s15  }
0x5fc: {  	v15 =	vmov v17;
	s11 =	simm.s32 $0xE910;
	s18 =	smov.u32 s7;
	s0 =	simm.s32 $0xFD90  }
0x5fd: {  	v28 =	vmovc v14;
	v27 =	vmovc v12;
	vm11 =	vmmov vm8;
	s12 =	simm.s32 $0x0;
	s17 =	simm.s32 $0x11210;
	vm10 =	vmmov vm13;
	v25 =	vmov v13;
	[dreg:$0xd] =	wrdreg s0  }
.LBB2_80:
.Ltmp79:
0x5fe: {  	(pc) =	sbr.rel .LBB2_84-.Ltmp79, $4  }
0x5ff: {  	vm0 =	vmmov vm11;
	vm11 =	vmmov vm7  }
0x600: {  	s8 =	simm.s32 $0xFDB0;
	s3 =	smov.u32 s12;
	vm7 =	vmmov vm1;
	vm14 =	vmmov vm9;
	vm9 =	vmmov vm5  }
0x601: {  	v15 =	vmovc v23;
	v26 =	vmovc v20;
	s13 =	simm.s32 $0x0;
	s5 =	simm.s32 $0x12690;
	v28 =	vmov v18;
	vm6 =	vmmov vm10;
	s18 =	smov.u32 s9;
	v27 =	vmov v21  }
0x602: {  	v29 =	vmovc v24;
	s2 =	smov.u32 s7;
	vm15 =	vmmov vm2;
	s12 =	smov.u32 s15;
	s17 =	simm.s32 $0x11210;
	v25 =	vmovc v17;
	v16 =	vmov v19;
	vm10 =	vmmov vm0  }
.LBB2_82:
.Ltmp80:
0x603: {  	(pc) =	sbr.rel .LBB2_84-.Ltmp80, $3  }
0x604: {  	_ =	sdelay $0x1  }
0x605: {  	s6 =	smov.u32 s7  }
0x606: {  	s13 =	smov.u32 s15;
	s5 =	simm.s32 $0x12690;
	s2 =	smov.u32 s9;
	v25 =	vmov v23  }
.LBB2_70:
0x607: {  	_ =	sfence.sel $0x180000  }
0x608: {  	[bflag:$0x0] =	sbarrier.arrive $0xFFFF  }
0x609: {  	_ =	strace $0x90000047  }
0x60a: {  	[bflag:$0x2] =	sbarrier.arrive $0xFFFF  }
0x60b: {  	s1 =	sld [smem:$0x7FD];
	_ =	sdelay $0x2  }
0x60c: {  	s0 =	rddreg [dreg:$0x1];
	p0 =	seq.s32 s1, $0x1  }
0x60d: {  	s0 =	sadd.s32 @!p0 $0x100000, s0  }
0x60e: {  	[sflag:s0] =	ssyncadd.tile.s32 @!p0 $0x1;
	_ =	shalt  }
.Lfunc_end2:
_tile_overlayer_lowered:
.L_overlay_start_2:
0x60f: {  	(tag) =	ssettag $0x2  }
0x610: {  	s0 =	rddreg [dreg:$0x0];
	s2 =	stileid.u32  }
0x611: {  	s1 =	rddreg [dreg:$0x1];
	p0 =	sne.s32 s2, $0x0  }
0x612: {  	s3 =	rddreg [dreg:$0x2];
	[bflag:$0x3] =	sbarrier.arrive $0xFFFF;
	s2 =	simm.s32 @!p0 $0x1C01  }
0x613: {  	[timem:s3], [sflag:s2] =	dma.local @!p0 [hbm:s0], s1  }
0x614: {  	s0 =	simm.s32 @!p0 $0x1  }
0x615: {  	_ =	swait.ge @!p0 [sflag:s0], s1  }
0x616: {  	s1 =	ssub.s32 @!p0 $0x0, s1;
	[sflag:s0] =	ssyncset.done @!p0 $0x0  }
0x617: {  	[sflag:s0] =	ssyncadd.s32 @!p0 s1  }
0x618: {  	[bflag:$0x3] =	sbarrier.arrive $0xFFFF  }
0x619: {  	_ =	shalt  }

</sc_bundles>
